<compile_context>
chip_gen: v7x
topology: tpu7x:2x2x1
jax: 0.10.2.dev20260603
libtpu: 0.0.44.dev20260713+nightly
codegen_flags: <defaults>
</compile_context>

<pallas_src>
import functools

import jax
import jax.numpy as jnp
from jax import lax
from jax.experimental import pallas as pl
from jax.experimental.pallas import tpu as pltpu
from jax.experimental.pallas import tpu_sc as plsc

VOCAB = 1000000
EMBED_DIM = 64
HIDDEN = 256
BATCH = 16384

CHUNK = 512
CHUNK_SHIFT = CHUNK.bit_length() - 1
N_CHUNKS = VOCAB // CHUNK
TAIL_BASE = N_CHUNKS * CHUNK
PAD_ROWS = 2048
OUT_ROWS = BATCH + PAD_ROWS
NSLOT = max(64, 1 << (N_CHUNKS // 32 + 2 - 1).bit_length())
PAIR_CAP = BATCH + NSLOT * 16


def _make_sc_gather():
    info = plsc.get_sparse_core_info()
    NC, NS = info.num_cores, info.num_subcores
    NW = NC * NS
    mesh = plsc.VectorSubcoreMesh(core_axis_name="c", subcore_axis_name="s")

    @functools.partial(
        pl.kernel,
        mesh=mesh,
        out_type=jax.ShapeDtypeStruct((OUT_ROWS, 128), jnp.float32),
        scratch_types=[
            pltpu.VMEM((BATCH,), jnp.int32),
            pltpu.VMEM((PAIR_CAP,), jnp.int32),
            pltpu.VMEM((PAIR_CAP,), jnp.int32),
            pltpu.VMEM((NSLOT * 64,), jnp.int32),
            pltpu.VMEM((NSLOT * 64,), jnp.int32),
            pltpu.VMEM((2, 64, CHUNK), jnp.float32),
            pltpu.VMEM((2, 16), jnp.int32),
            pltpu.VMEM((2, 16, 128), jnp.float32),
            pltpu.SemaphoreType.DMA((2,)),
            pltpu.SemaphoreType.DMA((2,)),
        ],
        compiler_params=pltpu.CompilerParams(needs_layout_passes=False),
    )
    def sc_gather(t_hbm, tail_hbm, idx_hbm, out_hbm,
                  idx_v, pidx_v, ppos_v, cnt_v, ptr_v, chunk_v,
                  pos16_v, rows16_v, csem, rsem):
        w = lax.axis_index("s") * NC + lax.axis_index("c")
        lanes = lax.iota(jnp.int32, 16)
        ones = jnp.full((16,), 1, jnp.int32)

        pltpu.sync_copy(idx_hbm, idx_v)

        def zero_body(s, _):
            for u in range(4):
                cnt_v[pl.ds(s * 64 + u * 16, 16)] = jnp.zeros((16,), jnp.int32)
            return _

        lax.fori_loop(0, NSLOT, zero_body, jnp.int32(0))

        def count_body(j, _):
            for u in range(4):
                v = idx_v[pl.ds((j * 4 + u) * 16, 16)]
                k = v >> CHUNK_SHIFT
                mine = (k & (NW - 1)) == w
                slot = ((k - w) >> 5) & (NSLOT - 1)
                plsc.addupdate_scatter(cnt_v, [slot * 64 + u * 16 + lanes],
                                       ones, mask=mine)
            return _

        lax.fori_loop(0, BATCH // 64, count_body, jnp.int32(0))

        def prefix_body(s, base):
            for u in range(4):
                row = cnt_v[pl.ds(s * 64 + u * 16, 16)]
                ptr_v[pl.ds(s * 64 + u * 16, 16)] = (
                    base + plsc.cumsum(row) - row)
                base = base + jnp.sum(row)
            return (base + 15) & ~15

        lax.fori_loop(0, NSLOT, prefix_body, jnp.int32(0))

        def scatter_body(j, _):
            for u in range(4):
                jj = j * 4 + u
                v = idx_v[pl.ds(jj * 16, 16)]
                k = v >> CHUNK_SHIFT
                mine = (k & (NW - 1)) == w
                slot = ((k - w) >> 5) & (NSLOT - 1)
                flat = slot * 64 + u * 16 + lanes
                ptrs = plsc.load_gather(ptr_v, [flat], mask=mine)
                plsc.store_scatter(pidx_v, [ptrs], v, mask=mine)
                plsc.store_scatter(ppos_v, [ptrs], jj * 16 + lanes, mask=mine)
                plsc.addupdate_scatter(ptr_v, [flat], ones, mask=mine)
            return _

        lax.fori_loop(0, BATCH // 64, scatter_body, jnp.int32(0))

        n_main = (N_CHUNKS - 1 - w) // NW + 1

        def stage_start(k, p):
            for r in range(8):
                pltpu.async_copy(
                    t_hbm.at[pl.ds(r * 8, 8), pl.ds(k * CHUNK, CHUNK)],
                    chunk_v.at[p, pl.ds(r * 8, 8), :], csem.at[p])

        def stage_wait(k, p):
            for r in range(8):
                pltpu.make_async_copy(
                    t_hbm.at[pl.ds(r * 8, 8), pl.ds(k * CHUNK, CHUNK)],
                    chunk_v.at[p, pl.ds(r * 8, 8), :], csem.at[p]).wait()

        stage_start(w, 0)

        def process_chunk(s, k, base, gctr):
            tot = jnp.int32(0)
            for u in range(4):
                tot = tot + jnp.sum(cnt_v[pl.ds(s * 64 + u * 16, 16)])
            p = s & 1
            cbase = k * CHUNK

            def flush_body(g, gc):
                q = gc & 1
                cols = pidx_v[pl.ds(base + g * 16, 16)] - cbase
                posv = ppos_v[pl.ds(base + g * 16, 16)]
                ml = (g * 16 + lanes) < tot
                colsc = jnp.where(ml, cols, 0)
                pad = BATCH + ((g * 16 + lanes + w * 64) & (PAD_ROWS - 1))

                @pl.when(gc >= 2)
                def _():
                    pltpu.make_async_copy(
                        rows16_v.at[q], out_hbm.at[pos16_v.at[q]],
                        rsem.at[q]).wait()

                plsc.store_scatter(pos16_v, [jnp.full((16,), q, jnp.int32),
                                             lanes],
                                   jnp.where(ml, posv, pad))
                qv = jnp.full((16,), q, jnp.int32)
                pv = jnp.full((16,), p, jnp.int32)
                for c in range(EMBED_DIM):
                    cv = jnp.full((16,), c, jnp.int32)
                    vv = plsc.load_gather(chunk_v, [pv, cv, colsc])
                    plsc.store_scatter(rows16_v, [qv, lanes, cv], vv)
                pltpu.async_copy(rows16_v.at[q], out_hbm.at[pos16_v.at[q]],
                                 rsem.at[q])
                return gc + 1

            gctr = lax.fori_loop(0, (tot + 15) >> 4, flush_body, gctr)
            return base + ((tot + 15) & ~15), gctr

        def chunk_body(s, carry):
            base, gctr = carry
            k = w + s * NW
            p = s & 1

            @pl.when(s + 1 < n_main)
            def _():
                stage_start(k + NW, 1 - p)

            stage_wait(k, p)

            return process_chunk(s, k, base, gctr)

        base, gctr = lax.fori_loop(0, n_main, chunk_body,
                                   (jnp.int32(0), jnp.int32(0)))

        def tail_fn():
            s = n_main
            p = s & 1
            pltpu.sync_copy(tail_hbm, chunk_v.at[p, :, pl.ds(0, 128)])
            return process_chunk(s, jnp.int32(N_CHUNKS), base, gctr)

        base, gctr = lax.cond(w == (N_CHUNKS % NW), tail_fn,
                              lambda: (base, gctr))

        @pl.when(gctr >= 2)
        def _():
            q = gctr & 1
            pltpu.make_async_copy(rows16_v.at[q], out_hbm.at[pos16_v.at[q]],
                                  rsem.at[q]).wait()

        @pl.when(gctr >= 1)
        def _():
            q = (gctr - 1) & 1
            pltpu.make_async_copy(rows16_v.at[q], out_hbm.at[pos16_v.at[q]],
                                  rsem.at[q]).wait()

    return sc_gather


def _mlp_body(x_ref, w1_ref, b1_ref, w2_ref, b2_ref, o_ref):
    x = x_ref[:, :EMBED_DIM]
    h = jnp.dot(x, w1_ref[...], preferred_element_type=jnp.float32)
    h = jnp.maximum(h + b1_ref[...], 0.0)
    o = jnp.dot(h, w2_ref[...], preferred_element_type=jnp.float32)
    o_ref[...] = jnp.maximum(o + b2_ref[...], 0.0)


def _mlp(x, W1, b1, W2, b2):
    BB = 2048
    return pl.pallas_call(
        _mlp_body,
        grid=(BATCH // BB,),
        in_specs=[
            pl.BlockSpec((BB, 128), lambda i: (i, 0)),
            pl.BlockSpec((EMBED_DIM, HIDDEN), lambda i: (0, 0)),
            pl.BlockSpec((1, HIDDEN), lambda i: (0, 0)),
            pl.BlockSpec((HIDDEN, EMBED_DIM), lambda i: (0, 0)),
            pl.BlockSpec((1, EMBED_DIM), lambda i: (0, 0)),
        ],
        out_specs=pl.BlockSpec((BB, EMBED_DIM), lambda i: (i, 0)),
        out_shape=jax.ShapeDtypeStruct((BATCH, EMBED_DIM), jnp.float32),
    )(x, W1, b1.reshape(1, HIDDEN), W2, b2.reshape(1, EMBED_DIM))


def kernel(inputs, embedding, W1, b1, W2, b2):
    t = embedding.T
    tail = jnp.pad(t[:, TAIL_BASE:], ((0, 0), (0, 128 - (VOCAB - TAIL_BASE))))
    x = _make_sc_gather()(t, tail, inputs)
    return _mlp(x, W1, b1, W2, b2)

# --- scband reference (transcript-rebuilt; emitter-appended) ---
"""Pipeline reference for scband-recommender-tower-model-18056042512790 (READ-ONLY COPY).

The authoritative reference and input builder live on the scoring server;
editing this copy changes nothing except your own understanding.
"""

import jax, jax.numpy as jnp
import numpy as np

VOCAB = 1000000
EMBED_DIM = 64
HIDDEN = 256
BATCH = 16384

def setup_inputs(seed: int = 0) -> dict:
    key = jax.random.key(seed)
    k_idx, k_emb, k_w1, k_b1, k_w2, k_b2 = jax.random.split(key, 6)
    inputs = jax.random.randint(k_idx, (BATCH,), 0, VOCAB, dtype=jnp.int64 if jax.config.jax_enable_x64 else jnp.int32).astype(jnp.int32)
    embedding = jax.random.normal(k_emb, (VOCAB, EMBED_DIM), dtype=jnp.float32) * 0.02
    W1 = jax.random.normal(k_w1, (EMBED_DIM, HIDDEN), dtype=jnp.float32) * (1.0 / np.sqrt(EMBED_DIM))
    b1 = jax.random.normal(k_b1, (HIDDEN,), dtype=jnp.float32) * 0.01
    W2 = jax.random.normal(k_w2, (HIDDEN, EMBED_DIM), dtype=jnp.float32) * (1.0 / np.sqrt(HIDDEN))
    b2 = jax.random.normal(k_b2, (EMBED_DIM,), dtype=jnp.float32) * 0.01
    return {"inputs": inputs, "embedding": embedding, "W1": W1, "b1": b1, "W2": W2, "b2": b2}

def reference(inputs, embedding, W1, b1, W2, b2):
    x = jnp.take(embedding, inputs, axis=0)
    x = x @ W1 + b1
    x = jax.nn.relu(x)
    x = x @ W2 + b2
    x = jax.nn.relu(x)
    return x

if __name__ == "__main__":
    import jax
    _d = setup_inputs()
    print(jax.jit(kernel)(*tuple(_d.values())))

</pallas_src>

<mosaic_0001>
#map = affine_map<(d0, d1) -> (0, 0)>
#map1 = affine_map<(d0, d1) -> (0)>
module attributes {stable_mosaic.version = 14 : i64} {
  func.func @sc_gather(%arg0: i32, %arg1: i32, %arg2: memref<64x1000000xf32, #tpu.memory_space<hbm>>, %arg3: memref<64x128xf32, #tpu.memory_space<hbm>>, %arg4: memref<16384xi32, #tpu.memory_space<hbm>>, %arg5: memref<18432x128xf32, #tpu.memory_space<hbm>>, %arg6: memref<16384xi32, #tpu.memory_space<vmem>>, %arg7: memref<17408xi32, #tpu.memory_space<vmem>>, %arg8: memref<17408xi32, #tpu.memory_space<vmem>>, %arg9: memref<4096xi32, #tpu.memory_space<vmem>>, %arg10: memref<4096xi32, #tpu.memory_space<vmem>>, %arg11: memref<2x64x512xf32, #tpu.memory_space<vmem>>, %arg12: memref<2x16xi32, #tpu.memory_space<vmem>>, %arg13: memref<2x16x128xf32, #tpu.memory_space<vmem>>, %arg14: memref<2x!tpu.dma_semaphore, #tpu.memory_space<semaphore_mem>>, %arg15: memref<2x!tpu.dma_semaphore, #tpu.memory_space<semaphore_mem>>) attributes {dimension_semantics = [#tpu.dimension_semantics<core_parallel>, #tpu.dimension_semantics<subcore_parallel>], iteration_bounds = array<i64: 2, 16>, scalar_prefetch = 0 : i64, scratch_operands = 10 : i64, tpu.core_type = #tpu.core_type<sc_vector_subcore>, window_params = [{transform_indices = #map}, {transform_indices = #map}, {transform_indices = #map1}, {transform_indices = #map}]} {
    %mul3A = arith.constant 2 : i32
    %mul3A_0 = arith.muli %arg1, %mul3A : i32
    %add3A = arith.addi %mul3A_0, %arg0 : i32
    %iota3A = tpu.iota {dimensions = array<i32: 0>} : vector<16xi32>
    %broadcast_in_dim3A = arith.constant 1 : i32
    %broadcast_in_dim3A_1 = vector.broadcast %broadcast_in_dim3A : i32 to vector<16xi32>
    "tpu.region"() ({
      %run_scoped3A = tpu.sem_alloc : memref<!tpu.dma_semaphore, #tpu.memory_space<semaphore_mem>>
      tpu.enqueue_dma source(%arg4 : memref<16384xi32, #tpu.memory_space<hbm>>) target(%arg6 : memref<16384xi32, #tpu.memory_space<vmem>>) target_semaphore(%run_scoped3A : memref<!tpu.dma_semaphore, #tpu.memory_space<semaphore_mem>>)
      tpu.wait_dma2 semaphore(%run_scoped3A : memref<!tpu.dma_semaphore, #tpu.memory_space<semaphore_mem>>) src(%arg4 : memref<16384xi32, #tpu.memory_space<hbm>>) dst(%arg6 : memref<16384xi32, #tpu.memory_space<vmem>>)
      tpu.yield
    }) : () -> ()
    %scan3A = arith.constant 0 : i32
    %scan3A_2 = arith.constant 0 : i32
    %scan3A_3 = arith.constant 64 : i32
    %scan3A_4 = arith.addi %scan3A_2, %scan3A_3 : i32
    %scan3A_5 = arith.constant 1 : i32
    scf.for %scan3A_213 = %scan3A_2 to %scan3A_4 step %scan3A_5  : i32 {
      %broadcast_in_dim3A_214 = arith.constant 0 : i32
      %broadcast_in_dim3A_215 = vector.broadcast %broadcast_in_dim3A_214 : i32 to vector<16xi32>
      %mul3A_216 = arith.constant 64 : i32
      %mul3A_217 = arith.muli %scan3A_213, %mul3A_216 : i32
      %add3A_218 = arith.constant 0 : i32
      %add3A_219 = arith.addi %mul3A_217, %add3A_218 : i32
      %swap3A = arith.index_cast %add3A_219 : i32 to index
      %swap3A_220 = tpu.vector_load %arg9[%swap3A] {strides = array<i32>} : memref<4096xi32, #tpu.memory_space<vmem>>, vector<16xi32>,
      tpu.vector_store %arg9[%swap3A], %broadcast_in_dim3A_215 {strides = array<i32>} : memref<4096xi32, #tpu.memory_space<vmem>>, vector<16xi32>,
      %broadcast_in_dim3A_221 = arith.constant 0 : i32
      %broadcast_in_dim3A_222 = vector.broadcast %broadcast_in_dim3A_221 : i32 to vector<16xi32>
      %mul3A_223 = arith.constant 64 : i32
      %mul3A_224 = arith.muli %scan3A_213, %mul3A_223 : i32
      %add3A_225 = arith.constant 16 : i32
      %add3A_226 = arith.addi %mul3A_224, %add3A_225 : i32
      %swap3A_227 = arith.index_cast %add3A_226 : i32 to index
      %swap3A_228 = tpu.vector_load %arg9[%swap3A_227] {strides = array<i32>} : memref<4096xi32, #tpu.memory_space<vmem>>, vector<16xi32>,
      tpu.vector_store %arg9[%swap3A_227], %broadcast_in_dim3A_222 {strides = array<i32>} : memref<4096xi32, #tpu.memory_space<vmem>>, vector<16xi32>,
      %broadcast_in_dim3A_229 = arith.constant 0 : i32
      %broadcast_in_dim3A_230 = vector.broadcast %broadcast_in_dim3A_229 : i32 to vector<16xi32>
      %mul3A_231 = arith.constant 64 : i32
      %mul3A_232 = arith.muli %scan3A_213, %mul3A_231 : i32
      %add3A_233 = arith.constant 32 : i32
      %add3A_234 = arith.addi %mul3A_232, %add3A_233 : i32
      %swap3A_235 = arith.index_cast %add3A_234 : i32 to index
      %swap3A_236 = tpu.vector_load %arg9[%swap3A_235] {strides = array<i32>} : memref<4096xi32, #tpu.memory_space<vmem>>, vector<16xi32>,
      tpu.vector_store %arg9[%swap3A_235], %broadcast_in_dim3A_230 {strides = array<i32>} : memref<4096xi32, #tpu.memory_space<vmem>>, vector<16xi32>,
      %broadcast_in_dim3A_237 = arith.constant 0 : i32
      %broadcast_in_dim3A_238 = vector.broadcast %broadcast_in_dim3A_237 : i32 to vector<16xi32>
      %mul3A_239 = arith.constant 64 : i32
      %mul3A_240 = arith.muli %scan3A_213, %mul3A_239 : i32
      %add3A_241 = arith.constant 48 : i32
      %add3A_242 = arith.addi %mul3A_240, %add3A_241 : i32
      %swap3A_243 = arith.index_cast %add3A_242 : i32 to index
      %swap3A_244 = tpu.vector_load %arg9[%swap3A_243] {strides = array<i32>} : memref<4096xi32, #tpu.memory_space<vmem>>, vector<16xi32>,
      tpu.vector_store %arg9[%swap3A_243], %broadcast_in_dim3A_238 {strides = array<i32>} : memref<4096xi32, #tpu.memory_space<vmem>>, vector<16xi32>,
    }
    %scan3A_6 = arith.constant 64 : i32
    %scan3A_7 = arith.constant 0 : i32
    %scan3A_8 = arith.constant 0 : i32
    %scan3A_9 = arith.constant 256 : i32
    %scan3A_10 = arith.addi %scan3A_8, %scan3A_9 : i32
    %scan3A_11 = arith.constant 1 : i32
    scf.for %scan3A_213 = %scan3A_8 to %scan3A_10 step %scan3A_11  : i32 {
      %mul3A_214 = arith.constant 4 : i32
      %mul3A_215 = arith.muli %scan3A_213, %mul3A_214 : i32
      %add3A_216 = arith.constant 0 : i32
      %add3A_217 = arith.addi %mul3A_215, %add3A_216 : i32
      %mul3A_218 = arith.constant 16 : i32
      %mul3A_219 = arith.muli %add3A_217, %mul3A_218 : i32
      %get3A = arith.index_cast %mul3A_219 : i32 to index
      %get3A_220 = tpu.vector_load %arg6[%get3A] {strides = array<i32>} : memref<16384xi32, #tpu.memory_space<vmem>>, vector<16xi32>,
      %shift_right_arithmetic3A = arith.constant 9 : i32
      %shift_right_arithmetic3A_221 = vector.broadcast %shift_right_arithmetic3A : i32 to vector<16xi32>
      %shift_right_arithmetic3A_222 = arith.shrsi %get3A_220, %shift_right_arithmetic3A_221 : vector<16xi32>
      %and3A_223 = arith.constant 31 : i32
      %and3A_224 = vector.broadcast %and3A_223 : i32 to vector<16xi32>
      %and3A_225 = arith.andi %shift_right_arithmetic3A_222, %and3A_224 : vector<16xi32>
      %eq3A_226 = vector.broadcast %add3A : i32 to vector<16xi32>
      %eq3A_227 = arith.cmpi eq, %and3A_225, %eq3A_226 : vector<16xi32>
      %sub3A_228 = vector.broadcast %add3A : i32 to vector<16xi32>
      %sub3A_229 = arith.subi %shift_right_arithmetic3A_222, %sub3A_228 : vector<16xi32>
      %shift_right_arithmetic3A_230 = arith.constant 5 : i32
      %shift_right_arithmetic3A_231 = vector.broadcast %shift_right_arithmetic3A_230 : i32 to vector<16xi32>
      %shift_right_arithmetic3A_232 = arith.shrsi %sub3A_229, %shift_right_arithmetic3A_231 : vector<16xi32>
      %and3A_233 = arith.constant 63 : i32
      %and3A_234 = vector.broadcast %and3A_233 : i32 to vector<16xi32>
      %and3A_235 = arith.andi %shift_right_arithmetic3A_232, %and3A_234 : vector<16xi32>
      %mul3A_236 = arith.constant 64 : i32
      %mul3A_237 = vector.broadcast %mul3A_236 : i32 to vector<16xi32>
      %mul3A_238 = arith.muli %and3A_235, %mul3A_237 : vector<16xi32>
      %add3A_239 = arith.constant 0 : i32
      %add3A_240 = vector.broadcast %add3A_239 : i32 to vector<16xi32>
      %add3A_241 = arith.addi %mul3A_238, %add3A_240 : vector<16xi32>
      %add3A_242 = arith.addi %add3A_241, %iota3A : vector<16xi32>
      tpu.vector_store_idx %arg9[%add3A_242], %broadcast_in_dim3A_1 masked %eq3A_227 {add = true} : memref<4096xi32, #tpu.memory_space<vmem>>[vector<16xi32>], vector<16xi32>, vector<16xi1>
      %mul3A_243 = arith.constant 4 : i32
      %mul3A_244 = arith.muli %scan3A_213, %mul3A_243 : i32
      %add3A_245 = arith.constant 1 : i32
      %add3A_246 = arith.addi %mul3A_244, %add3A_245 : i32
      %mul3A_247 = arith.constant 16 : i32
      %mul3A_248 = arith.muli %add3A_246, %mul3A_247 : i32
      %get3A_249 = arith.index_cast %mul3A_248 : i32 to index
      %get3A_250 = tpu.vector_load %arg6[%get3A_249] {strides = array<i32>} : memref<16384xi32, #tpu.memory_space<vmem>>, vector<16xi32>,
      %shift_right_arithmetic3A_251 = arith.constant 9 : i32
      %shift_right_arithmetic3A_252 = vector.broadcast %shift_right_arithmetic3A_251 : i32 to vector<16xi32>
      %shift_right_arithmetic3A_253 = arith.shrsi %get3A_250, %shift_right_arithmetic3A_252 : vector<16xi32>
      %and3A_254 = arith.constant 31 : i32
      %and3A_255 = vector.broadcast %and3A_254 : i32 to vector<16xi32>
      %and3A_256 = arith.andi %shift_right_arithmetic3A_253, %and3A_255 : vector<16xi32>
      %eq3A_257 = vector.broadcast %add3A : i32 to vector<16xi32>
      %eq3A_258 = arith.cmpi eq, %and3A_256, %eq3A_257 : vector<16xi32>
      %sub3A_259 = vector.broadcast %add3A : i32 to vector<16xi32>
      %sub3A_260 = arith.subi %shift_right_arithmetic3A_253, %sub3A_259 : vector<16xi32>
      %shift_right_arithmetic3A_261 = arith.constant 5 : i32
      %shift_right_arithmetic3A_262 = vector.broadcast %shift_right_arithmetic3A_261 : i32 to vector<16xi32>
      %shift_right_arithmetic3A_263 = arith.shrsi %sub3A_260, %shift_right_arithmetic3A_262 : vector<16xi32>
      %and3A_264 = arith.constant 63 : i32
      %and3A_265 = vector.broadcast %and3A_264 : i32 to vector<16xi32>
      %and3A_266 = arith.andi %shift_right_arithmetic3A_263, %and3A_265 : vector<16xi32>
      %mul3A_267 = arith.constant 64 : i32
      %mul3A_268 = vector.broadcast %mul3A_267 : i32 to vector<16xi32>
      %mul3A_269 = arith.muli %and3A_266, %mul3A_268 : vector<16xi32>
      %add3A_270 = arith.constant 16 : i32
      %add3A_271 = vector.broadcast %add3A_270 : i32 to vector<16xi32>
      %add3A_272 = arith.addi %mul3A_269, %add3A_271 : vector<16xi32>
      %add3A_273 = arith.addi %add3A_272, %iota3A : vector<16xi32>
      tpu.vector_store_idx %arg9[%add3A_273], %broadcast_in_dim3A_1 masked %eq3A_258 {add = true} : memref<4096xi32, #tpu.memory_space<vmem>>[vector<16xi32>], vector<16xi32>, vector<16xi1>
      %mul3A_274 = arith.constant 4 : i32
      %mul3A_275 = arith.muli %scan3A_213, %mul3A_274 : i32
      %add3A_276 = arith.constant 2 : i32
      %add3A_277 = arith.addi %mul3A_275, %add3A_276 : i32
      %mul3A_278 = arith.constant 16 : i32
      %mul3A_279 = arith.muli %add3A_277, %mul3A_278 : i32
      %get3A_280 = arith.index_cast %mul3A_279 : i32 to index
      %get3A_281 = tpu.vector_load %arg6[%get3A_280] {strides = array<i32>} : memref<16384xi32, #tpu.memory_space<vmem>>, vector<16xi32>,
      %shift_right_arithmetic3A_282 = arith.constant 9 : i32
      %shift_right_arithmetic3A_283 = vector.broadcast %shift_right_arithmetic3A_282 : i32 to vector<16xi32>
      %shift_right_arithmetic3A_284 = arith.shrsi %get3A_281, %shift_right_arithmetic3A_283 : vector<16xi32>
      %and3A_285 = arith.constant 31 : i32
      %and3A_286 = vector.broadcast %and3A_285 : i32 to vector<16xi32>
      %and3A_287 = arith.andi %shift_right_arithmetic3A_284, %and3A_286 : vector<16xi32>
      %eq3A_288 = vector.broadcast %add3A : i32 to vector<16xi32>
      %eq3A_289 = arith.cmpi eq, %and3A_287, %eq3A_288 : vector<16xi32>
      %sub3A_290 = vector.broadcast %add3A : i32 to vector<16xi32>
      %sub3A_291 = arith.subi %shift_right_arithmetic3A_284, %sub3A_290 : vector<16xi32>
      %shift_right_arithmetic3A_292 = arith.constant 5 : i32
      %shift_right_arithmetic3A_293 = vector.broadcast %shift_right_arithmetic3A_292 : i32 to vector<16xi32>
      %shift_right_arithmetic3A_294 = arith.shrsi %sub3A_291, %shift_right_arithmetic3A_293 : vector<16xi32>
      %and3A_295 = arith.constant 63 : i32
      %and3A_296 = vector.broadcast %and3A_295 : i32 to vector<16xi32>
      %and3A_297 = arith.andi %shift_right_arithmetic3A_294, %and3A_296 : vector<16xi32>
      %mul3A_298 = arith.constant 64 : i32
      %mul3A_299 = vector.broadcast %mul3A_298 : i32 to vector<16xi32>
      %mul3A_300 = arith.muli %and3A_297, %mul3A_299 : vector<16xi32>
      %add3A_301 = arith.constant 32 : i32
      %add3A_302 = vector.broadcast %add3A_301 : i32 to vector<16xi32>
      %add3A_303 = arith.addi %mul3A_300, %add3A_302 : vector<16xi32>
      %add3A_304 = arith.addi %add3A_303, %iota3A : vector<16xi32>
      tpu.vector_store_idx %arg9[%add3A_304], %broadcast_in_dim3A_1 masked %eq3A_289 {add = true} : memref<4096xi32, #tpu.memory_space<vmem>>[vector<16xi32>], vector<16xi32>, vector<16xi1>
      %mul3A_305 = arith.constant 4 : i32
      %mul3A_306 = arith.muli %scan3A_213, %mul3A_305 : i32
      %add3A_307 = arith.constant 3 : i32
      %add3A_308 = arith.addi %mul3A_306, %add3A_307 : i32
      %mul3A_309 = arith.constant 16 : i32
      %mul3A_310 = arith.muli %add3A_308, %mul3A_309 : i32
      %get3A_311 = arith.index_cast %mul3A_310 : i32 to index
      %get3A_312 = tpu.vector_load %arg6[%get3A_311] {strides = array<i32>} : memref<16384xi32, #tpu.memory_space<vmem>>, vector<16xi32>,
      %shift_right_arithmetic3A_313 = arith.constant 9 : i32
      %shift_right_arithmetic3A_314 = vector.broadcast %shift_right_arithmetic3A_313 : i32 to vector<16xi32>
      %shift_right_arithmetic3A_315 = arith.shrsi %get3A_312, %shift_right_arithmetic3A_314 : vector<16xi32>
      %and3A_316 = arith.constant 31 : i32
      %and3A_317 = vector.broadcast %and3A_316 : i32 to vector<16xi32>
      %and3A_318 = arith.andi %shift_right_arithmetic3A_315, %and3A_317 : vector<16xi32>
      %eq3A_319 = vector.broadcast %add3A : i32 to vector<16xi32>
      %eq3A_320 = arith.cmpi eq, %and3A_318, %eq3A_319 : vector<16xi32>
      %sub3A_321 = vector.broadcast %add3A : i32 to vector<16xi32>
      %sub3A_322 = arith.subi %shift_right_arithmetic3A_315, %sub3A_321 : vector<16xi32>
      %shift_right_arithmetic3A_323 = arith.constant 5 : i32
      %shift_right_arithmetic3A_324 = vector.broadcast %shift_right_arithmetic3A_323 : i32 to vector<16xi32>
      %shift_right_arithmetic3A_325 = arith.shrsi %sub3A_322, %shift_right_arithmetic3A_324 : vector<16xi32>
      %and3A_326 = arith.constant 63 : i32
      %and3A_327 = vector.broadcast %and3A_326 : i32 to vector<16xi32>
      %and3A_328 = arith.andi %shift_right_arithmetic3A_325, %and3A_327 : vector<16xi32>
      %mul3A_329 = arith.constant 64 : i32
      %mul3A_330 = vector.broadcast %mul3A_329 : i32 to vector<16xi32>
      %mul3A_331 = arith.muli %and3A_328, %mul3A_330 : vector<16xi32>
      %add3A_332 = arith.constant 48 : i32
      %add3A_333 = vector.broadcast %add3A_332 : i32 to vector<16xi32>
      %add3A_334 = arith.addi %mul3A_331, %add3A_333 : vector<16xi32>
      %add3A_335 = arith.addi %add3A_334, %iota3A : vector<16xi32>
      tpu.vector_store_idx %arg9[%add3A_335], %broadcast_in_dim3A_1 masked %eq3A_320 {add = true} : memref<4096xi32, #tpu.memory_space<vmem>>[vector<16xi32>], vector<16xi32>, vector<16xi1>
    }
    %scan3A_12 = arith.constant 256 : i32
    %scan3A_13 = arith.constant 0 : i32
    %scan3A_14 = arith.constant 0 : i32
    %scan3A_15 = arith.constant 64 : i32
    %scan3A_16 = arith.addi %scan3A_14, %scan3A_15 : i32
    %scan3A_17 = arith.constant 1 : i32
    %scan3A_18 = scf.for %scan3A_213 = %scan3A_14 to %scan3A_16 step %scan3A_17 iter_args(%scan3A_214 = %scan3A_13) -> (i32)  : i32 {
      %mul3A_215 = arith.constant 64 : i32
      %mul3A_216 = arith.muli %scan3A_213, %mul3A_215 : i32
      %add3A_217 = arith.constant 0 : i32
      %add3A_218 = arith.addi %mul3A_216, %add3A_217 : i32
      %get3A = arith.index_cast %add3A_218 : i32 to index
      %get3A_219 = tpu.vector_load %arg9[%get3A] {strides = array<i32>} : memref<4096xi32, #tpu.memory_space<vmem>>, vector<16xi32>,
      %broadcast_in_dim3A_220 = arith.constant true
      %broadcast_in_dim3A_221 = vector.broadcast %broadcast_in_dim3A_220 : i1 to vector<16xi1>
      %masked_cumsum3A = tpu.scan <sum>, %get3A_219 masked %broadcast_in_dim3A_221 : vector<16xi32>, vector<16xi1> -> vector<16xi32>
      %add3A_222 = vector.broadcast %scan3A_214 : i32 to vector<16xi32>
      %add3A_223 = arith.addi %add3A_222, %masked_cumsum3A : vector<16xi32>
      %sub3A_224 = arith.subi %add3A_223, %get3A_219 : vector<16xi32>
      %mul3A_225 = arith.constant 64 : i32
      %mul3A_226 = arith.muli %scan3A_213, %mul3A_225 : i32
      %add3A_227 = arith.constant 0 : i32
      %add3A_228 = arith.addi %mul3A_226, %add3A_227 : i32
      %swap3A = arith.index_cast %add3A_228 : i32 to index
      %swap3A_229 = tpu.vector_load %arg10[%swap3A] {strides = array<i32>} : memref<4096xi32, #tpu.memory_space<vmem>>, vector<16xi32>,
      tpu.vector_store %arg10[%swap3A], %sub3A_224 {strides = array<i32>} : memref<4096xi32, #tpu.memory_space<vmem>>, vector<16xi32>,
      %reduce_sum3A = arith.constant true
      %reduce_sum3A_230 = vector.broadcast %reduce_sum3A : i1 to vector<16xi1>
      %reduce_sum3A_231 = tpu.scan <sum>, %get3A_219 masked %reduce_sum3A_230 : vector<16xi32>, vector<16xi1> -> vector<16xi32>
      %reduce_sum3A_232 = vector.extract %reduce_sum3A_231[15] : i32 from vector<16xi32>
      %add3A_233 = arith.addi %scan3A_214, %reduce_sum3A_232 : i32
      %mul3A_234 = arith.constant 64 : i32
      %mul3A_235 = arith.muli %scan3A_213, %mul3A_234 : i32
      %add3A_236 = arith.constant 16 : i32
      %add3A_237 = arith.addi %mul3A_235, %add3A_236 : i32
      %get3A_238 = arith.index_cast %add3A_237 : i32 to index
      %get3A_239 = tpu.vector_load %arg9[%get3A_238] {strides = array<i32>} : memref<4096xi32, #tpu.memory_space<vmem>>, vector<16xi32>,
      %broadcast_in_dim3A_240 = arith.constant true
      %broadcast_in_dim3A_241 = vector.broadcast %broadcast_in_dim3A_240 : i1 to vector<16xi1>
      %masked_cumsum3A_242 = tpu.scan <sum>, %get3A_239 masked %broadcast_in_dim3A_241 : vector<16xi32>, vector<16xi1> -> vector<16xi32>
      %add3A_243 = vector.broadcast %add3A_233 : i32 to vector<16xi32>
      %add3A_244 = arith.addi %add3A_243, %masked_cumsum3A_242 : vector<16xi32>
      %sub3A_245 = arith.subi %add3A_244, %get3A_239 : vector<16xi32>
      %mul3A_246 = arith.constant 64 : i32
      %mul3A_247 = arith.muli %scan3A_213, %mul3A_246 : i32
      %add3A_248 = arith.constant 16 : i32
      %add3A_249 = arith.addi %mul3A_247, %add3A_248 : i32
      %swap3A_250 = arith.index_cast %add3A_249 : i32 to index
      %swap3A_251 = tpu.vector_load %arg10[%swap3A_250] {strides = array<i32>} : memref<4096xi32, #tpu.memory_space<vmem>>, vector<16xi32>,
      tpu.vector_store %arg10[%swap3A_250], %sub3A_245 {strides = array<i32>} : memref<4096xi32, #tpu.memory_space<vmem>>, vector<16xi32>,
      %reduce_sum3A_252 = arith.constant true
      %reduce_sum3A_253 = vector.broadcast %reduce_sum3A_252 : i1 to vector<16xi1>
      %reduce_sum3A_254 = tpu.scan <sum>, %get3A_239 masked %reduce_sum3A_253 : vector<16xi32>, vector<16xi1> -> vector<16xi32>
      %reduce_sum3A_255 = vector.extract %reduce_sum3A_254[15] : i32 from vector<16xi32>
      %add3A_256 = arith.addi %add3A_233, %reduce_sum3A_255 : i32
      %mul3A_257 = arith.constant 64 : i32
      %mul3A_258 = arith.muli %scan3A_213, %mul3A_257 : i32
      %add3A_259 = arith.constant 32 : i32
      %add3A_260 = arith.addi %mul3A_258, %add3A_259 : i32
      %get3A_261 = arith.index_cast %add3A_260 : i32 to index
      %get3A_262 = tpu.vector_load %arg9[%get3A_261] {strides = array<i32>} : memref<4096xi32, #tpu.memory_space<vmem>>, vector<16xi32>,
      %broadcast_in_dim3A_263 = arith.constant true
      %broadcast_in_dim3A_264 = vector.broadcast %broadcast_in_dim3A_263 : i1 to vector<16xi1>
      %masked_cumsum3A_265 = tpu.scan <sum>, %get3A_262 masked %broadcast_in_dim3A_264 : vector<16xi32>, vector<16xi1> -> vector<16xi32>
      %add3A_266 = vector.broadcast %add3A_256 : i32 to vector<16xi32>
      %add3A_267 = arith.addi %add3A_266, %masked_cumsum3A_265 : vector<16xi32>
      %sub3A_268 = arith.subi %add3A_267, %get3A_262 : vector<16xi32>
      %mul3A_269 = arith.constant 64 : i32
      %mul3A_270 = arith.muli %scan3A_213, %mul3A_269 : i32
      %add3A_271 = arith.constant 32 : i32
      %add3A_272 = arith.addi %mul3A_270, %add3A_271 : i32
      %swap3A_273 = arith.index_cast %add3A_272 : i32 to index
      %swap3A_274 = tpu.vector_load %arg10[%swap3A_273] {strides = array<i32>} : memref<4096xi32, #tpu.memory_space<vmem>>, vector<16xi32>,
      tpu.vector_store %arg10[%swap3A_273], %sub3A_268 {strides = array<i32>} : memref<4096xi32, #tpu.memory_space<vmem>>, vector<16xi32>,
      %reduce_sum3A_275 = arith.constant true
      %reduce_sum3A_276 = vector.broadcast %reduce_sum3A_275 : i1 to vector<16xi1>
      %reduce_sum3A_277 = tpu.scan <sum>, %get3A_262 masked %reduce_sum3A_276 : vector<16xi32>, vector<16xi1> -> vector<16xi32>
      %reduce_sum3A_278 = vector.extract %reduce_sum3A_277[15] : i32 from vector<16xi32>
      %add3A_279 = arith.addi %add3A_256, %reduce_sum3A_278 : i32
      %mul3A_280 = arith.constant 64 : i32
      %mul3A_281 = arith.muli %scan3A_213, %mul3A_280 : i32
      %add3A_282 = arith.constant 48 : i32
      %add3A_283 = arith.addi %mul3A_281, %add3A_282 : i32
      %get3A_284 = arith.index_cast %add3A_283 : i32 to index
      %get3A_285 = tpu.vector_load %arg9[%get3A_284] {strides = array<i32>} : memref<4096xi32, #tpu.memory_space<vmem>>, vector<16xi32>,
      %broadcast_in_dim3A_286 = arith.constant true
      %broadcast_in_dim3A_287 = vector.broadcast %broadcast_in_dim3A_286 : i1 to vector<16xi1>
      %masked_cumsum3A_288 = tpu.scan <sum>, %get3A_285 masked %broadcast_in_dim3A_287 : vector<16xi32>, vector<16xi1> -> vector<16xi32>
      %add3A_289 = vector.broadcast %add3A_279 : i32 to vector<16xi32>
      %add3A_290 = arith.addi %add3A_289, %masked_cumsum3A_288 : vector<16xi32>
      %sub3A_291 = arith.subi %add3A_290, %get3A_285 : vector<16xi32>
      %mul3A_292 = arith.constant 64 : i32
      %mul3A_293 = arith.muli %scan3A_213, %mul3A_292 : i32
      %add3A_294 = arith.constant 48 : i32
      %add3A_295 = arith.addi %mul3A_293, %add3A_294 : i32
      %swap3A_296 = arith.index_cast %add3A_295 : i32 to index
      %swap3A_297 = tpu.vector_load %arg10[%swap3A_296] {strides = array<i32>} : memref<4096xi32, #tpu.memory_space<vmem>>, vector<16xi32>,
      tpu.vector_store %arg10[%swap3A_296], %sub3A_291 {strides = array<i32>} : memref<4096xi32, #tpu.memory_space<vmem>>, vector<16xi32>,
      %reduce_sum3A_298 = arith.constant true
      %reduce_sum3A_299 = vector.broadcast %reduce_sum3A_298 : i1 to vector<16xi1>
      %reduce_sum3A_300 = tpu.scan <sum>, %get3A_285 masked %reduce_sum3A_299 : vector<16xi32>, vector<16xi1> -> vector<16xi32>
      %reduce_sum3A_301 = vector.extract %reduce_sum3A_300[15] : i32 from vector<16xi32>
      %add3A_302 = arith.addi %add3A_279, %reduce_sum3A_301 : i32
      %add3A_303 = arith.constant 15 : i32
      %add3A_304 = arith.addi %add3A_302, %add3A_303 : i32
      %and3A_305 = arith.constant -16 : i32
      %and3A_306 = arith.andi %add3A_304, %and3A_305 : i32
      scf.yield %and3A_306 : i32
    }
    %scan3A_19 = arith.constant 64 : i32
    %scan3A_20 = arith.constant 0 : i32
    %scan3A_21 = arith.constant 0 : i32
    %scan3A_22 = arith.constant 256 : i32
    %scan3A_23 = arith.addi %scan3A_21, %scan3A_22 : i32
    %scan3A_24 = arith.constant 1 : i32
    scf.for %scan3A_213 = %scan3A_21 to %scan3A_23 step %scan3A_24  : i32 {
      %mul3A_214 = arith.constant 4 : i32
      %mul3A_215 = arith.muli %scan3A_213, %mul3A_214 : i32
      %add3A_216 = arith.constant 0 : i32
      %add3A_217 = arith.addi %mul3A_215, %add3A_216 : i32
      %mul3A_218 = arith.constant 16 : i32
      %mul3A_219 = arith.muli %add3A_217, %mul3A_218 : i32
      %get3A = arith.index_cast %mul3A_219 : i32 to index
      %get3A_220 = tpu.vector_load %arg6[%get3A] {strides = array<i32>} : memref<16384xi32, #tpu.memory_space<vmem>>, vector<16xi32>,
      %shift_right_arithmetic3A = arith.constant 9 : i32
      %shift_right_arithmetic3A_221 = vector.broadcast %shift_right_arithmetic3A : i32 to vector<16xi32>
      %shift_right_arithmetic3A_222 = arith.shrsi %get3A_220, %shift_right_arithmetic3A_221 : vector<16xi32>
      %and3A_223 = arith.constant 31 : i32
      %and3A_224 = vector.broadcast %and3A_223 : i32 to vector<16xi32>
      %and3A_225 = arith.andi %shift_right_arithmetic3A_222, %and3A_224 : vector<16xi32>
      %eq3A_226 = vector.broadcast %add3A : i32 to vector<16xi32>
      %eq3A_227 = arith.cmpi eq, %and3A_225, %eq3A_226 : vector<16xi32>
      %sub3A_228 = vector.broadcast %add3A : i32 to vector<16xi32>
      %sub3A_229 = arith.subi %shift_right_arithmetic3A_222, %sub3A_228 : vector<16xi32>
      %shift_right_arithmetic3A_230 = arith.constant 5 : i32
      %shift_right_arithmetic3A_231 = vector.broadcast %shift_right_arithmetic3A_230 : i32 to vector<16xi32>
      %shift_right_arithmetic3A_232 = arith.shrsi %sub3A_229, %shift_right_arithmetic3A_231 : vector<16xi32>
      %and3A_233 = arith.constant 63 : i32
      %and3A_234 = vector.broadcast %and3A_233 : i32 to vector<16xi32>
      %and3A_235 = arith.andi %shift_right_arithmetic3A_232, %and3A_234 : vector<16xi32>
      %mul3A_236 = arith.constant 64 : i32
      %mul3A_237 = vector.broadcast %mul3A_236 : i32 to vector<16xi32>
      %mul3A_238 = arith.muli %and3A_235, %mul3A_237 : vector<16xi32>
      %add3A_239 = arith.constant 0 : i32
      %add3A_240 = vector.broadcast %add3A_239 : i32 to vector<16xi32>
      %add3A_241 = arith.addi %mul3A_238, %add3A_240 : vector<16xi32>
      %add3A_242 = arith.addi %add3A_241, %iota3A : vector<16xi32>
      %gather3A = tpu.vector_load_idx %arg10[%add3A_242] masked %eq3A_227 : memref<4096xi32, #tpu.memory_space<vmem>>[vector<16xi32>], vector<16xi32>, vector<16xi1>
      tpu.vector_store_idx %arg7[%gather3A], %get3A_220 masked %eq3A_227 : memref<17408xi32, #tpu.memory_space<vmem>>[vector<16xi32>], vector<16xi32>, vector<16xi1>
      %mul3A_243 = arith.constant 16 : i32
      %mul3A_244 = arith.muli %add3A_217, %mul3A_243 : i32
      %add3A_245 = vector.broadcast %mul3A_244 : i32 to vector<16xi32>
      %add3A_246 = arith.addi %add3A_245, %iota3A : vector<16xi32>
      tpu.vector_store_idx %arg8[%gather3A], %add3A_246 masked %eq3A_227 : memref<17408xi32, #tpu.memory_space<vmem>>[vector<16xi32>], vector<16xi32>, vector<16xi1>
      tpu.vector_store_idx %arg10[%add3A_242], %broadcast_in_dim3A_1 masked %eq3A_227 {add = true} : memref<4096xi32, #tpu.memory_space<vmem>>[vector<16xi32>], vector<16xi32>, vector<16xi1>
      %mul3A_247 = arith.constant 4 : i32
      %mul3A_248 = arith.muli %scan3A_213, %mul3A_247 : i32
      %add3A_249 = arith.constant 1 : i32
      %add3A_250 = arith.addi %mul3A_248, %add3A_249 : i32
      %mul3A_251 = arith.constant 16 : i32
      %mul3A_252 = arith.muli %add3A_250, %mul3A_251 : i32
      %get3A_253 = arith.index_cast %mul3A_252 : i32 to index
      %get3A_254 = tpu.vector_load %arg6[%get3A_253] {strides = array<i32>} : memref<16384xi32, #tpu.memory_space<vmem>>, vector<16xi32>,
      %shift_right_arithmetic3A_255 = arith.constant 9 : i32
      %shift_right_arithmetic3A_256 = vector.broadcast %shift_right_arithmetic3A_255 : i32 to vector<16xi32>
      %shift_right_arithmetic3A_257 = arith.shrsi %get3A_254, %shift_right_arithmetic3A_256 : vector<16xi32>
      %and3A_258 = arith.constant 31 : i32
      %and3A_259 = vector.broadcast %and3A_258 : i32 to vector<16xi32>
      %and3A_260 = arith.andi %shift_right_arithmetic3A_257, %and3A_259 : vector<16xi32>
      %eq3A_261 = vector.broadcast %add3A : i32 to vector<16xi32>
      %eq3A_262 = arith.cmpi eq, %and3A_260, %eq3A_261 : vector<16xi32>
      %sub3A_263 = vector.broadcast %add3A : i32 to vector<16xi32>
      %sub3A_264 = arith.subi %shift_right_arithmetic3A_257, %sub3A_263 : vector<16xi32>
      %shift_right_arithmetic3A_265 = arith.constant 5 : i32
      %shift_right_arithmetic3A_266 = vector.broadcast %shift_right_arithmetic3A_265 : i32 to vector<16xi32>
      %shift_right_arithmetic3A_267 = arith.shrsi %sub3A_264, %shift_right_arithmetic3A_266 : vector<16xi32>
      %and3A_268 = arith.constant 63 : i32
      %and3A_269 = vector.broadcast %and3A_268 : i32 to vector<16xi32>
      %and3A_270 = arith.andi %shift_right_arithmetic3A_267, %and3A_269 : vector<16xi32>
      %mul3A_271 = arith.constant 64 : i32
      %mul3A_272 = vector.broadcast %mul3A_271 : i32 to vector<16xi32>
      %mul3A_273 = arith.muli %and3A_270, %mul3A_272 : vector<16xi32>
      %add3A_274 = arith.constant 16 : i32
      %add3A_275 = vector.broadcast %add3A_274 : i32 to vector<16xi32>
      %add3A_276 = arith.addi %mul3A_273, %add3A_275 : vector<16xi32>
      %add3A_277 = arith.addi %add3A_276, %iota3A : vector<16xi32>
      %gather3A_278 = tpu.vector_load_idx %arg10[%add3A_277] masked %eq3A_262 : memref<4096xi32, #tpu.memory_space<vmem>>[vector<16xi32>], vector<16xi32>, vector<16xi1>
      tpu.vector_store_idx %arg7[%gather3A_278], %get3A_254 masked %eq3A_262 : memref<17408xi32, #tpu.memory_space<vmem>>[vector<16xi32>], vector<16xi32>, vector<16xi1>
      %mul3A_279 = arith.constant 16 : i32
      %mul3A_280 = arith.muli %add3A_250, %mul3A_279 : i32
      %add3A_281 = vector.broadcast %mul3A_280 : i32 to vector<16xi32>
      %add3A_282 = arith.addi %add3A_281, %iota3A : vector<16xi32>
      tpu.vector_store_idx %arg8[%gather3A_278], %add3A_282 masked %eq3A_262 : memref<17408xi32, #tpu.memory_space<vmem>>[vector<16xi32>], vector<16xi32>, vector<16xi1>
      tpu.vector_store_idx %arg10[%add3A_277], %broadcast_in_dim3A_1 masked %eq3A_262 {add = true} : memref<4096xi32, #tpu.memory_space<vmem>>[vector<16xi32>], vector<16xi32>, vector<16xi1>
      %mul3A_283 = arith.constant 4 : i32
      %mul3A_284 = arith.muli %scan3A_213, %mul3A_283 : i32
      %add3A_285 = arith.constant 2 : i32
      %add3A_286 = arith.addi %mul3A_284, %add3A_285 : i32
      %mul3A_287 = arith.constant 16 : i32
      %mul3A_288 = arith.muli %add3A_286, %mul3A_287 : i32
      %get3A_289 = arith.index_cast %mul3A_288 : i32 to index
      %get3A_290 = tpu.vector_load %arg6[%get3A_289] {strides = array<i32>} : memref<16384xi32, #tpu.memory_space<vmem>>, vector<16xi32>,
      %shift_right_arithmetic3A_291 = arith.constant 9 : i32
      %shift_right_arithmetic3A_292 = vector.broadcast %shift_right_arithmetic3A_291 : i32 to vector<16xi32>
      %shift_right_arithmetic3A_293 = arith.shrsi %get3A_290, %shift_right_arithmetic3A_292 : vector<16xi32>
      %and3A_294 = arith.constant 31 : i32
      %and3A_295 = vector.broadcast %and3A_294 : i32 to vector<16xi32>
      %and3A_296 = arith.andi %shift_right_arithmetic3A_293, %and3A_295 : vector<16xi32>
      %eq3A_297 = vector.broadcast %add3A : i32 to vector<16xi32>
      %eq3A_298 = arith.cmpi eq, %and3A_296, %eq3A_297 : vector<16xi32>
      %sub3A_299 = vector.broadcast %add3A : i32 to vector<16xi32>
      %sub3A_300 = arith.subi %shift_right_arithmetic3A_293, %sub3A_299 : vector<16xi32>
      %shift_right_arithmetic3A_301 = arith.constant 5 : i32
      %shift_right_arithmetic3A_302 = vector.broadcast %shift_right_arithmetic3A_301 : i32 to vector<16xi32>
      %shift_right_arithmetic3A_303 = arith.shrsi %sub3A_300, %shift_right_arithmetic3A_302 : vector<16xi32>
      %and3A_304 = arith.constant 63 : i32
      %and3A_305 = vector.broadcast %and3A_304 : i32 to vector<16xi32>
      %and3A_306 = arith.andi %shift_right_arithmetic3A_303, %and3A_305 : vector<16xi32>
      %mul3A_307 = arith.constant 64 : i32
      %mul3A_308 = vector.broadcast %mul3A_307 : i32 to vector<16xi32>
      %mul3A_309 = arith.muli %and3A_306, %mul3A_308 : vector<16xi32>
      %add3A_310 = arith.constant 32 : i32
      %add3A_311 = vector.broadcast %add3A_310 : i32 to vector<16xi32>
      %add3A_312 = arith.addi %mul3A_309, %add3A_311 : vector<16xi32>
      %add3A_313 = arith.addi %add3A_312, %iota3A : vector<16xi32>
      %gather3A_314 = tpu.vector_load_idx %arg10[%add3A_313] masked %eq3A_298 : memref<4096xi32, #tpu.memory_space<vmem>>[vector<16xi32>], vector<16xi32>, vector<16xi1>
      tpu.vector_store_idx %arg7[%gather3A_314], %get3A_290 masked %eq3A_298 : memref<17408xi32, #tpu.memory_space<vmem>>[vector<16xi32>], vector<16xi32>, vector<16xi1>
      %mul3A_315 = arith.constant 16 : i32
      %mul3A_316 = arith.muli %add3A_286, %mul3A_315 : i32
      %add3A_317 = vector.broadcast %mul3A_316 : i32 to vector<16xi32>
      %add3A_318 = arith.addi %add3A_317, %iota3A : vector<16xi32>
      tpu.vector_store_idx %arg8[%gather3A_314], %add3A_318 masked %eq3A_298 : memref<17408xi32, #tpu.memory_space<vmem>>[vector<16xi32>], vector<16xi32>, vector<16xi1>
      tpu.vector_store_idx %arg10[%add3A_313], %broadcast_in_dim3A_1 masked %eq3A_298 {add = true} : memref<4096xi32, #tpu.memory_space<vmem>>[vector<16xi32>], vector<16xi32>, vector<16xi1>
      %mul3A_319 = arith.constant 4 : i32
      %mul3A_320 = arith.muli %scan3A_213, %mul3A_319 : i32
      %add3A_321 = arith.constant 3 : i32
      %add3A_322 = arith.addi %mul3A_320, %add3A_321 : i32
      %mul3A_323 = arith.constant 16 : i32
      %mul3A_324 = arith.muli %add3A_322, %mul3A_323 : i32
      %get3A_325 = arith.index_cast %mul3A_324 : i32 to index
      %get3A_326 = tpu.vector_load %arg6[%get3A_325] {strides = array<i32>} : memref<16384xi32, #tpu.memory_space<vmem>>, vector<16xi32>,
      %shift_right_arithmetic3A_327 = arith.constant 9 : i32
      %shift_right_arithmetic3A_328 = vector.broadcast %shift_right_arithmetic3A_327 : i32 to vector<16xi32>
      %shift_right_arithmetic3A_329 = arith.shrsi %get3A_326, %shift_right_arithmetic3A_328 : vector<16xi32>
      %and3A_330 = arith.constant 31 : i32
      %and3A_331 = vector.broadcast %and3A_330 : i32 to vector<16xi32>
      %and3A_332 = arith.andi %shift_right_arithmetic3A_329, %and3A_331 : vector<16xi32>
      %eq3A_333 = vector.broadcast %add3A : i32 to vector<16xi32>
      %eq3A_334 = arith.cmpi eq, %and3A_332, %eq3A_333 : vector<16xi32>
      %sub3A_335 = vector.broadcast %add3A : i32 to vector<16xi32>
      %sub3A_336 = arith.subi %shift_right_arithmetic3A_329, %sub3A_335 : vector<16xi32>
      %shift_right_arithmetic3A_337 = arith.constant 5 : i32
      %shift_right_arithmetic3A_338 = vector.broadcast %shift_right_arithmetic3A_337 : i32 to vector<16xi32>
      %shift_right_arithmetic3A_339 = arith.shrsi %sub3A_336, %shift_right_arithmetic3A_338 : vector<16xi32>
      %and3A_340 = arith.constant 63 : i32
      %and3A_341 = vector.broadcast %and3A_340 : i32 to vector<16xi32>
      %and3A_342 = arith.andi %shift_right_arithmetic3A_339, %and3A_341 : vector<16xi32>
      %mul3A_343 = arith.constant 64 : i32
      %mul3A_344 = vector.broadcast %mul3A_343 : i32 to vector<16xi32>
      %mul3A_345 = arith.muli %and3A_342, %mul3A_344 : vector<16xi32>
      %add3A_346 = arith.constant 48 : i32
      %add3A_347 = vector.broadcast %add3A_346 : i32 to vector<16xi32>
      %add3A_348 = arith.addi %mul3A_345, %add3A_347 : vector<16xi32>
      %add3A_349 = arith.addi %add3A_348, %iota3A : vector<16xi32>
      %gather3A_350 = tpu.vector_load_idx %arg10[%add3A_349] masked %eq3A_334 : memref<4096xi32, #tpu.memory_space<vmem>>[vector<16xi32>], vector<16xi32>, vector<16xi1>
      tpu.vector_store_idx %arg7[%gather3A_350], %get3A_326 masked %eq3A_334 : memref<17408xi32, #tpu.memory_space<vmem>>[vector<16xi32>], vector<16xi32>, vector<16xi1>
      %mul3A_351 = arith.constant 16 : i32
      %mul3A_352 = arith.muli %add3A_322, %mul3A_351 : i32
      %add3A_353 = vector.broadcast %mul3A_352 : i32 to vector<16xi32>
      %add3A_354 = arith.addi %add3A_353, %iota3A : vector<16xi32>
      tpu.vector_store_idx %arg8[%gather3A_350], %add3A_354 masked %eq3A_334 : memref<17408xi32, #tpu.memory_space<vmem>>[vector<16xi32>], vector<16xi32>, vector<16xi1>
      tpu.vector_store_idx %arg10[%add3A_349], %broadcast_in_dim3A_1 masked %eq3A_334 {add = true} : memref<4096xi32, #tpu.memory_space<vmem>>[vector<16xi32>], vector<16xi32>, vector<16xi1>
    }
    %scan3A_25 = arith.constant 256 : i32
    %sub3A = arith.constant 1952 : i32
    %sub3A_26 = arith.subi %sub3A, %add3A : i32
    %jit3A = arith.constant 32 : i32
    %div3A = arith.divsi %sub3A_26, %jit3A : i32
    %sign3A = arith.constant 0 : i32
    %sign3A_27 = arith.cmpi sgt, %sub3A_26, %sign3A : i32
    %sign3A_28 = arith.extui %sign3A_27 : i1 to i32
    %sign3A_29 = arith.constant 0 : i32
    %sign3A_30 = arith.cmpi slt, %sub3A_26, %sign3A_29 : i32
    %sign3A_31 = arith.extui %sign3A_30 : i1 to i32
    %sign3A_32 = arith.subi %sign3A_28, %sign3A_31 : i32
    %sign3A_33 = arith.constant 0 : i32
    %sign3A_34 = arith.cmpi sgt, %jit3A, %sign3A_33 : i32
    %sign3A_35 = arith.extui %sign3A_34 : i1 to i32
    %sign3A_36 = arith.constant 0 : i32
    %sign3A_37 = arith.cmpi slt, %jit3A, %sign3A_36 : i32
    %sign3A_38 = arith.extui %sign3A_37 : i1 to i32
    %sign3A_39 = arith.subi %sign3A_35, %sign3A_38 : i32
    %ne3A = arith.cmpi ne, %sign3A_32, %sign3A_39 : i32
    %rem3A = arith.remsi %sub3A_26, %jit3A : i32
    %ne3A_40 = arith.constant 0 : i32
    %ne3A_41 = arith.cmpi ne, %rem3A, %ne3A_40 : i32
    %and3A = arith.andi %ne3A, %ne3A_41 : i1
    %sub3A_42 = arith.constant 1 : i32
    %sub3A_43 = arith.subi %div3A, %sub3A_42 : i32
    %select_n3A = arith.select %and3A, %sub3A_43, %div3A : i32
    %add3A_44 = arith.constant 1 : i32
    %add3A_45 = arith.addi %select_n3A, %add3A_44 : i32
    %mul3A_46 = arith.constant 512 : i32
    %mul3A_47 = arith.muli %add3A, %mul3A_46 : i32
    %dma_start3A = arith.constant 0 : i32
    %dma_start3A_48 = arith.constant 0 : i32
    %dma_start3A_49 = arith.constant 0 : i32
    %dma_start3A_50 = arith.constant 0 : i32
    %dma_start3A_51 = tpu.memref_slice %arg11[%dma_start3A, %dma_start3A_49, %dma_start3A_50] : memref<2x64x512xf32, #tpu.memory_space<vmem>> -> memref<1x8x512xf32, #tpu.memory_space<vmem>>
    %dma_start3A_52 = tpu.memref_squeeze %dma_start3A_51 : memref<1x8x512xf32, #tpu.memory_space<vmem>> -> memref<8x512xf32, #tpu.memory_space<vmem>>
    %dma_start3A_53 = arith.constant 0 : i32
    %dma_start3A_54 = tpu.memref_slice %arg2[%dma_start3A_53, %mul3A_47] : memref<64x1000000xf32, #tpu.memory_space<hbm>> -> memref<8x512xf32, #tpu.memory_space<hbm>>
    %dma_start3A_55 = tpu.memref_slice %arg14[%dma_start3A_48] : memref<2x!tpu.dma_semaphore, #tpu.memory_space<semaphore_mem>> -> memref<1x!tpu.dma_semaphore, #tpu.memory_space<semaphore_mem>>
    %dma_start3A_56 = tpu.memref_squeeze %dma_start3A_55 : memref<1x!tpu.dma_semaphore, #tpu.memory_space<semaphore_mem>> -> memref<!tpu.dma_semaphore, #tpu.memory_space<semaphore_mem>>
    %dma_start3A_57 = arith.constant 0 : i32
    %dma_start3A_58 = arith.constant 0 : i32
    %dma_start3A_59 = tpu.memref_slice %arg11[%dma_start3A, %dma_start3A_57, %dma_start3A_58] : memref<2x64x512xf32, #tpu.memory_space<vmem>> -> memref<1x8x512xf32, #tpu.memory_space<vmem>>
    %dma_start3A_60 = tpu.memref_squeeze %dma_start3A_59 : memref<1x8x512xf32, #tpu.memory_space<vmem>> -> memref<8x512xf32, #tpu.memory_space<vmem>>
    %dma_start3A_61 = arith.constant 0 : i32
    %dma_start3A_62 = tpu.memref_slice %arg2[%dma_start3A_61, %mul3A_47] : memref<64x1000000xf32, #tpu.memory_space<hbm>> -> memref<8x512xf32, #tpu.memory_space<hbm>>
    tpu.enqueue_dma source(%dma_start3A_62 : memref<8x512xf32, #tpu.memory_space<hbm>>) target(%dma_start3A_60 : memref<8x512xf32, #tpu.memory_space<vmem>>) target_semaphore(%dma_start3A_56 : memref<!tpu.dma_semaphore, #tpu.memory_space<semaphore_mem>>)
    %mul3A_63 = arith.constant 512 : i32
    %mul3A_64 = arith.muli %add3A, %mul3A_63 : i32
    %dma_start3A_65 = arith.constant 0 : i32
    %dma_start3A_66 = arith.constant 0 : i32
    %dma_start3A_67 = arith.constant 8 : i32
    %dma_start3A_68 = arith.constant 0 : i32
    %dma_start3A_69 = tpu.memref_slice %arg11[%dma_start3A_65, %dma_start3A_67, %dma_start3A_68] : memref<2x64x512xf32, #tpu.memory_space<vmem>> -> memref<1x8x512xf32, #tpu.memory_space<vmem>>
    %dma_start3A_70 = tpu.memref_squeeze %dma_start3A_69 : memref<1x8x512xf32, #tpu.memory_space<vmem>> -> memref<8x512xf32, #tpu.memory_space<vmem>>
    %dma_start3A_71 = arith.constant 8 : i32
    %dma_start3A_72 = tpu.memref_slice %arg2[%dma_start3A_71, %mul3A_64] : memref<64x1000000xf32, #tpu.memory_space<hbm>> -> memref<8x512xf32, #tpu.memory_space<hbm>>
    %dma_start3A_73 = tpu.memref_slice %arg14[%dma_start3A_66] : memref<2x!tpu.dma_semaphore, #tpu.memory_space<semaphore_mem>> -> memref<1x!tpu.dma_semaphore, #tpu.memory_space<semaphore_mem>>
    %dma_start3A_74 = tpu.memref_squeeze %dma_start3A_73 : memref<1x!tpu.dma_semaphore, #tpu.memory_space<semaphore_mem>> -> memref<!tpu.dma_semaphore, #tpu.memory_space<semaphore_mem>>
    %dma_start3A_75 = arith.constant 8 : i32
    %dma_start3A_76 = arith.constant 0 : i32
    %dma_start3A_77 = tpu.memref_slice %arg11[%dma_start3A_65, %dma_start3A_75, %dma_start3A_76] : memref<2x64x512xf32, #tpu.memory_space<vmem>> -> memref<1x8x512xf32, #tpu.memory_space<vmem>>
    %dma_start3A_78 = tpu.memref_squeeze %dma_start3A_77 : memref<1x8x512xf32, #tpu.memory_space<vmem>> -> memref<8x512xf32, #tpu.memory_space<vmem>>
    %dma_start3A_79 = arith.constant 8 : i32
    %dma_start3A_80 = tpu.memref_slice %arg2[%dma_start3A_79, %mul3A_64] : memref<64x1000000xf32, #tpu.memory_space<hbm>> -> memref<8x512xf32, #tpu.memory_space<hbm>>
    tpu.enqueue_dma source(%dma_start3A_80 : memref<8x512xf32, #tpu.memory_space<hbm>>) target(%dma_start3A_78 : memref<8x512xf32, #tpu.memory_space<vmem>>) target_semaphore(%dma_start3A_74 : memref<!tpu.dma_semaphore, #tpu.memory_space<semaphore_mem>>)
    %mul3A_81 = arith.constant 512 : i32
    %mul3A_82 = arith.muli %add3A, %mul3A_81 : i32
    %dma_start3A_83 = arith.constant 0 : i32
    %dma_start3A_84 = arith.constant 0 : i32
    %dma_start3A_85 = arith.constant 16 : i32
    %dma_start3A_86 = arith.constant 0 : i32
    %dma_start3A_87 = tpu.memref_slice %arg11[%dma_start3A_83, %dma_start3A_85, %dma_start3A_86] : memref<2x64x512xf32, #tpu.memory_space<vmem>> -> memref<1x8x512xf32, #tpu.memory_space<vmem>>
    %dma_start3A_88 = tpu.memref_squeeze %dma_start3A_87 : memref<1x8x512xf32, #tpu.memory_space<vmem>> -> memref<8x512xf32, #tpu.memory_space<vmem>>
    %dma_start3A_89 = arith.constant 16 : i32
    %dma_start3A_90 = tpu.memref_slice %arg2[%dma_start3A_89, %mul3A_82] : memref<64x1000000xf32, #tpu.memory_space<hbm>> -> memref<8x512xf32, #tpu.memory_space<hbm>>
    %dma_start3A_91 = tpu.memref_slice %arg14[%dma_start3A_84] : memref<2x!tpu.dma_semaphore, #tpu.memory_space<semaphore_mem>> -> memref<1x!tpu.dma_semaphore, #tpu.memory_space<semaphore_mem>>
    %dma_start3A_92 = tpu.memref_squeeze %dma_start3A_91 : memref<1x!tpu.dma_semaphore, #tpu.memory_space<semaphore_mem>> -> memref<!tpu.dma_semaphore, #tpu.memory_space<semaphore_mem>>
    %dma_start3A_93 = arith.constant 16 : i32
    %dma_start3A_94 = arith.constant 0 : i32
    %dma_start3A_95 = tpu.memref_slice %arg11[%dma_start3A_83, %dma_start3A_93, %dma_start3A_94] : memref<2x64x512xf32, #tpu.memory_space<vmem>> -> memref<1x8x512xf32, #tpu.memory_space<vmem>>
    %dma_start3A_96 = tpu.memref_squeeze %dma_start3A_95 : memref<1x8x512xf32, #tpu.memory_space<vmem>> -> memref<8x512xf32, #tpu.memory_space<vmem>>
    %dma_start3A_97 = arith.constant 16 : i32
    %dma_start3A_98 = tpu.memref_slice %arg2[%dma_start3A_97, %mul3A_82] : memref<64x1000000xf32, #tpu.memory_space<hbm>> -> memref<8x512xf32, #tpu.memory_space<hbm>>
    tpu.enqueue_dma source(%dma_start3A_98 : memref<8x512xf32, #tpu.memory_space<hbm>>) target(%dma_start3A_96 : memref<8x512xf32, #tpu.memory_space<vmem>>) target_semaphore(%dma_start3A_92 : memref<!tpu.dma_semaphore, #tpu.memory_space<semaphore_mem>>)
    %mul3A_99 = arith.constant 512 : i32
    %mul3A_100 = arith.muli %add3A, %mul3A_99 : i32
    %dma_start3A_101 = arith.constant 0 : i32
    %dma_start3A_102 = arith.constant 0 : i32
    %dma_start3A_103 = arith.constant 24 : i32
    %dma_start3A_104 = arith.constant 0 : i32
    %dma_start3A_105 = tpu.memref_slice %arg11[%dma_start3A_101, %dma_start3A_103, %dma_start3A_104] : memref<2x64x512xf32, #tpu.memory_space<vmem>> -> memref<1x8x512xf32, #tpu.memory_space<vmem>>
    %dma_start3A_106 = tpu.memref_squeeze %dma_start3A_105 : memref<1x8x512xf32, #tpu.memory_space<vmem>> -> memref<8x512xf32, #tpu.memory_space<vmem>>
    %dma_start3A_107 = arith.constant 24 : i32
    %dma_start3A_108 = tpu.memref_slice %arg2[%dma_start3A_107, %mul3A_100] : memref<64x1000000xf32, #tpu.memory_space<hbm>> -> memref<8x512xf32, #tpu.memory_space<hbm>>
    %dma_start3A_109 = tpu.memref_slice %arg14[%dma_start3A_102] : memref<2x!tpu.dma_semaphore, #tpu.memory_space<semaphore_mem>> -> memref<1x!tpu.dma_semaphore, #tpu.memory_space<semaphore_mem>>
    %dma_start3A_110 = tpu.memref_squeeze %dma_start3A_109 : memref<1x!tpu.dma_semaphore, #tpu.memory_space<semaphore_mem>> -> memref<!tpu.dma_semaphore, #tpu.memory_space<semaphore_mem>>
    %dma_start3A_111 = arith.constant 24 : i32
    %dma_start3A_112 = arith.constant 0 : i32
    %dma_start3A_113 = tpu.memref_slice %arg11[%dma_start3A_101, %dma_start3A_111, %dma_start3A_112] : memref<2x64x512xf32, #tpu.memory_space<vmem>> -> memref<1x8x512xf32, #tpu.memory_space<vmem>>
    %dma_start3A_114 = tpu.memref_squeeze %dma_start3A_113 : memref<1x8x512xf32, #tpu.memory_space<vmem>> -> memref<8x512xf32, #tpu.memory_space<vmem>>
    %dma_start3A_115 = arith.constant 24 : i32
    %dma_start3A_116 = tpu.memref_slice %arg2[%dma_start3A_115, %mul3A_100] : memref<64x1000000xf32, #tpu.memory_space<hbm>> -> memref<8x512xf32, #tpu.memory_space<hbm>>
    tpu.enqueue_dma source(%dma_start3A_116 : memref<8x512xf32, #tpu.memory_space<hbm>>) target(%dma_start3A_114 : memref<8x512xf32, #tpu.memory_space<vmem>>) target_semaphore(%dma_start3A_110 : memref<!tpu.dma_semaphore, #tpu.memory_space<semaphore_mem>>)
    %mul3A_117 = arith.constant 512 : i32
    %mul3A_118 = arith.muli %add3A, %mul3A_117 : i32
    %dma_start3A_119 = arith.constant 0 : i32
    %dma_start3A_120 = arith.constant 0 : i32
    %dma_start3A_121 = arith.constant 32 : i32
    %dma_start3A_122 = arith.constant 0 : i32
    %dma_start3A_123 = tpu.memref_slice %arg11[%dma_start3A_119, %dma_start3A_121, %dma_start3A_122] : memref<2x64x512xf32, #tpu.memory_space<vmem>> -> memref<1x8x512xf32, #tpu.memory_space<vmem>>
    %dma_start3A_124 = tpu.memref_squeeze %dma_start3A_123 : memref<1x8x512xf32, #tpu.memory_space<vmem>> -> memref<8x512xf32, #tpu.memory_space<vmem>>
    %dma_start3A_125 = arith.constant 32 : i32
    %dma_start3A_126 = tpu.memref_slice %arg2[%dma_start3A_125, %mul3A_118] : memref<64x1000000xf32, #tpu.memory_space<hbm>> -> memref<8x512xf32, #tpu.memory_space<hbm>>
    %dma_start3A_127 = tpu.memref_slice %arg14[%dma_start3A_120] : memref<2x!tpu.dma_semaphore, #tpu.memory_space<semaphore_mem>> -> memref<1x!tpu.dma_semaphore, #tpu.memory_space<semaphore_mem>>
    %dma_start3A_128 = tpu.memref_squeeze %dma_start3A_127 : memref<1x!tpu.dma_semaphore, #tpu.memory_space<semaphore_mem>> -> memref<!tpu.dma_semaphore, #tpu.memory_space<semaphore_mem>>
    %dma_start3A_129 = arith.constant 32 : i32
    %dma_start3A_130 = arith.constant 0 : i32
    %dma_start3A_131 = tpu.memref_slice %arg11[%dma_start3A_119, %dma_start3A_129, %dma_start3A_130] : memref<2x64x512xf32, #tpu.memory_space<vmem>> -> memref<1x8x512xf32, #tpu.memory_space<vmem>>
    %dma_start3A_132 = tpu.memref_squeeze %dma_start3A_131 : memref<1x8x512xf32, #tpu.memory_space<vmem>> -> memref<8x512xf32, #tpu.memory_space<vmem>>
    %dma_start3A_133 = arith.constant 32 : i32
    %dma_start3A_134 = tpu.memref_slice %arg2[%dma_start3A_133, %mul3A_118] : memref<64x1000000xf32, #tpu.memory_space<hbm>> -> memref<8x512xf32, #tpu.memory_space<hbm>>
    tpu.enqueue_dma source(%dma_start3A_134 : memref<8x512xf32, #tpu.memory_space<hbm>>) target(%dma_start3A_132 : memref<8x512xf32, #tpu.memory_space<vmem>>) target_semaphore(%dma_start3A_128 : memref<!tpu.dma_semaphore, #tpu.memory_space<semaphore_mem>>)
    %mul3A_135 = arith.constant 512 : i32
    %mul3A_136 = arith.muli %add3A, %mul3A_135 : i32
    %dma_start3A_137 = arith.constant 0 : i32
    %dma_start3A_138 = arith.constant 0 : i32
    %dma_start3A_139 = arith.constant 40 : i32
    %dma_start3A_140 = arith.constant 0 : i32
    %dma_start3A_141 = tpu.memref_slice %arg11[%dma_start3A_137, %dma_start3A_139, %dma_start3A_140] : memref<2x64x512xf32, #tpu.memory_space<vmem>> -> memref<1x8x512xf32, #tpu.memory_space<vmem>>
    %dma_start3A_142 = tpu.memref_squeeze %dma_start3A_141 : memref<1x8x512xf32, #tpu.memory_space<vmem>> -> memref<8x512xf32, #tpu.memory_space<vmem>>
    %dma_start3A_143 = arith.constant 40 : i32
    %dma_start3A_144 = tpu.memref_slice %arg2[%dma_start3A_143, %mul3A_136] : memref<64x1000000xf32, #tpu.memory_space<hbm>> -> memref<8x512xf32, #tpu.memory_space<hbm>>
    %dma_start3A_145 = tpu.memref_slice %arg14[%dma_start3A_138] : memref<2x!tpu.dma_semaphore, #tpu.memory_space<semaphore_mem>> -> memref<1x!tpu.dma_semaphore, #tpu.memory_space<semaphore_mem>>
    %dma_start3A_146 = tpu.memref_squeeze %dma_start3A_145 : memref<1x!tpu.dma_semaphore, #tpu.memory_space<semaphore_mem>> -> memref<!tpu.dma_semaphore, #tpu.memory_space<semaphore_mem>>
    %dma_start3A_147 = arith.constant 40 : i32
    %dma_start3A_148 = arith.constant 0 : i32
    %dma_start3A_149 = tpu.memref_slice %arg11[%dma_start3A_137, %dma_start3A_147, %dma_start3A_148] : memref<2x64x512xf32, #tpu.memory_space<vmem>> -> memref<1x8x512xf32, #tpu.memory_space<vmem>>
    %dma_start3A_150 = tpu.memref_squeeze %dma_start3A_149 : memref<1x8x512xf32, #tpu.memory_space<vmem>> -> memref<8x512xf32, #tpu.memory_space<vmem>>
    %dma_start3A_151 = arith.constant 40 : i32
    %dma_start3A_152 = tpu.memref_slice %arg2[%dma_start3A_151, %mul3A_136] : memref<64x1000000xf32, #tpu.memory_space<hbm>> -> memref<8x512xf32, #tpu.memory_space<hbm>>
    tpu.enqueue_dma source(%dma_start3A_152 : memref<8x512xf32, #tpu.memory_space<hbm>>) target(%dma_start3A_150 : memref<8x512xf32, #tpu.memory_space<vmem>>) target_semaphore(%dma_start3A_146 : memref<!tpu.dma_semaphore, #tpu.memory_space<semaphore_mem>>)
    %mul3A_153 = arith.constant 512 : i32
    %mul3A_154 = arith.muli %add3A, %mul3A_153 : i32
    %dma_start3A_155 = arith.constant 0 : i32
    %dma_start3A_156 = arith.constant 0 : i32
    %dma_start3A_157 = arith.constant 48 : i32
    %dma_start3A_158 = arith.constant 0 : i32
    %dma_start3A_159 = tpu.memref_slice %arg11[%dma_start3A_155, %dma_start3A_157, %dma_start3A_158] : memref<2x64x512xf32, #tpu.memory_space<vmem>> -> memref<1x8x512xf32, #tpu.memory_space<vmem>>
    %dma_start3A_160 = tpu.memref_squeeze %dma_start3A_159 : memref<1x8x512xf32, #tpu.memory_space<vmem>> -> memref<8x512xf32, #tpu.memory_space<vmem>>
    %dma_start3A_161 = arith.constant 48 : i32
    %dma_start3A_162 = tpu.memref_slice %arg2[%dma_start3A_161, %mul3A_154] : memref<64x1000000xf32, #tpu.memory_space<hbm>> -> memref<8x512xf32, #tpu.memory_space<hbm>>
    %dma_start3A_163 = tpu.memref_slice %arg14[%dma_start3A_156] : memref<2x!tpu.dma_semaphore, #tpu.memory_space<semaphore_mem>> -> memref<1x!tpu.dma_semaphore, #tpu.memory_space<semaphore_mem>>
    %dma_start3A_164 = tpu.memref_squeeze %dma_start3A_163 : memref<1x!tpu.dma_semaphore, #tpu.memory_space<semaphore_mem>> -> memref<!tpu.dma_semaphore, #tpu.memory_space<semaphore_mem>>
    %dma_start3A_165 = arith.constant 48 : i32
    %dma_start3A_166 = arith.constant 0 : i32
    %dma_start3A_167 = tpu.memref_slice %arg11[%dma_start3A_155, %dma_start3A_165, %dma_start3A_166] : memref<2x64x512xf32, #tpu.memory_space<vmem>> -> memref<1x8x512xf32, #tpu.memory_space<vmem>>
    %dma_start3A_168 = tpu.memref_squeeze %dma_start3A_167 : memref<1x8x512xf32, #tpu.memory_space<vmem>> -> memref<8x512xf32, #tpu.memory_space<vmem>>
    %dma_start3A_169 = arith.constant 48 : i32
    %dma_start3A_170 = tpu.memref_slice %arg2[%dma_start3A_169, %mul3A_154] : memref<64x1000000xf32, #tpu.memory_space<hbm>> -> memref<8x512xf32, #tpu.memory_space<hbm>>
    tpu.enqueue_dma source(%dma_start3A_170 : memref<8x512xf32, #tpu.memory_space<hbm>>) target(%dma_start3A_168 : memref<8x512xf32, #tpu.memory_space<vmem>>) target_semaphore(%dma_start3A_164 : memref<!tpu.dma_semaphore, #tpu.memory_space<semaphore_mem>>)
    %mul3A_171 = arith.constant 512 : i32
    %mul3A_172 = arith.muli %add3A, %mul3A_171 : i32
    %dma_start3A_173 = arith.constant 0 : i32
    %dma_start3A_174 = arith.constant 0 : i32
    %dma_start3A_175 = arith.constant 56 : i32
    %dma_start3A_176 = arith.constant 0 : i32
    %dma_start3A_177 = tpu.memref_slice %arg11[%dma_start3A_173, %dma_start3A_175, %dma_start3A_176] : memref<2x64x512xf32, #tpu.memory_space<vmem>> -> memref<1x8x512xf32, #tpu.memory_space<vmem>>
    %dma_start3A_178 = tpu.memref_squeeze %dma_start3A_177 : memref<1x8x512xf32, #tpu.memory_space<vmem>> -> memref<8x512xf32, #tpu.memory_space<vmem>>
    %dma_start3A_179 = arith.constant 56 : i32
    %dma_start3A_180 = tpu.memref_slice %arg2[%dma_start3A_179, %mul3A_172] : memref<64x1000000xf32, #tpu.memory_space<hbm>> -> memref<8x512xf32, #tpu.memory_space<hbm>>
    %dma_start3A_181 = tpu.memref_slice %arg14[%dma_start3A_174] : memref<2x!tpu.dma_semaphore, #tpu.memory_space<semaphore_mem>> -> memref<1x!tpu.dma_semaphore, #tpu.memory_space<semaphore_mem>>
    %dma_start3A_182 = tpu.memref_squeeze %dma_start3A_181 : memref<1x!tpu.dma_semaphore, #tpu.memory_space<semaphore_mem>> -> memref<!tpu.dma_semaphore, #tpu.memory_space<semaphore_mem>>
    %dma_start3A_183 = arith.constant 56 : i32
    %dma_start3A_184 = arith.constant 0 : i32
    %dma_start3A_185 = tpu.memref_slice %arg11[%dma_start3A_173, %dma_start3A_183, %dma_start3A_184] : memref<2x64x512xf32, #tpu.memory_space<vmem>> -> memref<1x8x512xf32, #tpu.memory_space<vmem>>
    %dma_start3A_186 = tpu.memref_squeeze %dma_start3A_185 : memref<1x8x512xf32, #tpu.memory_space<vmem>> -> memref<8x512xf32, #tpu.memory_space<vmem>>
    %dma_start3A_187 = arith.constant 56 : i32
    %dma_start3A_188 = tpu.memref_slice %arg2[%dma_start3A_187, %mul3A_172] : memref<64x1000000xf32, #tpu.memory_space<hbm>> -> memref<8x512xf32, #tpu.memory_space<hbm>>
    tpu.enqueue_dma source(%dma_start3A_188 : memref<8x512xf32, #tpu.memory_space<hbm>>) target(%dma_start3A_186 : memref<8x512xf32, #tpu.memory_space<vmem>>) target_semaphore(%dma_start3A_182 : memref<!tpu.dma_semaphore, #tpu.memory_space<semaphore_mem>>)
    %while3A = arith.constant 0 : i32
    %while3A_189 = arith.constant 0 : i32
    %while3A_190 = arith.constant 0 : i32
    %while3A_191 = arith.subi %add3A_45, %while3A : i32
    %while3A_192 = arith.addi %while3A, %while3A_191 : i32
    %while3A_193 = arith.constant 1 : i32
    %while3A_194 = arith.divsi %while3A_191, %while3A_193 : i32
    %while3A_195 = arith.muli %while3A_194, %while3A_193 : i32
    %while3A_196 = arith.addi %while3A, %while3A_195 : i32
    %while3A_197 = arith.constant 1 : i32
    %while3A_198:2 = scf.for %while3A_213 = %while3A to %while3A_196 step %while3A_197 iter_args(%while3A_214 = %while3A_189, %while3A_215 = %while3A_190) -> (i32, i32)  : i32 {
      %mul3A_216 = arith.constant 32 : i32
      %mul3A_217 = arith.muli %while3A_213, %mul3A_216 : i32
      %add3A_218 = arith.addi %add3A, %mul3A_217 : i32
      %and3A_219 = arith.constant 1 : i32
      %and3A_220 = arith.andi %while3A_213, %and3A_219 : i32
      %add3A_221 = arith.constant 1 : i32
      %add3A_222 = arith.addi %while3A_213, %add3A_221 : i32
      %lt3A = arith.cmpi slt, %add3A_222, %add3A_45 : i32
      %convert_element_type3A_223 = arith.extui %lt3A : i1 to i32
      %cond3A_224 = arith.constant 0 : i32
      %cond3A_225 = arith.cmpi ne, %convert_element_type3A_223, %cond3A_224 : i32
      scf.if %cond3A_225 {
        %add3A_419 = arith.constant 32 : i32
        %add3A_420 = arith.addi %add3A_218, %add3A_419 : i32
        %sub3A_421 = arith.constant 1 : i32
        %sub3A_422 = arith.subi %sub3A_421, %and3A_220 : i32
        %mul3A_423 = arith.constant 512 : i32
        %mul3A_424 = arith.muli %add3A_420, %mul3A_423 : i32
        %dma_start3A_425 = arith.constant 0 : i32
        %dma_start3A_426 = arith.constant 0 : i32
        %dma_start3A_427 = tpu.memref_slice %arg11[%sub3A_422, %dma_start3A_425, %dma_start3A_426] : memref<2x64x512xf32, #tpu.memory_space<vmem>> -> memref<1x8x512xf32, #tpu.memory_space<vmem>>
        %dma_start3A_428 = tpu.memref_squeeze %dma_start3A_427 : memref<1x8x512xf32, #tpu.memory_space<vmem>> -> memref<8x512xf32, #tpu.memory_space<vmem>>
        %dma_start3A_429 = arith.constant 0 : i32
        %dma_start3A_430 = tpu.memref_slice %arg2[%dma_start3A_429, %mul3A_424] : memref<64x1000000xf32, #tpu.memory_space<hbm>> -> memref<8x512xf32, #tpu.memory_space<hbm>>
        %dma_start3A_431 = tpu.memref_slice %arg14[%sub3A_422] : memref<2x!tpu.dma_semaphore, #tpu.memory_space<semaphore_mem>> -> memref<1x!tpu.dma_semaphore, #tpu.memory_space<semaphore_mem>>
        %dma_start3A_432 = tpu.memref_squeeze %dma_start3A_431 : memref<1x!tpu.dma_semaphore, #tpu.memory_space<semaphore_mem>> -> memref<!tpu.dma_semaphore, #tpu.memory_space<semaphore_mem>>
        %dma_start3A_433 = arith.constant 0 : i32
        %dma_start3A_434 = arith.constant 0 : i32
        %dma_start3A_435 = tpu.memref_slice %arg11[%sub3A_422, %dma_start3A_433, %dma_start3A_434] : memref<2x64x512xf32, #tpu.memory_space<vmem>> -> memref<1x8x512xf32, #tpu.memory_space<vmem>>
        %dma_start3A_436 = tpu.memref_squeeze %dma_start3A_435 : memref<1x8x512xf32, #tpu.memory_space<vmem>> -> memref<8x512xf32, #tpu.memory_space<vmem>>
        %dma_start3A_437 = arith.constant 0 : i32
        %dma_start3A_438 = tpu.memref_slice %arg2[%dma_start3A_437, %mul3A_424] : memref<64x1000000xf32, #tpu.memory_space<hbm>> -> memref<8x512xf32, #tpu.memory_space<hbm>>
        tpu.enqueue_dma source(%dma_start3A_438 : memref<8x512xf32, #tpu.memory_space<hbm>>) target(%dma_start3A_436 : memref<8x512xf32, #tpu.memory_space<vmem>>) target_semaphore(%dma_start3A_432 : memref<!tpu.dma_semaphore, #tpu.memory_space<semaphore_mem>>)
        %mul3A_439 = arith.constant 512 : i32
        %mul3A_440 = arith.muli %add3A_420, %mul3A_439 : i32
        %dma_start3A_441 = arith.constant 8 : i32
        %dma_start3A_442 = arith.constant 0 : i32
        %dma_start3A_443 = tpu.memref_slice %arg11[%sub3A_422, %dma_start3A_441, %dma_start3A_442] : memref<2x64x512xf32, #tpu.memory_space<vmem>> -> memref<1x8x512xf32, #tpu.memory_space<vmem>>
        %dma_start3A_444 = tpu.memref_squeeze %dma_start3A_443 : memref<1x8x512xf32, #tpu.memory_space<vmem>> -> memref<8x512xf32, #tpu.memory_space<vmem>>
        %dma_start3A_445 = arith.constant 8 : i32
        %dma_start3A_446 = tpu.memref_slice %arg2[%dma_start3A_445, %mul3A_440] : memref<64x1000000xf32, #tpu.memory_space<hbm>> -> memref<8x512xf32, #tpu.memory_space<hbm>>
        %dma_start3A_447 = tpu.memref_slice %arg14[%sub3A_422] : memref<2x!tpu.dma_semaphore, #tpu.memory_space<semaphore_mem>> -> memref<1x!tpu.dma_semaphore, #tpu.memory_space<semaphore_mem>>
        %dma_start3A_448 = tpu.memref_squeeze %dma_start3A_447 : memref<1x!tpu.dma_semaphore, #tpu.memory_space<semaphore_mem>> -> memref<!tpu.dma_semaphore, #tpu.memory_space<semaphore_mem>>
        %dma_start3A_449 = arith.constant 8 : i32
        %dma_start3A_450 = arith.constant 0 : i32
        %dma_start3A_451 = tpu.memref_slice %arg11[%sub3A_422, %dma_start3A_449, %dma_start3A_450] : memref<2x64x512xf32, #tpu.memory_space<vmem>> -> memref<1x8x512xf32, #tpu.memory_space<vmem>>
        %dma_start3A_452 = tpu.memref_squeeze %dma_start3A_451 : memref<1x8x512xf32, #tpu.memory_space<vmem>> -> memref<8x512xf32, #tpu.memory_space<vmem>>
        %dma_start3A_453 = arith.constant 8 : i32
        %dma_start3A_454 = tpu.memref_slice %arg2[%dma_start3A_453, %mul3A_440] : memref<64x1000000xf32, #tpu.memory_space<hbm>> -> memref<8x512xf32, #tpu.memory_space<hbm>>
        tpu.enqueue_dma source(%dma_start3A_454 : memref<8x512xf32, #tpu.memory_space<hbm>>) target(%dma_start3A_452 : memref<8x512xf32, #tpu.memory_space<vmem>>) target_semaphore(%dma_start3A_448 : memref<!tpu.dma_semaphore, #tpu.memory_space<semaphore_mem>>)
        %mul3A_455 = arith.constant 512 : i32
        %mul3A_456 = arith.muli %add3A_420, %mul3A_455 : i32
        %dma_start3A_457 = arith.constant 16 : i32
        %dma_start3A_458 = arith.constant 0 : i32
        %dma_start3A_459 = tpu.memref_slice %arg11[%sub3A_422, %dma_start3A_457, %dma_start3A_458] : memref<2x64x512xf32, #tpu.memory_space<vmem>> -> memref<1x8x512xf32, #tpu.memory_space<vmem>>
        %dma_start3A_460 = tpu.memref_squeeze %dma_start3A_459 : memref<1x8x512xf32, #tpu.memory_space<vmem>> -> memref<8x512xf32, #tpu.memory_space<vmem>>
        %dma_start3A_461 = arith.constant 16 : i32
        %dma_start3A_462 = tpu.memref_slice %arg2[%dma_start3A_461, %mul3A_456] : memref<64x1000000xf32, #tpu.memory_space<hbm>> -> memref<8x512xf32, #tpu.memory_space<hbm>>
        %dma_start3A_463 = tpu.memref_slice %arg14[%sub3A_422] : memref<2x!tpu.dma_semaphore, #tpu.memory_space<semaphore_mem>> -> memref<1x!tpu.dma_semaphore, #tpu.memory_space<semaphore_mem>>
        %dma_start3A_464 = tpu.memref_squeeze %dma_start3A_463 : memref<1x!tpu.dma_semaphore, #tpu.memory_space<semaphore_mem>> -> memref<!tpu.dma_semaphore, #tpu.memory_space<semaphore_mem>>
        %dma_start3A_465 = arith.constant 16 : i32
        %dma_start3A_466 = arith.constant 0 : i32
        %dma_start3A_467 = tpu.memref_slice %arg11[%sub3A_422, %dma_start3A_465, %dma_start3A_466] : memref<2x64x512xf32, #tpu.memory_space<vmem>> -> memref<1x8x512xf32, #tpu.memory_space<vmem>>
        %dma_start3A_468 = tpu.memref_squeeze %dma_start3A_467 : memref<1x8x512xf32, #tpu.memory_space<vmem>> -> memref<8x512xf32, #tpu.memory_space<vmem>>
        %dma_start3A_469 = arith.constant 16 : i32
        %dma_start3A_470 = tpu.memref_slice %arg2[%dma_start3A_469, %mul3A_456] : memref<64x1000000xf32, #tpu.memory_space<hbm>> -> memref<8x512xf32, #tpu.memory_space<hbm>>
        tpu.enqueue_dma source(%dma_start3A_470 : memref<8x512xf32, #tpu.memory_space<hbm>>) target(%dma_start3A_468 : memref<8x512xf32, #tpu.memory_space<vmem>>) target_semaphore(%dma_start3A_464 : memref<!tpu.dma_semaphore, #tpu.memory_space<semaphore_mem>>)
        %mul3A_471 = arith.constant 512 : i32
        %mul3A_472 = arith.muli %add3A_420, %mul3A_471 : i32
        %dma_start3A_473 = arith.constant 24 : i32
        %dma_start3A_474 = arith.constant 0 : i32
        %dma_start3A_475 = tpu.memref_slice %arg11[%sub3A_422, %dma_start3A_473, %dma_start3A_474] : memref<2x64x512xf32, #tpu.memory_space<vmem>> -> memref<1x8x512xf32, #tpu.memory_space<vmem>>
        %dma_start3A_476 = tpu.memref_squeeze %dma_start3A_475 : memref<1x8x512xf32, #tpu.memory_space<vmem>> -> memref<8x512xf32, #tpu.memory_space<vmem>>
        %dma_start3A_477 = arith.constant 24 : i32
        %dma_start3A_478 = tpu.memref_slice %arg2[%dma_start3A_477, %mul3A_472] : memref<64x1000000xf32, #tpu.memory_space<hbm>> -> memref<8x512xf32, #tpu.memory_space<hbm>>
        %dma_start3A_479 = tpu.memref_slice %arg14[%sub3A_422] : memref<2x!tpu.dma_semaphore, #tpu.memory_space<semaphore_mem>> -> memref<1x!tpu.dma_semaphore, #tpu.memory_space<semaphore_mem>>
        %dma_start3A_480 = tpu.memref_squeeze %dma_start3A_479 : memref<1x!tpu.dma_semaphore, #tpu.memory_space<semaphore_mem>> -> memref<!tpu.dma_semaphore, #tpu.memory_space<semaphore_mem>>
        %dma_start3A_481 = arith.constant 24 : i32
        %dma_start3A_482 = arith.constant 0 : i32
        %dma_start3A_483 = tpu.memref_slice %arg11[%sub3A_422, %dma_start3A_481, %dma_start3A_482] : memref<2x64x512xf32, #tpu.memory_space<vmem>> -> memref<1x8x512xf32, #tpu.memory_space<vmem>>
        %dma_start3A_484 = tpu.memref_squeeze %dma_start3A_483 : memref<1x8x512xf32, #tpu.memory_space<vmem>> -> memref<8x512xf32, #tpu.memory_space<vmem>>
        %dma_start3A_485 = arith.constant 24 : i32
        %dma_start3A_486 = tpu.memref_slice %arg2[%dma_start3A_485, %mul3A_472] : memref<64x1000000xf32, #tpu.memory_space<hbm>> -> memref<8x512xf32, #tpu.memory_space<hbm>>
        tpu.enqueue_dma source(%dma_start3A_486 : memref<8x512xf32, #tpu.memory_space<hbm>>) target(%dma_start3A_484 : memref<8x512xf32, #tpu.memory_space<vmem>>) target_semaphore(%dma_start3A_480 : memref<!tpu.dma_semaphore, #tpu.memory_space<semaphore_mem>>)
        %mul3A_487 = arith.constant 512 : i32
        %mul3A_488 = arith.muli %add3A_420, %mul3A_487 : i32
        %dma_start3A_489 = arith.constant 32 : i32
        %dma_start3A_490 = arith.constant 0 : i32
        %dma_start3A_491 = tpu.memref_slice %arg11[%sub3A_422, %dma_start3A_489, %dma_start3A_490] : memref<2x64x512xf32, #tpu.memory_space<vmem>> -> memref<1x8x512xf32, #tpu.memory_space<vmem>>
        %dma_start3A_492 = tpu.memref_squeeze %dma_start3A_491 : memref<1x8x512xf32, #tpu.memory_space<vmem>> -> memref<8x512xf32, #tpu.memory_space<vmem>>
        %dma_start3A_493 = arith.constant 32 : i32
        %dma_start3A_494 = tpu.memref_slice %arg2[%dma_start3A_493, %mul3A_488] : memref<64x1000000xf32, #tpu.memory_space<hbm>> -> memref<8x512xf32, #tpu.memory_space<hbm>>
        %dma_start3A_495 = tpu.memref_slice %arg14[%sub3A_422] : memref<2x!tpu.dma_semaphore, #tpu.memory_space<semaphore_mem>> -> memref<1x!tpu.dma_semaphore, #tpu.memory_space<semaphore_mem>>
        %dma_start3A_496 = tpu.memref_squeeze %dma_start3A_495 : memref<1x!tpu.dma_semaphore, #tpu.memory_space<semaphore_mem>> -> memref<!tpu.dma_semaphore, #tpu.memory_space<semaphore_mem>>
        %dma_start3A_497 = arith.constant 32 : i32
        %dma_start3A_498 = arith.constant 0 : i32
        %dma_start3A_499 = tpu.memref_slice %arg11[%sub3A_422, %dma_start3A_497, %dma_start3A_498] : memref<2x64x512xf32, #tpu.memory_space<vmem>> -> memref<1x8x512xf32, #tpu.memory_space<vmem>>
        %dma_start3A_500 = tpu.memref_squeeze %dma_start3A_499 : memref<1x8x512xf32, #tpu.memory_space<vmem>> -> memref<8x512xf32, #tpu.memory_space<vmem>>
        %dma_start3A_501 = arith.constant 32 : i32
        %dma_start3A_502 = tpu.memref_slice %arg2[%dma_start3A_501, %mul3A_488] : memref<64x1000000xf32, #tpu.memory_space<hbm>> -> memref<8x512xf32, #tpu.memory_space<hbm>>
        tpu.enqueue_dma source(%dma_start3A_502 : memref<8x512xf32, #tpu.memory_space<hbm>>) target(%dma_start3A_500 : memref<8x512xf32, #tpu.memory_space<vmem>>) target_semaphore(%dma_start3A_496 : memref<!tpu.dma_semaphore, #tpu.memory_space<semaphore_mem>>)
        %mul3A_503 = arith.constant 512 : i32
        %mul3A_504 = arith.muli %add3A_420, %mul3A_503 : i32
        %dma_start3A_505 = arith.constant 40 : i32
        %dma_start3A_506 = arith.constant 0 : i32
        %dma_start3A_507 = tpu.memref_slice %arg11[%sub3A_422, %dma_start3A_505, %dma_start3A_506] : memref<2x64x512xf32, #tpu.memory_space<vmem>> -> memref<1x8x512xf32, #tpu.memory_space<vmem>>
        %dma_start3A_508 = tpu.memref_squeeze %dma_start3A_507 : memref<1x8x512xf32, #tpu.memory_space<vmem>> -> memref<8x512xf32, #tpu.memory_space<vmem>>
        %dma_start3A_509 = arith.constant 40 : i32
        %dma_start3A_510 = tpu.memref_slice %arg2[%dma_start3A_509, %mul3A_504] : memref<64x1000000xf32, #tpu.memory_space<hbm>> -> memref<8x512xf32, #tpu.memory_space<hbm>>
        %dma_start3A_511 = tpu.memref_slice %arg14[%sub3A_422] : memref<2x!tpu.dma_semaphore, #tpu.memory_space<semaphore_mem>> -> memref<1x!tpu.dma_semaphore, #tpu.memory_space<semaphore_mem>>
        %dma_start3A_512 = tpu.memref_squeeze %dma_start3A_511 : memref<1x!tpu.dma_semaphore, #tpu.memory_space<semaphore_mem>> -> memref<!tpu.dma_semaphore, #tpu.memory_space<semaphore_mem>>
        %dma_start3A_513 = arith.constant 40 : i32
        %dma_start3A_514 = arith.constant 0 : i32
        %dma_start3A_515 = tpu.memref_slice %arg11[%sub3A_422, %dma_start3A_513, %dma_start3A_514] : memref<2x64x512xf32, #tpu.memory_space<vmem>> -> memref<1x8x512xf32, #tpu.memory_space<vmem>>
        %dma_start3A_516 = tpu.memref_squeeze %dma_start3A_515 : memref<1x8x512xf32, #tpu.memory_space<vmem>> -> memref<8x512xf32, #tpu.memory_space<vmem>>
        %dma_start3A_517 = arith.constant 40 : i32
        %dma_start3A_518 = tpu.memref_slice %arg2[%dma_start3A_517, %mul3A_504] : memref<64x1000000xf32, #tpu.memory_space<hbm>> -> memref<8x512xf32, #tpu.memory_space<hbm>>
        tpu.enqueue_dma source(%dma_start3A_518 : memref<8x512xf32, #tpu.memory_space<hbm>>) target(%dma_start3A_516 : memref<8x512xf32, #tpu.memory_space<vmem>>) target_semaphore(%dma_start3A_512 : memref<!tpu.dma_semaphore, #tpu.memory_space<semaphore_mem>>)
        %mul3A_519 = arith.constant 512 : i32
        %mul3A_520 = arith.muli %add3A_420, %mul3A_519 : i32
        %dma_start3A_521 = arith.constant 48 : i32
        %dma_start3A_522 = arith.constant 0 : i32
        %dma_start3A_523 = tpu.memref_slice %arg11[%sub3A_422, %dma_start3A_521, %dma_start3A_522] : memref<2x64x512xf32, #tpu.memory_space<vmem>> -> memref<1x8x512xf32, #tpu.memory_space<vmem>>
        %dma_start3A_524 = tpu.memref_squeeze %dma_start3A_523 : memref<1x8x512xf32, #tpu.memory_space<vmem>> -> memref<8x512xf32, #tpu.memory_space<vmem>>
        %dma_start3A_525 = arith.constant 48 : i32
        %dma_start3A_526 = tpu.memref_slice %arg2[%dma_start3A_525, %mul3A_520] : memref<64x1000000xf32, #tpu.memory_space<hbm>> -> memref<8x512xf32, #tpu.memory_space<hbm>>
        %dma_start3A_527 = tpu.memref_slice %arg14[%sub3A_422] : memref<2x!tpu.dma_semaphore, #tpu.memory_space<semaphore_mem>> -> memref<1x!tpu.dma_semaphore, #tpu.memory_space<semaphore_mem>>
        %dma_start3A_528 = tpu.memref_squeeze %dma_start3A_527 : memref<1x!tpu.dma_semaphore, #tpu.memory_space<semaphore_mem>> -> memref<!tpu.dma_semaphore, #tpu.memory_space<semaphore_mem>>
        %dma_start3A_529 = arith.constant 48 : i32
        %dma_start3A_530 = arith.constant 0 : i32
        %dma_start3A_531 = tpu.memref_slice %arg11[%sub3A_422, %dma_start3A_529, %dma_start3A_530] : memref<2x64x512xf32, #tpu.memory_space<vmem>> -> memref<1x8x512xf32, #tpu.memory_space<vmem>>
        %dma_start3A_532 = tpu.memref_squeeze %dma_start3A_531 : memref<1x8x512xf32, #tpu.memory_space<vmem>> -> memref<8x512xf32, #tpu.memory_space<vmem>>
        %dma_start3A_533 = arith.constant 48 : i32
        %dma_start3A_534 = tpu.memref_slice %arg2[%dma_start3A_533, %mul3A_520] : memref<64x1000000xf32, #tpu.memory_space<hbm>> -> memref<8x512xf32, #tpu.memory_space<hbm>>
        tpu.enqueue_dma source(%dma_start3A_534 : memref<8x512xf32, #tpu.memory_space<hbm>>) target(%dma_start3A_532 : memref<8x512xf32, #tpu.memory_space<vmem>>) target_semaphore(%dma_start3A_528 : memref<!tpu.dma_semaphore, #tpu.memory_space<semaphore_mem>>)
        %mul3A_535 = arith.constant 512 : i32
        %mul3A_536 = arith.muli %add3A_420, %mul3A_535 : i32
        %dma_start3A_537 = arith.constant 56 : i32
        %dma_start3A_538 = arith.constant 0 : i32
        %dma_start3A_539 = tpu.memref_slice %arg11[%sub3A_422, %dma_start3A_537, %dma_start3A_538] : memref<2x64x512xf32, #tpu.memory_space<vmem>> -> memref<1x8x512xf32, #tpu.memory_space<vmem>>
        %dma_start3A_540 = tpu.memref_squeeze %dma_start3A_539 : memref<1x8x512xf32, #tpu.memory_space<vmem>> -> memref<8x512xf32, #tpu.memory_space<vmem>>
        %dma_start3A_541 = arith.constant 56 : i32
        %dma_start3A_542 = tpu.memref_slice %arg2[%dma_start3A_541, %mul3A_536] : memref<64x1000000xf32, #tpu.memory_space<hbm>> -> memref<8x512xf32, #tpu.memory_space<hbm>>
        %dma_start3A_543 = tpu.memref_slice %arg14[%sub3A_422] : memref<2x!tpu.dma_semaphore, #tpu.memory_space<semaphore_mem>> -> memref<1x!tpu.dma_semaphore, #tpu.memory_space<semaphore_mem>>
        %dma_start3A_544 = tpu.memref_squeeze %dma_start3A_543 : memref<1x!tpu.dma_semaphore, #tpu.memory_space<semaphore_mem>> -> memref<!tpu.dma_semaphore, #tpu.memory_space<semaphore_mem>>
        %dma_start3A_545 = arith.constant 56 : i32
        %dma_start3A_546 = arith.constant 0 : i32
        %dma_start3A_547 = tpu.memref_slice %arg11[%sub3A_422, %dma_start3A_545, %dma_start3A_546] : memref<2x64x512xf32, #tpu.memory_space<vmem>> -> memref<1x8x512xf32, #tpu.memory_space<vmem>>
        %dma_start3A_548 = tpu.memref_squeeze %dma_start3A_547 : memref<1x8x512xf32, #tpu.memory_space<vmem>> -> memref<8x512xf32, #tpu.memory_space<vmem>>
        %dma_start3A_549 = arith.constant 56 : i32
        %dma_start3A_550 = tpu.memref_slice %arg2[%dma_start3A_549, %mul3A_536] : memref<64x1000000xf32, #tpu.memory_space<hbm>> -> memref<8x512xf32, #tpu.memory_space<hbm>>
        tpu.enqueue_dma source(%dma_start3A_550 : memref<8x512xf32, #tpu.memory_space<hbm>>) target(%dma_start3A_548 : memref<8x512xf32, #tpu.memory_space<vmem>>) target_semaphore(%dma_start3A_544 : memref<!tpu.dma_semaphore, #tpu.memory_space<semaphore_mem>>)
      } else {
      }
      %mul3A_226 = arith.constant 512 : i32
      %mul3A_227 = arith.muli %add3A_218, %mul3A_226 : i32
      %dma_wait3A = arith.constant 0 : i32
      %dma_wait3A_228 = arith.constant 0 : i32
      %dma_wait3A_229 = tpu.memref_slice %arg11[%and3A_220, %dma_wait3A, %dma_wait3A_228] : memref<2x64x512xf32, #tpu.memory_space<vmem>> -> memref<1x8x512xf32, #tpu.memory_space<vmem>>
      %dma_wait3A_230 = tpu.memref_squeeze %dma_wait3A_229 : memref<1x8x512xf32, #tpu.memory_space<vmem>> -> memref<8x512xf32, #tpu.memory_space<vmem>>
      %dma_wait3A_231 = arith.constant 0 : i32
      %dma_wait3A_232 = tpu.memref_slice %arg2[%dma_wait3A_231, %mul3A_227] : memref<64x1000000xf32, #tpu.memory_space<hbm>> -> memref<8x512xf32, #tpu.memory_space<hbm>>
      %dma_wait3A_233 = tpu.memref_slice %arg14[%and3A_220] : memref<2x!tpu.dma_semaphore, #tpu.memory_space<semaphore_mem>> -> memref<1x!tpu.dma_semaphore, #tpu.memory_space<semaphore_mem>>
      %dma_wait3A_234 = tpu.memref_squeeze %dma_wait3A_233 : memref<1x!tpu.dma_semaphore, #tpu.memory_space<semaphore_mem>> -> memref<!tpu.dma_semaphore, #tpu.memory_space<semaphore_mem>>
      %dma_wait3A_235 = arith.constant 0 : i32
      %dma_wait3A_236 = arith.constant 0 : i32
      %dma_wait3A_237 = tpu.memref_slice %arg11[%and3A_220, %dma_wait3A_235, %dma_wait3A_236] : memref<2x64x512xf32, #tpu.memory_space<vmem>> -> memref<1x8x512xf32, #tpu.memory_space<vmem>>
      %dma_wait3A_238 = tpu.memref_squeeze %dma_wait3A_237 : memref<1x8x512xf32, #tpu.memory_space<vmem>> -> memref<8x512xf32, #tpu.memory_space<vmem>>
      %dma_wait3A_239 = arith.constant 0 : i32
      %dma_wait3A_240 = tpu.memref_slice %arg2[%dma_wait3A_239, %mul3A_227] : memref<64x1000000xf32, #tpu.memory_space<hbm>> -> memref<8x512xf32, #tpu.memory_space<hbm>>
      tpu.wait_dma2 semaphore(%dma_wait3A_234 : memref<!tpu.dma_semaphore, #tpu.memory_space<semaphore_mem>>) src(%dma_wait3A_240 : memref<8x512xf32, #tpu.memory_space<hbm>>) dst(%dma_wait3A_238 : memref<8x512xf32, #tpu.memory_space<vmem>>)
      %mul3A_241 = arith.constant 512 : i32
      %mul3A_242 = arith.muli %add3A_218, %mul3A_241 : i32
      %dma_wait3A_243 = arith.constant 8 : i32
      %dma_wait3A_244 = arith.constant 0 : i32
      %dma_wait3A_245 = tpu.memref_slice %arg11[%and3A_220, %dma_wait3A_243, %dma_wait3A_244] : memref<2x64x512xf32, #tpu.memory_space<vmem>> -> memref<1x8x512xf32, #tpu.memory_space<vmem>>
      %dma_wait3A_246 = tpu.memref_squeeze %dma_wait3A_245 : memref<1x8x512xf32, #tpu.memory_space<vmem>> -> memref<8x512xf32, #tpu.memory_space<vmem>>
      %dma_wait3A_247 = arith.constant 8 : i32
      %dma_wait3A_248 = tpu.memref_slice %arg2[%dma_wait3A_247, %mul3A_242] : memref<64x1000000xf32, #tpu.memory_space<hbm>> -> memref<8x512xf32, #tpu.memory_space<hbm>>
      %dma_wait3A_249 = tpu.memref_slice %arg14[%and3A_220] : memref<2x!tpu.dma_semaphore, #tpu.memory_space<semaphore_mem>> -> memref<1x!tpu.dma_semaphore, #tpu.memory_space<semaphore_mem>>
      %dma_wait3A_250 = tpu.memref_squeeze %dma_wait3A_249 : memref<1x!tpu.dma_semaphore, #tpu.memory_space<semaphore_mem>> -> memref<!tpu.dma_semaphore, #tpu.memory_space<semaphore_mem>>
      %dma_wait3A_251 = arith.constant 8 : i32
      %dma_wait3A_252 = arith.constant 0 : i32
      %dma_wait3A_253 = tpu.memref_slice %arg11[%and3A_220, %dma_wait3A_251, %dma_wait3A_252] : memref<2x64x512xf32, #tpu.memory_space<vmem>> -> memref<1x8x512xf32, #tpu.memory_space<vmem>>
      %dma_wait3A_254 = tpu.memref_squeeze %dma_wait3A_253 : memref<1x8x512xf32, #tpu.memory_space<vmem>> -> memref<8x512xf32, #tpu.memory_space<vmem>>
      %dma_wait3A_255 = arith.constant 8 : i32
      %dma_wait3A_256 = tpu.memref_slice %arg2[%dma_wait3A_255, %mul3A_242] : memref<64x1000000xf32, #tpu.memory_space<hbm>> -> memref<8x512xf32, #tpu.memory_space<hbm>>
      tpu.wait_dma2 semaphore(%dma_wait3A_250 : memref<!tpu.dma_semaphore, #tpu.memory_space<semaphore_mem>>) src(%dma_wait3A_256 : memref<8x512xf32, #tpu.memory_space<hbm>>) dst(%dma_wait3A_254 : memref<8x512xf32, #tpu.memory_space<vmem>>)
      %mul3A_257 = arith.constant 512 : i32
      %mul3A_258 = arith.muli %add3A_218, %mul3A_257 : i32
      %dma_wait3A_259 = arith.constant 16 : i32
      %dma_wait3A_260 = arith.constant 0 : i32
      %dma_wait3A_261 = tpu.memref_slice %arg11[%and3A_220, %dma_wait3A_259, %dma_wait3A_260] : memref<2x64x512xf32, #tpu.memory_space<vmem>> -> memref<1x8x512xf32, #tpu.memory_space<vmem>>
      %dma_wait3A_262 = tpu.memref_squeeze %dma_wait3A_261 : memref<1x8x512xf32, #tpu.memory_space<vmem>> -> memref<8x512xf32, #tpu.memory_space<vmem>>
      %dma_wait3A_263 = arith.constant 16 : i32
      %dma_wait3A_264 = tpu.memref_slice %arg2[%dma_wait3A_263, %mul3A_258] : memref<64x1000000xf32, #tpu.memory_space<hbm>> -> memref<8x512xf32, #tpu.memory_space<hbm>>
      %dma_wait3A_265 = tpu.memref_slice %arg14[%and3A_220] : memref<2x!tpu.dma_semaphore, #tpu.memory_space<semaphore_mem>> -> memref<1x!tpu.dma_semaphore, #tpu.memory_space<semaphore_mem>>
      %dma_wait3A_266 = tpu.memref_squeeze %dma_wait3A_265 : memref<1x!tpu.dma_semaphore, #tpu.memory_space<semaphore_mem>> -> memref<!tpu.dma_semaphore, #tpu.memory_space<semaphore_mem>>
      %dma_wait3A_267 = arith.constant 16 : i32
      %dma_wait3A_268 = arith.constant 0 : i32
      %dma_wait3A_269 = tpu.memref_slice %arg11[%and3A_220, %dma_wait3A_267, %dma_wait3A_268] : memref<2x64x512xf32, #tpu.memory_space<vmem>> -> memref<1x8x512xf32, #tpu.memory_space<vmem>>
      %dma_wait3A_270 = tpu.memref_squeeze %dma_wait3A_269 : memref<1x8x512xf32, #tpu.memory_space<vmem>> -> memref<8x512xf32, #tpu.memory_space<vmem>>
      %dma_wait3A_271 = arith.constant 16 : i32
      %dma_wait3A_272 = tpu.memref_slice %arg2[%dma_wait3A_271, %mul3A_258] : memref<64x1000000xf32, #tpu.memory_space<hbm>> -> memref<8x512xf32, #tpu.memory_space<hbm>>
      tpu.wait_dma2 semaphore(%dma_wait3A_266 : memref<!tpu.dma_semaphore, #tpu.memory_space<semaphore_mem>>) src(%dma_wait3A_272 : memref<8x512xf32, #tpu.memory_space<hbm>>) dst(%dma_wait3A_270 : memref<8x512xf32, #tpu.memory_space<vmem>>)
      %mul3A_273 = arith.constant 512 : i32
      %mul3A_274 = arith.muli %add3A_218, %mul3A_273 : i32
      %dma_wait3A_275 = arith.constant 24 : i32
      %dma_wait3A_276 = arith.constant 0 : i32
      %dma_wait3A_277 = tpu.memref_slice %arg11[%and3A_220, %dma_wait3A_275, %dma_wait3A_276] : memref<2x64x512xf32, #tpu.memory_space<vmem>> -> memref<1x8x512xf32, #tpu.memory_space<vmem>>
      %dma_wait3A_278 = tpu.memref_squeeze %dma_wait3A_277 : memref<1x8x512xf32, #tpu.memory_space<vmem>> -> memref<8x512xf32, #tpu.memory_space<vmem>>
      %dma_wait3A_279 = arith.constant 24 : i32
      %dma_wait3A_280 = tpu.memref_slice %arg2[%dma_wait3A_279, %mul3A_274] : memref<64x1000000xf32, #tpu.memory_space<hbm>> -> memref<8x512xf32, #tpu.memory_space<hbm>>
      %dma_wait3A_281 = tpu.memref_slice %arg14[%and3A_220] : memref<2x!tpu.dma_semaphore, #tpu.memory_space<semaphore_mem>> -> memref<1x!tpu.dma_semaphore, #tpu.memory_space<semaphore_mem>>
      %dma_wait3A_282 = tpu.memref_squeeze %dma_wait3A_281 : memref<1x!tpu.dma_semaphore, #tpu.memory_space<semaphore_mem>> -> memref<!tpu.dma_semaphore, #tpu.memory_space<semaphore_mem>>
      %dma_wait3A_283 = arith.constant 24 : i32
      %dma_wait3A_284 = arith.constant 0 : i32
      %dma_wait3A_285 = tpu.memref_slice %arg11[%and3A_220, %dma_wait3A_283, %dma_wait3A_284] : memref<2x64x512xf32, #tpu.memory_space<vmem>> -> memref<1x8x512xf32, #tpu.memory_space<vmem>>
      %dma_wait3A_286 = tpu.memref_squeeze %dma_wait3A_285 : memref<1x8x512xf32, #tpu.memory_space<vmem>> -> memref<8x512xf32, #tpu.memory_space<vmem>>
      %dma_wait3A_287 = arith.constant 24 : i32
      %dma_wait3A_288 = tpu.memref_slice %arg2[%dma_wait3A_287, %mul3A_274] : memref<64x1000000xf32, #tpu.memory_space<hbm>> -> memref<8x512xf32, #tpu.memory_space<hbm>>
      tpu.wait_dma2 semaphore(%dma_wait3A_282 : memref<!tpu.dma_semaphore, #tpu.memory_space<semaphore_mem>>) src(%dma_wait3A_288 : memref<8x512xf32, #tpu.memory_space<hbm>>) dst(%dma_wait3A_286 : memref<8x512xf32, #tpu.memory_space<vmem>>)
      %mul3A_289 = arith.constant 512 : i32
      %mul3A_290 = arith.muli %add3A_218, %mul3A_289 : i32
      %dma_wait3A_291 = arith.constant 32 : i32
      %dma_wait3A_292 = arith.constant 0 : i32
      %dma_wait3A_293 = tpu.memref_slice %arg11[%and3A_220, %dma_wait3A_291, %dma_wait3A_292] : memref<2x64x512xf32, #tpu.memory_space<vmem>> -> memref<1x8x512xf32, #tpu.memory_space<vmem>>
      %dma_wait3A_294 = tpu.memref_squeeze %dma_wait3A_293 : memref<1x8x512xf32, #tpu.memory_space<vmem>> -> memref<8x512xf32, #tpu.memory_space<vmem>>
      %dma_wait3A_295 = arith.constant 32 : i32
      %dma_wait3A_296 = tpu.memref_slice %arg2[%dma_wait3A_295, %mul3A_290] : memref<64x1000000xf32, #tpu.memory_space<hbm>> -> memref<8x512xf32, #tpu.memory_space<hbm>>
      %dma_wait3A_297 = tpu.memref_slice %arg14[%and3A_220] : memref<2x!tpu.dma_semaphore, #tpu.memory_space<semaphore_mem>> -> memref<1x!tpu.dma_semaphore, #tpu.memory_space<semaphore_mem>>
      %dma_wait3A_298 = tpu.memref_squeeze %dma_wait3A_297 : memref<1x!tpu.dma_semaphore, #tpu.memory_space<semaphore_mem>> -> memref<!tpu.dma_semaphore, #tpu.memory_space<semaphore_mem>>
      %dma_wait3A_299 = arith.constant 32 : i32
      %dma_wait3A_300 = arith.constant 0 : i32
      %dma_wait3A_301 = tpu.memref_slice %arg11[%and3A_220, %dma_wait3A_299, %dma_wait3A_300] : memref<2x64x512xf32, #tpu.memory_space<vmem>> -> memref<1x8x512xf32, #tpu.memory_space<vmem>>
      %dma_wait3A_302 = tpu.memref_squeeze %dma_wait3A_301 : memref<1x8x512xf32, #tpu.memory_space<vmem>> -> memref<8x512xf32, #tpu.memory_space<vmem>>
      %dma_wait3A_303 = arith.constant 32 : i32
      %dma_wait3A_304 = tpu.memref_slice %arg2[%dma_wait3A_303, %mul3A_290] : memref<64x1000000xf32, #tpu.memory_space<hbm>> -> memref<8x512xf32, #tpu.memory_space<hbm>>
      tpu.wait_dma2 semaphore(%dma_wait3A_298 : memref<!tpu.dma_semaphore, #tpu.memory_space<semaphore_mem>>) src(%dma_wait3A_304 : memref<8x512xf32, #tpu.memory_space<hbm>>) dst(%dma_wait3A_302 : memref<8x512xf32, #tpu.memory_space<vmem>>)
      %mul3A_305 = arith.constant 512 : i32
      %mul3A_306 = arith.muli %add3A_218, %mul3A_305 : i32
      %dma_wait3A_307 = arith.constant 40 : i32
      %dma_wait3A_308 = arith.constant 0 : i32
      %dma_wait3A_309 = tpu.memref_slice %arg11[%and3A_220, %dma_wait3A_307, %dma_wait3A_308] : memref<2x64x512xf32, #tpu.memory_space<vmem>> -> memref<1x8x512xf32, #tpu.memory_space<vmem>>
      %dma_wait3A_310 = tpu.memref_squeeze %dma_wait3A_309 : memref<1x8x512xf32, #tpu.memory_space<vmem>> -> memref<8x512xf32, #tpu.memory_space<vmem>>
      %dma_wait3A_311 = arith.constant 40 : i32
      %dma_wait3A_312 = tpu.memref_slice %arg2[%dma_wait3A_311, %mul3A_306] : memref<64x1000000xf32, #tpu.memory_space<hbm>> -> memref<8x512xf32, #tpu.memory_space<hbm>>
      %dma_wait3A_313 = tpu.memref_slice %arg14[%and3A_220] : memref<2x!tpu.dma_semaphore, #tpu.memory_space<semaphore_mem>> -> memref<1x!tpu.dma_semaphore, #tpu.memory_space<semaphore_mem>>
      %dma_wait3A_314 = tpu.memref_squeeze %dma_wait3A_313 : memref<1x!tpu.dma_semaphore, #tpu.memory_space<semaphore_mem>> -> memref<!tpu.dma_semaphore, #tpu.memory_space<semaphore_mem>>
      %dma_wait3A_315 = arith.constant 40 : i32
      %dma_wait3A_316 = arith.constant 0 : i32
      %dma_wait3A_317 = tpu.memref_slice %arg11[%and3A_220, %dma_wait3A_315, %dma_wait3A_316] : memref<2x64x512xf32, #tpu.memory_space<vmem>> -> memref<1x8x512xf32, #tpu.memory_space<vmem>>
      %dma_wait3A_318 = tpu.memref_squeeze %dma_wait3A_317 : memref<1x8x512xf32, #tpu.memory_space<vmem>> -> memref<8x512xf32, #tpu.memory_space<vmem>>
      %dma_wait3A_319 = arith.constant 40 : i32
      %dma_wait3A_320 = tpu.memref_slice %arg2[%dma_wait3A_319, %mul3A_306] : memref<64x1000000xf32, #tpu.memory_space<hbm>> -> memref<8x512xf32, #tpu.memory_space<hbm>>
      tpu.wait_dma2 semaphore(%dma_wait3A_314 : memref<!tpu.dma_semaphore, #tpu.memory_space<semaphore_mem>>) src(%dma_wait3A_320 : memref<8x512xf32, #tpu.memory_space<hbm>>) dst(%dma_wait3A_318 : memref<8x512xf32, #tpu.memory_space<vmem>>)
      %mul3A_321 = arith.constant 512 : i32
      %mul3A_322 = arith.muli %add3A_218, %mul3A_321 : i32
      %dma_wait3A_323 = arith.constant 48 : i32
      %dma_wait3A_324 = arith.constant 0 : i32
      %dma_wait3A_325 = tpu.memref_slice %arg11[%and3A_220, %dma_wait3A_323, %dma_wait3A_324] : memref<2x64x512xf32, #tpu.memory_space<vmem>> -> memref<1x8x512xf32, #tpu.memory_space<vmem>>
      %dma_wait3A_326 = tpu.memref_squeeze %dma_wait3A_325 : memref<1x8x512xf32, #tpu.memory_space<vmem>> -> memref<8x512xf32, #tpu.memory_space<vmem>>
      %dma_wait3A_327 = arith.constant 48 : i32
      %dma_wait3A_328 = tpu.memref_slice %arg2[%dma_wait3A_327, %mul3A_322] : memref<64x1000000xf32, #tpu.memory_space<hbm>> -> memref<8x512xf32, #tpu.memory_space<hbm>>
      %dma_wait3A_329 = tpu.memref_slice %arg14[%and3A_220] : memref<2x!tpu.dma_semaphore, #tpu.memory_space<semaphore_mem>> -> memref<1x!tpu.dma_semaphore, #tpu.memory_space<semaphore_mem>>
      %dma_wait3A_330 = tpu.memref_squeeze %dma_wait3A_329 : memref<1x!tpu.dma_semaphore, #tpu.memory_space<semaphore_mem>> -> memref<!tpu.dma_semaphore, #tpu.memory_space<semaphore_mem>>
      %dma_wait3A_331 = arith.constant 48 : i32
      %dma_wait3A_332 = arith.constant 0 : i32
      %dma_wait3A_333 = tpu.memref_slice %arg11[%and3A_220, %dma_wait3A_331, %dma_wait3A_332] : memref<2x64x512xf32, #tpu.memory_space<vmem>> -> memref<1x8x512xf32, #tpu.memory_space<vmem>>
      %dma_wait3A_334 = tpu.memref_squeeze %dma_wait3A_333 : memref<1x8x512xf32, #tpu.memory_space<vmem>> -> memref<8x512xf32, #tpu.memory_space<vmem>>
      %dma_wait3A_335 = arith.constant 48 : i32
      %dma_wait3A_336 = tpu.memref_slice %arg2[%dma_wait3A_335, %mul3A_322] : memref<64x1000000xf32, #tpu.memory_space<hbm>> -> memref<8x512xf32, #tpu.memory_space<hbm>>
      tpu.wait_dma2 semaphore(%dma_wait3A_330 : memref<!tpu.dma_semaphore, #tpu.memory_space<semaphore_mem>>) src(%dma_wait3A_336 : memref<8x512xf32, #tpu.memory_space<hbm>>) dst(%dma_wait3A_334 : memref<8x512xf32, #tpu.memory_space<vmem>>)
      %mul3A_337 = arith.constant 512 : i32
      %mul3A_338 = arith.muli %add3A_218, %mul3A_337 : i32
      %dma_wait3A_339 = arith.constant 56 : i32
      %dma_wait3A_340 = arith.constant 0 : i32
      %dma_wait3A_341 = tpu.memref_slice %arg11[%and3A_220, %dma_wait3A_339, %dma_wait3A_340] : memref<2x64x512xf32, #tpu.memory_space<vmem>> -> memref<1x8x512xf32, #tpu.memory_space<vmem>>
      %dma_wait3A_342 = tpu.memref_squeeze %dma_wait3A_341 : memref<1x8x512xf32, #tpu.memory_space<vmem>> -> memref<8x512xf32, #tpu.memory_space<vmem>>
      %dma_wait3A_343 = arith.constant 56 : i32
      %dma_wait3A_344 = tpu.memref_slice %arg2[%dma_wait3A_343, %mul3A_338] : memref<64x1000000xf32, #tpu.memory_space<hbm>> -> memref<8x512xf32, #tpu.memory_space<hbm>>
      %dma_wait3A_345 = tpu.memref_slice %arg14[%and3A_220] : memref<2x!tpu.dma_semaphore, #tpu.memory_space<semaphore_mem>> -> memref<1x!tpu.dma_semaphore, #tpu.memory_space<semaphore_mem>>
      %dma_wait3A_346 = tpu.memref_squeeze %dma_wait3A_345 : memref<1x!tpu.dma_semaphore, #tpu.memory_space<semaphore_mem>> -> memref<!tpu.dma_semaphore, #tpu.memory_space<semaphore_mem>>
      %dma_wait3A_347 = arith.constant 56 : i32
      %dma_wait3A_348 = arith.constant 0 : i32
      %dma_wait3A_349 = tpu.memref_slice %arg11[%and3A_220, %dma_wait3A_347, %dma_wait3A_348] : memref<2x64x512xf32, #tpu.memory_space<vmem>> -> memref<1x8x512xf32, #tpu.memory_space<vmem>>
      %dma_wait3A_350 = tpu.memref_squeeze %dma_wait3A_349 : memref<1x8x512xf32, #tpu.memory_space<vmem>> -> memref<8x512xf32, #tpu.memory_space<vmem>>
      %dma_wait3A_351 = arith.constant 56 : i32
      %dma_wait3A_352 = tpu.memref_slice %arg2[%dma_wait3A_351, %mul3A_338] : memref<64x1000000xf32, #tpu.memory_space<hbm>> -> memref<8x512xf32, #tpu.memory_space<hbm>>
      tpu.wait_dma2 semaphore(%dma_wait3A_346 : memref<!tpu.dma_semaphore, #tpu.memory_space<semaphore_mem>>) src(%dma_wait3A_352 : memref<8x512xf32, #tpu.memory_space<hbm>>) dst(%dma_wait3A_350 : memref<8x512xf32, #tpu.memory_space<vmem>>)
      %mul3A_353 = arith.constant 64 : i32
      %mul3A_354 = arith.muli %while3A_213, %mul3A_353 : i32
      %add3A_355 = arith.constant 0 : i32
      %add3A_356 = arith.addi %mul3A_354, %add3A_355 : i32
      %get3A = arith.index_cast %add3A_356 : i32 to index
      %get3A_357 = tpu.vector_load %arg9[%get3A] {strides = array<i32>} : memref<4096xi32, #tpu.memory_space<vmem>>, vector<16xi32>,
      %reduce_sum3A = arith.constant true
      %reduce_sum3A_358 = vector.broadcast %reduce_sum3A : i1 to vector<16xi1>
      %reduce_sum3A_359 = tpu.scan <sum>, %get3A_357 masked %reduce_sum3A_358 : vector<16xi32>, vector<16xi1> -> vector<16xi32>
      %reduce_sum3A_360 = vector.extract %reduce_sum3A_359[15] : i32 from vector<16xi32>
      %add3A_361 = arith.constant 0 : i32
      %add3A_362 = arith.addi %add3A_361, %reduce_sum3A_360 : i32
      %mul3A_363 = arith.constant 64 : i32
      %mul3A_364 = arith.muli %while3A_213, %mul3A_363 : i32
      %add3A_365 = arith.constant 16 : i32
      %add3A_366 = arith.addi %mul3A_364, %add3A_365 : i32
      %get3A_367 = arith.index_cast %add3A_366 : i32 to index
      %get3A_368 = tpu.vector_load %arg9[%get3A_367] {strides = array<i32>} : memref<4096xi32, #tpu.memory_space<vmem>>, vector<16xi32>,
      %reduce_sum3A_369 = arith.constant true
      %reduce_sum3A_370 = vector.broadcast %reduce_sum3A_369 : i1 to vector<16xi1>
      %reduce_sum3A_371 = tpu.scan <sum>, %get3A_368 masked %reduce_sum3A_370 : vector<16xi32>, vector<16xi1> -> vector<16xi32>
      %reduce_sum3A_372 = vector.extract %reduce_sum3A_371[15] : i32 from vector<16xi32>
      %add3A_373 = arith.addi %add3A_362, %reduce_sum3A_372 : i32
      %mul3A_374 = arith.constant 64 : i32
      %mul3A_375 = arith.muli %while3A_213, %mul3A_374 : i32
      %add3A_376 = arith.constant 32 : i32
      %add3A_377 = arith.addi %mul3A_375, %add3A_376 : i32
      %get3A_378 = arith.index_cast %add3A_377 : i32 to index
      %get3A_379 = tpu.vector_load %arg9[%get3A_378] {strides = array<i32>} : memref<4096xi32, #tpu.memory_space<vmem>>, vector<16xi32>,
      %reduce_sum3A_380 = arith.constant true
      %reduce_sum3A_381 = vector.broadcast %reduce_sum3A_380 : i1 to vector<16xi1>
      %reduce_sum3A_382 = tpu.scan <sum>, %get3A_379 masked %reduce_sum3A_381 : vector<16xi32>, vector<16xi1> -> vector<16xi32>
      %reduce_sum3A_383 = vector.extract %reduce_sum3A_382[15] : i32 from vector<16xi32>
      %add3A_384 = arith.addi %add3A_373, %reduce_sum3A_383 : i32
      %mul3A_385 = arith.constant 64 : i32
      %mul3A_386 = arith.muli %while3A_213, %mul3A_385 : i32
      %add3A_387 = arith.constant 48 : i32
      %add3A_388 = arith.addi %mul3A_386, %add3A_387 : i32
      %get3A_389 = arith.index_cast %add3A_388 : i32 to index
      %get3A_390 = tpu.vector_load %arg9[%get3A_389] {strides = array<i32>} : memref<4096xi32, #tpu.memory_space<vmem>>, vector<16xi32>,
      %reduce_sum3A_391 = arith.constant true
      %reduce_sum3A_392 = vector.broadcast %reduce_sum3A_391 : i1 to vector<16xi1>
      %reduce_sum3A_393 = tpu.scan <sum>, %get3A_390 masked %reduce_sum3A_392 : vector<16xi32>, vector<16xi1> -> vector<16xi32>
      %reduce_sum3A_394 = vector.extract %reduce_sum3A_393[15] : i32 from vector<16xi32>
      %add3A_395 = arith.addi %add3A_384, %reduce_sum3A_394 : i32
      %and3A_396 = arith.constant 1 : i32
      %and3A_397 = arith.andi %while3A_213, %and3A_396 : i32
      %mul3A_398 = arith.constant 512 : i32
      %mul3A_399 = arith.muli %add3A_218, %mul3A_398 : i32
      %add3A_400 = arith.constant 15 : i32
      %add3A_401 = arith.addi %add3A_395, %add3A_400 : i32
      %shift_right_arithmetic3A = arith.constant 4 : i32
      %shift_right_arithmetic3A_402 = arith.shrsi %add3A_401, %shift_right_arithmetic3A : i32
      %while3A_403 = arith.constant 0 : i32
      %while3A_404 = arith.subi %shift_right_arithmetic3A_402, %while3A_403 : i32
      %while3A_405 = arith.addi %while3A_403, %while3A_404 : i32
      %while3A_406 = arith.constant 1 : i32
      %while3A_407 = arith.divsi %while3A_404, %while3A_406 : i32
      %while3A_408 = arith.muli %while3A_407, %while3A_406 : i32
      %while3A_409 = arith.addi %while3A_403, %while3A_408 : i32
      %while3A_410 = arith.constant 1 : i32
      %while3A_411 = scf.for %while3A_419 = %while3A_403 to %while3A_409 step %while3A_410 iter_args(%while3A_420 = %while3A_215) -> (i32)  : i32 {
        %and3A_421 = arith.constant 1 : i32
        %and3A_422 = arith.andi %while3A_420, %and3A_421 : i32
        %mul3A_423 = arith.constant 16 : i32
        %mul3A_424 = arith.muli %while3A_419, %mul3A_423 : i32
        %add3A_425 = arith.addi %while3A_214, %mul3A_424 : i32
        %get3A_426 = arith.index_cast %add3A_425 : i32 to index
        %get3A_427 = tpu.vector_load %arg7[%get3A_426] {strides = array<i32>} : memref<17408xi32, #tpu.memory_space<vmem>>, vector<16xi32>,
        %sub3A_428 = vector.broadcast %mul3A_399 : i32 to vector<16xi32>
        %sub3A_429 = arith.subi %get3A_427, %sub3A_428 : vector<16xi32>
        %mul3A_430 = arith.constant 16 : i32
        %mul3A_431 = arith.muli %while3A_419, %mul3A_430 : i32
        %add3A_432 = arith.addi %while3A_214, %mul3A_431 : i32
        %get3A_433 = arith.index_cast %add3A_432 : i32 to index
        %get3A_434 = tpu.vector_load %arg8[%get3A_433] {strides = array<i32>} : memref<17408xi32, #tpu.memory_space<vmem>>, vector<16xi32>,
        %mul3A_435 = arith.constant 16 : i32
        %mul3A_436 = arith.muli %while3A_419, %mul3A_435 : i32
        %add3A_437 = vector.broadcast %mul3A_436 : i32 to vector<16xi32>
        %add3A_438 = arith.addi %add3A_437, %iota3A : vector<16xi32>
        %lt3A_439 = vector.broadcast %add3A_395 : i32 to vector<16xi32>
        %lt3A_440 = arith.cmpi slt, %add3A_438, %lt3A_439 : vector<16xi32>
        %jit3A_441 = arith.constant 0 : i32
        %broadcast_in_dim3A_442 = vector.broadcast %jit3A_441 : i32 to vector<16xi32>
        %select_n3A_443 = arith.select %lt3A_440, %sub3A_429, %broadcast_in_dim3A_442 : vector<16xi1>, vector<16xi32>
        %mul3A_444 = arith.constant 16 : i32
        %mul3A_445 = arith.muli %while3A_419, %mul3A_444 : i32
        %add3A_446 = vector.broadcast %mul3A_445 : i32 to vector<16xi32>
        %add3A_447 = arith.addi %add3A_446, %iota3A : vector<16xi32>
        %mul3A_448 = arith.constant 64 : i32
        %mul3A_449 = arith.muli %add3A, %mul3A_448 : i32
        %add3A_450 = vector.broadcast %mul3A_449 : i32 to vector<16xi32>
        %add3A_451 = arith.addi %add3A_447, %add3A_450 : vector<16xi32>
        %and3A_452 = arith.constant 2047 : i32
        %and3A_453 = vector.broadcast %and3A_452 : i32 to vector<16xi32>
        %and3A_454 = arith.andi %add3A_451, %and3A_453 : vector<16xi32>
        %add3A_455 = arith.constant 16384 : i32
        %add3A_456 = vector.broadcast %add3A_455 : i32 to vector<16xi32>
        %add3A_457 = arith.addi %add3A_456, %and3A_454 : vector<16xi32>
        %ge3A_458 = arith.constant 2 : i32
        %ge3A_459 = arith.cmpi sge, %while3A_420, %ge3A_458 : i32
        %convert_element_type3A_460 = arith.extui %ge3A_459 : i1 to i32
        %cond3A_461 = arith.constant 0 : i32
        %cond3A_462 = arith.cmpi ne, %convert_element_type3A_460, %cond3A_461 : i32
        scf.if %cond3A_462 {
          %dma_wait3A_672 = arith.constant 0 : i32
          %dma_wait3A_673 = arith.constant 0 : i32
          %dma_wait3A_674 = tpu.memref_slice %arg13[%and3A_422, %dma_wait3A_672, %dma_wait3A_673] : memref<2x16x128xf32, #tpu.memory_space<vmem>> -> memref<1x16x128xf32, #tpu.memory_space<vmem>>
          %dma_wait3A_675 = tpu.memref_squeeze %dma_wait3A_674 : memref<1x16x128xf32, #tpu.memory_space<vmem>> -> memref<16x128xf32, #tpu.memory_space<vmem>>
          %dma_wait3A_676 = arith.constant 0 : i32
          %dma_wait3A_677 = tpu.memref_slice %arg12[%and3A_422, %dma_wait3A_676] : memref<2x16xi32, #tpu.memory_space<vmem>> -> memref<1x16xi32, #tpu.memory_space<vmem>>
          %dma_wait3A_678 = tpu.memref_squeeze %dma_wait3A_677 : memref<1x16xi32, #tpu.memory_space<vmem>> -> memref<16xi32, #tpu.memory_space<vmem>>
          %dma_wait3A_679 = arith.constant 0 : i32
          %dma_wait3A_680 = arith.constant 0 : i32
          %dma_wait3A_681 = tpu.memref_slice %arg5[%dma_wait3A_679, %dma_wait3A_680] : memref<18432x128xf32, #tpu.memory_space<hbm>> -> memref<18432x128xf32, #tpu.memory_space<hbm>>
          %dma_wait3A_682 = tpu.memref_slice %arg15[%and3A_422] : memref<2x!tpu.dma_semaphore, #tpu.memory_space<semaphore_mem>> -> memref<1x!tpu.dma_semaphore, #tpu.memory_space<semaphore_mem>>
          %dma_wait3A_683 = tpu.memref_squeeze %dma_wait3A_682 : memref<1x!tpu.dma_semaphore, #tpu.memory_space<semaphore_mem>> -> memref<!tpu.dma_semaphore, #tpu.memory_space<semaphore_mem>>
          tpu.wait_indirect_dma semaphore(%dma_wait3A_683 : memref<!tpu.dma_semaphore, #tpu.memory_space<semaphore_mem>>) src(%dma_wait3A_675 : memref<16x128xf32, #tpu.memory_space<vmem>>) dst(%dma_wait3A_681 : memref<18432x128xf32, #tpu.memory_space<hbm>>)
        } else {
        }
        %broadcast_in_dim3A_463 = vector.broadcast %and3A_422 : i32 to vector<16xi32>
        %select_n3A_464 = arith.select %lt3A_440, %get3A_434, %add3A_457 : vector<16xi1>, vector<16xi32>
        tpu.vector_store_idx %arg12[%broadcast_in_dim3A_463, %iota3A], %select_n3A_464 : memref<2x16xi32, #tpu.memory_space<vmem>>[vector<16xi32>, vector<16xi32>], vector<16xi32>,
        %broadcast_in_dim3A_465 = vector.broadcast %and3A_422 : i32 to vector<16xi32>
        %broadcast_in_dim3A_466 = vector.broadcast %and3A_397 : i32 to vector<16xi32>
        %broadcast_in_dim3A_467 = arith.constant 0 : i32
        %broadcast_in_dim3A_468 = vector.broadcast %broadcast_in_dim3A_467 : i32 to vector<16xi32>
        %gather3A = tpu.vector_load_idx %arg11[%broadcast_in_dim3A_466, %broadcast_in_dim3A_468, %select_n3A_443] : memref<2x64x512xf32, #tpu.memory_space<vmem>>[vector<16xi32>, vector<16xi32>, vector<16xi32>], vector<16xf32>,
        tpu.vector_store_idx %arg13[%broadcast_in_dim3A_465, %iota3A, %broadcast_in_dim3A_468], %gather3A : memref<2x16x128xf32, #tpu.memory_space<vmem>>[vector<16xi32>, vector<16xi32>, vector<16xi32>], vector<16xf32>,
        %broadcast_in_dim3A_469 = arith.constant 1 : i32
        %broadcast_in_dim3A_470 = vector.broadcast %broadcast_in_dim3A_469 : i32 to vector<16xi32>
        %gather3A_471 = tpu.vector_load_idx %arg11[%broadcast_in_dim3A_466, %broadcast_in_dim3A_470, %select_n3A_443] : memref<2x64x512xf32, #tpu.memory_space<vmem>>[vector<16xi32>, vector<16xi32>, vector<16xi32>], vector<16xf32>,
        tpu.vector_store_idx %arg13[%broadcast_in_dim3A_465, %iota3A, %broadcast_in_dim3A_470], %gather3A_471 : memref<2x16x128xf32, #tpu.memory_space<vmem>>[vector<16xi32>, vector<16xi32>, vector<16xi32>], vector<16xf32>,
        %broadcast_in_dim3A_472 = arith.constant 2 : i32
        %broadcast_in_dim3A_473 = vector.broadcast %broadcast_in_dim3A_472 : i32 to vector<16xi32>
        %gather3A_474 = tpu.vector_load_idx %arg11[%broadcast_in_dim3A_466, %broadcast_in_dim3A_473, %select_n3A_443] : memref<2x64x512xf32, #tpu.memory_space<vmem>>[vector<16xi32>, vector<16xi32>, vector<16xi32>], vector<16xf32>,
        tpu.vector_store_idx %arg13[%broadcast_in_dim3A_465, %iota3A, %broadcast_in_dim3A_473], %gather3A_474 : memref<2x16x128xf32, #tpu.memory_space<vmem>>[vector<16xi32>, vector<16xi32>, vector<16xi32>], vector<16xf32>,
        %broadcast_in_dim3A_475 = arith.constant 3 : i32
        %broadcast_in_dim3A_476 = vector.broadcast %broadcast_in_dim3A_475 : i32 to vector<16xi32>
        %gather3A_477 = tpu.vector_load_idx %arg11[%broadcast_in_dim3A_466, %broadcast_in_dim3A_476, %select_n3A_443] : memref<2x64x512xf32, #tpu.memory_space<vmem>>[vector<16xi32>, vector<16xi32>, vector<16xi32>], vector<16xf32>,
        tpu.vector_store_idx %arg13[%broadcast_in_dim3A_465, %iota3A, %broadcast_in_dim3A_476], %gather3A_477 : memref<2x16x128xf32, #tpu.memory_space<vmem>>[vector<16xi32>, vector<16xi32>, vector<16xi32>], vector<16xf32>,
        %broadcast_in_dim3A_478 = arith.constant 4 : i32
        %broadcast_in_dim3A_479 = vector.broadcast %broadcast_in_dim3A_478 : i32 to vector<16xi32>
        %gather3A_480 = tpu.vector_load_idx %arg11[%broadcast_in_dim3A_466, %broadcast_in_dim3A_479, %select_n3A_443] : memref<2x64x512xf32, #tpu.memory_space<vmem>>[vector<16xi32>, vector<16xi32>, vector<16xi32>], vector<16xf32>,
        tpu.vector_store_idx %arg13[%broadcast_in_dim3A_465, %iota3A, %broadcast_in_dim3A_479], %gather3A_480 : memref<2x16x128xf32, #tpu.memory_space<vmem>>[vector<16xi32>, vector<16xi32>, vector<16xi32>], vector<16xf32>,
        %broadcast_in_dim3A_481 = arith.constant 5 : i32
        %broadcast_in_dim3A_482 = vector.broadcast %broadcast_in_dim3A_481 : i32 to vector<16xi32>
        %gather3A_483 = tpu.vector_load_idx %arg11[%broadcast_in_dim3A_466, %broadcast_in_dim3A_482, %select_n3A_443] : memref<2x64x512xf32, #tpu.memory_space<vmem>>[vector<16xi32>, vector<16xi32>, vector<16xi32>], vector<16xf32>,
        tpu.vector_store_idx %arg13[%broadcast_in_dim3A_465, %iota3A, %broadcast_in_dim3A_482], %gather3A_483 : memref<2x16x128xf32, #tpu.memory_space<vmem>>[vector<16xi32>, vector<16xi32>, vector<16xi32>], vector<16xf32>,
        %broadcast_in_dim3A_484 = arith.constant 6 : i32
        %broadcast_in_dim3A_485 = vector.broadcast %broadcast_in_dim3A_484 : i32 to vector<16xi32>
        %gather3A_486 = tpu.vector_load_idx %arg11[%broadcast_in_dim3A_466, %broadcast_in_dim3A_485, %select_n3A_443] : memref<2x64x512xf32, #tpu.memory_space<vmem>>[vector<16xi32>, vector<16xi32>, vector<16xi32>], vector<16xf32>,
        tpu.vector_store_idx %arg13[%broadcast_in_dim3A_465, %iota3A, %broadcast_in_dim3A_485], %gather3A_486 : memref<2x16x128xf32, #tpu.memory_space<vmem>>[vector<16xi32>, vector<16xi32>, vector<16xi32>], vector<16xf32>,
        %broadcast_in_dim3A_487 = arith.constant 7 : i32
        %broadcast_in_dim3A_488 = vector.broadcast %broadcast_in_dim3A_487 : i32 to vector<16xi32>
        %gather3A_489 = tpu.vector_load_idx %arg11[%broadcast_in_dim3A_466, %broadcast_in_dim3A_488, %select_n3A_443] : memref<2x64x512xf32, #tpu.memory_space<vmem>>[vector<16xi32>, vector<16xi32>, vector<16xi32>], vector<16xf32>,
        tpu.vector_store_idx %arg13[%broadcast_in_dim3A_465, %iota3A, %broadcast_in_dim3A_488], %gather3A_489 : memref<2x16x128xf32, #tpu.memory_space<vmem>>[vector<16xi32>, vector<16xi32>, vector<16xi32>], vector<16xf32>,
        %broadcast_in_dim3A_490 = arith.constant 8 : i32
        %broadcast_in_dim3A_491 = vector.broadcast %broadcast_in_dim3A_490 : i32 to vector<16xi32>
        %gather3A_492 = tpu.vector_load_idx %arg11[%broadcast_in_dim3A_466, %broadcast_in_dim3A_491, %select_n3A_443] : memref<2x64x512xf32, #tpu.memory_space<vmem>>[vector<16xi32>, vector<16xi32>, vector<16xi32>], vector<16xf32>,
        tpu.vector_store_idx %arg13[%broadcast_in_dim3A_465, %iota3A, %broadcast_in_dim3A_491], %gather3A_492 : memref<2x16x128xf32, #tpu.memory_space<vmem>>[vector<16xi32>, vector<16xi32>, vector<16xi32>], vector<16xf32>,
        %broadcast_in_dim3A_493 = arith.constant 9 : i32
        %broadcast_in_dim3A_494 = vector.broadcast %broadcast_in_dim3A_493 : i32 to vector<16xi32>
        %gather3A_495 = tpu.vector_load_idx %arg11[%broadcast_in_dim3A_466, %broadcast_in_dim3A_494, %select_n3A_443] : memref<2x64x512xf32, #tpu.memory_space<vmem>>[vector<16xi32>, vector<16xi32>, vector<16xi32>], vector<16xf32>,
        tpu.vector_store_idx %arg13[%broadcast_in_dim3A_465, %iota3A, %broadcast_in_dim3A_494], %gather3A_495 : memref<2x16x128xf32, #tpu.memory_space<vmem>>[vector<16xi32>, vector<16xi32>, vector<16xi32>], vector<16xf32>,
        %broadcast_in_dim3A_496 = arith.constant 10 : i32
        %broadcast_in_dim3A_497 = vector.broadcast %broadcast_in_dim3A_496 : i32 to vector<16xi32>
        %gather3A_498 = tpu.vector_load_idx %arg11[%broadcast_in_dim3A_466, %broadcast_in_dim3A_497, %select_n3A_443] : memref<2x64x512xf32, #tpu.memory_space<vmem>>[vector<16xi32>, vector<16xi32>, vector<16xi32>], vector<16xf32>,
        tpu.vector_store_idx %arg13[%broadcast_in_dim3A_465, %iota3A, %broadcast_in_dim3A_497], %gather3A_498 : memref<2x16x128xf32, #tpu.memory_space<vmem>>[vector<16xi32>, vector<16xi32>, vector<16xi32>], vector<16xf32>,
        %broadcast_in_dim3A_499 = arith.constant 11 : i32
        %broadcast_in_dim3A_500 = vector.broadcast %broadcast_in_dim3A_499 : i32 to vector<16xi32>
        %gather3A_501 = tpu.vector_load_idx %arg11[%broadcast_in_dim3A_466, %broadcast_in_dim3A_500, %select_n3A_443] : memref<2x64x512xf32, #tpu.memory_space<vmem>>[vector<16xi32>, vector<16xi32>, vector<16xi32>], vector<16xf32>,
        tpu.vector_store_idx %arg13[%broadcast_in_dim3A_465, %iota3A, %broadcast_in_dim3A_500], %gather3A_501 : memref<2x16x128xf32, #tpu.memory_space<vmem>>[vector<16xi32>, vector<16xi32>, vector<16xi32>], vector<16xf32>,
        %broadcast_in_dim3A_502 = arith.constant 12 : i32
        %broadcast_in_dim3A_503 = vector.broadcast %broadcast_in_dim3A_502 : i32 to vector<16xi32>
        %gather3A_504 = tpu.vector_load_idx %arg11[%broadcast_in_dim3A_466, %broadcast_in_dim3A_503, %select_n3A_443] : memref<2x64x512xf32, #tpu.memory_space<vmem>>[vector<16xi32>, vector<16xi32>, vector<16xi32>], vector<16xf32>,
        tpu.vector_store_idx %arg13[%broadcast_in_dim3A_465, %iota3A, %broadcast_in_dim3A_503], %gather3A_504 : memref<2x16x128xf32, #tpu.memory_space<vmem>>[vector<16xi32>, vector<16xi32>, vector<16xi32>], vector<16xf32>,
        %broadcast_in_dim3A_505 = arith.constant 13 : i32
        %broadcast_in_dim3A_506 = vector.broadcast %broadcast_in_dim3A_505 : i32 to vector<16xi32>
        %gather3A_507 = tpu.vector_load_idx %arg11[%broadcast_in_dim3A_466, %broadcast_in_dim3A_506, %select_n3A_443] : memref<2x64x512xf32, #tpu.memory_space<vmem>>[vector<16xi32>, vector<16xi32>, vector<16xi32>], vector<16xf32>,
        tpu.vector_store_idx %arg13[%broadcast_in_dim3A_465, %iota3A, %broadcast_in_dim3A_506], %gather3A_507 : memref<2x16x128xf32, #tpu.memory_space<vmem>>[vector<16xi32>, vector<16xi32>, vector<16xi32>], vector<16xf32>,
        %broadcast_in_dim3A_508 = arith.constant 14 : i32
        %broadcast_in_dim3A_509 = vector.broadcast %broadcast_in_dim3A_508 : i32 to vector<16xi32>
        %gather3A_510 = tpu.vector_load_idx %arg11[%broadcast_in_dim3A_466, %broadcast_in_dim3A_509, %select_n3A_443] : memref<2x64x512xf32, #tpu.memory_space<vmem>>[vector<16xi32>, vector<16xi32>, vector<16xi32>], vector<16xf32>,
        tpu.vector_store_idx %arg13[%broadcast_in_dim3A_465, %iota3A, %broadcast_in_dim3A_509], %gather3A_510 : memref<2x16x128xf32, #tpu.memory_space<vmem>>[vector<16xi32>, vector<16xi32>, vector<16xi32>], vector<16xf32>,
        %broadcast_in_dim3A_511 = arith.constant 15 : i32
        %broadcast_in_dim3A_512 = vector.broadcast %broadcast_in_dim3A_511 : i32 to vector<16xi32>
        %gather3A_513 = tpu.vector_load_idx %arg11[%broadcast_in_dim3A_466, %broadcast_in_dim3A_512, %select_n3A_443] : memref<2x64x512xf32, #tpu.memory_space<vmem>>[vector<16xi32>, vector<16xi32>, vector<16xi32>], vector<16xf32>,
        tpu.vector_store_idx %arg13[%broadcast_in_dim3A_465, %iota3A, %broadcast_in_dim3A_512], %gather3A_513 : memref<2x16x128xf32, #tpu.memory_space<vmem>>[vector<16xi32>, vector<16xi32>, vector<16xi32>], vector<16xf32>,
        %broadcast_in_dim3A_514 = arith.constant 16 : i32
        %broadcast_in_dim3A_515 = vector.broadcast %broadcast_in_dim3A_514 : i32 to vector<16xi32>
        %gather3A_516 = tpu.vector_load_idx %arg11[%broadcast_in_dim3A_466, %broadcast_in_dim3A_515, %select_n3A_443] : memref<2x64x512xf32, #tpu.memory_space<vmem>>[vector<16xi32>, vector<16xi32>, vector<16xi32>], vector<16xf32>,
        tpu.vector_store_idx %arg13[%broadcast_in_dim3A_465, %iota3A, %broadcast_in_dim3A_515], %gather3A_516 : memref<2x16x128xf32, #tpu.memory_space<vmem>>[vector<16xi32>, vector<16xi32>, vector<16xi32>], vector<16xf32>,
        %broadcast_in_dim3A_517 = arith.constant 17 : i32
        %broadcast_in_dim3A_518 = vector.broadcast %broadcast_in_dim3A_517 : i32 to vector<16xi32>
        %gather3A_519 = tpu.vector_load_idx %arg11[%broadcast_in_dim3A_466, %broadcast_in_dim3A_518, %select_n3A_443] : memref<2x64x512xf32, #tpu.memory_space<vmem>>[vector<16xi32>, vector<16xi32>, vector<16xi32>], vector<16xf32>,
        tpu.vector_store_idx %arg13[%broadcast_in_dim3A_465, %iota3A, %broadcast_in_dim3A_518], %gather3A_519 : memref<2x16x128xf32, #tpu.memory_space<vmem>>[vector<16xi32>, vector<16xi32>, vector<16xi32>], vector<16xf32>,
        %broadcast_in_dim3A_520 = arith.constant 18 : i32
        %broadcast_in_dim3A_521 = vector.broadcast %broadcast_in_dim3A_520 : i32 to vector<16xi32>
        %gather3A_522 = tpu.vector_load_idx %arg11[%broadcast_in_dim3A_466, %broadcast_in_dim3A_521, %select_n3A_443] : memref<2x64x512xf32, #tpu.memory_space<vmem>>[vector<16xi32>, vector<16xi32>, vector<16xi32>], vector<16xf32>,
        tpu.vector_store_idx %arg13[%broadcast_in_dim3A_465, %iota3A, %broadcast_in_dim3A_521], %gather3A_522 : memref<2x16x128xf32, #tpu.memory_space<vmem>>[vector<16xi32>, vector<16xi32>, vector<16xi32>], vector<16xf32>,
        %broadcast_in_dim3A_523 = arith.constant 19 : i32
        %broadcast_in_dim3A_524 = vector.broadcast %broadcast_in_dim3A_523 : i32 to vector<16xi32>
        %gather3A_525 = tpu.vector_load_idx %arg11[%broadcast_in_dim3A_466, %broadcast_in_dim3A_524, %select_n3A_443] : memref<2x64x512xf32, #tpu.memory_space<vmem>>[vector<16xi32>, vector<16xi32>, vector<16xi32>], vector<16xf32>,
        tpu.vector_store_idx %arg13[%broadcast_in_dim3A_465, %iota3A, %broadcast_in_dim3A_524], %gather3A_525 : memref<2x16x128xf32, #tpu.memory_space<vmem>>[vector<16xi32>, vector<16xi32>, vector<16xi32>], vector<16xf32>,
        %broadcast_in_dim3A_526 = arith.constant 20 : i32
        %broadcast_in_dim3A_527 = vector.broadcast %broadcast_in_dim3A_526 : i32 to vector<16xi32>
        %gather3A_528 = tpu.vector_load_idx %arg11[%broadcast_in_dim3A_466, %broadcast_in_dim3A_527, %select_n3A_443] : memref<2x64x512xf32, #tpu.memory_space<vmem>>[vector<16xi32>, vector<16xi32>, vector<16xi32>], vector<16xf32>,
        tpu.vector_store_idx %arg13[%broadcast_in_dim3A_465, %iota3A, %broadcast_in_dim3A_527], %gather3A_528 : memref<2x16x128xf32, #tpu.memory_space<vmem>>[vector<16xi32>, vector<16xi32>, vector<16xi32>], vector<16xf32>,
        %broadcast_in_dim3A_529 = arith.constant 21 : i32
        %broadcast_in_dim3A_530 = vector.broadcast %broadcast_in_dim3A_529 : i32 to vector<16xi32>
        %gather3A_531 = tpu.vector_load_idx %arg11[%broadcast_in_dim3A_466, %broadcast_in_dim3A_530, %select_n3A_443] : memref<2x64x512xf32, #tpu.memory_space<vmem>>[vector<16xi32>, vector<16xi32>, vector<16xi32>], vector<16xf32>,
        tpu.vector_store_idx %arg13[%broadcast_in_dim3A_465, %iota3A, %broadcast_in_dim3A_530], %gather3A_531 : memref<2x16x128xf32, #tpu.memory_space<vmem>>[vector<16xi32>, vector<16xi32>, vector<16xi32>], vector<16xf32>,
        %broadcast_in_dim3A_532 = arith.constant 22 : i32
        %broadcast_in_dim3A_533 = vector.broadcast %broadcast_in_dim3A_532 : i32 to vector<16xi32>
        %gather3A_534 = tpu.vector_load_idx %arg11[%broadcast_in_dim3A_466, %broadcast_in_dim3A_533, %select_n3A_443] : memref<2x64x512xf32, #tpu.memory_space<vmem>>[vector<16xi32>, vector<16xi32>, vector<16xi32>], vector<16xf32>,
        tpu.vector_store_idx %arg13[%broadcast_in_dim3A_465, %iota3A, %broadcast_in_dim3A_533], %gather3A_534 : memref<2x16x128xf32, #tpu.memory_space<vmem>>[vector<16xi32>, vector<16xi32>, vector<16xi32>], vector<16xf32>,
        %broadcast_in_dim3A_535 = arith.constant 23 : i32
        %broadcast_in_dim3A_536 = vector.broadcast %broadcast_in_dim3A_535 : i32 to vector<16xi32>
        %gather3A_537 = tpu.vector_load_idx %arg11[%broadcast_in_dim3A_466, %broadcast_in_dim3A_536, %select_n3A_443] : memref<2x64x512xf32, #tpu.memory_space<vmem>>[vector<16xi32>, vector<16xi32>, vector<16xi32>], vector<16xf32>,
        tpu.vector_store_idx %arg13[%broadcast_in_dim3A_465, %iota3A, %broadcast_in_dim3A_536], %gather3A_537 : memref<2x16x128xf32, #tpu.memory_space<vmem>>[vector<16xi32>, vector<16xi32>, vector<16xi32>], vector<16xf32>,
        %broadcast_in_dim3A_538 = arith.constant 24 : i32
        %broadcast_in_dim3A_539 = vector.broadcast %broadcast_in_dim3A_538 : i32 to vector<16xi32>
        %gather3A_540 = tpu.vector_load_idx %arg11[%broadcast_in_dim3A_466, %broadcast_in_dim3A_539, %select_n3A_443] : memref<2x64x512xf32, #tpu.memory_space<vmem>>[vector<16xi32>, vector<16xi32>, vector<16xi32>], vector<16xf32>,
        tpu.vector_store_idx %arg13[%broadcast_in_dim3A_465, %iota3A, %broadcast_in_dim3A_539], %gather3A_540 : memref<2x16x128xf32, #tpu.memory_space<vmem>>[vector<16xi32>, vector<16xi32>, vector<16xi32>], vector<16xf32>,
        %broadcast_in_dim3A_541 = arith.constant 25 : i32
        %broadcast_in_dim3A_542 = vector.broadcast %broadcast_in_dim3A_541 : i32 to vector<16xi32>
        %gather3A_543 = tpu.vector_load_idx %arg11[%broadcast_in_dim3A_466, %broadcast_in_dim3A_542, %select_n3A_443] : memref<2x64x512xf32, #tpu.memory_space<vmem>>[vector<16xi32>, vector<16xi32>, vector<16xi32>], vector<16xf32>,
        tpu.vector_store_idx %arg13[%broadcast_in_dim3A_465, %iota3A, %broadcast_in_dim3A_542], %gather3A_543 : memref<2x16x128xf32, #tpu.memory_space<vmem>>[vector<16xi32>, vector<16xi32>, vector<16xi32>], vector<16xf32>,
        %broadcast_in_dim3A_544 = arith.constant 26 : i32
        %broadcast_in_dim3A_545 = vector.broadcast %broadcast_in_dim3A_544 : i32 to vector<16xi32>
        %gather3A_546 = tpu.vector_load_idx %arg11[%broadcast_in_dim3A_466, %broadcast_in_dim3A_545, %select_n3A_443] : memref<2x64x512xf32, #tpu.memory_space<vmem>>[vector<16xi32>, vector<16xi32>, vector<16xi32>], vector<16xf32>,
        tpu.vector_store_idx %arg13[%broadcast_in_dim3A_465, %iota3A, %broadcast_in_dim3A_545], %gather3A_546 : memref<2x16x128xf32, #tpu.memory_space<vmem>>[vector<16xi32>, vector<16xi32>, vector<16xi32>], vector<16xf32>,
        %broadcast_in_dim3A_547 = arith.constant 27 : i32
        %broadcast_in_dim3A_548 = vector.broadcast %broadcast_in_dim3A_547 : i32 to vector<16xi32>
        %gather3A_549 = tpu.vector_load_idx %arg11[%broadcast_in_dim3A_466, %broadcast_in_dim3A_548, %select_n3A_443] : memref<2x64x512xf32, #tpu.memory_space<vmem>>[vector<16xi32>, vector<16xi32>, vector<16xi32>], vector<16xf32>,
        tpu.vector_store_idx %arg13[%broadcast_in_dim3A_465, %iota3A, %broadcast_in_dim3A_548], %gather3A_549 : memref<2x16x128xf32, #tpu.memory_space<vmem>>[vector<16xi32>, vector<16xi32>, vector<16xi32>], vector<16xf32>,
        %broadcast_in_dim3A_550 = arith.constant 28 : i32
        %broadcast_in_dim3A_551 = vector.broadcast %broadcast_in_dim3A_550 : i32 to vector<16xi32>
        %gather3A_552 = tpu.vector_load_idx %arg11[%broadcast_in_dim3A_466, %broadcast_in_dim3A_551, %select_n3A_443] : memref<2x64x512xf32, #tpu.memory_space<vmem>>[vector<16xi32>, vector<16xi32>, vector<16xi32>], vector<16xf32>,
        tpu.vector_store_idx %arg13[%broadcast_in_dim3A_465, %iota3A, %broadcast_in_dim3A_551], %gather3A_552 : memref<2x16x128xf32, #tpu.memory_space<vmem>>[vector<16xi32>, vector<16xi32>, vector<16xi32>], vector<16xf32>,
        %broadcast_in_dim3A_553 = arith.constant 29 : i32
        %broadcast_in_dim3A_554 = vector.broadcast %broadcast_in_dim3A_553 : i32 to vector<16xi32>
        %gather3A_555 = tpu.vector_load_idx %arg11[%broadcast_in_dim3A_466, %broadcast_in_dim3A_554, %select_n3A_443] : memref<2x64x512xf32, #tpu.memory_space<vmem>>[vector<16xi32>, vector<16xi32>, vector<16xi32>], vector<16xf32>,
        tpu.vector_store_idx %arg13[%broadcast_in_dim3A_465, %iota3A, %broadcast_in_dim3A_554], %gather3A_555 : memref<2x16x128xf32, #tpu.memory_space<vmem>>[vector<16xi32>, vector<16xi32>, vector<16xi32>], vector<16xf32>,
        %broadcast_in_dim3A_556 = arith.constant 30 : i32
        %broadcast_in_dim3A_557 = vector.broadcast %broadcast_in_dim3A_556 : i32 to vector<16xi32>
        %gather3A_558 = tpu.vector_load_idx %arg11[%broadcast_in_dim3A_466, %broadcast_in_dim3A_557, %select_n3A_443] : memref<2x64x512xf32, #tpu.memory_space<vmem>>[vector<16xi32>, vector<16xi32>, vector<16xi32>], vector<16xf32>,
        tpu.vector_store_idx %arg13[%broadcast_in_dim3A_465, %iota3A, %broadcast_in_dim3A_557], %gather3A_558 : memref<2x16x128xf32, #tpu.memory_space<vmem>>[vector<16xi32>, vector<16xi32>, vector<16xi32>], vector<16xf32>,
        %broadcast_in_dim3A_559 = arith.constant 31 : i32
        %broadcast_in_dim3A_560 = vector.broadcast %broadcast_in_dim3A_559 : i32 to vector<16xi32>
        %gather3A_561 = tpu.vector_load_idx %arg11[%broadcast_in_dim3A_466, %broadcast_in_dim3A_560, %select_n3A_443] : memref<2x64x512xf32, #tpu.memory_space<vmem>>[vector<16xi32>, vector<16xi32>, vector<16xi32>], vector<16xf32>,
        tpu.vector_store_idx %arg13[%broadcast_in_dim3A_465, %iota3A, %broadcast_in_dim3A_560], %gather3A_561 : memref<2x16x128xf32, #tpu.memory_space<vmem>>[vector<16xi32>, vector<16xi32>, vector<16xi32>], vector<16xf32>,
        %broadcast_in_dim3A_562 = arith.constant 32 : i32
        %broadcast_in_dim3A_563 = vector.broadcast %broadcast_in_dim3A_562 : i32 to vector<16xi32>
        %gather3A_564 = tpu.vector_load_idx %arg11[%broadcast_in_dim3A_466, %broadcast_in_dim3A_563, %select_n3A_443] : memref<2x64x512xf32, #tpu.memory_space<vmem>>[vector<16xi32>, vector<16xi32>, vector<16xi32>], vector<16xf32>,
        tpu.vector_store_idx %arg13[%broadcast_in_dim3A_465, %iota3A, %broadcast_in_dim3A_563], %gather3A_564 : memref<2x16x128xf32, #tpu.memory_space<vmem>>[vector<16xi32>, vector<16xi32>, vector<16xi32>], vector<16xf32>,
        %broadcast_in_dim3A_565 = arith.constant 33 : i32
        %broadcast_in_dim3A_566 = vector.broadcast %broadcast_in_dim3A_565 : i32 to vector<16xi32>
        %gather3A_567 = tpu.vector_load_idx %arg11[%broadcast_in_dim3A_466, %broadcast_in_dim3A_566, %select_n3A_443] : memref<2x64x512xf32, #tpu.memory_space<vmem>>[vector<16xi32>, vector<16xi32>, vector<16xi32>], vector<16xf32>,
        tpu.vector_store_idx %arg13[%broadcast_in_dim3A_465, %iota3A, %broadcast_in_dim3A_566], %gather3A_567 : memref<2x16x128xf32, #tpu.memory_space<vmem>>[vector<16xi32>, vector<16xi32>, vector<16xi32>], vector<16xf32>,
        %broadcast_in_dim3A_568 = arith.constant 34 : i32
        %broadcast_in_dim3A_569 = vector.broadcast %broadcast_in_dim3A_568 : i32 to vector<16xi32>
        %gather3A_570 = tpu.vector_load_idx %arg11[%broadcast_in_dim3A_466, %broadcast_in_dim3A_569, %select_n3A_443] : memref<2x64x512xf32, #tpu.memory_space<vmem>>[vector<16xi32>, vector<16xi32>, vector<16xi32>], vector<16xf32>,
        tpu.vector_store_idx %arg13[%broadcast_in_dim3A_465, %iota3A, %broadcast_in_dim3A_569], %gather3A_570 : memref<2x16x128xf32, #tpu.memory_space<vmem>>[vector<16xi32>, vector<16xi32>, vector<16xi32>], vector<16xf32>,
        %broadcast_in_dim3A_571 = arith.constant 35 : i32
        %broadcast_in_dim3A_572 = vector.broadcast %broadcast_in_dim3A_571 : i32 to vector<16xi32>
        %gather3A_573 = tpu.vector_load_idx %arg11[%broadcast_in_dim3A_466, %broadcast_in_dim3A_572, %select_n3A_443] : memref<2x64x512xf32, #tpu.memory_space<vmem>>[vector<16xi32>, vector<16xi32>, vector<16xi32>], vector<16xf32>,
        tpu.vector_store_idx %arg13[%broadcast_in_dim3A_465, %iota3A, %broadcast_in_dim3A_572], %gather3A_573 : memref<2x16x128xf32, #tpu.memory_space<vmem>>[vector<16xi32>, vector<16xi32>, vector<16xi32>], vector<16xf32>,
        %broadcast_in_dim3A_574 = arith.constant 36 : i32
        %broadcast_in_dim3A_575 = vector.broadcast %broadcast_in_dim3A_574 : i32 to vector<16xi32>
        %gather3A_576 = tpu.vector_load_idx %arg11[%broadcast_in_dim3A_466, %broadcast_in_dim3A_575, %select_n3A_443] : memref<2x64x512xf32, #tpu.memory_space<vmem>>[vector<16xi32>, vector<16xi32>, vector<16xi32>], vector<16xf32>,
        tpu.vector_store_idx %arg13[%broadcast_in_dim3A_465, %iota3A, %broadcast_in_dim3A_575], %gather3A_576 : memref<2x16x128xf32, #tpu.memory_space<vmem>>[vector<16xi32>, vector<16xi32>, vector<16xi32>], vector<16xf32>,
        %broadcast_in_dim3A_577 = arith.constant 37 : i32
        %broadcast_in_dim3A_578 = vector.broadcast %broadcast_in_dim3A_577 : i32 to vector<16xi32>
        %gather3A_579 = tpu.vector_load_idx %arg11[%broadcast_in_dim3A_466, %broadcast_in_dim3A_578, %select_n3A_443] : memref<2x64x512xf32, #tpu.memory_space<vmem>>[vector<16xi32>, vector<16xi32>, vector<16xi32>], vector<16xf32>,
        tpu.vector_store_idx %arg13[%broadcast_in_dim3A_465, %iota3A, %broadcast_in_dim3A_578], %gather3A_579 : memref<2x16x128xf32, #tpu.memory_space<vmem>>[vector<16xi32>, vector<16xi32>, vector<16xi32>], vector<16xf32>,
        %broadcast_in_dim3A_580 = arith.constant 38 : i32
        %broadcast_in_dim3A_581 = vector.broadcast %broadcast_in_dim3A_580 : i32 to vector<16xi32>
        %gather3A_582 = tpu.vector_load_idx %arg11[%broadcast_in_dim3A_466, %broadcast_in_dim3A_581, %select_n3A_443] : memref<2x64x512xf32, #tpu.memory_space<vmem>>[vector<16xi32>, vector<16xi32>, vector<16xi32>], vector<16xf32>,
        tpu.vector_store_idx %arg13[%broadcast_in_dim3A_465, %iota3A, %broadcast_in_dim3A_581], %gather3A_582 : memref<2x16x128xf32, #tpu.memory_space<vmem>>[vector<16xi32>, vector<16xi32>, vector<16xi32>], vector<16xf32>,
        %broadcast_in_dim3A_583 = arith.constant 39 : i32
        %broadcast_in_dim3A_584 = vector.broadcast %broadcast_in_dim3A_583 : i32 to vector<16xi32>
        %gather3A_585 = tpu.vector_load_idx %arg11[%broadcast_in_dim3A_466, %broadcast_in_dim3A_584, %select_n3A_443] : memref<2x64x512xf32, #tpu.memory_space<vmem>>[vector<16xi32>, vector<16xi32>, vector<16xi32>], vector<16xf32>,
        tpu.vector_store_idx %arg13[%broadcast_in_dim3A_465, %iota3A, %broadcast_in_dim3A_584], %gather3A_585 : memref<2x16x128xf32, #tpu.memory_space<vmem>>[vector<16xi32>, vector<16xi32>, vector<16xi32>], vector<16xf32>,
        %broadcast_in_dim3A_586 = arith.constant 40 : i32
        %broadcast_in_dim3A_587 = vector.broadcast %broadcast_in_dim3A_586 : i32 to vector<16xi32>
        %gather3A_588 = tpu.vector_load_idx %arg11[%broadcast_in_dim3A_466, %broadcast_in_dim3A_587, %select_n3A_443] : memref<2x64x512xf32, #tpu.memory_space<vmem>>[vector<16xi32>, vector<16xi32>, vector<16xi32>], vector<16xf32>,
        tpu.vector_store_idx %arg13[%broadcast_in_dim3A_465, %iota3A, %broadcast_in_dim3A_587], %gather3A_588 : memref<2x16x128xf32, #tpu.memory_space<vmem>>[vector<16xi32>, vector<16xi32>, vector<16xi32>], vector<16xf32>,
        %broadcast_in_dim3A_589 = arith.constant 41 : i32
        %broadcast_in_dim3A_590 = vector.broadcast %broadcast_in_dim3A_589 : i32 to vector<16xi32>
        %gather3A_591 = tpu.vector_load_idx %arg11[%broadcast_in_dim3A_466, %broadcast_in_dim3A_590, %select_n3A_443] : memref<2x64x512xf32, #tpu.memory_space<vmem>>[vector<16xi32>, vector<16xi32>, vector<16xi32>], vector<16xf32>,
        tpu.vector_store_idx %arg13[%broadcast_in_dim3A_465, %iota3A, %broadcast_in_dim3A_590], %gather3A_591 : memref<2x16x128xf32, #tpu.memory_space<vmem>>[vector<16xi32>, vector<16xi32>, vector<16xi32>], vector<16xf32>,
        %broadcast_in_dim3A_592 = arith.constant 42 : i32
        %broadcast_in_dim3A_593 = vector.broadcast %broadcast_in_dim3A_592 : i32 to vector<16xi32>
        %gather3A_594 = tpu.vector_load_idx %arg11[%broadcast_in_dim3A_466, %broadcast_in_dim3A_593, %select_n3A_443] : memref<2x64x512xf32, #tpu.memory_space<vmem>>[vector<16xi32>, vector<16xi32>, vector<16xi32>], vector<16xf32>,
        tpu.vector_store_idx %arg13[%broadcast_in_dim3A_465, %iota3A, %broadcast_in_dim3A_593], %gather3A_594 : memref<2x16x128xf32, #tpu.memory_space<vmem>>[vector<16xi32>, vector<16xi32>, vector<16xi32>], vector<16xf32>,
        %broadcast_in_dim3A_595 = arith.constant 43 : i32
        %broadcast_in_dim3A_596 = vector.broadcast %broadcast_in_dim3A_595 : i32 to vector<16xi32>
        %gather3A_597 = tpu.vector_load_idx %arg11[%broadcast_in_dim3A_466, %broadcast_in_dim3A_596, %select_n3A_443] : memref<2x64x512xf32, #tpu.memory_space<vmem>>[vector<16xi32>, vector<16xi32>, vector<16xi32>], vector<16xf32>,
        tpu.vector_store_idx %arg13[%broadcast_in_dim3A_465, %iota3A, %broadcast_in_dim3A_596], %gather3A_597 : memref<2x16x128xf32, #tpu.memory_space<vmem>>[vector<16xi32>, vector<16xi32>, vector<16xi32>], vector<16xf32>,
        %broadcast_in_dim3A_598 = arith.constant 44 : i32
        %broadcast_in_dim3A_599 = vector.broadcast %broadcast_in_dim3A_598 : i32 to vector<16xi32>
        %gather3A_600 = tpu.vector_load_idx %arg11[%broadcast_in_dim3A_466, %broadcast_in_dim3A_599, %select_n3A_443] : memref<2x64x512xf32, #tpu.memory_space<vmem>>[vector<16xi32>, vector<16xi32>, vector<16xi32>], vector<16xf32>,
        tpu.vector_store_idx %arg13[%broadcast_in_dim3A_465, %iota3A, %broadcast_in_dim3A_599], %gather3A_600 : memref<2x16x128xf32, #tpu.memory_space<vmem>>[vector<16xi32>, vector<16xi32>, vector<16xi32>], vector<16xf32>,
        %broadcast_in_dim3A_601 = arith.constant 45 : i32
        %broadcast_in_dim3A_602 = vector.broadcast %broadcast_in_dim3A_601 : i32 to vector<16xi32>
        %gather3A_603 = tpu.vector_load_idx %arg11[%broadcast_in_dim3A_466, %broadcast_in_dim3A_602, %select_n3A_443] : memref<2x64x512xf32, #tpu.memory_space<vmem>>[vector<16xi32>, vector<16xi32>, vector<16xi32>], vector<16xf32>,
        tpu.vector_store_idx %arg13[%broadcast_in_dim3A_465, %iota3A, %broadcast_in_dim3A_602], %gather3A_603 : memref<2x16x128xf32, #tpu.memory_space<vmem>>[vector<16xi32>, vector<16xi32>, vector<16xi32>], vector<16xf32>,
        %broadcast_in_dim3A_604 = arith.constant 46 : i32
        %broadcast_in_dim3A_605 = vector.broadcast %broadcast_in_dim3A_604 : i32 to vector<16xi32>
        %gather3A_606 = tpu.vector_load_idx %arg11[%broadcast_in_dim3A_466, %broadcast_in_dim3A_605, %select_n3A_443] : memref<2x64x512xf32, #tpu.memory_space<vmem>>[vector<16xi32>, vector<16xi32>, vector<16xi32>], vector<16xf32>,
        tpu.vector_store_idx %arg13[%broadcast_in_dim3A_465, %iota3A, %broadcast_in_dim3A_605], %gather3A_606 : memref<2x16x128xf32, #tpu.memory_space<vmem>>[vector<16xi32>, vector<16xi32>, vector<16xi32>], vector<16xf32>,
        %broadcast_in_dim3A_607 = arith.constant 47 : i32
        %broadcast_in_dim3A_608 = vector.broadcast %broadcast_in_dim3A_607 : i32 to vector<16xi32>
        %gather3A_609 = tpu.vector_load_idx %arg11[%broadcast_in_dim3A_466, %broadcast_in_dim3A_608, %select_n3A_443] : memref<2x64x512xf32, #tpu.memory_space<vmem>>[vector<16xi32>, vector<16xi32>, vector<16xi32>], vector<16xf32>,
        tpu.vector_store_idx %arg13[%broadcast_in_dim3A_465, %iota3A, %broadcast_in_dim3A_608], %gather3A_609 : memref<2x16x128xf32, #tpu.memory_space<vmem>>[vector<16xi32>, vector<16xi32>, vector<16xi32>], vector<16xf32>,
        %broadcast_in_dim3A_610 = arith.constant 48 : i32
        %broadcast_in_dim3A_611 = vector.broadcast %broadcast_in_dim3A_610 : i32 to vector<16xi32>
        %gather3A_612 = tpu.vector_load_idx %arg11[%broadcast_in_dim3A_466, %broadcast_in_dim3A_611, %select_n3A_443] : memref<2x64x512xf32, #tpu.memory_space<vmem>>[vector<16xi32>, vector<16xi32>, vector<16xi32>], vector<16xf32>,
        tpu.vector_store_idx %arg13[%broadcast_in_dim3A_465, %iota3A, %broadcast_in_dim3A_611], %gather3A_612 : memref<2x16x128xf32, #tpu.memory_space<vmem>>[vector<16xi32>, vector<16xi32>, vector<16xi32>], vector<16xf32>,
        %broadcast_in_dim3A_613 = arith.constant 49 : i32
        %broadcast_in_dim3A_614 = vector.broadcast %broadcast_in_dim3A_613 : i32 to vector<16xi32>
        %gather3A_615 = tpu.vector_load_idx %arg11[%broadcast_in_dim3A_466, %broadcast_in_dim3A_614, %select_n3A_443] : memref<2x64x512xf32, #tpu.memory_space<vmem>>[vector<16xi32>, vector<16xi32>, vector<16xi32>], vector<16xf32>,
        tpu.vector_store_idx %arg13[%broadcast_in_dim3A_465, %iota3A, %broadcast_in_dim3A_614], %gather3A_615 : memref<2x16x128xf32, #tpu.memory_space<vmem>>[vector<16xi32>, vector<16xi32>, vector<16xi32>], vector<16xf32>,
        %broadcast_in_dim3A_616 = arith.constant 50 : i32
        %broadcast_in_dim3A_617 = vector.broadcast %broadcast_in_dim3A_616 : i32 to vector<16xi32>
        %gather3A_618 = tpu.vector_load_idx %arg11[%broadcast_in_dim3A_466, %broadcast_in_dim3A_617, %select_n3A_443] : memref<2x64x512xf32, #tpu.memory_space<vmem>>[vector<16xi32>, vector<16xi32>, vector<16xi32>], vector<16xf32>,
        tpu.vector_store_idx %arg13[%broadcast_in_dim3A_465, %iota3A, %broadcast_in_dim3A_617], %gather3A_618 : memref<2x16x128xf32, #tpu.memory_space<vmem>>[vector<16xi32>, vector<16xi32>, vector<16xi32>], vector<16xf32>,
        %broadcast_in_dim3A_619 = arith.constant 51 : i32
        %broadcast_in_dim3A_620 = vector.broadcast %broadcast_in_dim3A_619 : i32 to vector<16xi32>
        %gather3A_621 = tpu.vector_load_idx %arg11[%broadcast_in_dim3A_466, %broadcast_in_dim3A_620, %select_n3A_443] : memref<2x64x512xf32, #tpu.memory_space<vmem>>[vector<16xi32>, vector<16xi32>, vector<16xi32>], vector<16xf32>,
        tpu.vector_store_idx %arg13[%broadcast_in_dim3A_465, %iota3A, %broadcast_in_dim3A_620], %gather3A_621 : memref<2x16x128xf32, #tpu.memory_space<vmem>>[vector<16xi32>, vector<16xi32>, vector<16xi32>], vector<16xf32>,
        %broadcast_in_dim3A_622 = arith.constant 52 : i32
        %broadcast_in_dim3A_623 = vector.broadcast %broadcast_in_dim3A_622 : i32 to vector<16xi32>
        %gather3A_624 = tpu.vector_load_idx %arg11[%broadcast_in_dim3A_466, %broadcast_in_dim3A_623, %select_n3A_443] : memref<2x64x512xf32, #tpu.memory_space<vmem>>[vector<16xi32>, vector<16xi32>, vector<16xi32>], vector<16xf32>,
        tpu.vector_store_idx %arg13[%broadcast_in_dim3A_465, %iota3A, %broadcast_in_dim3A_623], %gather3A_624 : memref<2x16x128xf32, #tpu.memory_space<vmem>>[vector<16xi32>, vector<16xi32>, vector<16xi32>], vector<16xf32>,
        %broadcast_in_dim3A_625 = arith.constant 53 : i32
        %broadcast_in_dim3A_626 = vector.broadcast %broadcast_in_dim3A_625 : i32 to vector<16xi32>
        %gather3A_627 = tpu.vector_load_idx %arg11[%broadcast_in_dim3A_466, %broadcast_in_dim3A_626, %select_n3A_443] : memref<2x64x512xf32, #tpu.memory_space<vmem>>[vector<16xi32>, vector<16xi32>, vector<16xi32>], vector<16xf32>,
        tpu.vector_store_idx %arg13[%broadcast_in_dim3A_465, %iota3A, %broadcast_in_dim3A_626], %gather3A_627 : memref<2x16x128xf32, #tpu.memory_space<vmem>>[vector<16xi32>, vector<16xi32>, vector<16xi32>], vector<16xf32>,
        %broadcast_in_dim3A_628 = arith.constant 54 : i32
        %broadcast_in_dim3A_629 = vector.broadcast %broadcast_in_dim3A_628 : i32 to vector<16xi32>
        %gather3A_630 = tpu.vector_load_idx %arg11[%broadcast_in_dim3A_466, %broadcast_in_dim3A_629, %select_n3A_443] : memref<2x64x512xf32, #tpu.memory_space<vmem>>[vector<16xi32>, vector<16xi32>, vector<16xi32>], vector<16xf32>,
        tpu.vector_store_idx %arg13[%broadcast_in_dim3A_465, %iota3A, %broadcast_in_dim3A_629], %gather3A_630 : memref<2x16x128xf32, #tpu.memory_space<vmem>>[vector<16xi32>, vector<16xi32>, vector<16xi32>], vector<16xf32>,
        %broadcast_in_dim3A_631 = arith.constant 55 : i32
        %broadcast_in_dim3A_632 = vector.broadcast %broadcast_in_dim3A_631 : i32 to vector<16xi32>
        %gather3A_633 = tpu.vector_load_idx %arg11[%broadcast_in_dim3A_466, %broadcast_in_dim3A_632, %select_n3A_443] : memref<2x64x512xf32, #tpu.memory_space<vmem>>[vector<16xi32>, vector<16xi32>, vector<16xi32>], vector<16xf32>,
        tpu.vector_store_idx %arg13[%broadcast_in_dim3A_465, %iota3A, %broadcast_in_dim3A_632], %gather3A_633 : memref<2x16x128xf32, #tpu.memory_space<vmem>>[vector<16xi32>, vector<16xi32>, vector<16xi32>], vector<16xf32>,
        %broadcast_in_dim3A_634 = arith.constant 56 : i32
        %broadcast_in_dim3A_635 = vector.broadcast %broadcast_in_dim3A_634 : i32 to vector<16xi32>
        %gather3A_636 = tpu.vector_load_idx %arg11[%broadcast_in_dim3A_466, %broadcast_in_dim3A_635, %select_n3A_443] : memref<2x64x512xf32, #tpu.memory_space<vmem>>[vector<16xi32>, vector<16xi32>, vector<16xi32>], vector<16xf32>,
        tpu.vector_store_idx %arg13[%broadcast_in_dim3A_465, %iota3A, %broadcast_in_dim3A_635], %gather3A_636 : memref<2x16x128xf32, #tpu.memory_space<vmem>>[vector<16xi32>, vector<16xi32>, vector<16xi32>], vector<16xf32>,
        %broadcast_in_dim3A_637 = arith.constant 57 : i32
        %broadcast_in_dim3A_638 = vector.broadcast %broadcast_in_dim3A_637 : i32 to vector<16xi32>
        %gather3A_639 = tpu.vector_load_idx %arg11[%broadcast_in_dim3A_466, %broadcast_in_dim3A_638, %select_n3A_443] : memref<2x64x512xf32, #tpu.memory_space<vmem>>[vector<16xi32>, vector<16xi32>, vector<16xi32>], vector<16xf32>,
        tpu.vector_store_idx %arg13[%broadcast_in_dim3A_465, %iota3A, %broadcast_in_dim3A_638], %gather3A_639 : memref<2x16x128xf32, #tpu.memory_space<vmem>>[vector<16xi32>, vector<16xi32>, vector<16xi32>], vector<16xf32>,
        %broadcast_in_dim3A_640 = arith.constant 58 : i32
        %broadcast_in_dim3A_641 = vector.broadcast %broadcast_in_dim3A_640 : i32 to vector<16xi32>
        %gather3A_642 = tpu.vector_load_idx %arg11[%broadcast_in_dim3A_466, %broadcast_in_dim3A_641, %select_n3A_443] : memref<2x64x512xf32, #tpu.memory_space<vmem>>[vector<16xi32>, vector<16xi32>, vector<16xi32>], vector<16xf32>,
        tpu.vector_store_idx %arg13[%broadcast_in_dim3A_465, %iota3A, %broadcast_in_dim3A_641], %gather3A_642 : memref<2x16x128xf32, #tpu.memory_space<vmem>>[vector<16xi32>, vector<16xi32>, vector<16xi32>], vector<16xf32>,
        %broadcast_in_dim3A_643 = arith.constant 59 : i32
        %broadcast_in_dim3A_644 = vector.broadcast %broadcast_in_dim3A_643 : i32 to vector<16xi32>
        %gather3A_645 = tpu.vector_load_idx %arg11[%broadcast_in_dim3A_466, %broadcast_in_dim3A_644, %select_n3A_443] : memref<2x64x512xf32, #tpu.memory_space<vmem>>[vector<16xi32>, vector<16xi32>, vector<16xi32>], vector<16xf32>,
        tpu.vector_store_idx %arg13[%broadcast_in_dim3A_465, %iota3A, %broadcast_in_dim3A_644], %gather3A_645 : memref<2x16x128xf32, #tpu.memory_space<vmem>>[vector<16xi32>, vector<16xi32>, vector<16xi32>], vector<16xf32>,
        %broadcast_in_dim3A_646 = arith.constant 60 : i32
        %broadcast_in_dim3A_647 = vector.broadcast %broadcast_in_dim3A_646 : i32 to vector<16xi32>
        %gather3A_648 = tpu.vector_load_idx %arg11[%broadcast_in_dim3A_466, %broadcast_in_dim3A_647, %select_n3A_443] : memref<2x64x512xf32, #tpu.memory_space<vmem>>[vector<16xi32>, vector<16xi32>, vector<16xi32>], vector<16xf32>,
        tpu.vector_store_idx %arg13[%broadcast_in_dim3A_465, %iota3A, %broadcast_in_dim3A_647], %gather3A_648 : memref<2x16x128xf32, #tpu.memory_space<vmem>>[vector<16xi32>, vector<16xi32>, vector<16xi32>], vector<16xf32>,
        %broadcast_in_dim3A_649 = arith.constant 61 : i32
        %broadcast_in_dim3A_650 = vector.broadcast %broadcast_in_dim3A_649 : i32 to vector<16xi32>
        %gather3A_651 = tpu.vector_load_idx %arg11[%broadcast_in_dim3A_466, %broadcast_in_dim3A_650, %select_n3A_443] : memref<2x64x512xf32, #tpu.memory_space<vmem>>[vector<16xi32>, vector<16xi32>, vector<16xi32>], vector<16xf32>,
        tpu.vector_store_idx %arg13[%broadcast_in_dim3A_465, %iota3A, %broadcast_in_dim3A_650], %gather3A_651 : memref<2x16x128xf32, #tpu.memory_space<vmem>>[vector<16xi32>, vector<16xi32>, vector<16xi32>], vector<16xf32>,
        %broadcast_in_dim3A_652 = arith.constant 62 : i32
        %broadcast_in_dim3A_653 = vector.broadcast %broadcast_in_dim3A_652 : i32 to vector<16xi32>
        %gather3A_654 = tpu.vector_load_idx %arg11[%broadcast_in_dim3A_466, %broadcast_in_dim3A_653, %select_n3A_443] : memref<2x64x512xf32, #tpu.memory_space<vmem>>[vector<16xi32>, vector<16xi32>, vector<16xi32>], vector<16xf32>,
        tpu.vector_store_idx %arg13[%broadcast_in_dim3A_465, %iota3A, %broadcast_in_dim3A_653], %gather3A_654 : memref<2x16x128xf32, #tpu.memory_space<vmem>>[vector<16xi32>, vector<16xi32>, vector<16xi32>], vector<16xf32>,
        %broadcast_in_dim3A_655 = arith.constant 63 : i32
        %broadcast_in_dim3A_656 = vector.broadcast %broadcast_in_dim3A_655 : i32 to vector<16xi32>
        %gather3A_657 = tpu.vector_load_idx %arg11[%broadcast_in_dim3A_466, %broadcast_in_dim3A_656, %select_n3A_443] : memref<2x64x512xf32, #tpu.memory_space<vmem>>[vector<16xi32>, vector<16xi32>, vector<16xi32>], vector<16xf32>,
        tpu.vector_store_idx %arg13[%broadcast_in_dim3A_465, %iota3A, %broadcast_in_dim3A_656], %gather3A_657 : memref<2x16x128xf32, #tpu.memory_space<vmem>>[vector<16xi32>, vector<16xi32>, vector<16xi32>], vector<16xf32>,
        %dma_start3A_658 = arith.constant 0 : i32
        %dma_start3A_659 = arith.constant 0 : i32
        %dma_start3A_660 = tpu.memref_slice %arg13[%and3A_422, %dma_start3A_658, %dma_start3A_659] : memref<2x16x128xf32, #tpu.memory_space<vmem>> -> memref<1x16x128xf32, #tpu.memory_space<vmem>>
        %dma_start3A_661 = tpu.memref_squeeze %dma_start3A_660 : memref<1x16x128xf32, #tpu.memory_space<vmem>> -> memref<16x128xf32, #tpu.memory_space<vmem>>
        %dma_start3A_662 = arith.constant 0 : i32
        %dma_start3A_663 = tpu.memref_slice %arg12[%and3A_422, %dma_start3A_662] : memref<2x16xi32, #tpu.memory_space<vmem>> -> memref<1x16xi32, #tpu.memory_space<vmem>>
        %dma_start3A_664 = tpu.memref_squeeze %dma_start3A_663 : memref<1x16xi32, #tpu.memory_space<vmem>> -> memref<16xi32, #tpu.memory_space<vmem>>
        %dma_start3A_665 = arith.constant 0 : i32
        %dma_start3A_666 = arith.constant 0 : i32
        %dma_start3A_667 = tpu.memref_slice %arg5[%dma_start3A_665, %dma_start3A_666] : memref<18432x128xf32, #tpu.memory_space<hbm>> -> memref<18432x128xf32, #tpu.memory_space<hbm>>
        %dma_start3A_668 = tpu.memref_slice %arg15[%and3A_422] : memref<2x!tpu.dma_semaphore, #tpu.memory_space<semaphore_mem>> -> memref<1x!tpu.dma_semaphore, #tpu.memory_space<semaphore_mem>>
        %dma_start3A_669 = tpu.memref_squeeze %dma_start3A_668 : memref<1x!tpu.dma_semaphore, #tpu.memory_space<semaphore_mem>> -> memref<!tpu.dma_semaphore, #tpu.memory_space<semaphore_mem>>
        tpu.enqueue_indirect_dma source(%dma_start3A_661 : memref<16x128xf32, #tpu.memory_space<vmem>>) target(%dma_start3A_667 : memref<18432x128xf32, #tpu.memory_space<hbm>>) offsets(%dma_start3A_664 : memref<16xi32, #tpu.memory_space<vmem>>) semaphore(%dma_start3A_669 : memref<!tpu.dma_semaphore, #tpu.memory_space<semaphore_mem>>)
        %add3A_670 = arith.constant 1 : i32
        %add3A_671 = arith.addi %while3A_420, %add3A_670 : i32
        scf.yield %add3A_671 : i32
      }
      %while3A_412 = arith.constant 1 : i32
      %while3A_413 = scf.for %while3A_419 = %while3A_409 to %while3A_405 step %while3A_412 iter_args(%while3A_420 = %while3A_411) -> (i32)  : i32 {
        %and3A_421 = arith.constant 1 : i32
        %and3A_422 = arith.andi %while3A_420, %and3A_421 : i32
        %mul3A_423 = arith.constant 16 : i32
        %mul3A_424 = arith.muli %while3A_419, %mul3A_423 : i32
        %add3A_425 = arith.addi %while3A_214, %mul3A_424 : i32
        %get3A_426 = arith.index_cast %add3A_425 : i32 to index
        %get3A_427 = tpu.vector_load %arg7[%get3A_426] {strides = array<i32>} : memref<17408xi32, #tpu.memory_space<vmem>>, vector<16xi32>,
        %sub3A_428 = vector.broadcast %mul3A_399 : i32 to vector<16xi32>
        %sub3A_429 = arith.subi %get3A_427, %sub3A_428 : vector<16xi32>
        %mul3A_430 = arith.constant 16 : i32
        %mul3A_431 = arith.muli %while3A_419, %mul3A_430 : i32
        %add3A_432 = arith.addi %while3A_214, %mul3A_431 : i32
        %get3A_433 = arith.index_cast %add3A_432 : i32 to index
        %get3A_434 = tpu.vector_load %arg8[%get3A_433] {strides = array<i32>} : memref<17408xi32, #tpu.memory_space<vmem>>, vector<16xi32>,
        %mul3A_435 = arith.constant 16 : i32
        %mul3A_436 = arith.muli %while3A_419, %mul3A_435 : i32
        %add3A_437 = vector.broadcast %mul3A_436 : i32 to vector<16xi32>
        %add3A_438 = arith.addi %add3A_437, %iota3A : vector<16xi32>
        %lt3A_439 = vector.broadcast %add3A_395 : i32 to vector<16xi32>
        %lt3A_440 = arith.cmpi slt, %add3A_438, %lt3A_439 : vector<16xi32>
        %jit3A_441 = arith.constant 0 : i32
        %broadcast_in_dim3A_442 = vector.broadcast %jit3A_441 : i32 to vector<16xi32>
        %select_n3A_443 = arith.select %lt3A_440, %sub3A_429, %broadcast_in_dim3A_442 : vector<16xi1>, vector<16xi32>
        %mul3A_444 = arith.constant 16 : i32
        %mul3A_445 = arith.muli %while3A_419, %mul3A_444 : i32
        %add3A_446 = vector.broadcast %mul3A_445 : i32 to vector<16xi32>
        %add3A_447 = arith.addi %add3A_446, %iota3A : vector<16xi32>
        %mul3A_448 = arith.constant 64 : i32
        %mul3A_449 = arith.muli %add3A, %mul3A_448 : i32
        %add3A_450 = vector.broadcast %mul3A_449 : i32 to vector<16xi32>
        %add3A_451 = arith.addi %add3A_447, %add3A_450 : vector<16xi32>
        %and3A_452 = arith.constant 2047 : i32
        %and3A_453 = vector.broadcast %and3A_452 : i32 to vector<16xi32>
        %and3A_454 = arith.andi %add3A_451, %and3A_453 : vector<16xi32>
        %add3A_455 = arith.constant 16384 : i32
        %add3A_456 = vector.broadcast %add3A_455 : i32 to vector<16xi32>
        %add3A_457 = arith.addi %add3A_456, %and3A_454 : vector<16xi32>
        %ge3A_458 = arith.constant 2 : i32
        %ge3A_459 = arith.cmpi sge, %while3A_420, %ge3A_458 : i32
        %convert_element_type3A_460 = arith.extui %ge3A_459 : i1 to i32
        %cond3A_461 = arith.constant 0 : i32
        %cond3A_462 = arith.cmpi ne, %convert_element_type3A_460, %cond3A_461 : i32
        scf.if %cond3A_462 {
          %dma_wait3A_672 = arith.constant 0 : i32
          %dma_wait3A_673 = arith.constant 0 : i32
          %dma_wait3A_674 = tpu.memref_slice %arg13[%and3A_422, %dma_wait3A_672, %dma_wait3A_673] : memref<2x16x128xf32, #tpu.memory_space<vmem>> -> memref<1x16x128xf32, #tpu.memory_space<vmem>>
          %dma_wait3A_675 = tpu.memref_squeeze %dma_wait3A_674 : memref<1x16x128xf32, #tpu.memory_space<vmem>> -> memref<16x128xf32, #tpu.memory_space<vmem>>
          %dma_wait3A_676 = arith.constant 0 : i32
          %dma_wait3A_677 = tpu.memref_slice %arg12[%and3A_422, %dma_wait3A_676] : memref<2x16xi32, #tpu.memory_space<vmem>> -> memref<1x16xi32, #tpu.memory_space<vmem>>
          %dma_wait3A_678 = tpu.memref_squeeze %dma_wait3A_677 : memref<1x16xi32, #tpu.memory_space<vmem>> -> memref<16xi32, #tpu.memory_space<vmem>>
          %dma_wait3A_679 = arith.constant 0 : i32
          %dma_wait3A_680 = arith.constant 0 : i32
          %dma_wait3A_681 = tpu.memref_slice %arg5[%dma_wait3A_679, %dma_wait3A_680] : memref<18432x128xf32, #tpu.memory_space<hbm>> -> memref<18432x128xf32, #tpu.memory_space<hbm>>
          %dma_wait3A_682 = tpu.memref_slice %arg15[%and3A_422] : memref<2x!tpu.dma_semaphore, #tpu.memory_space<semaphore_mem>> -> memref<1x!tpu.dma_semaphore, #tpu.memory_space<semaphore_mem>>
          %dma_wait3A_683 = tpu.memref_squeeze %dma_wait3A_682 : memref<1x!tpu.dma_semaphore, #tpu.memory_space<semaphore_mem>> -> memref<!tpu.dma_semaphore, #tpu.memory_space<semaphore_mem>>
          tpu.wait_indirect_dma semaphore(%dma_wait3A_683 : memref<!tpu.dma_semaphore, #tpu.memory_space<semaphore_mem>>) src(%dma_wait3A_675 : memref<16x128xf32, #tpu.memory_space<vmem>>) dst(%dma_wait3A_681 : memref<18432x128xf32, #tpu.memory_space<hbm>>)
        } else {
        }
        %broadcast_in_dim3A_463 = vector.broadcast %and3A_422 : i32 to vector<16xi32>
        %select_n3A_464 = arith.select %lt3A_440, %get3A_434, %add3A_457 : vector<16xi1>, vector<16xi32>
        tpu.vector_store_idx %arg12[%broadcast_in_dim3A_463, %iota3A], %select_n3A_464 : memref<2x16xi32, #tpu.memory_space<vmem>>[vector<16xi32>, vector<16xi32>], vector<16xi32>,
        %broadcast_in_dim3A_465 = vector.broadcast %and3A_422 : i32 to vector<16xi32>
        %broadcast_in_dim3A_466 = vector.broadcast %and3A_397 : i32 to vector<16xi32>
        %broadcast_in_dim3A_467 = arith.constant 0 : i32
        %broadcast_in_dim3A_468 = vector.broadcast %broadcast_in_dim3A_467 : i32 to vector<16xi32>
        %gather3A = tpu.vector_load_idx %arg11[%broadcast_in_dim3A_466, %broadcast_in_dim3A_468, %select_n3A_443] : memref<2x64x512xf32, #tpu.memory_space<vmem>>[vector<16xi32>, vector<16xi32>, vector<16xi32>], vector<16xf32>,
        tpu.vector_store_idx %arg13[%broadcast_in_dim3A_465, %iota3A, %broadcast_in_dim3A_468], %gather3A : memref<2x16x128xf32, #tpu.memory_space<vmem>>[vector<16xi32>, vector<16xi32>, vector<16xi32>], vector<16xf32>,
        %broadcast_in_dim3A_469 = arith.constant 1 : i32
        %broadcast_in_dim3A_470 = vector.broadcast %broadcast_in_dim3A_469 : i32 to vector<16xi32>
        %gather3A_471 = tpu.vector_load_idx %arg11[%broadcast_in_dim3A_466, %broadcast_in_dim3A_470, %select_n3A_443] : memref<2x64x512xf32, #tpu.memory_space<vmem>>[vector<16xi32>, vector<16xi32>, vector<16xi32>], vector<16xf32>,
        tpu.vector_store_idx %arg13[%broadcast_in_dim3A_465, %iota3A, %broadcast_in_dim3A_470], %gather3A_471 : memref<2x16x128xf32, #tpu.memory_space<vmem>>[vector<16xi32>, vector<16xi32>, vector<16xi32>], vector<16xf32>,
        %broadcast_in_dim3A_472 = arith.constant 2 : i32
        %broadcast_in_dim3A_473 = vector.broadcast %broadcast_in_dim3A_472 : i32 to vector<16xi32>
        %gather3A_474 = tpu.vector_load_idx %arg11[%broadcast_in_dim3A_466, %broadcast_in_dim3A_473, %select_n3A_443] : memref<2x64x512xf32, #tpu.memory_space<vmem>>[vector<16xi32>, vector<16xi32>, vector<16xi32>], vector<16xf32>,
        tpu.vector_store_idx %arg13[%broadcast_in_dim3A_465, %iota3A, %broadcast_in_dim3A_473], %gather3A_474 : memref<2x16x128xf32, #tpu.memory_space<vmem>>[vector<16xi32>, vector<16xi32>, vector<16xi32>], vector<16xf32>,
        %broadcast_in_dim3A_475 = arith.constant 3 : i32
        %broadcast_in_dim3A_476 = vector.broadcast %broadcast_in_dim3A_475 : i32 to vector<16xi32>
        %gather3A_477 = tpu.vector_load_idx %arg11[%broadcast_in_dim3A_466, %broadcast_in_dim3A_476, %select_n3A_443] : memref<2x64x512xf32, #tpu.memory_space<vmem>>[vector<16xi32>, vector<16xi32>, vector<16xi32>], vector<16xf32>,
        tpu.vector_store_idx %arg13[%broadcast_in_dim3A_465, %iota3A, %broadcast_in_dim3A_476], %gather3A_477 : memref<2x16x128xf32, #tpu.memory_space<vmem>>[vector<16xi32>, vector<16xi32>, vector<16xi32>], vector<16xf32>,
        %broadcast_in_dim3A_478 = arith.constant 4 : i32
        %broadcast_in_dim3A_479 = vector.broadcast %broadcast_in_dim3A_478 : i32 to vector<16xi32>
        %gather3A_480 = tpu.vector_load_idx %arg11[%broadcast_in_dim3A_466, %broadcast_in_dim3A_479, %select_n3A_443] : memref<2x64x512xf32, #tpu.memory_space<vmem>>[vector<16xi32>, vector<16xi32>, vector<16xi32>], vector<16xf32>,
        tpu.vector_store_idx %arg13[%broadcast_in_dim3A_465, %iota3A, %broadcast_in_dim3A_479], %gather3A_480 : memref<2x16x128xf32, #tpu.memory_space<vmem>>[vector<16xi32>, vector<16xi32>, vector<16xi32>], vector<16xf32>,
        %broadcast_in_dim3A_481 = arith.constant 5 : i32
        %broadcast_in_dim3A_482 = vector.broadcast %broadcast_in_dim3A_481 : i32 to vector<16xi32>
        %gather3A_483 = tpu.vector_load_idx %arg11[%broadcast_in_dim3A_466, %broadcast_in_dim3A_482, %select_n3A_443] : memref<2x64x512xf32, #tpu.memory_space<vmem>>[vector<16xi32>, vector<16xi32>, vector<16xi32>], vector<16xf32>,
        tpu.vector_store_idx %arg13[%broadcast_in_dim3A_465, %iota3A, %broadcast_in_dim3A_482], %gather3A_483 : memref<2x16x128xf32, #tpu.memory_space<vmem>>[vector<16xi32>, vector<16xi32>, vector<16xi32>], vector<16xf32>,
        %broadcast_in_dim3A_484 = arith.constant 6 : i32
        %broadcast_in_dim3A_485 = vector.broadcast %broadcast_in_dim3A_484 : i32 to vector<16xi32>
        %gather3A_486 = tpu.vector_load_idx %arg11[%broadcast_in_dim3A_466, %broadcast_in_dim3A_485, %select_n3A_443] : memref<2x64x512xf32, #tpu.memory_space<vmem>>[vector<16xi32>, vector<16xi32>, vector<16xi32>], vector<16xf32>,
        tpu.vector_store_idx %arg13[%broadcast_in_dim3A_465, %iota3A, %broadcast_in_dim3A_485], %gather3A_486 : memref<2x16x128xf32, #tpu.memory_space<vmem>>[vector<16xi32>, vector<16xi32>, vector<16xi32>], vector<16xf32>,
        %broadcast_in_dim3A_487 = arith.constant 7 : i32
        %broadcast_in_dim3A_488 = vector.broadcast %broadcast_in_dim3A_487 : i32 to vector<16xi32>
        %gather3A_489 = tpu.vector_load_idx %arg11[%broadcast_in_dim3A_466, %broadcast_in_dim3A_488, %select_n3A_443] : memref<2x64x512xf32, #tpu.memory_space<vmem>>[vector<16xi32>, vector<16xi32>, vector<16xi32>], vector<16xf32>,
        tpu.vector_store_idx %arg13[%broadcast_in_dim3A_465, %iota3A, %broadcast_in_dim3A_488], %gather3A_489 : memref<2x16x128xf32, #tpu.memory_space<vmem>>[vector<16xi32>, vector<16xi32>, vector<16xi32>], vector<16xf32>,
        %broadcast_in_dim3A_490 = arith.constant 8 : i32
        %broadcast_in_dim3A_491 = vector.broadcast %broadcast_in_dim3A_490 : i32 to vector<16xi32>
        %gather3A_492 = tpu.vector_load_idx %arg11[%broadcast_in_dim3A_466, %broadcast_in_dim3A_491, %select_n3A_443] : memref<2x64x512xf32, #tpu.memory_space<vmem>>[vector<16xi32>, vector<16xi32>, vector<16xi32>], vector<16xf32>,
        tpu.vector_store_idx %arg13[%broadcast_in_dim3A_465, %iota3A, %broadcast_in_dim3A_491], %gather3A_492 : memref<2x16x128xf32, #tpu.memory_space<vmem>>[vector<16xi32>, vector<16xi32>, vector<16xi32>], vector<16xf32>,
        %broadcast_in_dim3A_493 = arith.constant 9 : i32
        %broadcast_in_dim3A_494 = vector.broadcast %broadcast_in_dim3A_493 : i32 to vector<16xi32>
        %gather3A_495 = tpu.vector_load_idx %arg11[%broadcast_in_dim3A_466, %broadcast_in_dim3A_494, %select_n3A_443] : memref<2x64x512xf32, #tpu.memory_space<vmem>>[vector<16xi32>, vector<16xi32>, vector<16xi32>], vector<16xf32>,
        tpu.vector_store_idx %arg13[%broadcast_in_dim3A_465, %iota3A, %broadcast_in_dim3A_494], %gather3A_495 : memref<2x16x128xf32, #tpu.memory_space<vmem>>[vector<16xi32>, vector<16xi32>, vector<16xi32>], vector<16xf32>,
        %broadcast_in_dim3A_496 = arith.constant 10 : i32
        %broadcast_in_dim3A_497 = vector.broadcast %broadcast_in_dim3A_496 : i32 to vector<16xi32>
        %gather3A_498 = tpu.vector_load_idx %arg11[%broadcast_in_dim3A_466, %broadcast_in_dim3A_497, %select_n3A_443] : memref<2x64x512xf32, #tpu.memory_space<vmem>>[vector<16xi32>, vector<16xi32>, vector<16xi32>], vector<16xf32>,
        tpu.vector_store_idx %arg13[%broadcast_in_dim3A_465, %iota3A, %broadcast_in_dim3A_497], %gather3A_498 : memref<2x16x128xf32, #tpu.memory_space<vmem>>[vector<16xi32>, vector<16xi32>, vector<16xi32>], vector<16xf32>,
        %broadcast_in_dim3A_499 = arith.constant 11 : i32
        %broadcast_in_dim3A_500 = vector.broadcast %broadcast_in_dim3A_499 : i32 to vector<16xi32>
        %gather3A_501 = tpu.vector_load_idx %arg11[%broadcast_in_dim3A_466, %broadcast_in_dim3A_500, %select_n3A_443] : memref<2x64x512xf32, #tpu.memory_space<vmem>>[vector<16xi32>, vector<16xi32>, vector<16xi32>], vector<16xf32>,
        tpu.vector_store_idx %arg13[%broadcast_in_dim3A_465, %iota3A, %broadcast_in_dim3A_500], %gather3A_501 : memref<2x16x128xf32, #tpu.memory_space<vmem>>[vector<16xi32>, vector<16xi32>, vector<16xi32>], vector<16xf32>,
        %broadcast_in_dim3A_502 = arith.constant 12 : i32
        %broadcast_in_dim3A_503 = vector.broadcast %broadcast_in_dim3A_502 : i32 to vector<16xi32>
        %gather3A_504 = tpu.vector_load_idx %arg11[%broadcast_in_dim3A_466, %broadcast_in_dim3A_503, %select_n3A_443] : memref<2x64x512xf32, #tpu.memory_space<vmem>>[vector<16xi32>, vector<16xi32>, vector<16xi32>], vector<16xf32>,
        tpu.vector_store_idx %arg13[%broadcast_in_dim3A_465, %iota3A, %broadcast_in_dim3A_503], %gather3A_504 : memref<2x16x128xf32, #tpu.memory_space<vmem>>[vector<16xi32>, vector<16xi32>, vector<16xi32>], vector<16xf32>,
        %broadcast_in_dim3A_505 = arith.constant 13 : i32
        %broadcast_in_dim3A_506 = vector.broadcast %broadcast_in_dim3A_505 : i32 to vector<16xi32>
        %gather3A_507 = tpu.vector_load_idx %arg11[%broadcast_in_dim3A_466, %broadcast_in_dim3A_506, %select_n3A_443] : memref<2x64x512xf32, #tpu.memory_space<vmem>>[vector<16xi32>, vector<16xi32>, vector<16xi32>], vector<16xf32>,
        tpu.vector_store_idx %arg13[%broadcast_in_dim3A_465, %iota3A, %broadcast_in_dim3A_506], %gather3A_507 : memref<2x16x128xf32, #tpu.memory_space<vmem>>[vector<16xi32>, vector<16xi32>, vector<16xi32>], vector<16xf32>,
        %broadcast_in_dim3A_508 = arith.constant 14 : i32
        %broadcast_in_dim3A_509 = vector.broadcast %broadcast_in_dim3A_508 : i32 to vector<16xi32>
        %gather3A_510 = tpu.vector_load_idx %arg11[%broadcast_in_dim3A_466, %broadcast_in_dim3A_509, %select_n3A_443] : memref<2x64x512xf32, #tpu.memory_space<vmem>>[vector<16xi32>, vector<16xi32>, vector<16xi32>], vector<16xf32>,
        tpu.vector_store_idx %arg13[%broadcast_in_dim3A_465, %iota3A, %broadcast_in_dim3A_509], %gather3A_510 : memref<2x16x128xf32, #tpu.memory_space<vmem>>[vector<16xi32>, vector<16xi32>, vector<16xi32>], vector<16xf32>,
        %broadcast_in_dim3A_511 = arith.constant 15 : i32
        %broadcast_in_dim3A_512 = vector.broadcast %broadcast_in_dim3A_511 : i32 to vector<16xi32>
        %gather3A_513 = tpu.vector_load_idx %arg11[%broadcast_in_dim3A_466, %broadcast_in_dim3A_512, %select_n3A_443] : memref<2x64x512xf32, #tpu.memory_space<vmem>>[vector<16xi32>, vector<16xi32>, vector<16xi32>], vector<16xf32>,
        tpu.vector_store_idx %arg13[%broadcast_in_dim3A_465, %iota3A, %broadcast_in_dim3A_512], %gather3A_513 : memref<2x16x128xf32, #tpu.memory_space<vmem>>[vector<16xi32>, vector<16xi32>, vector<16xi32>], vector<16xf32>,
        %broadcast_in_dim3A_514 = arith.constant 16 : i32
        %broadcast_in_dim3A_515 = vector.broadcast %broadcast_in_dim3A_514 : i32 to vector<16xi32>
        %gather3A_516 = tpu.vector_load_idx %arg11[%broadcast_in_dim3A_466, %broadcast_in_dim3A_515, %select_n3A_443] : memref<2x64x512xf32, #tpu.memory_space<vmem>>[vector<16xi32>, vector<16xi32>, vector<16xi32>], vector<16xf32>,
        tpu.vector_store_idx %arg13[%broadcast_in_dim3A_465, %iota3A, %broadcast_in_dim3A_515], %gather3A_516 : memref<2x16x128xf32, #tpu.memory_space<vmem>>[vector<16xi32>, vector<16xi32>, vector<16xi32>], vector<16xf32>,
        %broadcast_in_dim3A_517 = arith.constant 17 : i32
        %broadcast_in_dim3A_518 = vector.broadcast %broadcast_in_dim3A_517 : i32 to vector<16xi32>
        %gather3A_519 = tpu.vector_load_idx %arg11[%broadcast_in_dim3A_466, %broadcast_in_dim3A_518, %select_n3A_443] : memref<2x64x512xf32, #tpu.memory_space<vmem>>[vector<16xi32>, vector<16xi32>, vector<16xi32>], vector<16xf32>,
        tpu.vector_store_idx %arg13[%broadcast_in_dim3A_465, %iota3A, %broadcast_in_dim3A_518], %gather3A_519 : memref<2x16x128xf32, #tpu.memory_space<vmem>>[vector<16xi32>, vector<16xi32>, vector<16xi32>], vector<16xf32>,
        %broadcast_in_dim3A_520 = arith.constant 18 : i32
        %broadcast_in_dim3A_521 = vector.broadcast %broadcast_in_dim3A_520 : i32 to vector<16xi32>
        %gather3A_522 = tpu.vector_load_idx %arg11[%broadcast_in_dim3A_466, %broadcast_in_dim3A_521, %select_n3A_443] : memref<2x64x512xf32, #tpu.memory_space<vmem>>[vector<16xi32>, vector<16xi32>, vector<16xi32>], vector<16xf32>,
        tpu.vector_store_idx %arg13[%broadcast_in_dim3A_465, %iota3A, %broadcast_in_dim3A_521], %gather3A_522 : memref<2x16x128xf32, #tpu.memory_space<vmem>>[vector<16xi32>, vector<16xi32>, vector<16xi32>], vector<16xf32>,
        %broadcast_in_dim3A_523 = arith.constant 19 : i32
        %broadcast_in_dim3A_524 = vector.broadcast %broadcast_in_dim3A_523 : i32 to vector<16xi32>
        %gather3A_525 = tpu.vector_load_idx %arg11[%broadcast_in_dim3A_466, %broadcast_in_dim3A_524, %select_n3A_443] : memref<2x64x512xf32, #tpu.memory_space<vmem>>[vector<16xi32>, vector<16xi32>, vector<16xi32>], vector<16xf32>,
        tpu.vector_store_idx %arg13[%broadcast_in_dim3A_465, %iota3A, %broadcast_in_dim3A_524], %gather3A_525 : memref<2x16x128xf32, #tpu.memory_space<vmem>>[vector<16xi32>, vector<16xi32>, vector<16xi32>], vector<16xf32>,
        %broadcast_in_dim3A_526 = arith.constant 20 : i32
        %broadcast_in_dim3A_527 = vector.broadcast %broadcast_in_dim3A_526 : i32 to vector<16xi32>
        %gather3A_528 = tpu.vector_load_idx %arg11[%broadcast_in_dim3A_466, %broadcast_in_dim3A_527, %select_n3A_443] : memref<2x64x512xf32, #tpu.memory_space<vmem>>[vector<16xi32>, vector<16xi32>, vector<16xi32>], vector<16xf32>,
        tpu.vector_store_idx %arg13[%broadcast_in_dim3A_465, %iota3A, %broadcast_in_dim3A_527], %gather3A_528 : memref<2x16x128xf32, #tpu.memory_space<vmem>>[vector<16xi32>, vector<16xi32>, vector<16xi32>], vector<16xf32>,
        %broadcast_in_dim3A_529 = arith.constant 21 : i32
        %broadcast_in_dim3A_530 = vector.broadcast %broadcast_in_dim3A_529 : i32 to vector<16xi32>
        %gather3A_531 = tpu.vector_load_idx %arg11[%broadcast_in_dim3A_466, %broadcast_in_dim3A_530, %select_n3A_443] : memref<2x64x512xf32, #tpu.memory_space<vmem>>[vector<16xi32>, vector<16xi32>, vector<16xi32>], vector<16xf32>,
        tpu.vector_store_idx %arg13[%broadcast_in_dim3A_465, %iota3A, %broadcast_in_dim3A_530], %gather3A_531 : memref<2x16x128xf32, #tpu.memory_space<vmem>>[vector<16xi32>, vector<16xi32>, vector<16xi32>], vector<16xf32>,
        %broadcast_in_dim3A_532 = arith.constant 22 : i32
        %broadcast_in_dim3A_533 = vector.broadcast %broadcast_in_dim3A_532 : i32 to vector<16xi32>
        %gather3A_534 = tpu.vector_load_idx %arg11[%broadcast_in_dim3A_466, %broadcast_in_dim3A_533, %select_n3A_443] : memref<2x64x512xf32, #tpu.memory_space<vmem>>[vector<16xi32>, vector<16xi32>, vector<16xi32>], vector<16xf32>,
        tpu.vector_store_idx %arg13[%broadcast_in_dim3A_465, %iota3A, %broadcast_in_dim3A_533], %gather3A_534 : memref<2x16x128xf32, #tpu.memory_space<vmem>>[vector<16xi32>, vector<16xi32>, vector<16xi32>], vector<16xf32>,
        %broadcast_in_dim3A_535 = arith.constant 23 : i32
        %broadcast_in_dim3A_536 = vector.broadcast %broadcast_in_dim3A_535 : i32 to vector<16xi32>
        %gather3A_537 = tpu.vector_load_idx %arg11[%broadcast_in_dim3A_466, %broadcast_in_dim3A_536, %select_n3A_443] : memref<2x64x512xf32, #tpu.memory_space<vmem>>[vector<16xi32>, vector<16xi32>, vector<16xi32>], vector<16xf32>,
        tpu.vector_store_idx %arg13[%broadcast_in_dim3A_465, %iota3A, %broadcast_in_dim3A_536], %gather3A_537 : memref<2x16x128xf32, #tpu.memory_space<vmem>>[vector<16xi32>, vector<16xi32>, vector<16xi32>], vector<16xf32>,
        %broadcast_in_dim3A_538 = arith.constant 24 : i32
        %broadcast_in_dim3A_539 = vector.broadcast %broadcast_in_dim3A_538 : i32 to vector<16xi32>
        %gather3A_540 = tpu.vector_load_idx %arg11[%broadcast_in_dim3A_466, %broadcast_in_dim3A_539, %select_n3A_443] : memref<2x64x512xf32, #tpu.memory_space<vmem>>[vector<16xi32>, vector<16xi32>, vector<16xi32>], vector<16xf32>,
        tpu.vector_store_idx %arg13[%broadcast_in_dim3A_465, %iota3A, %broadcast_in_dim3A_539], %gather3A_540 : memref<2x16x128xf32, #tpu.memory_space<vmem>>[vector<16xi32>, vector<16xi32>, vector<16xi32>], vector<16xf32>,
        %broadcast_in_dim3A_541 = arith.constant 25 : i32
        %broadcast_in_dim3A_542 = vector.broadcast %broadcast_in_dim3A_541 : i32 to vector<16xi32>
        %gather3A_543 = tpu.vector_load_idx %arg11[%broadcast_in_dim3A_466, %broadcast_in_dim3A_542, %select_n3A_443] : memref<2x64x512xf32, #tpu.memory_space<vmem>>[vector<16xi32>, vector<16xi32>, vector<16xi32>], vector<16xf32>,
        tpu.vector_store_idx %arg13[%broadcast_in_dim3A_465, %iota3A, %broadcast_in_dim3A_542], %gather3A_543 : memref<2x16x128xf32, #tpu.memory_space<vmem>>[vector<16xi32>, vector<16xi32>, vector<16xi32>], vector<16xf32>,
        %broadcast_in_dim3A_544 = arith.constant 26 : i32
        %broadcast_in_dim3A_545 = vector.broadcast %broadcast_in_dim3A_544 : i32 to vector<16xi32>
        %gather3A_546 = tpu.vector_load_idx %arg11[%broadcast_in_dim3A_466, %broadcast_in_dim3A_545, %select_n3A_443] : memref<2x64x512xf32, #tpu.memory_space<vmem>>[vector<16xi32>, vector<16xi32>, vector<16xi32>], vector<16xf32>,
        tpu.vector_store_idx %arg13[%broadcast_in_dim3A_465, %iota3A, %broadcast_in_dim3A_545], %gather3A_546 : memref<2x16x128xf32, #tpu.memory_space<vmem>>[vector<16xi32>, vector<16xi32>, vector<16xi32>], vector<16xf32>,
        %broadcast_in_dim3A_547 = arith.constant 27 : i32
        %broadcast_in_dim3A_548 = vector.broadcast %broadcast_in_dim3A_547 : i32 to vector<16xi32>
        %gather3A_549 = tpu.vector_load_idx %arg11[%broadcast_in_dim3A_466, %broadcast_in_dim3A_548, %select_n3A_443] : memref<2x64x512xf32, #tpu.memory_space<vmem>>[vector<16xi32>, vector<16xi32>, vector<16xi32>], vector<16xf32>,
        tpu.vector_store_idx %arg13[%broadcast_in_dim3A_465, %iota3A, %broadcast_in_dim3A_548], %gather3A_549 : memref<2x16x128xf32, #tpu.memory_space<vmem>>[vector<16xi32>, vector<16xi32>, vector<16xi32>], vector<16xf32>,
        %broadcast_in_dim3A_550 = arith.constant 28 : i32
        %broadcast_in_dim3A_551 = vector.broadcast %broadcast_in_dim3A_550 : i32 to vector<16xi32>
        %gather3A_552 = tpu.vector_load_idx %arg11[%broadcast_in_dim3A_466, %broadcast_in_dim3A_551, %select_n3A_443] : memref<2x64x512xf32, #tpu.memory_space<vmem>>[vector<16xi32>, vector<16xi32>, vector<16xi32>], vector<16xf32>,
        tpu.vector_store_idx %arg13[%broadcast_in_dim3A_465, %iota3A, %broadcast_in_dim3A_551], %gather3A_552 : memref<2x16x128xf32, #tpu.memory_space<vmem>>[vector<16xi32>, vector<16xi32>, vector<16xi32>], vector<16xf32>,
        %broadcast_in_dim3A_553 = arith.constant 29 : i32
        %broadcast_in_dim3A_554 = vector.broadcast %broadcast_in_dim3A_553 : i32 to vector<16xi32>
        %gather3A_555 = tpu.vector_load_idx %arg11[%broadcast_in_dim3A_466, %broadcast_in_dim3A_554, %select_n3A_443] : memref<2x64x512xf32, #tpu.memory_space<vmem>>[vector<16xi32>, vector<16xi32>, vector<16xi32>], vector<16xf32>,
        tpu.vector_store_idx %arg13[%broadcast_in_dim3A_465, %iota3A, %broadcast_in_dim3A_554], %gather3A_555 : memref<2x16x128xf32, #tpu.memory_space<vmem>>[vector<16xi32>, vector<16xi32>, vector<16xi32>], vector<16xf32>,
        %broadcast_in_dim3A_556 = arith.constant 30 : i32
        %broadcast_in_dim3A_557 = vector.broadcast %broadcast_in_dim3A_556 : i32 to vector<16xi32>
        %gather3A_558 = tpu.vector_load_idx %arg11[%broadcast_in_dim3A_466, %broadcast_in_dim3A_557, %select_n3A_443] : memref<2x64x512xf32, #tpu.memory_space<vmem>>[vector<16xi32>, vector<16xi32>, vector<16xi32>], vector<16xf32>,
        tpu.vector_store_idx %arg13[%broadcast_in_dim3A_465, %iota3A, %broadcast_in_dim3A_557], %gather3A_558 : memref<2x16x128xf32, #tpu.memory_space<vmem>>[vector<16xi32>, vector<16xi32>, vector<16xi32>], vector<16xf32>,
        %broadcast_in_dim3A_559 = arith.constant 31 : i32
        %broadcast_in_dim3A_560 = vector.broadcast %broadcast_in_dim3A_559 : i32 to vector<16xi32>
        %gather3A_561 = tpu.vector_load_idx %arg11[%broadcast_in_dim3A_466, %broadcast_in_dim3A_560, %select_n3A_443] : memref<2x64x512xf32, #tpu.memory_space<vmem>>[vector<16xi32>, vector<16xi32>, vector<16xi32>], vector<16xf32>,
        tpu.vector_store_idx %arg13[%broadcast_in_dim3A_465, %iota3A, %broadcast_in_dim3A_560], %gather3A_561 : memref<2x16x128xf32, #tpu.memory_space<vmem>>[vector<16xi32>, vector<16xi32>, vector<16xi32>], vector<16xf32>,
        %broadcast_in_dim3A_562 = arith.constant 32 : i32
        %broadcast_in_dim3A_563 = vector.broadcast %broadcast_in_dim3A_562 : i32 to vector<16xi32>
        %gather3A_564 = tpu.vector_load_idx %arg11[%broadcast_in_dim3A_466, %broadcast_in_dim3A_563, %select_n3A_443] : memref<2x64x512xf32, #tpu.memory_space<vmem>>[vector<16xi32>, vector<16xi32>, vector<16xi32>], vector<16xf32>,
        tpu.vector_store_idx %arg13[%broadcast_in_dim3A_465, %iota3A, %broadcast_in_dim3A_563], %gather3A_564 : memref<2x16x128xf32, #tpu.memory_space<vmem>>[vector<16xi32>, vector<16xi32>, vector<16xi32>], vector<16xf32>,
        %broadcast_in_dim3A_565 = arith.constant 33 : i32
        %broadcast_in_dim3A_566 = vector.broadcast %broadcast_in_dim3A_565 : i32 to vector<16xi32>
        %gather3A_567 = tpu.vector_load_idx %arg11[%broadcast_in_dim3A_466, %broadcast_in_dim3A_566, %select_n3A_443] : memref<2x64x512xf32, #tpu.memory_space<vmem>>[vector<16xi32>, vector<16xi32>, vector<16xi32>], vector<16xf32>,
        tpu.vector_store_idx %arg13[%broadcast_in_dim3A_465, %iota3A, %broadcast_in_dim3A_566], %gather3A_567 : memref<2x16x128xf32, #tpu.memory_space<vmem>>[vector<16xi32>, vector<16xi32>, vector<16xi32>], vector<16xf32>,
        %broadcast_in_dim3A_568 = arith.constant 34 : i32
        %broadcast_in_dim3A_569 = vector.broadcast %broadcast_in_dim3A_568 : i32 to vector<16xi32>
        %gather3A_570 = tpu.vector_load_idx %arg11[%broadcast_in_dim3A_466, %broadcast_in_dim3A_569, %select_n3A_443] : memref<2x64x512xf32, #tpu.memory_space<vmem>>[vector<16xi32>, vector<16xi32>, vector<16xi32>], vector<16xf32>,
        tpu.vector_store_idx %arg13[%broadcast_in_dim3A_465, %iota3A, %broadcast_in_dim3A_569], %gather3A_570 : memref<2x16x128xf32, #tpu.memory_space<vmem>>[vector<16xi32>, vector<16xi32>, vector<16xi32>], vector<16xf32>,
        %broadcast_in_dim3A_571 = arith.constant 35 : i32
        %broadcast_in_dim3A_572 = vector.broadcast %broadcast_in_dim3A_571 : i32 to vector<16xi32>
        %gather3A_573 = tpu.vector_load_idx %arg11[%broadcast_in_dim3A_466, %broadcast_in_dim3A_572, %select_n3A_443] : memref<2x64x512xf32, #tpu.memory_space<vmem>>[vector<16xi32>, vector<16xi32>, vector<16xi32>], vector<16xf32>,
        tpu.vector_store_idx %arg13[%broadcast_in_dim3A_465, %iota3A, %broadcast_in_dim3A_572], %gather3A_573 : memref<2x16x128xf32, #tpu.memory_space<vmem>>[vector<16xi32>, vector<16xi32>, vector<16xi32>], vector<16xf32>,
        %broadcast_in_dim3A_574 = arith.constant 36 : i32
        %broadcast_in_dim3A_575 = vector.broadcast %broadcast_in_dim3A_574 : i32 to vector<16xi32>
        %gather3A_576 = tpu.vector_load_idx %arg11[%broadcast_in_dim3A_466, %broadcast_in_dim3A_575, %select_n3A_443] : memref<2x64x512xf32, #tpu.memory_space<vmem>>[vector<16xi32>, vector<16xi32>, vector<16xi32>], vector<16xf32>,
        tpu.vector_store_idx %arg13[%broadcast_in_dim3A_465, %iota3A, %broadcast_in_dim3A_575], %gather3A_576 : memref<2x16x128xf32, #tpu.memory_space<vmem>>[vector<16xi32>, vector<16xi32>, vector<16xi32>], vector<16xf32>,
        %broadcast_in_dim3A_577 = arith.constant 37 : i32
        %broadcast_in_dim3A_578 = vector.broadcast %broadcast_in_dim3A_577 : i32 to vector<16xi32>
        %gather3A_579 = tpu.vector_load_idx %arg11[%broadcast_in_dim3A_466, %broadcast_in_dim3A_578, %select_n3A_443] : memref<2x64x512xf32, #tpu.memory_space<vmem>>[vector<16xi32>, vector<16xi32>, vector<16xi32>], vector<16xf32>,
        tpu.vector_store_idx %arg13[%broadcast_in_dim3A_465, %iota3A, %broadcast_in_dim3A_578], %gather3A_579 : memref<2x16x128xf32, #tpu.memory_space<vmem>>[vector<16xi32>, vector<16xi32>, vector<16xi32>], vector<16xf32>,
        %broadcast_in_dim3A_580 = arith.constant 38 : i32
        %broadcast_in_dim3A_581 = vector.broadcast %broadcast_in_dim3A_580 : i32 to vector<16xi32>
        %gather3A_582 = tpu.vector_load_idx %arg11[%broadcast_in_dim3A_466, %broadcast_in_dim3A_581, %select_n3A_443] : memref<2x64x512xf32, #tpu.memory_space<vmem>>[vector<16xi32>, vector<16xi32>, vector<16xi32>], vector<16xf32>,
        tpu.vector_store_idx %arg13[%broadcast_in_dim3A_465, %iota3A, %broadcast_in_dim3A_581], %gather3A_582 : memref<2x16x128xf32, #tpu.memory_space<vmem>>[vector<16xi32>, vector<16xi32>, vector<16xi32>], vector<16xf32>,
        %broadcast_in_dim3A_583 = arith.constant 39 : i32
        %broadcast_in_dim3A_584 = vector.broadcast %broadcast_in_dim3A_583 : i32 to vector<16xi32>
        %gather3A_585 = tpu.vector_load_idx %arg11[%broadcast_in_dim3A_466, %broadcast_in_dim3A_584, %select_n3A_443] : memref<2x64x512xf32, #tpu.memory_space<vmem>>[vector<16xi32>, vector<16xi32>, vector<16xi32>], vector<16xf32>,
        tpu.vector_store_idx %arg13[%broadcast_in_dim3A_465, %iota3A, %broadcast_in_dim3A_584], %gather3A_585 : memref<2x16x128xf32, #tpu.memory_space<vmem>>[vector<16xi32>, vector<16xi32>, vector<16xi32>], vector<16xf32>,
        %broadcast_in_dim3A_586 = arith.constant 40 : i32
        %broadcast_in_dim3A_587 = vector.broadcast %broadcast_in_dim3A_586 : i32 to vector<16xi32>
        %gather3A_588 = tpu.vector_load_idx %arg11[%broadcast_in_dim3A_466, %broadcast_in_dim3A_587, %select_n3A_443] : memref<2x64x512xf32, #tpu.memory_space<vmem>>[vector<16xi32>, vector<16xi32>, vector<16xi32>], vector<16xf32>,
        tpu.vector_store_idx %arg13[%broadcast_in_dim3A_465, %iota3A, %broadcast_in_dim3A_587], %gather3A_588 : memref<2x16x128xf32, #tpu.memory_space<vmem>>[vector<16xi32>, vector<16xi32>, vector<16xi32>], vector<16xf32>,
        %broadcast_in_dim3A_589 = arith.constant 41 : i32
        %broadcast_in_dim3A_590 = vector.broadcast %broadcast_in_dim3A_589 : i32 to vector<16xi32>
        %gather3A_591 = tpu.vector_load_idx %arg11[%broadcast_in_dim3A_466, %broadcast_in_dim3A_590, %select_n3A_443] : memref<2x64x512xf32, #tpu.memory_space<vmem>>[vector<16xi32>, vector<16xi32>, vector<16xi32>], vector<16xf32>,
        tpu.vector_store_idx %arg13[%broadcast_in_dim3A_465, %iota3A, %broadcast_in_dim3A_590], %gather3A_591 : memref<2x16x128xf32, #tpu.memory_space<vmem>>[vector<16xi32>, vector<16xi32>, vector<16xi32>], vector<16xf32>,
        %broadcast_in_dim3A_592 = arith.constant 42 : i32
        %broadcast_in_dim3A_593 = vector.broadcast %broadcast_in_dim3A_592 : i32 to vector<16xi32>
        %gather3A_594 = tpu.vector_load_idx %arg11[%broadcast_in_dim3A_466, %broadcast_in_dim3A_593, %select_n3A_443] : memref<2x64x512xf32, #tpu.memory_space<vmem>>[vector<16xi32>, vector<16xi32>, vector<16xi32>], vector<16xf32>,
        tpu.vector_store_idx %arg13[%broadcast_in_dim3A_465, %iota3A, %broadcast_in_dim3A_593], %gather3A_594 : memref<2x16x128xf32, #tpu.memory_space<vmem>>[vector<16xi32>, vector<16xi32>, vector<16xi32>], vector<16xf32>,
        %broadcast_in_dim3A_595 = arith.constant 43 : i32
        %broadcast_in_dim3A_596 = vector.broadcast %broadcast_in_dim3A_595 : i32 to vector<16xi32>
        %gather3A_597 = tpu.vector_load_idx %arg11[%broadcast_in_dim3A_466, %broadcast_in_dim3A_596, %select_n3A_443] : memref<2x64x512xf32, #tpu.memory_space<vmem>>[vector<16xi32>, vector<16xi32>, vector<16xi32>], vector<16xf32>,
        tpu.vector_store_idx %arg13[%broadcast_in_dim3A_465, %iota3A, %broadcast_in_dim3A_596], %gather3A_597 : memref<2x16x128xf32, #tpu.memory_space<vmem>>[vector<16xi32>, vector<16xi32>, vector<16xi32>], vector<16xf32>,
        %broadcast_in_dim3A_598 = arith.constant 44 : i32
        %broadcast_in_dim3A_599 = vector.broadcast %broadcast_in_dim3A_598 : i32 to vector<16xi32>
        %gather3A_600 = tpu.vector_load_idx %arg11[%broadcast_in_dim3A_466, %broadcast_in_dim3A_599, %select_n3A_443] : memref<2x64x512xf32, #tpu.memory_space<vmem>>[vector<16xi32>, vector<16xi32>, vector<16xi32>], vector<16xf32>,
        tpu.vector_store_idx %arg13[%broadcast_in_dim3A_465, %iota3A, %broadcast_in_dim3A_599], %gather3A_600 : memref<2x16x128xf32, #tpu.memory_space<vmem>>[vector<16xi32>, vector<16xi32>, vector<16xi32>], vector<16xf32>,
        %broadcast_in_dim3A_601 = arith.constant 45 : i32
        %broadcast_in_dim3A_602 = vector.broadcast %broadcast_in_dim3A_601 : i32 to vector<16xi32>
        %gather3A_603 = tpu.vector_load_idx %arg11[%broadcast_in_dim3A_466, %broadcast_in_dim3A_602, %select_n3A_443] : memref<2x64x512xf32, #tpu.memory_space<vmem>>[vector<16xi32>, vector<16xi32>, vector<16xi32>], vector<16xf32>,
        tpu.vector_store_idx %arg13[%broadcast_in_dim3A_465, %iota3A, %broadcast_in_dim3A_602], %gather3A_603 : memref<2x16x128xf32, #tpu.memory_space<vmem>>[vector<16xi32>, vector<16xi32>, vector<16xi32>], vector<16xf32>,
        %broadcast_in_dim3A_604 = arith.constant 46 : i32
        %broadcast_in_dim3A_605 = vector.broadcast %broadcast_in_dim3A_604 : i32 to vector<16xi32>
        %gather3A_606 = tpu.vector_load_idx %arg11[%broadcast_in_dim3A_466, %broadcast_in_dim3A_605, %select_n3A_443] : memref<2x64x512xf32, #tpu.memory_space<vmem>>[vector<16xi32>, vector<16xi32>, vector<16xi32>], vector<16xf32>,
        tpu.vector_store_idx %arg13[%broadcast_in_dim3A_465, %iota3A, %broadcast_in_dim3A_605], %gather3A_606 : memref<2x16x128xf32, #tpu.memory_space<vmem>>[vector<16xi32>, vector<16xi32>, vector<16xi32>], vector<16xf32>,
        %broadcast_in_dim3A_607 = arith.constant 47 : i32
        %broadcast_in_dim3A_608 = vector.broadcast %broadcast_in_dim3A_607 : i32 to vector<16xi32>
        %gather3A_609 = tpu.vector_load_idx %arg11[%broadcast_in_dim3A_466, %broadcast_in_dim3A_608, %select_n3A_443] : memref<2x64x512xf32, #tpu.memory_space<vmem>>[vector<16xi32>, vector<16xi32>, vector<16xi32>], vector<16xf32>,
        tpu.vector_store_idx %arg13[%broadcast_in_dim3A_465, %iota3A, %broadcast_in_dim3A_608], %gather3A_609 : memref<2x16x128xf32, #tpu.memory_space<vmem>>[vector<16xi32>, vector<16xi32>, vector<16xi32>], vector<16xf32>,
        %broadcast_in_dim3A_610 = arith.constant 48 : i32
        %broadcast_in_dim3A_611 = vector.broadcast %broadcast_in_dim3A_610 : i32 to vector<16xi32>
        %gather3A_612 = tpu.vector_load_idx %arg11[%broadcast_in_dim3A_466, %broadcast_in_dim3A_611, %select_n3A_443] : memref<2x64x512xf32, #tpu.memory_space<vmem>>[vector<16xi32>, vector<16xi32>, vector<16xi32>], vector<16xf32>,
        tpu.vector_store_idx %arg13[%broadcast_in_dim3A_465, %iota3A, %broadcast_in_dim3A_611], %gather3A_612 : memref<2x16x128xf32, #tpu.memory_space<vmem>>[vector<16xi32>, vector<16xi32>, vector<16xi32>], vector<16xf32>,
        %broadcast_in_dim3A_613 = arith.constant 49 : i32
        %broadcast_in_dim3A_614 = vector.broadcast %broadcast_in_dim3A_613 : i32 to vector<16xi32>
        %gather3A_615 = tpu.vector_load_idx %arg11[%broadcast_in_dim3A_466, %broadcast_in_dim3A_614, %select_n3A_443] : memref<2x64x512xf32, #tpu.memory_space<vmem>>[vector<16xi32>, vector<16xi32>, vector<16xi32>], vector<16xf32>,
        tpu.vector_store_idx %arg13[%broadcast_in_dim3A_465, %iota3A, %broadcast_in_dim3A_614], %gather3A_615 : memref<2x16x128xf32, #tpu.memory_space<vmem>>[vector<16xi32>, vector<16xi32>, vector<16xi32>], vector<16xf32>,
        %broadcast_in_dim3A_616 = arith.constant 50 : i32
        %broadcast_in_dim3A_617 = vector.broadcast %broadcast_in_dim3A_616 : i32 to vector<16xi32>
        %gather3A_618 = tpu.vector_load_idx %arg11[%broadcast_in_dim3A_466, %broadcast_in_dim3A_617, %select_n3A_443] : memref<2x64x512xf32, #tpu.memory_space<vmem>>[vector<16xi32>, vector<16xi32>, vector<16xi32>], vector<16xf32>,
        tpu.vector_store_idx %arg13[%broadcast_in_dim3A_465, %iota3A, %broadcast_in_dim3A_617], %gather3A_618 : memref<2x16x128xf32, #tpu.memory_space<vmem>>[vector<16xi32>, vector<16xi32>, vector<16xi32>], vector<16xf32>,
        %broadcast_in_dim3A_619 = arith.constant 51 : i32
        %broadcast_in_dim3A_620 = vector.broadcast %broadcast_in_dim3A_619 : i32 to vector<16xi32>
        %gather3A_621 = tpu.vector_load_idx %arg11[%broadcast_in_dim3A_466, %broadcast_in_dim3A_620, %select_n3A_443] : memref<2x64x512xf32, #tpu.memory_space<vmem>>[vector<16xi32>, vector<16xi32>, vector<16xi32>], vector<16xf32>,
        tpu.vector_store_idx %arg13[%broadcast_in_dim3A_465, %iota3A, %broadcast_in_dim3A_620], %gather3A_621 : memref<2x16x128xf32, #tpu.memory_space<vmem>>[vector<16xi32>, vector<16xi32>, vector<16xi32>], vector<16xf32>,
        %broadcast_in_dim3A_622 = arith.constant 52 : i32
        %broadcast_in_dim3A_623 = vector.broadcast %broadcast_in_dim3A_622 : i32 to vector<16xi32>
        %gather3A_624 = tpu.vector_load_idx %arg11[%broadcast_in_dim3A_466, %broadcast_in_dim3A_623, %select_n3A_443] : memref<2x64x512xf32, #tpu.memory_space<vmem>>[vector<16xi32>, vector<16xi32>, vector<16xi32>], vector<16xf32>,
        tpu.vector_store_idx %arg13[%broadcast_in_dim3A_465, %iota3A, %broadcast_in_dim3A_623], %gather3A_624 : memref<2x16x128xf32, #tpu.memory_space<vmem>>[vector<16xi32>, vector<16xi32>, vector<16xi32>], vector<16xf32>,
        %broadcast_in_dim3A_625 = arith.constant 53 : i32
        %broadcast_in_dim3A_626 = vector.broadcast %broadcast_in_dim3A_625 : i32 to vector<16xi32>
        %gather3A_627 = tpu.vector_load_idx %arg11[%broadcast_in_dim3A_466, %broadcast_in_dim3A_626, %select_n3A_443] : memref<2x64x512xf32, #tpu.memory_space<vmem>>[vector<16xi32>, vector<16xi32>, vector<16xi32>], vector<16xf32>,
        tpu.vector_store_idx %arg13[%broadcast_in_dim3A_465, %iota3A, %broadcast_in_dim3A_626], %gather3A_627 : memref<2x16x128xf32, #tpu.memory_space<vmem>>[vector<16xi32>, vector<16xi32>, vector<16xi32>], vector<16xf32>,
        %broadcast_in_dim3A_628 = arith.constant 54 : i32
        %broadcast_in_dim3A_629 = vector.broadcast %broadcast_in_dim3A_628 : i32 to vector<16xi32>
        %gather3A_630 = tpu.vector_load_idx %arg11[%broadcast_in_dim3A_466, %broadcast_in_dim3A_629, %select_n3A_443] : memref<2x64x512xf32, #tpu.memory_space<vmem>>[vector<16xi32>, vector<16xi32>, vector<16xi32>], vector<16xf32>,
        tpu.vector_store_idx %arg13[%broadcast_in_dim3A_465, %iota3A, %broadcast_in_dim3A_629], %gather3A_630 : memref<2x16x128xf32, #tpu.memory_space<vmem>>[vector<16xi32>, vector<16xi32>, vector<16xi32>], vector<16xf32>,
        %broadcast_in_dim3A_631 = arith.constant 55 : i32
        %broadcast_in_dim3A_632 = vector.broadcast %broadcast_in_dim3A_631 : i32 to vector<16xi32>
        %gather3A_633 = tpu.vector_load_idx %arg11[%broadcast_in_dim3A_466, %broadcast_in_dim3A_632, %select_n3A_443] : memref<2x64x512xf32, #tpu.memory_space<vmem>>[vector<16xi32>, vector<16xi32>, vector<16xi32>], vector<16xf32>,
        tpu.vector_store_idx %arg13[%broadcast_in_dim3A_465, %iota3A, %broadcast_in_dim3A_632], %gather3A_633 : memref<2x16x128xf32, #tpu.memory_space<vmem>>[vector<16xi32>, vector<16xi32>, vector<16xi32>], vector<16xf32>,
        %broadcast_in_dim3A_634 = arith.constant 56 : i32
        %broadcast_in_dim3A_635 = vector.broadcast %broadcast_in_dim3A_634 : i32 to vector<16xi32>
        %gather3A_636 = tpu.vector_load_idx %arg11[%broadcast_in_dim3A_466, %broadcast_in_dim3A_635, %select_n3A_443] : memref<2x64x512xf32, #tpu.memory_space<vmem>>[vector<16xi32>, vector<16xi32>, vector<16xi32>], vector<16xf32>,
        tpu.vector_store_idx %arg13[%broadcast_in_dim3A_465, %iota3A, %broadcast_in_dim3A_635], %gather3A_636 : memref<2x16x128xf32, #tpu.memory_space<vmem>>[vector<16xi32>, vector<16xi32>, vector<16xi32>], vector<16xf32>,
        %broadcast_in_dim3A_637 = arith.constant 57 : i32
        %broadcast_in_dim3A_638 = vector.broadcast %broadcast_in_dim3A_637 : i32 to vector<16xi32>
        %gather3A_639 = tpu.vector_load_idx %arg11[%broadcast_in_dim3A_466, %broadcast_in_dim3A_638, %select_n3A_443] : memref<2x64x512xf32, #tpu.memory_space<vmem>>[vector<16xi32>, vector<16xi32>, vector<16xi32>], vector<16xf32>,
        tpu.vector_store_idx %arg13[%broadcast_in_dim3A_465, %iota3A, %broadcast_in_dim3A_638], %gather3A_639 : memref<2x16x128xf32, #tpu.memory_space<vmem>>[vector<16xi32>, vector<16xi32>, vector<16xi32>], vector<16xf32>,
        %broadcast_in_dim3A_640 = arith.constant 58 : i32
        %broadcast_in_dim3A_641 = vector.broadcast %broadcast_in_dim3A_640 : i32 to vector<16xi32>
        %gather3A_642 = tpu.vector_load_idx %arg11[%broadcast_in_dim3A_466, %broadcast_in_dim3A_641, %select_n3A_443] : memref<2x64x512xf32, #tpu.memory_space<vmem>>[vector<16xi32>, vector<16xi32>, vector<16xi32>], vector<16xf32>,
        tpu.vector_store_idx %arg13[%broadcast_in_dim3A_465, %iota3A, %broadcast_in_dim3A_641], %gather3A_642 : memref<2x16x128xf32, #tpu.memory_space<vmem>>[vector<16xi32>, vector<16xi32>, vector<16xi32>], vector<16xf32>,
        %broadcast_in_dim3A_643 = arith.constant 59 : i32
        %broadcast_in_dim3A_644 = vector.broadcast %broadcast_in_dim3A_643 : i32 to vector<16xi32>
        %gather3A_645 = tpu.vector_load_idx %arg11[%broadcast_in_dim3A_466, %broadcast_in_dim3A_644, %select_n3A_443] : memref<2x64x512xf32, #tpu.memory_space<vmem>>[vector<16xi32>, vector<16xi32>, vector<16xi32>], vector<16xf32>,
        tpu.vector_store_idx %arg13[%broadcast_in_dim3A_465, %iota3A, %broadcast_in_dim3A_644], %gather3A_645 : memref<2x16x128xf32, #tpu.memory_space<vmem>>[vector<16xi32>, vector<16xi32>, vector<16xi32>], vector<16xf32>,
        %broadcast_in_dim3A_646 = arith.constant 60 : i32
        %broadcast_in_dim3A_647 = vector.broadcast %broadcast_in_dim3A_646 : i32 to vector<16xi32>
        %gather3A_648 = tpu.vector_load_idx %arg11[%broadcast_in_dim3A_466, %broadcast_in_dim3A_647, %select_n3A_443] : memref<2x64x512xf32, #tpu.memory_space<vmem>>[vector<16xi32>, vector<16xi32>, vector<16xi32>], vector<16xf32>,
        tpu.vector_store_idx %arg13[%broadcast_in_dim3A_465, %iota3A, %broadcast_in_dim3A_647], %gather3A_648 : memref<2x16x128xf32, #tpu.memory_space<vmem>>[vector<16xi32>, vector<16xi32>, vector<16xi32>], vector<16xf32>,
        %broadcast_in_dim3A_649 = arith.constant 61 : i32
        %broadcast_in_dim3A_650 = vector.broadcast %broadcast_in_dim3A_649 : i32 to vector<16xi32>
        %gather3A_651 = tpu.vector_load_idx %arg11[%broadcast_in_dim3A_466, %broadcast_in_dim3A_650, %select_n3A_443] : memref<2x64x512xf32, #tpu.memory_space<vmem>>[vector<16xi32>, vector<16xi32>, vector<16xi32>], vector<16xf32>,
        tpu.vector_store_idx %arg13[%broadcast_in_dim3A_465, %iota3A, %broadcast_in_dim3A_650], %gather3A_651 : memref<2x16x128xf32, #tpu.memory_space<vmem>>[vector<16xi32>, vector<16xi32>, vector<16xi32>], vector<16xf32>,
        %broadcast_in_dim3A_652 = arith.constant 62 : i32
        %broadcast_in_dim3A_653 = vector.broadcast %broadcast_in_dim3A_652 : i32 to vector<16xi32>
        %gather3A_654 = tpu.vector_load_idx %arg11[%broadcast_in_dim3A_466, %broadcast_in_dim3A_653, %select_n3A_443] : memref<2x64x512xf32, #tpu.memory_space<vmem>>[vector<16xi32>, vector<16xi32>, vector<16xi32>], vector<16xf32>,
        tpu.vector_store_idx %arg13[%broadcast_in_dim3A_465, %iota3A, %broadcast_in_dim3A_653], %gather3A_654 : memref<2x16x128xf32, #tpu.memory_space<vmem>>[vector<16xi32>, vector<16xi32>, vector<16xi32>], vector<16xf32>,
        %broadcast_in_dim3A_655 = arith.constant 63 : i32
        %broadcast_in_dim3A_656 = vector.broadcast %broadcast_in_dim3A_655 : i32 to vector<16xi32>
        %gather3A_657 = tpu.vector_load_idx %arg11[%broadcast_in_dim3A_466, %broadcast_in_dim3A_656, %select_n3A_443] : memref<2x64x512xf32, #tpu.memory_space<vmem>>[vector<16xi32>, vector<16xi32>, vector<16xi32>], vector<16xf32>,
        tpu.vector_store_idx %arg13[%broadcast_in_dim3A_465, %iota3A, %broadcast_in_dim3A_656], %gather3A_657 : memref<2x16x128xf32, #tpu.memory_space<vmem>>[vector<16xi32>, vector<16xi32>, vector<16xi32>], vector<16xf32>,
        %dma_start3A_658 = arith.constant 0 : i32
        %dma_start3A_659 = arith.constant 0 : i32
        %dma_start3A_660 = tpu.memref_slice %arg13[%and3A_422, %dma_start3A_658, %dma_start3A_659] : memref<2x16x128xf32, #tpu.memory_space<vmem>> -> memref<1x16x128xf32, #tpu.memory_space<vmem>>
        %dma_start3A_661 = tpu.memref_squeeze %dma_start3A_660 : memref<1x16x128xf32, #tpu.memory_space<vmem>> -> memref<16x128xf32, #tpu.memory_space<vmem>>
        %dma_start3A_662 = arith.constant 0 : i32
        %dma_start3A_663 = tpu.memref_slice %arg12[%and3A_422, %dma_start3A_662] : memref<2x16xi32, #tpu.memory_space<vmem>> -> memref<1x16xi32, #tpu.memory_space<vmem>>
        %dma_start3A_664 = tpu.memref_squeeze %dma_start3A_663 : memref<1x16xi32, #tpu.memory_space<vmem>> -> memref<16xi32, #tpu.memory_space<vmem>>
        %dma_start3A_665 = arith.constant 0 : i32
        %dma_start3A_666 = arith.constant 0 : i32
        %dma_start3A_667 = tpu.memref_slice %arg5[%dma_start3A_665, %dma_start3A_666] : memref<18432x128xf32, #tpu.memory_space<hbm>> -> memref<18432x128xf32, #tpu.memory_space<hbm>>
        %dma_start3A_668 = tpu.memref_slice %arg15[%and3A_422] : memref<2x!tpu.dma_semaphore, #tpu.memory_space<semaphore_mem>> -> memref<1x!tpu.dma_semaphore, #tpu.memory_space<semaphore_mem>>
        %dma_start3A_669 = tpu.memref_squeeze %dma_start3A_668 : memref<1x!tpu.dma_semaphore, #tpu.memory_space<semaphore_mem>> -> memref<!tpu.dma_semaphore, #tpu.memory_space<semaphore_mem>>
        tpu.enqueue_indirect_dma source(%dma_start3A_661 : memref<16x128xf32, #tpu.memory_space<vmem>>) target(%dma_start3A_667 : memref<18432x128xf32, #tpu.memory_space<hbm>>) offsets(%dma_start3A_664 : memref<16xi32, #tpu.memory_space<vmem>>) semaphore(%dma_start3A_669 : memref<!tpu.dma_semaphore, #tpu.memory_space<semaphore_mem>>)
        %add3A_670 = arith.constant 1 : i32
        %add3A_671 = arith.addi %while3A_420, %add3A_670 : i32
        scf.yield %add3A_671 : i32
      }
      %add3A_414 = arith.constant 15 : i32
      %add3A_415 = arith.addi %add3A_395, %add3A_414 : i32
      %and3A_416 = arith.constant -16 : i32
      %and3A_417 = arith.andi %add3A_415, %and3A_416 : i32
      %add3A_418 = arith.addi %while3A_214, %and3A_417 : i32
      scf.yield %add3A_418, %while3A_413 : i32, i32
    }
    %while3A_199 = arith.constant 1 : i32
    %while3A_200:2 = scf.for %while3A_213 = %while3A_196 to %while3A_192 step %while3A_199 iter_args(%while3A_214 = %while3A_198#0, %while3A_215 = %while3A_198#1) -> (i32, i32)  : i32 {
      %mul3A_216 = arith.constant 32 : i32
      %mul3A_217 = arith.muli %while3A_213, %mul3A_216 : i32
      %add3A_218 = arith.addi %add3A, %mul3A_217 : i32
      %and3A_219 = arith.constant 1 : i32
      %and3A_220 = arith.andi %while3A_213, %and3A_219 : i32
      %add3A_221 = arith.constant 1 : i32
      %add3A_222 = arith.addi %while3A_213, %add3A_221 : i32
      %lt3A = arith.cmpi slt, %add3A_222, %add3A_45 : i32
      %convert_element_type3A_223 = arith.extui %lt3A : i1 to i32
      %cond3A_224 = arith.constant 0 : i32
      %cond3A_225 = arith.cmpi ne, %convert_element_type3A_223, %cond3A_224 : i32
      scf.if %cond3A_225 {
        %add3A_419 = arith.constant 32 : i32
        %add3A_420 = arith.addi %add3A_218, %add3A_419 : i32
        %sub3A_421 = arith.constant 1 : i32
        %sub3A_422 = arith.subi %sub3A_421, %and3A_220 : i32
        %mul3A_423 = arith.constant 512 : i32
        %mul3A_424 = arith.muli %add3A_420, %mul3A_423 : i32
        %dma_start3A_425 = arith.constant 0 : i32
        %dma_start3A_426 = arith.constant 0 : i32
        %dma_start3A_427 = tpu.memref_slice %arg11[%sub3A_422, %dma_start3A_425, %dma_start3A_426] : memref<2x64x512xf32, #tpu.memory_space<vmem>> -> memref<1x8x512xf32, #tpu.memory_space<vmem>>
        %dma_start3A_428 = tpu.memref_squeeze %dma_start3A_427 : memref<1x8x512xf32, #tpu.memory_space<vmem>> -> memref<8x512xf32, #tpu.memory_space<vmem>>
        %dma_start3A_429 = arith.constant 0 : i32
        %dma_start3A_430 = tpu.memref_slice %arg2[%dma_start3A_429, %mul3A_424] : memref<64x1000000xf32, #tpu.memory_space<hbm>> -> memref<8x512xf32, #tpu.memory_space<hbm>>
        %dma_start3A_431 = tpu.memref_slice %arg14[%sub3A_422] : memref<2x!tpu.dma_semaphore, #tpu.memory_space<semaphore_mem>> -> memref<1x!tpu.dma_semaphore, #tpu.memory_space<semaphore_mem>>
        %dma_start3A_432 = tpu.memref_squeeze %dma_start3A_431 : memref<1x!tpu.dma_semaphore, #tpu.memory_space<semaphore_mem>> -> memref<!tpu.dma_semaphore, #tpu.memory_space<semaphore_mem>>
        %dma_start3A_433 = arith.constant 0 : i32
        %dma_start3A_434 = arith.constant 0 : i32
        %dma_start3A_435 = tpu.memref_slice %arg11[%sub3A_422, %dma_start3A_433, %dma_start3A_434] : memref<2x64x512xf32, #tpu.memory_space<vmem>> -> memref<1x8x512xf32, #tpu.memory_space<vmem>>
        %dma_start3A_436 = tpu.memref_squeeze %dma_start3A_435 : memref<1x8x512xf32, #tpu.memory_space<vmem>> -> memref<8x512xf32, #tpu.memory_space<vmem>>
        %dma_start3A_437 = arith.constant 0 : i32
        %dma_start3A_438 = tpu.memref_slice %arg2[%dma_start3A_437, %mul3A_424] : memref<64x1000000xf32, #tpu.memory_space<hbm>> -> memref<8x512xf32, #tpu.memory_space<hbm>>
        tpu.enqueue_dma source(%dma_start3A_438 : memref<8x512xf32, #tpu.memory_space<hbm>>) target(%dma_start3A_436 : memref<8x512xf32, #tpu.memory_space<vmem>>) target_semaphore(%dma_start3A_432 : memref<!tpu.dma_semaphore, #tpu.memory_space<semaphore_mem>>)
        %mul3A_439 = arith.constant 512 : i32
        %mul3A_440 = arith.muli %add3A_420, %mul3A_439 : i32
        %dma_start3A_441 = arith.constant 8 : i32
        %dma_start3A_442 = arith.constant 0 : i32
        %dma_start3A_443 = tpu.memref_slice %arg11[%sub3A_422, %dma_start3A_441, %dma_start3A_442] : memref<2x64x512xf32, #tpu.memory_space<vmem>> -> memref<1x8x512xf32, #tpu.memory_space<vmem>>
        %dma_start3A_444 = tpu.memref_squeeze %dma_start3A_443 : memref<1x8x512xf32, #tpu.memory_space<vmem>> -> memref<8x512xf32, #tpu.memory_space<vmem>>
        %dma_start3A_445 = arith.constant 8 : i32
        %dma_start3A_446 = tpu.memref_slice %arg2[%dma_start3A_445, %mul3A_440] : memref<64x1000000xf32, #tpu.memory_space<hbm>> -> memref<8x512xf32, #tpu.memory_space<hbm>>
        %dma_start3A_447 = tpu.memref_slice %arg14[%sub3A_422] : memref<2x!tpu.dma_semaphore, #tpu.memory_space<semaphore_mem>> -> memref<1x!tpu.dma_semaphore, #tpu.memory_space<semaphore_mem>>
        %dma_start3A_448 = tpu.memref_squeeze %dma_start3A_447 : memref<1x!tpu.dma_semaphore, #tpu.memory_space<semaphore_mem>> -> memref<!tpu.dma_semaphore, #tpu.memory_space<semaphore_mem>>
        %dma_start3A_449 = arith.constant 8 : i32
        %dma_start3A_450 = arith.constant 0 : i32
        %dma_start3A_451 = tpu.memref_slice %arg11[%sub3A_422, %dma_start3A_449, %dma_start3A_450] : memref<2x64x512xf32, #tpu.memory_space<vmem>> -> memref<1x8x512xf32, #tpu.memory_space<vmem>>
        %dma_start3A_452 = tpu.memref_squeeze %dma_start3A_451 : memref<1x8x512xf32, #tpu.memory_space<vmem>> -> memref<8x512xf32, #tpu.memory_space<vmem>>
        %dma_start3A_453 = arith.constant 8 : i32
        %dma_start3A_454 = tpu.memref_slice %arg2[%dma_start3A_453, %mul3A_440] : memref<64x1000000xf32, #tpu.memory_space<hbm>> -> memref<8x512xf32, #tpu.memory_space<hbm>>
        tpu.enqueue_dma source(%dma_start3A_454 : memref<8x512xf32, #tpu.memory_space<hbm>>) target(%dma_start3A_452 : memref<8x512xf32, #tpu.memory_space<vmem>>) target_semaphore(%dma_start3A_448 : memref<!tpu.dma_semaphore, #tpu.memory_space<semaphore_mem>>)
        %mul3A_455 = arith.constant 512 : i32
        %mul3A_456 = arith.muli %add3A_420, %mul3A_455 : i32
        %dma_start3A_457 = arith.constant 16 : i32
        %dma_start3A_458 = arith.constant 0 : i32
        %dma_start3A_459 = tpu.memref_slice %arg11[%sub3A_422, %dma_start3A_457, %dma_start3A_458] : memref<2x64x512xf32, #tpu.memory_space<vmem>> -> memref<1x8x512xf32, #tpu.memory_space<vmem>>
        %dma_start3A_460 = tpu.memref_squeeze %dma_start3A_459 : memref<1x8x512xf32, #tpu.memory_space<vmem>> -> memref<8x512xf32, #tpu.memory_space<vmem>>
        %dma_start3A_461 = arith.constant 16 : i32
        %dma_start3A_462 = tpu.memref_slice %arg2[%dma_start3A_461, %mul3A_456] : memref<64x1000000xf32, #tpu.memory_space<hbm>> -> memref<8x512xf32, #tpu.memory_space<hbm>>
        %dma_start3A_463 = tpu.memref_slice %arg14[%sub3A_422] : memref<2x!tpu.dma_semaphore, #tpu.memory_space<semaphore_mem>> -> memref<1x!tpu.dma_semaphore, #tpu.memory_space<semaphore_mem>>
        %dma_start3A_464 = tpu.memref_squeeze %dma_start3A_463 : memref<1x!tpu.dma_semaphore, #tpu.memory_space<semaphore_mem>> -> memref<!tpu.dma_semaphore, #tpu.memory_space<semaphore_mem>>
        %dma_start3A_465 = arith.constant 16 : i32
        %dma_start3A_466 = arith.constant 0 : i32
        %dma_start3A_467 = tpu.memref_slice %arg11[%sub3A_422, %dma_start3A_465, %dma_start3A_466] : memref<2x64x512xf32, #tpu.memory_space<vmem>> -> memref<1x8x512xf32, #tpu.memory_space<vmem>>
        %dma_start3A_468 = tpu.memref_squeeze %dma_start3A_467 : memref<1x8x512xf32, #tpu.memory_space<vmem>> -> memref<8x512xf32, #tpu.memory_space<vmem>>
        %dma_start3A_469 = arith.constant 16 : i32
        %dma_start3A_470 = tpu.memref_slice %arg2[%dma_start3A_469, %mul3A_456] : memref<64x1000000xf32, #tpu.memory_space<hbm>> -> memref<8x512xf32, #tpu.memory_space<hbm>>
        tpu.enqueue_dma source(%dma_start3A_470 : memref<8x512xf32, #tpu.memory_space<hbm>>) target(%dma_start3A_468 : memref<8x512xf32, #tpu.memory_space<vmem>>) target_semaphore(%dma_start3A_464 : memref<!tpu.dma_semaphore, #tpu.memory_space<semaphore_mem>>)
        %mul3A_471 = arith.constant 512 : i32
        %mul3A_472 = arith.muli %add3A_420, %mul3A_471 : i32
        %dma_start3A_473 = arith.constant 24 : i32
        %dma_start3A_474 = arith.constant 0 : i32
        %dma_start3A_475 = tpu.memref_slice %arg11[%sub3A_422, %dma_start3A_473, %dma_start3A_474] : memref<2x64x512xf32, #tpu.memory_space<vmem>> -> memref<1x8x512xf32, #tpu.memory_space<vmem>>
        %dma_start3A_476 = tpu.memref_squeeze %dma_start3A_475 : memref<1x8x512xf32, #tpu.memory_space<vmem>> -> memref<8x512xf32, #tpu.memory_space<vmem>>
        %dma_start3A_477 = arith.constant 24 : i32
        %dma_start3A_478 = tpu.memref_slice %arg2[%dma_start3A_477, %mul3A_472] : memref<64x1000000xf32, #tpu.memory_space<hbm>> -> memref<8x512xf32, #tpu.memory_space<hbm>>
        %dma_start3A_479 = tpu.memref_slice %arg14[%sub3A_422] : memref<2x!tpu.dma_semaphore, #tpu.memory_space<semaphore_mem>> -> memref<1x!tpu.dma_semaphore, #tpu.memory_space<semaphore_mem>>
        %dma_start3A_480 = tpu.memref_squeeze %dma_start3A_479 : memref<1x!tpu.dma_semaphore, #tpu.memory_space<semaphore_mem>> -> memref<!tpu.dma_semaphore, #tpu.memory_space<semaphore_mem>>
        %dma_start3A_481 = arith.constant 24 : i32
        %dma_start3A_482 = arith.constant 0 : i32
        %dma_start3A_483 = tpu.memref_slice %arg11[%sub3A_422, %dma_start3A_481, %dma_start3A_482] : memref<2x64x512xf32, #tpu.memory_space<vmem>> -> memref<1x8x512xf32, #tpu.memory_space<vmem>>
        %dma_start3A_484 = tpu.memref_squeeze %dma_start3A_483 : memref<1x8x512xf32, #tpu.memory_space<vmem>> -> memref<8x512xf32, #tpu.memory_space<vmem>>
        %dma_start3A_485 = arith.constant 24 : i32
        %dma_start3A_486 = tpu.memref_slice %arg2[%dma_start3A_485, %mul3A_472] : memref<64x1000000xf32, #tpu.memory_space<hbm>> -> memref<8x512xf32, #tpu.memory_space<hbm>>
        tpu.enqueue_dma source(%dma_start3A_486 : memref<8x512xf32, #tpu.memory_space<hbm>>) target(%dma_start3A_484 : memref<8x512xf32, #tpu.memory_space<vmem>>) target_semaphore(%dma_start3A_480 : memref<!tpu.dma_semaphore, #tpu.memory_space<semaphore_mem>>)
        %mul3A_487 = arith.constant 512 : i32
        %mul3A_488 = arith.muli %add3A_420, %mul3A_487 : i32
        %dma_start3A_489 = arith.constant 32 : i32
        %dma_start3A_490 = arith.constant 0 : i32
        %dma_start3A_491 = tpu.memref_slice %arg11[%sub3A_422, %dma_start3A_489, %dma_start3A_490] : memref<2x64x512xf32, #tpu.memory_space<vmem>> -> memref<1x8x512xf32, #tpu.memory_space<vmem>>
        %dma_start3A_492 = tpu.memref_squeeze %dma_start3A_491 : memref<1x8x512xf32, #tpu.memory_space<vmem>> -> memref<8x512xf32, #tpu.memory_space<vmem>>
        %dma_start3A_493 = arith.constant 32 : i32
        %dma_start3A_494 = tpu.memref_slice %arg2[%dma_start3A_493, %mul3A_488] : memref<64x1000000xf32, #tpu.memory_space<hbm>> -> memref<8x512xf32, #tpu.memory_space<hbm>>
        %dma_start3A_495 = tpu.memref_slice %arg14[%sub3A_422] : memref<2x!tpu.dma_semaphore, #tpu.memory_space<semaphore_mem>> -> memref<1x!tpu.dma_semaphore, #tpu.memory_space<semaphore_mem>>
        %dma_start3A_496 = tpu.memref_squeeze %dma_start3A_495 : memref<1x!tpu.dma_semaphore, #tpu.memory_space<semaphore_mem>> -> memref<!tpu.dma_semaphore, #tpu.memory_space<semaphore_mem>>
        %dma_start3A_497 = arith.constant 32 : i32
        %dma_start3A_498 = arith.constant 0 : i32
        %dma_start3A_499 = tpu.memref_slice %arg11[%sub3A_422, %dma_start3A_497, %dma_start3A_498] : memref<2x64x512xf32, #tpu.memory_space<vmem>> -> memref<1x8x512xf32, #tpu.memory_space<vmem>>
        %dma_start3A_500 = tpu.memref_squeeze %dma_start3A_499 : memref<1x8x512xf32, #tpu.memory_space<vmem>> -> memref<8x512xf32, #tpu.memory_space<vmem>>
        %dma_start3A_501 = arith.constant 32 : i32
        %dma_start3A_502 = tpu.memref_slice %arg2[%dma_start3A_501, %mul3A_488] : memref<64x1000000xf32, #tpu.memory_space<hbm>> -> memref<8x512xf32, #tpu.memory_space<hbm>>
        tpu.enqueue_dma source(%dma_start3A_502 : memref<8x512xf32, #tpu.memory_space<hbm>>) target(%dma_start3A_500 : memref<8x512xf32, #tpu.memory_space<vmem>>) target_semaphore(%dma_start3A_496 : memref<!tpu.dma_semaphore, #tpu.memory_space<semaphore_mem>>)
        %mul3A_503 = arith.constant 512 : i32
        %mul3A_504 = arith.muli %add3A_420, %mul3A_503 : i32
        %dma_start3A_505 = arith.constant 40 : i32
        %dma_start3A_506 = arith.constant 0 : i32
        %dma_start3A_507 = tpu.memref_slice %arg11[%sub3A_422, %dma_start3A_505, %dma_start3A_506] : memref<2x64x512xf32, #tpu.memory_space<vmem>> -> memref<1x8x512xf32, #tpu.memory_space<vmem>>
        %dma_start3A_508 = tpu.memref_squeeze %dma_start3A_507 : memref<1x8x512xf32, #tpu.memory_space<vmem>> -> memref<8x512xf32, #tpu.memory_space<vmem>>
        %dma_start3A_509 = arith.constant 40 : i32
        %dma_start3A_510 = tpu.memref_slice %arg2[%dma_start3A_509, %mul3A_504] : memref<64x1000000xf32, #tpu.memory_space<hbm>> -> memref<8x512xf32, #tpu.memory_space<hbm>>
        %dma_start3A_511 = tpu.memref_slice %arg14[%sub3A_422] : memref<2x!tpu.dma_semaphore, #tpu.memory_space<semaphore_mem>> -> memref<1x!tpu.dma_semaphore, #tpu.memory_space<semaphore_mem>>
        %dma_start3A_512 = tpu.memref_squeeze %dma_start3A_511 : memref<1x!tpu.dma_semaphore, #tpu.memory_space<semaphore_mem>> -> memref<!tpu.dma_semaphore, #tpu.memory_space<semaphore_mem>>
        %dma_start3A_513 = arith.constant 40 : i32
        %dma_start3A_514 = arith.constant 0 : i32
        %dma_start3A_515 = tpu.memref_slice %arg11[%sub3A_422, %dma_start3A_513, %dma_start3A_514] : memref<2x64x512xf32, #tpu.memory_space<vmem>> -> memref<1x8x512xf32, #tpu.memory_space<vmem>>
        %dma_start3A_516 = tpu.memref_squeeze %dma_start3A_515 : memref<1x8x512xf32, #tpu.memory_space<vmem>> -> memref<8x512xf32, #tpu.memory_space<vmem>>
        %dma_start3A_517 = arith.constant 40 : i32
        %dma_start3A_518 = tpu.memref_slice %arg2[%dma_start3A_517, %mul3A_504] : memref<64x1000000xf32, #tpu.memory_space<hbm>> -> memref<8x512xf32, #tpu.memory_space<hbm>>
        tpu.enqueue_dma source(%dma_start3A_518 : memref<8x512xf32, #tpu.memory_space<hbm>>) target(%dma_start3A_516 : memref<8x512xf32, #tpu.memory_space<vmem>>) target_semaphore(%dma_start3A_512 : memref<!tpu.dma_semaphore, #tpu.memory_space<semaphore_mem>>)
        %mul3A_519 = arith.constant 512 : i32
        %mul3A_520 = arith.muli %add3A_420, %mul3A_519 : i32
        %dma_start3A_521 = arith.constant 48 : i32
        %dma_start3A_522 = arith.constant 0 : i32
        %dma_start3A_523 = tpu.memref_slice %arg11[%sub3A_422, %dma_start3A_521, %dma_start3A_522] : memref<2x64x512xf32, #tpu.memory_space<vmem>> -> memref<1x8x512xf32, #tpu.memory_space<vmem>>
        %dma_start3A_524 = tpu.memref_squeeze %dma_start3A_523 : memref<1x8x512xf32, #tpu.memory_space<vmem>> -> memref<8x512xf32, #tpu.memory_space<vmem>>
        %dma_start3A_525 = arith.constant 48 : i32
        %dma_start3A_526 = tpu.memref_slice %arg2[%dma_start3A_525, %mul3A_520] : memref<64x1000000xf32, #tpu.memory_space<hbm>> -> memref<8x512xf32, #tpu.memory_space<hbm>>
        %dma_start3A_527 = tpu.memref_slice %arg14[%sub3A_422] : memref<2x!tpu.dma_semaphore, #tpu.memory_space<semaphore_mem>> -> memref<1x!tpu.dma_semaphore, #tpu.memory_space<semaphore_mem>>
        %dma_start3A_528 = tpu.memref_squeeze %dma_start3A_527 : memref<1x!tpu.dma_semaphore, #tpu.memory_space<semaphore_mem>> -> memref<!tpu.dma_semaphore, #tpu.memory_space<semaphore_mem>>
        %dma_start3A_529 = arith.constant 48 : i32
        %dma_start3A_530 = arith.constant 0 : i32
        %dma_start3A_531 = tpu.memref_slice %arg11[%sub3A_422, %dma_start3A_529, %dma_start3A_530] : memref<2x64x512xf32, #tpu.memory_space<vmem>> -> memref<1x8x512xf32, #tpu.memory_space<vmem>>
        %dma_start3A_532 = tpu.memref_squeeze %dma_start3A_531 : memref<1x8x512xf32, #tpu.memory_space<vmem>> -> memref<8x512xf32, #tpu.memory_space<vmem>>
        %dma_start3A_533 = arith.constant 48 : i32
        %dma_start3A_534 = tpu.memref_slice %arg2[%dma_start3A_533, %mul3A_520] : memref<64x1000000xf32, #tpu.memory_space<hbm>> -> memref<8x512xf32, #tpu.memory_space<hbm>>
        tpu.enqueue_dma source(%dma_start3A_534 : memref<8x512xf32, #tpu.memory_space<hbm>>) target(%dma_start3A_532 : memref<8x512xf32, #tpu.memory_space<vmem>>) target_semaphore(%dma_start3A_528 : memref<!tpu.dma_semaphore, #tpu.memory_space<semaphore_mem>>)
        %mul3A_535 = arith.constant 512 : i32
        %mul3A_536 = arith.muli %add3A_420, %mul3A_535 : i32
        %dma_start3A_537 = arith.constant 56 : i32
        %dma_start3A_538 = arith.constant 0 : i32
        %dma_start3A_539 = tpu.memref_slice %arg11[%sub3A_422, %dma_start3A_537, %dma_start3A_538] : memref<2x64x512xf32, #tpu.memory_space<vmem>> -> memref<1x8x512xf32, #tpu.memory_space<vmem>>
        %dma_start3A_540 = tpu.memref_squeeze %dma_start3A_539 : memref<1x8x512xf32, #tpu.memory_space<vmem>> -> memref<8x512xf32, #tpu.memory_space<vmem>>
        %dma_start3A_541 = arith.constant 56 : i32
        %dma_start3A_542 = tpu.memref_slice %arg2[%dma_start3A_541, %mul3A_536] : memref<64x1000000xf32, #tpu.memory_space<hbm>> -> memref<8x512xf32, #tpu.memory_space<hbm>>
        %dma_start3A_543 = tpu.memref_slice %arg14[%sub3A_422] : memref<2x!tpu.dma_semaphore, #tpu.memory_space<semaphore_mem>> -> memref<1x!tpu.dma_semaphore, #tpu.memory_space<semaphore_mem>>
        %dma_start3A_544 = tpu.memref_squeeze %dma_start3A_543 : memref<1x!tpu.dma_semaphore, #tpu.memory_space<semaphore_mem>> -> memref<!tpu.dma_semaphore, #tpu.memory_space<semaphore_mem>>
        %dma_start3A_545 = arith.constant 56 : i32
        %dma_start3A_546 = arith.constant 0 : i32
        %dma_start3A_547 = tpu.memref_slice %arg11[%sub3A_422, %dma_start3A_545, %dma_start3A_546] : memref<2x64x512xf32, #tpu.memory_space<vmem>> -> memref<1x8x512xf32, #tpu.memory_space<vmem>>
        %dma_start3A_548 = tpu.memref_squeeze %dma_start3A_547 : memref<1x8x512xf32, #tpu.memory_space<vmem>> -> memref<8x512xf32, #tpu.memory_space<vmem>>
        %dma_start3A_549 = arith.constant 56 : i32
        %dma_start3A_550 = tpu.memref_slice %arg2[%dma_start3A_549, %mul3A_536] : memref<64x1000000xf32, #tpu.memory_space<hbm>> -> memref<8x512xf32, #tpu.memory_space<hbm>>
        tpu.enqueue_dma source(%dma_start3A_550 : memref<8x512xf32, #tpu.memory_space<hbm>>) target(%dma_start3A_548 : memref<8x512xf32, #tpu.memory_space<vmem>>) target_semaphore(%dma_start3A_544 : memref<!tpu.dma_semaphore, #tpu.memory_space<semaphore_mem>>)
      } else {
      }
      %mul3A_226 = arith.constant 512 : i32
      %mul3A_227 = arith.muli %add3A_218, %mul3A_226 : i32
      %dma_wait3A = arith.constant 0 : i32
      %dma_wait3A_228 = arith.constant 0 : i32
      %dma_wait3A_229 = tpu.memref_slice %arg11[%and3A_220, %dma_wait3A, %dma_wait3A_228] : memref<2x64x512xf32, #tpu.memory_space<vmem>> -> memref<1x8x512xf32, #tpu.memory_space<vmem>>
      %dma_wait3A_230 = tpu.memref_squeeze %dma_wait3A_229 : memref<1x8x512xf32, #tpu.memory_space<vmem>> -> memref<8x512xf32, #tpu.memory_space<vmem>>
      %dma_wait3A_231 = arith.constant 0 : i32
      %dma_wait3A_232 = tpu.memref_slice %arg2[%dma_wait3A_231, %mul3A_227] : memref<64x1000000xf32, #tpu.memory_space<hbm>> -> memref<8x512xf32, #tpu.memory_space<hbm>>
      %dma_wait3A_233 = tpu.memref_slice %arg14[%and3A_220] : memref<2x!tpu.dma_semaphore, #tpu.memory_space<semaphore_mem>> -> memref<1x!tpu.dma_semaphore, #tpu.memory_space<semaphore_mem>>
      %dma_wait3A_234 = tpu.memref_squeeze %dma_wait3A_233 : memref<1x!tpu.dma_semaphore, #tpu.memory_space<semaphore_mem>> -> memref<!tpu.dma_semaphore, #tpu.memory_space<semaphore_mem>>
      %dma_wait3A_235 = arith.constant 0 : i32
      %dma_wait3A_236 = arith.constant 0 : i32
      %dma_wait3A_237 = tpu.memref_slice %arg11[%and3A_220, %dma_wait3A_235, %dma_wait3A_236] : memref<2x64x512xf32, #tpu.memory_space<vmem>> -> memref<1x8x512xf32, #tpu.memory_space<vmem>>
      %dma_wait3A_238 = tpu.memref_squeeze %dma_wait3A_237 : memref<1x8x512xf32, #tpu.memory_space<vmem>> -> memref<8x512xf32, #tpu.memory_space<vmem>>
      %dma_wait3A_239 = arith.constant 0 : i32
      %dma_wait3A_240 = tpu.memref_slice %arg2[%dma_wait3A_239, %mul3A_227] : memref<64x1000000xf32, #tpu.memory_space<hbm>> -> memref<8x512xf32, #tpu.memory_space<hbm>>
      tpu.wait_dma2 semaphore(%dma_wait3A_234 : memref<!tpu.dma_semaphore, #tpu.memory_space<semaphore_mem>>) src(%dma_wait3A_240 : memref<8x512xf32, #tpu.memory_space<hbm>>) dst(%dma_wait3A_238 : memref<8x512xf32, #tpu.memory_space<vmem>>)
      %mul3A_241 = arith.constant 512 : i32
      %mul3A_242 = arith.muli %add3A_218, %mul3A_241 : i32
      %dma_wait3A_243 = arith.constant 8 : i32
      %dma_wait3A_244 = arith.constant 0 : i32
      %dma_wait3A_245 = tpu.memref_slice %arg11[%and3A_220, %dma_wait3A_243, %dma_wait3A_244] : memref<2x64x512xf32, #tpu.memory_space<vmem>> -> memref<1x8x512xf32, #tpu.memory_space<vmem>>
      %dma_wait3A_246 = tpu.memref_squeeze %dma_wait3A_245 : memref<1x8x512xf32, #tpu.memory_space<vmem>> -> memref<8x512xf32, #tpu.memory_space<vmem>>
      %dma_wait3A_247 = arith.constant 8 : i32
      %dma_wait3A_248 = tpu.memref_slice %arg2[%dma_wait3A_247, %mul3A_242] : memref<64x1000000xf32, #tpu.memory_space<hbm>> -> memref<8x512xf32, #tpu.memory_space<hbm>>
      %dma_wait3A_249 = tpu.memref_slice %arg14[%and3A_220] : memref<2x!tpu.dma_semaphore, #tpu.memory_space<semaphore_mem>> -> memref<1x!tpu.dma_semaphore, #tpu.memory_space<semaphore_mem>>
      %dma_wait3A_250 = tpu.memref_squeeze %dma_wait3A_249 : memref<1x!tpu.dma_semaphore, #tpu.memory_space<semaphore_mem>> -> memref<!tpu.dma_semaphore, #tpu.memory_space<semaphore_mem>>
      %dma_wait3A_251 = arith.constant 8 : i32
      %dma_wait3A_252 = arith.constant 0 : i32
      %dma_wait3A_253 = tpu.memref_slice %arg11[%and3A_220, %dma_wait3A_251, %dma_wait3A_252] : memref<2x64x512xf32, #tpu.memory_space<vmem>> -> memref<1x8x512xf32, #tpu.memory_space<vmem>>
      %dma_wait3A_254 = tpu.memref_squeeze %dma_wait3A_253 : memref<1x8x512xf32, #tpu.memory_space<vmem>> -> memref<8x512xf32, #tpu.memory_space<vmem>>
      %dma_wait3A_255 = arith.constant 8 : i32
      %dma_wait3A_256 = tpu.memref_slice %arg2[%dma_wait3A_255, %mul3A_242] : memref<64x1000000xf32, #tpu.memory_space<hbm>> -> memref<8x512xf32, #tpu.memory_space<hbm>>
      tpu.wait_dma2 semaphore(%dma_wait3A_250 : memref<!tpu.dma_semaphore, #tpu.memory_space<semaphore_mem>>) src(%dma_wait3A_256 : memref<8x512xf32, #tpu.memory_space<hbm>>) dst(%dma_wait3A_254 : memref<8x512xf32, #tpu.memory_space<vmem>>)
      %mul3A_257 = arith.constant 512 : i32
      %mul3A_258 = arith.muli %add3A_218, %mul3A_257 : i32
      %dma_wait3A_259 = arith.constant 16 : i32
      %dma_wait3A_260 = arith.constant 0 : i32
      %dma_wait3A_261 = tpu.memref_slice %arg11[%and3A_220, %dma_wait3A_259, %dma_wait3A_260] : memref<2x64x512xf32, #tpu.memory_space<vmem>> -> memref<1x8x512xf32, #tpu.memory_space<vmem>>
      %dma_wait3A_262 = tpu.memref_squeeze %dma_wait3A_261 : memref<1x8x512xf32, #tpu.memory_space<vmem>> -> memref<8x512xf32, #tpu.memory_space<vmem>>
      %dma_wait3A_263 = arith.constant 16 : i32
      %dma_wait3A_264 = tpu.memref_slice %arg2[%dma_wait3A_263, %mul3A_258] : memref<64x1000000xf32, #tpu.memory_space<hbm>> -> memref<8x512xf32, #tpu.memory_space<hbm>>
      %dma_wait3A_265 = tpu.memref_slice %arg14[%and3A_220] : memref<2x!tpu.dma_semaphore, #tpu.memory_space<semaphore_mem>> -> memref<1x!tpu.dma_semaphore, #tpu.memory_space<semaphore_mem>>
      %dma_wait3A_266 = tpu.memref_squeeze %dma_wait3A_265 : memref<1x!tpu.dma_semaphore, #tpu.memory_space<semaphore_mem>> -> memref<!tpu.dma_semaphore, #tpu.memory_space<semaphore_mem>>
      %dma_wait3A_267 = arith.constant 16 : i32
      %dma_wait3A_268 = arith.constant 0 : i32
      %dma_wait3A_269 = tpu.memref_slice %arg11[%and3A_220, %dma_wait3A_267, %dma_wait3A_268] : memref<2x64x512xf32, #tpu.memory_space<vmem>> -> memref<1x8x512xf32, #tpu.memory_space<vmem>>
      %dma_wait3A_270 = tpu.memref_squeeze %dma_wait3A_269 : memref<1x8x512xf32, #tpu.memory_space<vmem>> -> memref<8x512xf32, #tpu.memory_space<vmem>>
      %dma_wait3A_271 = arith.constant 16 : i32
      %dma_wait3A_272 = tpu.memref_slice %arg2[%dma_wait3A_271, %mul3A_258] : memref<64x1000000xf32, #tpu.memory_space<hbm>> -> memref<8x512xf32, #tpu.memory_space<hbm>>
      tpu.wait_dma2 semaphore(%dma_wait3A_266 : memref<!tpu.dma_semaphore, #tpu.memory_space<semaphore_mem>>) src(%dma_wait3A_272 : memref<8x512xf32, #tpu.memory_space<hbm>>) dst(%dma_wait3A_270 : memref<8x512xf32, #tpu.memory_space<vmem>>)
      %mul3A_273 = arith.constant 512 : i32
      %mul3A_274 = arith.muli %add3A_218, %mul3A_273 : i32
      %dma_wait3A_275 = arith.constant 24 : i32
      %dma_wait3A_276 = arith.constant 0 : i32
      %dma_wait3A_277 = tpu.memref_slice %arg11[%and3A_220, %dma_wait3A_275, %dma_wait3A_276] : memref<2x64x512xf32, #tpu.memory_space<vmem>> -> memref<1x8x512xf32, #tpu.memory_space<vmem>>
      %dma_wait3A_278 = tpu.memref_squeeze %dma_wait3A_277 : memref<1x8x512xf32, #tpu.memory_space<vmem>> -> memref<8x512xf32, #tpu.memory_space<vmem>>
      %dma_wait3A_279 = arith.constant 24 : i32
      %dma_wait3A_280 = tpu.memref_slice %arg2[%dma_wait3A_279, %mul3A_274] : memref<64x1000000xf32, #tpu.memory_space<hbm>> -> memref<8x512xf32, #tpu.memory_space<hbm>>
      %dma_wait3A_281 = tpu.memref_slice %arg14[%and3A_220] : memref<2x!tpu.dma_semaphore, #tpu.memory_space<semaphore_mem>> -> memref<1x!tpu.dma_semaphore, #tpu.memory_space<semaphore_mem>>
      %dma_wait3A_282 = tpu.memref_squeeze %dma_wait3A_281 : memref<1x!tpu.dma_semaphore, #tpu.memory_space<semaphore_mem>> -> memref<!tpu.dma_semaphore, #tpu.memory_space<semaphore_mem>>
      %dma_wait3A_283 = arith.constant 24 : i32
      %dma_wait3A_284 = arith.constant 0 : i32
      %dma_wait3A_285 = tpu.memref_slice %arg11[%and3A_220, %dma_wait3A_283, %dma_wait3A_284] : memref<2x64x512xf32, #tpu.memory_space<vmem>> -> memref<1x8x512xf32, #tpu.memory_space<vmem>>
      %dma_wait3A_286 = tpu.memref_squeeze %dma_wait3A_285 : memref<1x8x512xf32, #tpu.memory_space<vmem>> -> memref<8x512xf32, #tpu.memory_space<vmem>>
      %dma_wait3A_287 = arith.constant 24 : i32
      %dma_wait3A_288 = tpu.memref_slice %arg2[%dma_wait3A_287, %mul3A_274] : memref<64x1000000xf32, #tpu.memory_space<hbm>> -> memref<8x512xf32, #tpu.memory_space<hbm>>
      tpu.wait_dma2 semaphore(%dma_wait3A_282 : memref<!tpu.dma_semaphore, #tpu.memory_space<semaphore_mem>>) src(%dma_wait3A_288 : memref<8x512xf32, #tpu.memory_space<hbm>>) dst(%dma_wait3A_286 : memref<8x512xf32, #tpu.memory_space<vmem>>)
      %mul3A_289 = arith.constant 512 : i32
      %mul3A_290 = arith.muli %add3A_218, %mul3A_289 : i32
      %dma_wait3A_291 = arith.constant 32 : i32
      %dma_wait3A_292 = arith.constant 0 : i32
      %dma_wait3A_293 = tpu.memref_slice %arg11[%and3A_220, %dma_wait3A_291, %dma_wait3A_292] : memref<2x64x512xf32, #tpu.memory_space<vmem>> -> memref<1x8x512xf32, #tpu.memory_space<vmem>>
      %dma_wait3A_294 = tpu.memref_squeeze %dma_wait3A_293 : memref<1x8x512xf32, #tpu.memory_space<vmem>> -> memref<8x512xf32, #tpu.memory_space<vmem>>
      %dma_wait3A_295 = arith.constant 32 : i32
      %dma_wait3A_296 = tpu.memref_slice %arg2[%dma_wait3A_295, %mul3A_290] : memref<64x1000000xf32, #tpu.memory_space<hbm>> -> memref<8x512xf32, #tpu.memory_space<hbm>>
      %dma_wait3A_297 = tpu.memref_slice %arg14[%and3A_220] : memref<2x!tpu.dma_semaphore, #tpu.memory_space<semaphore_mem>> -> memref<1x!tpu.dma_semaphore, #tpu.memory_space<semaphore_mem>>
      %dma_wait3A_298 = tpu.memref_squeeze %dma_wait3A_297 : memref<1x!tpu.dma_semaphore, #tpu.memory_space<semaphore_mem>> -> memref<!tpu.dma_semaphore, #tpu.memory_space<semaphore_mem>>
      %dma_wait3A_299 = arith.constant 32 : i32
      %dma_wait3A_300 = arith.constant 0 : i32
      %dma_wait3A_301 = tpu.memref_slice %arg11[%and3A_220, %dma_wait3A_299, %dma_wait3A_300] : memref<2x64x512xf32, #tpu.memory_space<vmem>> -> memref<1x8x512xf32, #tpu.memory_space<vmem>>
      %dma_wait3A_302 = tpu.memref_squeeze %dma_wait3A_301 : memref<1x8x512xf32, #tpu.memory_space<vmem>> -> memref<8x512xf32, #tpu.memory_space<vmem>>
      %dma_wait3A_303 = arith.constant 32 : i32
      %dma_wait3A_304 = tpu.memref_slice %arg2[%dma_wait3A_303, %mul3A_290] : memref<64x1000000xf32, #tpu.memory_space<hbm>> -> memref<8x512xf32, #tpu.memory_space<hbm>>
      tpu.wait_dma2 semaphore(%dma_wait3A_298 : memref<!tpu.dma_semaphore, #tpu.memory_space<semaphore_mem>>) src(%dma_wait3A_304 : memref<8x512xf32, #tpu.memory_space<hbm>>) dst(%dma_wait3A_302 : memref<8x512xf32, #tpu.memory_space<vmem>>)
      %mul3A_305 = arith.constant 512 : i32
      %mul3A_306 = arith.muli %add3A_218, %mul3A_305 : i32
      %dma_wait3A_307 = arith.constant 40 : i32
      %dma_wait3A_308 = arith.constant 0 : i32
      %dma_wait3A_309 = tpu.memref_slice %arg11[%and3A_220, %dma_wait3A_307, %dma_wait3A_308] : memref<2x64x512xf32, #tpu.memory_space<vmem>> -> memref<1x8x512xf32, #tpu.memory_space<vmem>>
      %dma_wait3A_310 = tpu.memref_squeeze %dma_wait3A_309 : memref<1x8x512xf32, #tpu.memory_space<vmem>> -> memref<8x512xf32, #tpu.memory_space<vmem>>
      %dma_wait3A_311 = arith.constant 40 : i32
      %dma_wait3A_312 = tpu.memref_slice %arg2[%dma_wait3A_311, %mul3A_306] : memref<64x1000000xf32, #tpu.memory_space<hbm>> -> memref<8x512xf32, #tpu.memory_space<hbm>>
      %dma_wait3A_313 = tpu.memref_slice %arg14[%and3A_220] : memref<2x!tpu.dma_semaphore, #tpu.memory_space<semaphore_mem>> -> memref<1x!tpu.dma_semaphore, #tpu.memory_space<semaphore_mem>>
      %dma_wait3A_314 = tpu.memref_squeeze %dma_wait3A_313 : memref<1x!tpu.dma_semaphore, #tpu.memory_space<semaphore_mem>> -> memref<!tpu.dma_semaphore, #tpu.memory_space<semaphore_mem>>
      %dma_wait3A_315 = arith.constant 40 : i32
      %dma_wait3A_316 = arith.constant 0 : i32
      %dma_wait3A_317 = tpu.memref_slice %arg11[%and3A_220, %dma_wait3A_315, %dma_wait3A_316] : memref<2x64x512xf32, #tpu.memory_space<vmem>> -> memref<1x8x512xf32, #tpu.memory_space<vmem>>
      %dma_wait3A_318 = tpu.memref_squeeze %dma_wait3A_317 : memref<1x8x512xf32, #tpu.memory_space<vmem>> -> memref<8x512xf32, #tpu.memory_space<vmem>>
      %dma_wait3A_319 = arith.constant 40 : i32
      %dma_wait3A_320 = tpu.memref_slice %arg2[%dma_wait3A_319, %mul3A_306] : memref<64x1000000xf32, #tpu.memory_space<hbm>> -> memref<8x512xf32, #tpu.memory_space<hbm>>
      tpu.wait_dma2 semaphore(%dma_wait3A_314 : memref<!tpu.dma_semaphore, #tpu.memory_space<semaphore_mem>>) src(%dma_wait3A_320 : memref<8x512xf32, #tpu.memory_space<hbm>>) dst(%dma_wait3A_318 : memref<8x512xf32, #tpu.memory_space<vmem>>)
      %mul3A_321 = arith.constant 512 : i32
      %mul3A_322 = arith.muli %add3A_218, %mul3A_321 : i32
      %dma_wait3A_323 = arith.constant 48 : i32
      %dma_wait3A_324 = arith.constant 0 : i32
      %dma_wait3A_325 = tpu.memref_slice %arg11[%and3A_220, %dma_wait3A_323, %dma_wait3A_324] : memref<2x64x512xf32, #tpu.memory_space<vmem>> -> memref<1x8x512xf32, #tpu.memory_space<vmem>>
      %dma_wait3A_326 = tpu.memref_squeeze %dma_wait3A_325 : memref<1x8x512xf32, #tpu.memory_space<vmem>> -> memref<8x512xf32, #tpu.memory_space<vmem>>
      %dma_wait3A_327 = arith.constant 48 : i32
      %dma_wait3A_328 = tpu.memref_slice %arg2[%dma_wait3A_327, %mul3A_322] : memref<64x1000000xf32, #tpu.memory_space<hbm>> -> memref<8x512xf32, #tpu.memory_space<hbm>>
      %dma_wait3A_329 = tpu.memref_slice %arg14[%and3A_220] : memref<2x!tpu.dma_semaphore, #tpu.memory_space<semaphore_mem>> -> memref<1x!tpu.dma_semaphore, #tpu.memory_space<semaphore_mem>>
      %dma_wait3A_330 = tpu.memref_squeeze %dma_wait3A_329 : memref<1x!tpu.dma_semaphore, #tpu.memory_space<semaphore_mem>> -> memref<!tpu.dma_semaphore, #tpu.memory_space<semaphore_mem>>
      %dma_wait3A_331 = arith.constant 48 : i32
      %dma_wait3A_332 = arith.constant 0 : i32
      %dma_wait3A_333 = tpu.memref_slice %arg11[%and3A_220, %dma_wait3A_331, %dma_wait3A_332] : memref<2x64x512xf32, #tpu.memory_space<vmem>> -> memref<1x8x512xf32, #tpu.memory_space<vmem>>
      %dma_wait3A_334 = tpu.memref_squeeze %dma_wait3A_333 : memref<1x8x512xf32, #tpu.memory_space<vmem>> -> memref<8x512xf32, #tpu.memory_space<vmem>>
      %dma_wait3A_335 = arith.constant 48 : i32
      %dma_wait3A_336 = tpu.memref_slice %arg2[%dma_wait3A_335, %mul3A_322] : memref<64x1000000xf32, #tpu.memory_space<hbm>> -> memref<8x512xf32, #tpu.memory_space<hbm>>
      tpu.wait_dma2 semaphore(%dma_wait3A_330 : memref<!tpu.dma_semaphore, #tpu.memory_space<semaphore_mem>>) src(%dma_wait3A_336 : memref<8x512xf32, #tpu.memory_space<hbm>>) dst(%dma_wait3A_334 : memref<8x512xf32, #tpu.memory_space<vmem>>)
      %mul3A_337 = arith.constant 512 : i32
      %mul3A_338 = arith.muli %add3A_218, %mul3A_337 : i32
      %dma_wait3A_339 = arith.constant 56 : i32
      %dma_wait3A_340 = arith.constant 0 : i32
      %dma_wait3A_341 = tpu.memref_slice %arg11[%and3A_220, %dma_wait3A_339, %dma_wait3A_340] : memref<2x64x512xf32, #tpu.memory_space<vmem>> -> memref<1x8x512xf32, #tpu.memory_space<vmem>>
      %dma_wait3A_342 = tpu.memref_squeeze %dma_wait3A_341 : memref<1x8x512xf32, #tpu.memory_space<vmem>> -> memref<8x512xf32, #tpu.memory_space<vmem>>
      %dma_wait3A_343 = arith.constant 56 : i32
      %dma_wait3A_344 = tpu.memref_slice %arg2[%dma_wait3A_343, %mul3A_338] : memref<64x1000000xf32, #tpu.memory_space<hbm>> -> memref<8x512xf32, #tpu.memory_space<hbm>>
      %dma_wait3A_345 = tpu.memref_slice %arg14[%and3A_220] : memref<2x!tpu.dma_semaphore, #tpu.memory_space<semaphore_mem>> -> memref<1x!tpu.dma_semaphore, #tpu.memory_space<semaphore_mem>>
      %dma_wait3A_346 = tpu.memref_squeeze %dma_wait3A_345 : memref<1x!tpu.dma_semaphore, #tpu.memory_space<semaphore_mem>> -> memref<!tpu.dma_semaphore, #tpu.memory_space<semaphore_mem>>
      %dma_wait3A_347 = arith.constant 56 : i32
      %dma_wait3A_348 = arith.constant 0 : i32
      %dma_wait3A_349 = tpu.memref_slice %arg11[%and3A_220, %dma_wait3A_347, %dma_wait3A_348] : memref<2x64x512xf32, #tpu.memory_space<vmem>> -> memref<1x8x512xf32, #tpu.memory_space<vmem>>
      %dma_wait3A_350 = tpu.memref_squeeze %dma_wait3A_349 : memref<1x8x512xf32, #tpu.memory_space<vmem>> -> memref<8x512xf32, #tpu.memory_space<vmem>>
      %dma_wait3A_351 = arith.constant 56 : i32
      %dma_wait3A_352 = tpu.memref_slice %arg2[%dma_wait3A_351, %mul3A_338] : memref<64x1000000xf32, #tpu.memory_space<hbm>> -> memref<8x512xf32, #tpu.memory_space<hbm>>
      tpu.wait_dma2 semaphore(%dma_wait3A_346 : memref<!tpu.dma_semaphore, #tpu.memory_space<semaphore_mem>>) src(%dma_wait3A_352 : memref<8x512xf32, #tpu.memory_space<hbm>>) dst(%dma_wait3A_350 : memref<8x512xf32, #tpu.memory_space<vmem>>)
      %mul3A_353 = arith.constant 64 : i32
      %mul3A_354 = arith.muli %while3A_213, %mul3A_353 : i32
      %add3A_355 = arith.constant 0 : i32
      %add3A_356 = arith.addi %mul3A_354, %add3A_355 : i32
      %get3A = arith.index_cast %add3A_356 : i32 to index
      %get3A_357 = tpu.vector_load %arg9[%get3A] {strides = array<i32>} : memref<4096xi32, #tpu.memory_space<vmem>>, vector<16xi32>,
      %reduce_sum3A = arith.constant true
      %reduce_sum3A_358 = vector.broadcast %reduce_sum3A : i1 to vector<16xi1>
      %reduce_sum3A_359 = tpu.scan <sum>, %get3A_357 masked %reduce_sum3A_358 : vector<16xi32>, vector<16xi1> -> vector<16xi32>
      %reduce_sum3A_360 = vector.extract %reduce_sum3A_359[15] : i32 from vector<16xi32>
      %add3A_361 = arith.constant 0 : i32
      %add3A_362 = arith.addi %add3A_361, %reduce_sum3A_360 : i32
      %mul3A_363 = arith.constant 64 : i32
      %mul3A_364 = arith.muli %while3A_213, %mul3A_363 : i32
      %add3A_365 = arith.constant 16 : i32
      %add3A_366 = arith.addi %mul3A_364, %add3A_365 : i32
      %get3A_367 = arith.index_cast %add3A_366 : i32 to index
      %get3A_368 = tpu.vector_load %arg9[%get3A_367] {strides = array<i32>} : memref<4096xi32, #tpu.memory_space<vmem>>, vector<16xi32>,
      %reduce_sum3A_369 = arith.constant true
      %reduce_sum3A_370 = vector.broadcast %reduce_sum3A_369 : i1 to vector<16xi1>
      %reduce_sum3A_371 = tpu.scan <sum>, %get3A_368 masked %reduce_sum3A_370 : vector<16xi32>, vector<16xi1> -> vector<16xi32>
      %reduce_sum3A_372 = vector.extract %reduce_sum3A_371[15] : i32 from vector<16xi32>
      %add3A_373 = arith.addi %add3A_362, %reduce_sum3A_372 : i32
      %mul3A_374 = arith.constant 64 : i32
      %mul3A_375 = arith.muli %while3A_213, %mul3A_374 : i32
      %add3A_376 = arith.constant 32 : i32
      %add3A_377 = arith.addi %mul3A_375, %add3A_376 : i32
      %get3A_378 = arith.index_cast %add3A_377 : i32 to index
      %get3A_379 = tpu.vector_load %arg9[%get3A_378] {strides = array<i32>} : memref<4096xi32, #tpu.memory_space<vmem>>, vector<16xi32>,
      %reduce_sum3A_380 = arith.constant true
      %reduce_sum3A_381 = vector.broadcast %reduce_sum3A_380 : i1 to vector<16xi1>
      %reduce_sum3A_382 = tpu.scan <sum>, %get3A_379 masked %reduce_sum3A_381 : vector<16xi32>, vector<16xi1> -> vector<16xi32>
      %reduce_sum3A_383 = vector.extract %reduce_sum3A_382[15] : i32 from vector<16xi32>
      %add3A_384 = arith.addi %add3A_373, %reduce_sum3A_383 : i32
      %mul3A_385 = arith.constant 64 : i32
      %mul3A_386 = arith.muli %while3A_213, %mul3A_385 : i32
      %add3A_387 = arith.constant 48 : i32
      %add3A_388 = arith.addi %mul3A_386, %add3A_387 : i32
      %get3A_389 = arith.index_cast %add3A_388 : i32 to index
      %get3A_390 = tpu.vector_load %arg9[%get3A_389] {strides = array<i32>} : memref<4096xi32, #tpu.memory_space<vmem>>, vector<16xi32>,
      %reduce_sum3A_391 = arith.constant true
      %reduce_sum3A_392 = vector.broadcast %reduce_sum3A_391 : i1 to vector<16xi1>
      %reduce_sum3A_393 = tpu.scan <sum>, %get3A_390 masked %reduce_sum3A_392 : vector<16xi32>, vector<16xi1> -> vector<16xi32>
      %reduce_sum3A_394 = vector.extract %reduce_sum3A_393[15] : i32 from vector<16xi32>
      %add3A_395 = arith.addi %add3A_384, %reduce_sum3A_394 : i32
      %and3A_396 = arith.constant 1 : i32
      %and3A_397 = arith.andi %while3A_213, %and3A_396 : i32
      %mul3A_398 = arith.constant 512 : i32
      %mul3A_399 = arith.muli %add3A_218, %mul3A_398 : i32
      %add3A_400 = arith.constant 15 : i32
      %add3A_401 = arith.addi %add3A_395, %add3A_400 : i32
      %shift_right_arithmetic3A = arith.constant 4 : i32
      %shift_right_arithmetic3A_402 = arith.shrsi %add3A_401, %shift_right_arithmetic3A : i32
      %while3A_403 = arith.constant 0 : i32
      %while3A_404 = arith.subi %shift_right_arithmetic3A_402, %while3A_403 : i32
      %while3A_405 = arith.addi %while3A_403, %while3A_404 : i32
      %while3A_406 = arith.constant 1 : i32
      %while3A_407 = arith.divsi %while3A_404, %while3A_406 : i32
      %while3A_408 = arith.muli %while3A_407, %while3A_406 : i32
      %while3A_409 = arith.addi %while3A_403, %while3A_408 : i32
      %while3A_410 = arith.constant 1 : i32
      %while3A_411 = scf.for %while3A_419 = %while3A_403 to %while3A_409 step %while3A_410 iter_args(%while3A_420 = %while3A_215) -> (i32)  : i32 {
        %and3A_421 = arith.constant 1 : i32
        %and3A_422 = arith.andi %while3A_420, %and3A_421 : i32
        %mul3A_423 = arith.constant 16 : i32
        %mul3A_424 = arith.muli %while3A_419, %mul3A_423 : i32
        %add3A_425 = arith.addi %while3A_214, %mul3A_424 : i32
        %get3A_426 = arith.index_cast %add3A_425 : i32 to index
        %get3A_427 = tpu.vector_load %arg7[%get3A_426] {strides = array<i32>} : memref<17408xi32, #tpu.memory_space<vmem>>, vector<16xi32>,
        %sub3A_428 = vector.broadcast %mul3A_399 : i32 to vector<16xi32>
        %sub3A_429 = arith.subi %get3A_427, %sub3A_428 : vector<16xi32>
        %mul3A_430 = arith.constant 16 : i32
        %mul3A_431 = arith.muli %while3A_419, %mul3A_430 : i32
        %add3A_432 = arith.addi %while3A_214, %mul3A_431 : i32
        %get3A_433 = arith.index_cast %add3A_432 : i32 to index
        %get3A_434 = tpu.vector_load %arg8[%get3A_433] {strides = array<i32>} : memref<17408xi32, #tpu.memory_space<vmem>>, vector<16xi32>,
        %mul3A_435 = arith.constant 16 : i32
        %mul3A_436 = arith.muli %while3A_419, %mul3A_435 : i32
        %add3A_437 = vector.broadcast %mul3A_436 : i32 to vector<16xi32>
        %add3A_438 = arith.addi %add3A_437, %iota3A : vector<16xi32>
        %lt3A_439 = vector.broadcast %add3A_395 : i32 to vector<16xi32>
        %lt3A_440 = arith.cmpi slt, %add3A_438, %lt3A_439 : vector<16xi32>
        %jit3A_441 = arith.constant 0 : i32
        %broadcast_in_dim3A_442 = vector.broadcast %jit3A_441 : i32 to vector<16xi32>
        %select_n3A_443 = arith.select %lt3A_440, %sub3A_429, %broadcast_in_dim3A_442 : vector<16xi1>, vector<16xi32>
        %mul3A_444 = arith.constant 16 : i32
        %mul3A_445 = arith.muli %while3A_419, %mul3A_444 : i32
        %add3A_446 = vector.broadcast %mul3A_445 : i32 to vector<16xi32>
        %add3A_447 = arith.addi %add3A_446, %iota3A : vector<16xi32>
        %mul3A_448 = arith.constant 64 : i32
        %mul3A_449 = arith.muli %add3A, %mul3A_448 : i32
        %add3A_450 = vector.broadcast %mul3A_449 : i32 to vector<16xi32>
        %add3A_451 = arith.addi %add3A_447, %add3A_450 : vector<16xi32>
        %and3A_452 = arith.constant 2047 : i32
        %and3A_453 = vector.broadcast %and3A_452 : i32 to vector<16xi32>
        %and3A_454 = arith.andi %add3A_451, %and3A_453 : vector<16xi32>
        %add3A_455 = arith.constant 16384 : i32
        %add3A_456 = vector.broadcast %add3A_455 : i32 to vector<16xi32>
        %add3A_457 = arith.addi %add3A_456, %and3A_454 : vector<16xi32>
        %ge3A_458 = arith.constant 2 : i32
        %ge3A_459 = arith.cmpi sge, %while3A_420, %ge3A_458 : i32
        %convert_element_type3A_460 = arith.extui %ge3A_459 : i1 to i32
        %cond3A_461 = arith.constant 0 : i32
        %cond3A_462 = arith.cmpi ne, %convert_element_type3A_460, %cond3A_461 : i32
        scf.if %cond3A_462 {
          %dma_wait3A_672 = arith.constant 0 : i32
          %dma_wait3A_673 = arith.constant 0 : i32
          %dma_wait3A_674 = tpu.memref_slice %arg13[%and3A_422, %dma_wait3A_672, %dma_wait3A_673] : memref<2x16x128xf32, #tpu.memory_space<vmem>> -> memref<1x16x128xf32, #tpu.memory_space<vmem>>
          %dma_wait3A_675 = tpu.memref_squeeze %dma_wait3A_674 : memref<1x16x128xf32, #tpu.memory_space<vmem>> -> memref<16x128xf32, #tpu.memory_space<vmem>>
          %dma_wait3A_676 = arith.constant 0 : i32
          %dma_wait3A_677 = tpu.memref_slice %arg12[%and3A_422, %dma_wait3A_676] : memref<2x16xi32, #tpu.memory_space<vmem>> -> memref<1x16xi32, #tpu.memory_space<vmem>>
          %dma_wait3A_678 = tpu.memref_squeeze %dma_wait3A_677 : memref<1x16xi32, #tpu.memory_space<vmem>> -> memref<16xi32, #tpu.memory_space<vmem>>
          %dma_wait3A_679 = arith.constant 0 : i32
          %dma_wait3A_680 = arith.constant 0 : i32
          %dma_wait3A_681 = tpu.memref_slice %arg5[%dma_wait3A_679, %dma_wait3A_680] : memref<18432x128xf32, #tpu.memory_space<hbm>> -> memref<18432x128xf32, #tpu.memory_space<hbm>>
          %dma_wait3A_682 = tpu.memref_slice %arg15[%and3A_422] : memref<2x!tpu.dma_semaphore, #tpu.memory_space<semaphore_mem>> -> memref<1x!tpu.dma_semaphore, #tpu.memory_space<semaphore_mem>>
          %dma_wait3A_683 = tpu.memref_squeeze %dma_wait3A_682 : memref<1x!tpu.dma_semaphore, #tpu.memory_space<semaphore_mem>> -> memref<!tpu.dma_semaphore, #tpu.memory_space<semaphore_mem>>
          tpu.wait_indirect_dma semaphore(%dma_wait3A_683 : memref<!tpu.dma_semaphore, #tpu.memory_space<semaphore_mem>>) src(%dma_wait3A_675 : memref<16x128xf32, #tpu.memory_space<vmem>>) dst(%dma_wait3A_681 : memref<18432x128xf32, #tpu.memory_space<hbm>>)
        } else {
        }
        %broadcast_in_dim3A_463 = vector.broadcast %and3A_422 : i32 to vector<16xi32>
        %select_n3A_464 = arith.select %lt3A_440, %get3A_434, %add3A_457 : vector<16xi1>, vector<16xi32>
        tpu.vector_store_idx %arg12[%broadcast_in_dim3A_463, %iota3A], %select_n3A_464 : memref<2x16xi32, #tpu.memory_space<vmem>>[vector<16xi32>, vector<16xi32>], vector<16xi32>,
        %broadcast_in_dim3A_465 = vector.broadcast %and3A_422 : i32 to vector<16xi32>
        %broadcast_in_dim3A_466 = vector.broadcast %and3A_397 : i32 to vector<16xi32>
        %broadcast_in_dim3A_467 = arith.constant 0 : i32
        %broadcast_in_dim3A_468 = vector.broadcast %broadcast_in_dim3A_467 : i32 to vector<16xi32>
        %gather3A = tpu.vector_load_idx %arg11[%broadcast_in_dim3A_466, %broadcast_in_dim3A_468, %select_n3A_443] : memref<2x64x512xf32, #tpu.memory_space<vmem>>[vector<16xi32>, vector<16xi32>, vector<16xi32>], vector<16xf32>,
        tpu.vector_store_idx %arg13[%broadcast_in_dim3A_465, %iota3A, %broadcast_in_dim3A_468], %gather3A : memref<2x16x128xf32, #tpu.memory_space<vmem>>[vector<16xi32>, vector<16xi32>, vector<16xi32>], vector<16xf32>,
        %broadcast_in_dim3A_469 = arith.constant 1 : i32
        %broadcast_in_dim3A_470 = vector.broadcast %broadcast_in_dim3A_469 : i32 to vector<16xi32>
        %gather3A_471 = tpu.vector_load_idx %arg11[%broadcast_in_dim3A_466, %broadcast_in_dim3A_470, %select_n3A_443] : memref<2x64x512xf32, #tpu.memory_space<vmem>>[vector<16xi32>, vector<16xi32>, vector<16xi32>], vector<16xf32>,
        tpu.vector_store_idx %arg13[%broadcast_in_dim3A_465, %iota3A, %broadcast_in_dim3A_470], %gather3A_471 : memref<2x16x128xf32, #tpu.memory_space<vmem>>[vector<16xi32>, vector<16xi32>, vector<16xi32>], vector<16xf32>,
        %broadcast_in_dim3A_472 = arith.constant 2 : i32
        %broadcast_in_dim3A_473 = vector.broadcast %broadcast_in_dim3A_472 : i32 to vector<16xi32>
        %gather3A_474 = tpu.vector_load_idx %arg11[%broadcast_in_dim3A_466, %broadcast_in_dim3A_473, %select_n3A_443] : memref<2x64x512xf32, #tpu.memory_space<vmem>>[vector<16xi32>, vector<16xi32>, vector<16xi32>], vector<16xf32>,
        tpu.vector_store_idx %arg13[%broadcast_in_dim3A_465, %iota3A, %broadcast_in_dim3A_473], %gather3A_474 : memref<2x16x128xf32, #tpu.memory_space<vmem>>[vector<16xi32>, vector<16xi32>, vector<16xi32>], vector<16xf32>,
        %broadcast_in_dim3A_475 = arith.constant 3 : i32
        %broadcast_in_dim3A_476 = vector.broadcast %broadcast_in_dim3A_475 : i32 to vector<16xi32>
        %gather3A_477 = tpu.vector_load_idx %arg11[%broadcast_in_dim3A_466, %broadcast_in_dim3A_476, %select_n3A_443] : memref<2x64x512xf32, #tpu.memory_space<vmem>>[vector<16xi32>, vector<16xi32>, vector<16xi32>], vector<16xf32>,
        tpu.vector_store_idx %arg13[%broadcast_in_dim3A_465, %iota3A, %broadcast_in_dim3A_476], %gather3A_477 : memref<2x16x128xf32, #tpu.memory_space<vmem>>[vector<16xi32>, vector<16xi32>, vector<16xi32>], vector<16xf32>,
        %broadcast_in_dim3A_478 = arith.constant 4 : i32
        %broadcast_in_dim3A_479 = vector.broadcast %broadcast_in_dim3A_478 : i32 to vector<16xi32>
        %gather3A_480 = tpu.vector_load_idx %arg11[%broadcast_in_dim3A_466, %broadcast_in_dim3A_479, %select_n3A_443] : memref<2x64x512xf32, #tpu.memory_space<vmem>>[vector<16xi32>, vector<16xi32>, vector<16xi32>], vector<16xf32>,
        tpu.vector_store_idx %arg13[%broadcast_in_dim3A_465, %iota3A, %broadcast_in_dim3A_479], %gather3A_480 : memref<2x16x128xf32, #tpu.memory_space<vmem>>[vector<16xi32>, vector<16xi32>, vector<16xi32>], vector<16xf32>,
        %broadcast_in_dim3A_481 = arith.constant 5 : i32
        %broadcast_in_dim3A_482 = vector.broadcast %broadcast_in_dim3A_481 : i32 to vector<16xi32>
        %gather3A_483 = tpu.vector_load_idx %arg11[%broadcast_in_dim3A_466, %broadcast_in_dim3A_482, %select_n3A_443] : memref<2x64x512xf32, #tpu.memory_space<vmem>>[vector<16xi32>, vector<16xi32>, vector<16xi32>], vector<16xf32>,
        tpu.vector_store_idx %arg13[%broadcast_in_dim3A_465, %iota3A, %broadcast_in_dim3A_482], %gather3A_483 : memref<2x16x128xf32, #tpu.memory_space<vmem>>[vector<16xi32>, vector<16xi32>, vector<16xi32>], vector<16xf32>,
        %broadcast_in_dim3A_484 = arith.constant 6 : i32
        %broadcast_in_dim3A_485 = vector.broadcast %broadcast_in_dim3A_484 : i32 to vector<16xi32>
        %gather3A_486 = tpu.vector_load_idx %arg11[%broadcast_in_dim3A_466, %broadcast_in_dim3A_485, %select_n3A_443] : memref<2x64x512xf32, #tpu.memory_space<vmem>>[vector<16xi32>, vector<16xi32>, vector<16xi32>], vector<16xf32>,
        tpu.vector_store_idx %arg13[%broadcast_in_dim3A_465, %iota3A, %broadcast_in_dim3A_485], %gather3A_486 : memref<2x16x128xf32, #tpu.memory_space<vmem>>[vector<16xi32>, vector<16xi32>, vector<16xi32>], vector<16xf32>,
        %broadcast_in_dim3A_487 = arith.constant 7 : i32
        %broadcast_in_dim3A_488 = vector.broadcast %broadcast_in_dim3A_487 : i32 to vector<16xi32>
        %gather3A_489 = tpu.vector_load_idx %arg11[%broadcast_in_dim3A_466, %broadcast_in_dim3A_488, %select_n3A_443] : memref<2x64x512xf32, #tpu.memory_space<vmem>>[vector<16xi32>, vector<16xi32>, vector<16xi32>], vector<16xf32>,
        tpu.vector_store_idx %arg13[%broadcast_in_dim3A_465, %iota3A, %broadcast_in_dim3A_488], %gather3A_489 : memref<2x16x128xf32, #tpu.memory_space<vmem>>[vector<16xi32>, vector<16xi32>, vector<16xi32>], vector<16xf32>,
        %broadcast_in_dim3A_490 = arith.constant 8 : i32
        %broadcast_in_dim3A_491 = vector.broadcast %broadcast_in_dim3A_490 : i32 to vector<16xi32>
        %gather3A_492 = tpu.vector_load_idx %arg11[%broadcast_in_dim3A_466, %broadcast_in_dim3A_491, %select_n3A_443] : memref<2x64x512xf32, #tpu.memory_space<vmem>>[vector<16xi32>, vector<16xi32>, vector<16xi32>], vector<16xf32>,
        tpu.vector_store_idx %arg13[%broadcast_in_dim3A_465, %iota3A, %broadcast_in_dim3A_491], %gather3A_492 : memref<2x16x128xf32, #tpu.memory_space<vmem>>[vector<16xi32>, vector<16xi32>, vector<16xi32>], vector<16xf32>,
        %broadcast_in_dim3A_493 = arith.constant 9 : i32
        %broadcast_in_dim3A_494 = vector.broadcast %broadcast_in_dim3A_493 : i32 to vector<16xi32>
        %gather3A_495 = tpu.vector_load_idx %arg11[%broadcast_in_dim3A_466, %broadcast_in_dim3A_494, %select_n3A_443] : memref<2x64x512xf32, #tpu.memory_space<vmem>>[vector<16xi32>, vector<16xi32>, vector<16xi32>], vector<16xf32>,
        tpu.vector_store_idx %arg13[%broadcast_in_dim3A_465, %iota3A, %broadcast_in_dim3A_494], %gather3A_495 : memref<2x16x128xf32, #tpu.memory_space<vmem>>[vector<16xi32>, vector<16xi32>, vector<16xi32>], vector<16xf32>,
        %broadcast_in_dim3A_496 = arith.constant 10 : i32
        %broadcast_in_dim3A_497 = vector.broadcast %broadcast_in_dim3A_496 : i32 to vector<16xi32>
        %gather3A_498 = tpu.vector_load_idx %arg11[%broadcast_in_dim3A_466, %broadcast_in_dim3A_497, %select_n3A_443] : memref<2x64x512xf32, #tpu.memory_space<vmem>>[vector<16xi32>, vector<16xi32>, vector<16xi32>], vector<16xf32>,
        tpu.vector_store_idx %arg13[%broadcast_in_dim3A_465, %iota3A, %broadcast_in_dim3A_497], %gather3A_498 : memref<2x16x128xf32, #tpu.memory_space<vmem>>[vector<16xi32>, vector<16xi32>, vector<16xi32>], vector<16xf32>,
        %broadcast_in_dim3A_499 = arith.constant 11 : i32
        %broadcast_in_dim3A_500 = vector.broadcast %broadcast_in_dim3A_499 : i32 to vector<16xi32>
        %gather3A_501 = tpu.vector_load_idx %arg11[%broadcast_in_dim3A_466, %broadcast_in_dim3A_500, %select_n3A_443] : memref<2x64x512xf32, #tpu.memory_space<vmem>>[vector<16xi32>, vector<16xi32>, vector<16xi32>], vector<16xf32>,
        tpu.vector_store_idx %arg13[%broadcast_in_dim3A_465, %iota3A, %broadcast_in_dim3A_500], %gather3A_501 : memref<2x16x128xf32, #tpu.memory_space<vmem>>[vector<16xi32>, vector<16xi32>, vector<16xi32>], vector<16xf32>,
        %broadcast_in_dim3A_502 = arith.constant 12 : i32
        %broadcast_in_dim3A_503 = vector.broadcast %broadcast_in_dim3A_502 : i32 to vector<16xi32>
        %gather3A_504 = tpu.vector_load_idx %arg11[%broadcast_in_dim3A_466, %broadcast_in_dim3A_503, %select_n3A_443] : memref<2x64x512xf32, #tpu.memory_space<vmem>>[vector<16xi32>, vector<16xi32>, vector<16xi32>], vector<16xf32>,
        tpu.vector_store_idx %arg13[%broadcast_in_dim3A_465, %iota3A, %broadcast_in_dim3A_503], %gather3A_504 : memref<2x16x128xf32, #tpu.memory_space<vmem>>[vector<16xi32>, vector<16xi32>, vector<16xi32>], vector<16xf32>,
        %broadcast_in_dim3A_505 = arith.constant 13 : i32
        %broadcast_in_dim3A_506 = vector.broadcast %broadcast_in_dim3A_505 : i32 to vector<16xi32>
        %gather3A_507 = tpu.vector_load_idx %arg11[%broadcast_in_dim3A_466, %broadcast_in_dim3A_506, %select_n3A_443] : memref<2x64x512xf32, #tpu.memory_space<vmem>>[vector<16xi32>, vector<16xi32>, vector<16xi32>], vector<16xf32>,
        tpu.vector_store_idx %arg13[%broadcast_in_dim3A_465, %iota3A, %broadcast_in_dim3A_506], %gather3A_507 : memref<2x16x128xf32, #tpu.memory_space<vmem>>[vector<16xi32>, vector<16xi32>, vector<16xi32>], vector<16xf32>,
        %broadcast_in_dim3A_508 = arith.constant 14 : i32
        %broadcast_in_dim3A_509 = vector.broadcast %broadcast_in_dim3A_508 : i32 to vector<16xi32>
        %gather3A_510 = tpu.vector_load_idx %arg11[%broadcast_in_dim3A_466, %broadcast_in_dim3A_509, %select_n3A_443] : memref<2x64x512xf32, #tpu.memory_space<vmem>>[vector<16xi32>, vector<16xi32>, vector<16xi32>], vector<16xf32>,
        tpu.vector_store_idx %arg13[%broadcast_in_dim3A_465, %iota3A, %broadcast_in_dim3A_509], %gather3A_510 : memref<2x16x128xf32, #tpu.memory_space<vmem>>[vector<16xi32>, vector<16xi32>, vector<16xi32>], vector<16xf32>,
        %broadcast_in_dim3A_511 = arith.constant 15 : i32
        %broadcast_in_dim3A_512 = vector.broadcast %broadcast_in_dim3A_511 : i32 to vector<16xi32>
        %gather3A_513 = tpu.vector_load_idx %arg11[%broadcast_in_dim3A_466, %broadcast_in_dim3A_512, %select_n3A_443] : memref<2x64x512xf32, #tpu.memory_space<vmem>>[vector<16xi32>, vector<16xi32>, vector<16xi32>], vector<16xf32>,
        tpu.vector_store_idx %arg13[%broadcast_in_dim3A_465, %iota3A, %broadcast_in_dim3A_512], %gather3A_513 : memref<2x16x128xf32, #tpu.memory_space<vmem>>[vector<16xi32>, vector<16xi32>, vector<16xi32>], vector<16xf32>,
        %broadcast_in_dim3A_514 = arith.constant 16 : i32
        %broadcast_in_dim3A_515 = vector.broadcast %broadcast_in_dim3A_514 : i32 to vector<16xi32>
        %gather3A_516 = tpu.vector_load_idx %arg11[%broadcast_in_dim3A_466, %broadcast_in_dim3A_515, %select_n3A_443] : memref<2x64x512xf32, #tpu.memory_space<vmem>>[vector<16xi32>, vector<16xi32>, vector<16xi32>], vector<16xf32>,
        tpu.vector_store_idx %arg13[%broadcast_in_dim3A_465, %iota3A, %broadcast_in_dim3A_515], %gather3A_516 : memref<2x16x128xf32, #tpu.memory_space<vmem>>[vector<16xi32>, vector<16xi32>, vector<16xi32>], vector<16xf32>,
        %broadcast_in_dim3A_517 = arith.constant 17 : i32
        %broadcast_in_dim3A_518 = vector.broadcast %broadcast_in_dim3A_517 : i32 to vector<16xi32>
        %gather3A_519 = tpu.vector_load_idx %arg11[%broadcast_in_dim3A_466, %broadcast_in_dim3A_518, %select_n3A_443] : memref<2x64x512xf32, #tpu.memory_space<vmem>>[vector<16xi32>, vector<16xi32>, vector<16xi32>], vector<16xf32>,
        tpu.vector_store_idx %arg13[%broadcast_in_dim3A_465, %iota3A, %broadcast_in_dim3A_518], %gather3A_519 : memref<2x16x128xf32, #tpu.memory_space<vmem>>[vector<16xi32>, vector<16xi32>, vector<16xi32>], vector<16xf32>,
        %broadcast_in_dim3A_520 = arith.constant 18 : i32
        %broadcast_in_dim3A_521 = vector.broadcast %broadcast_in_dim3A_520 : i32 to vector<16xi32>
        %gather3A_522 = tpu.vector_load_idx %arg11[%broadcast_in_dim3A_466, %broadcast_in_dim3A_521, %select_n3A_443] : memref<2x64x512xf32, #tpu.memory_space<vmem>>[vector<16xi32>, vector<16xi32>, vector<16xi32>], vector<16xf32>,
        tpu.vector_store_idx %arg13[%broadcast_in_dim3A_465, %iota3A, %broadcast_in_dim3A_521], %gather3A_522 : memref<2x16x128xf32, #tpu.memory_space<vmem>>[vector<16xi32>, vector<16xi32>, vector<16xi32>], vector<16xf32>,
        %broadcast_in_dim3A_523 = arith.constant 19 : i32
        %broadcast_in_dim3A_524 = vector.broadcast %broadcast_in_dim3A_523 : i32 to vector<16xi32>
        %gather3A_525 = tpu.vector_load_idx %arg11[%broadcast_in_dim3A_466, %broadcast_in_dim3A_524, %select_n3A_443] : memref<2x64x512xf32, #tpu.memory_space<vmem>>[vector<16xi32>, vector<16xi32>, vector<16xi32>], vector<16xf32>,
        tpu.vector_store_idx %arg13[%broadcast_in_dim3A_465, %iota3A, %broadcast_in_dim3A_524], %gather3A_525 : memref<2x16x128xf32, #tpu.memory_space<vmem>>[vector<16xi32>, vector<16xi32>, vector<16xi32>], vector<16xf32>,
        %broadcast_in_dim3A_526 = arith.constant 20 : i32
        %broadcast_in_dim3A_527 = vector.broadcast %broadcast_in_dim3A_526 : i32 to vector<16xi32>
        %gather3A_528 = tpu.vector_load_idx %arg11[%broadcast_in_dim3A_466, %broadcast_in_dim3A_527, %select_n3A_443] : memref<2x64x512xf32, #tpu.memory_space<vmem>>[vector<16xi32>, vector<16xi32>, vector<16xi32>], vector<16xf32>,
        tpu.vector_store_idx %arg13[%broadcast_in_dim3A_465, %iota3A, %broadcast_in_dim3A_527], %gather3A_528 : memref<2x16x128xf32, #tpu.memory_space<vmem>>[vector<16xi32>, vector<16xi32>, vector<16xi32>], vector<16xf32>,
        %broadcast_in_dim3A_529 = arith.constant 21 : i32
        %broadcast_in_dim3A_530 = vector.broadcast %broadcast_in_dim3A_529 : i32 to vector<16xi32>
        %gather3A_531 = tpu.vector_load_idx %arg11[%broadcast_in_dim3A_466, %broadcast_in_dim3A_530, %select_n3A_443] : memref<2x64x512xf32, #tpu.memory_space<vmem>>[vector<16xi32>, vector<16xi32>, vector<16xi32>], vector<16xf32>,
        tpu.vector_store_idx %arg13[%broadcast_in_dim3A_465, %iota3A, %broadcast_in_dim3A_530], %gather3A_531 : memref<2x16x128xf32, #tpu.memory_space<vmem>>[vector<16xi32>, vector<16xi32>, vector<16xi32>], vector<16xf32>,
        %broadcast_in_dim3A_532 = arith.constant 22 : i32
        %broadcast_in_dim3A_533 = vector.broadcast %broadcast_in_dim3A_532 : i32 to vector<16xi32>
        %gather3A_534 = tpu.vector_load_idx %arg11[%broadcast_in_dim3A_466, %broadcast_in_dim3A_533, %select_n3A_443] : memref<2x64x512xf32, #tpu.memory_space<vmem>>[vector<16xi32>, vector<16xi32>, vector<16xi32>], vector<16xf32>,
        tpu.vector_store_idx %arg13[%broadcast_in_dim3A_465, %iota3A, %broadcast_in_dim3A_533], %gather3A_534 : memref<2x16x128xf32, #tpu.memory_space<vmem>>[vector<16xi32>, vector<16xi32>, vector<16xi32>], vector<16xf32>,
        %broadcast_in_dim3A_535 = arith.constant 23 : i32
        %broadcast_in_dim3A_536 = vector.broadcast %broadcast_in_dim3A_535 : i32 to vector<16xi32>
        %gather3A_537 = tpu.vector_load_idx %arg11[%broadcast_in_dim3A_466, %broadcast_in_dim3A_536, %select_n3A_443] : memref<2x64x512xf32, #tpu.memory_space<vmem>>[vector<16xi32>, vector<16xi32>, vector<16xi32>], vector<16xf32>,
        tpu.vector_store_idx %arg13[%broadcast_in_dim3A_465, %iota3A, %broadcast_in_dim3A_536], %gather3A_537 : memref<2x16x128xf32, #tpu.memory_space<vmem>>[vector<16xi32>, vector<16xi32>, vector<16xi32>], vector<16xf32>,
        %broadcast_in_dim3A_538 = arith.constant 24 : i32
        %broadcast_in_dim3A_539 = vector.broadcast %broadcast_in_dim3A_538 : i32 to vector<16xi32>
        %gather3A_540 = tpu.vector_load_idx %arg11[%broadcast_in_dim3A_466, %broadcast_in_dim3A_539, %select_n3A_443] : memref<2x64x512xf32, #tpu.memory_space<vmem>>[vector<16xi32>, vector<16xi32>, vector<16xi32>], vector<16xf32>,
        tpu.vector_store_idx %arg13[%broadcast_in_dim3A_465, %iota3A, %broadcast_in_dim3A_539], %gather3A_540 : memref<2x16x128xf32, #tpu.memory_space<vmem>>[vector<16xi32>, vector<16xi32>, vector<16xi32>], vector<16xf32>,
        %broadcast_in_dim3A_541 = arith.constant 25 : i32
        %broadcast_in_dim3A_542 = vector.broadcast %broadcast_in_dim3A_541 : i32 to vector<16xi32>
        %gather3A_543 = tpu.vector_load_idx %arg11[%broadcast_in_dim3A_466, %broadcast_in_dim3A_542, %select_n3A_443] : memref<2x64x512xf32, #tpu.memory_space<vmem>>[vector<16xi32>, vector<16xi32>, vector<16xi32>], vector<16xf32>,
        tpu.vector_store_idx %arg13[%broadcast_in_dim3A_465, %iota3A, %broadcast_in_dim3A_542], %gather3A_543 : memref<2x16x128xf32, #tpu.memory_space<vmem>>[vector<16xi32>, vector<16xi32>, vector<16xi32>], vector<16xf32>,
        %broadcast_in_dim3A_544 = arith.constant 26 : i32
        %broadcast_in_dim3A_545 = vector.broadcast %broadcast_in_dim3A_544 : i32 to vector<16xi32>
        %gather3A_546 = tpu.vector_load_idx %arg11[%broadcast_in_dim3A_466, %broadcast_in_dim3A_545, %select_n3A_443] : memref<2x64x512xf32, #tpu.memory_space<vmem>>[vector<16xi32>, vector<16xi32>, vector<16xi32>], vector<16xf32>,
        tpu.vector_store_idx %arg13[%broadcast_in_dim3A_465, %iota3A, %broadcast_in_dim3A_545], %gather3A_546 : memref<2x16x128xf32, #tpu.memory_space<vmem>>[vector<16xi32>, vector<16xi32>, vector<16xi32>], vector<16xf32>,
        %broadcast_in_dim3A_547 = arith.constant 27 : i32
        %broadcast_in_dim3A_548 = vector.broadcast %broadcast_in_dim3A_547 : i32 to vector<16xi32>
        %gather3A_549 = tpu.vector_load_idx %arg11[%broadcast_in_dim3A_466, %broadcast_in_dim3A_548, %select_n3A_443] : memref<2x64x512xf32, #tpu.memory_space<vmem>>[vector<16xi32>, vector<16xi32>, vector<16xi32>], vector<16xf32>,
        tpu.vector_store_idx %arg13[%broadcast_in_dim3A_465, %iota3A, %broadcast_in_dim3A_548], %gather3A_549 : memref<2x16x128xf32, #tpu.memory_space<vmem>>[vector<16xi32>, vector<16xi32>, vector<16xi32>], vector<16xf32>,
        %broadcast_in_dim3A_550 = arith.constant 28 : i32
        %broadcast_in_dim3A_551 = vector.broadcast %broadcast_in_dim3A_550 : i32 to vector<16xi32>
        %gather3A_552 = tpu.vector_load_idx %arg11[%broadcast_in_dim3A_466, %broadcast_in_dim3A_551, %select_n3A_443] : memref<2x64x512xf32, #tpu.memory_space<vmem>>[vector<16xi32>, vector<16xi32>, vector<16xi32>], vector<16xf32>,
        tpu.vector_store_idx %arg13[%broadcast_in_dim3A_465, %iota3A, %broadcast_in_dim3A_551], %gather3A_552 : memref<2x16x128xf32, #tpu.memory_space<vmem>>[vector<16xi32>, vector<16xi32>, vector<16xi32>], vector<16xf32>,
        %broadcast_in_dim3A_553 = arith.constant 29 : i32
        %broadcast_in_dim3A_554 = vector.broadcast %broadcast_in_dim3A_553 : i32 to vector<16xi32>
        %gather3A_555 = tpu.vector_load_idx %arg11[%broadcast_in_dim3A_466, %broadcast_in_dim3A_554, %select_n3A_443] : memref<2x64x512xf32, #tpu.memory_space<vmem>>[vector<16xi32>, vector<16xi32>, vector<16xi32>], vector<16xf32>,
        tpu.vector_store_idx %arg13[%broadcast_in_dim3A_465, %iota3A, %broadcast_in_dim3A_554], %gather3A_555 : memref<2x16x128xf32, #tpu.memory_space<vmem>>[vector<16xi32>, vector<16xi32>, vector<16xi32>], vector<16xf32>,
        %broadcast_in_dim3A_556 = arith.constant 30 : i32
        %broadcast_in_dim3A_557 = vector.broadcast %broadcast_in_dim3A_556 : i32 to vector<16xi32>
        %gather3A_558 = tpu.vector_load_idx %arg11[%broadcast_in_dim3A_466, %broadcast_in_dim3A_557, %select_n3A_443] : memref<2x64x512xf32, #tpu.memory_space<vmem>>[vector<16xi32>, vector<16xi32>, vector<16xi32>], vector<16xf32>,
        tpu.vector_store_idx %arg13[%broadcast_in_dim3A_465, %iota3A, %broadcast_in_dim3A_557], %gather3A_558 : memref<2x16x128xf32, #tpu.memory_space<vmem>>[vector<16xi32>, vector<16xi32>, vector<16xi32>], vector<16xf32>,
        %broadcast_in_dim3A_559 = arith.constant 31 : i32
        %broadcast_in_dim3A_560 = vector.broadcast %broadcast_in_dim3A_559 : i32 to vector<16xi32>
        %gather3A_561 = tpu.vector_load_idx %arg11[%broadcast_in_dim3A_466, %broadcast_in_dim3A_560, %select_n3A_443] : memref<2x64x512xf32, #tpu.memory_space<vmem>>[vector<16xi32>, vector<16xi32>, vector<16xi32>], vector<16xf32>,
        tpu.vector_store_idx %arg13[%broadcast_in_dim3A_465, %iota3A, %broadcast_in_dim3A_560], %gather3A_561 : memref<2x16x128xf32, #tpu.memory_space<vmem>>[vector<16xi32>, vector<16xi32>, vector<16xi32>], vector<16xf32>,
        %broadcast_in_dim3A_562 = arith.constant 32 : i32
        %broadcast_in_dim3A_563 = vector.broadcast %broadcast_in_dim3A_562 : i32 to vector<16xi32>
        %gather3A_564 = tpu.vector_load_idx %arg11[%broadcast_in_dim3A_466, %broadcast_in_dim3A_563, %select_n3A_443] : memref<2x64x512xf32, #tpu.memory_space<vmem>>[vector<16xi32>, vector<16xi32>, vector<16xi32>], vector<16xf32>,
        tpu.vector_store_idx %arg13[%broadcast_in_dim3A_465, %iota3A, %broadcast_in_dim3A_563], %gather3A_564 : memref<2x16x128xf32, #tpu.memory_space<vmem>>[vector<16xi32>, vector<16xi32>, vector<16xi32>], vector<16xf32>,
        %broadcast_in_dim3A_565 = arith.constant 33 : i32
        %broadcast_in_dim3A_566 = vector.broadcast %broadcast_in_dim3A_565 : i32 to vector<16xi32>
        %gather3A_567 = tpu.vector_load_idx %arg11[%broadcast_in_dim3A_466, %broadcast_in_dim3A_566, %select_n3A_443] : memref<2x64x512xf32, #tpu.memory_space<vmem>>[vector<16xi32>, vector<16xi32>, vector<16xi32>], vector<16xf32>,
        tpu.vector_store_idx %arg13[%broadcast_in_dim3A_465, %iota3A, %broadcast_in_dim3A_566], %gather3A_567 : memref<2x16x128xf32, #tpu.memory_space<vmem>>[vector<16xi32>, vector<16xi32>, vector<16xi32>], vector<16xf32>,
        %broadcast_in_dim3A_568 = arith.constant 34 : i32
        %broadcast_in_dim3A_569 = vector.broadcast %broadcast_in_dim3A_568 : i32 to vector<16xi32>
        %gather3A_570 = tpu.vector_load_idx %arg11[%broadcast_in_dim3A_466, %broadcast_in_dim3A_569, %select_n3A_443] : memref<2x64x512xf32, #tpu.memory_space<vmem>>[vector<16xi32>, vector<16xi32>, vector<16xi32>], vector<16xf32>,
        tpu.vector_store_idx %arg13[%broadcast_in_dim3A_465, %iota3A, %broadcast_in_dim3A_569], %gather3A_570 : memref<2x16x128xf32, #tpu.memory_space<vmem>>[vector<16xi32>, vector<16xi32>, vector<16xi32>], vector<16xf32>,
        %broadcast_in_dim3A_571 = arith.constant 35 : i32
        %broadcast_in_dim3A_572 = vector.broadcast %broadcast_in_dim3A_571 : i32 to vector<16xi32>
        %gather3A_573 = tpu.vector_load_idx %arg11[%broadcast_in_dim3A_466, %broadcast_in_dim3A_572, %select_n3A_443] : memref<2x64x512xf32, #tpu.memory_space<vmem>>[vector<16xi32>, vector<16xi32>, vector<16xi32>], vector<16xf32>,
        tpu.vector_store_idx %arg13[%broadcast_in_dim3A_465, %iota3A, %broadcast_in_dim3A_572], %gather3A_573 : memref<2x16x128xf32, #tpu.memory_space<vmem>>[vector<16xi32>, vector<16xi32>, vector<16xi32>], vector<16xf32>,
        %broadcast_in_dim3A_574 = arith.constant 36 : i32
        %broadcast_in_dim3A_575 = vector.broadcast %broadcast_in_dim3A_574 : i32 to vector<16xi32>
        %gather3A_576 = tpu.vector_load_idx %arg11[%broadcast_in_dim3A_466, %broadcast_in_dim3A_575, %select_n3A_443] : memref<2x64x512xf32, #tpu.memory_space<vmem>>[vector<16xi32>, vector<16xi32>, vector<16xi32>], vector<16xf32>,
        tpu.vector_store_idx %arg13[%broadcast_in_dim3A_465, %iota3A, %broadcast_in_dim3A_575], %gather3A_576 : memref<2x16x128xf32, #tpu.memory_space<vmem>>[vector<16xi32>, vector<16xi32>, vector<16xi32>], vector<16xf32>,
        %broadcast_in_dim3A_577 = arith.constant 37 : i32
        %broadcast_in_dim3A_578 = vector.broadcast %broadcast_in_dim3A_577 : i32 to vector<16xi32>
        %gather3A_579 = tpu.vector_load_idx %arg11[%broadcast_in_dim3A_466, %broadcast_in_dim3A_578, %select_n3A_443] : memref<2x64x512xf32, #tpu.memory_space<vmem>>[vector<16xi32>, vector<16xi32>, vector<16xi32>], vector<16xf32>,
        tpu.vector_store_idx %arg13[%broadcast_in_dim3A_465, %iota3A, %broadcast_in_dim3A_578], %gather3A_579 : memref<2x16x128xf32, #tpu.memory_space<vmem>>[vector<16xi32>, vector<16xi32>, vector<16xi32>], vector<16xf32>,
        %broadcast_in_dim3A_580 = arith.constant 38 : i32
        %broadcast_in_dim3A_581 = vector.broadcast %broadcast_in_dim3A_580 : i32 to vector<16xi32>
        %gather3A_582 = tpu.vector_load_idx %arg11[%broadcast_in_dim3A_466, %broadcast_in_dim3A_581, %select_n3A_443] : memref<2x64x512xf32, #tpu.memory_space<vmem>>[vector<16xi32>, vector<16xi32>, vector<16xi32>], vector<16xf32>,
        tpu.vector_store_idx %arg13[%broadcast_in_dim3A_465, %iota3A, %broadcast_in_dim3A_581], %gather3A_582 : memref<2x16x128xf32, #tpu.memory_space<vmem>>[vector<16xi32>, vector<16xi32>, vector<16xi32>], vector<16xf32>,
        %broadcast_in_dim3A_583 = arith.constant 39 : i32
        %broadcast_in_dim3A_584 = vector.broadcast %broadcast_in_dim3A_583 : i32 to vector<16xi32>
        %gather3A_585 = tpu.vector_load_idx %arg11[%broadcast_in_dim3A_466, %broadcast_in_dim3A_584, %select_n3A_443] : memref<2x64x512xf32, #tpu.memory_space<vmem>>[vector<16xi32>, vector<16xi32>, vector<16xi32>], vector<16xf32>,
        tpu.vector_store_idx %arg13[%broadcast_in_dim3A_465, %iota3A, %broadcast_in_dim3A_584], %gather3A_585 : memref<2x16x128xf32, #tpu.memory_space<vmem>>[vector<16xi32>, vector<16xi32>, vector<16xi32>], vector<16xf32>,
        %broadcast_in_dim3A_586 = arith.constant 40 : i32
        %broadcast_in_dim3A_587 = vector.broadcast %broadcast_in_dim3A_586 : i32 to vector<16xi32>
        %gather3A_588 = tpu.vector_load_idx %arg11[%broadcast_in_dim3A_466, %broadcast_in_dim3A_587, %select_n3A_443] : memref<2x64x512xf32, #tpu.memory_space<vmem>>[vector<16xi32>, vector<16xi32>, vector<16xi32>], vector<16xf32>,
        tpu.vector_store_idx %arg13[%broadcast_in_dim3A_465, %iota3A, %broadcast_in_dim3A_587], %gather3A_588 : memref<2x16x128xf32, #tpu.memory_space<vmem>>[vector<16xi32>, vector<16xi32>, vector<16xi32>], vector<16xf32>,
        %broadcast_in_dim3A_589 = arith.constant 41 : i32
        %broadcast_in_dim3A_590 = vector.broadcast %broadcast_in_dim3A_589 : i32 to vector<16xi32>
        %gather3A_591 = tpu.vector_load_idx %arg11[%broadcast_in_dim3A_466, %broadcast_in_dim3A_590, %select_n3A_443] : memref<2x64x512xf32, #tpu.memory_space<vmem>>[vector<16xi32>, vector<16xi32>, vector<16xi32>], vector<16xf32>,
        tpu.vector_store_idx %arg13[%broadcast_in_dim3A_465, %iota3A, %broadcast_in_dim3A_590], %gather3A_591 : memref<2x16x128xf32, #tpu.memory_space<vmem>>[vector<16xi32>, vector<16xi32>, vector<16xi32>], vector<16xf32>,
        %broadcast_in_dim3A_592 = arith.constant 42 : i32
        %broadcast_in_dim3A_593 = vector.broadcast %broadcast_in_dim3A_592 : i32 to vector<16xi32>
        %gather3A_594 = tpu.vector_load_idx %arg11[%broadcast_in_dim3A_466, %broadcast_in_dim3A_593, %select_n3A_443] : memref<2x64x512xf32, #tpu.memory_space<vmem>>[vector<16xi32>, vector<16xi32>, vector<16xi32>], vector<16xf32>,
        tpu.vector_store_idx %arg13[%broadcast_in_dim3A_465, %iota3A, %broadcast_in_dim3A_593], %gather3A_594 : memref<2x16x128xf32, #tpu.memory_space<vmem>>[vector<16xi32>, vector<16xi32>, vector<16xi32>], vector<16xf32>,
        %broadcast_in_dim3A_595 = arith.constant 43 : i32
        %broadcast_in_dim3A_596 = vector.broadcast %broadcast_in_dim3A_595 : i32 to vector<16xi32>
        %gather3A_597 = tpu.vector_load_idx %arg11[%broadcast_in_dim3A_466, %broadcast_in_dim3A_596, %select_n3A_443] : memref<2x64x512xf32, #tpu.memory_space<vmem>>[vector<16xi32>, vector<16xi32>, vector<16xi32>], vector<16xf32>,
        tpu.vector_store_idx %arg13[%broadcast_in_dim3A_465, %iota3A, %broadcast_in_dim3A_596], %gather3A_597 : memref<2x16x128xf32, #tpu.memory_space<vmem>>[vector<16xi32>, vector<16xi32>, vector<16xi32>], vector<16xf32>,
        %broadcast_in_dim3A_598 = arith.constant 44 : i32
        %broadcast_in_dim3A_599 = vector.broadcast %broadcast_in_dim3A_598 : i32 to vector<16xi32>
        %gather3A_600 = tpu.vector_load_idx %arg11[%broadcast_in_dim3A_466, %broadcast_in_dim3A_599, %select_n3A_443] : memref<2x64x512xf32, #tpu.memory_space<vmem>>[vector<16xi32>, vector<16xi32>, vector<16xi32>], vector<16xf32>,
        tpu.vector_store_idx %arg13[%broadcast_in_dim3A_465, %iota3A, %broadcast_in_dim3A_599], %gather3A_600 : memref<2x16x128xf32, #tpu.memory_space<vmem>>[vector<16xi32>, vector<16xi32>, vector<16xi32>], vector<16xf32>,
        %broadcast_in_dim3A_601 = arith.constant 45 : i32
        %broadcast_in_dim3A_602 = vector.broadcast %broadcast_in_dim3A_601 : i32 to vector<16xi32>
        %gather3A_603 = tpu.vector_load_idx %arg11[%broadcast_in_dim3A_466, %broadcast_in_dim3A_602, %select_n3A_443] : memref<2x64x512xf32, #tpu.memory_space<vmem>>[vector<16xi32>, vector<16xi32>, vector<16xi32>], vector<16xf32>,
        tpu.vector_store_idx %arg13[%broadcast_in_dim3A_465, %iota3A, %broadcast_in_dim3A_602], %gather3A_603 : memref<2x16x128xf32, #tpu.memory_space<vmem>>[vector<16xi32>, vector<16xi32>, vector<16xi32>], vector<16xf32>,
        %broadcast_in_dim3A_604 = arith.constant 46 : i32
        %broadcast_in_dim3A_605 = vector.broadcast %broadcast_in_dim3A_604 : i32 to vector<16xi32>
        %gather3A_606 = tpu.vector_load_idx %arg11[%broadcast_in_dim3A_466, %broadcast_in_dim3A_605, %select_n3A_443] : memref<2x64x512xf32, #tpu.memory_space<vmem>>[vector<16xi32>, vector<16xi32>, vector<16xi32>], vector<16xf32>,
        tpu.vector_store_idx %arg13[%broadcast_in_dim3A_465, %iota3A, %broadcast_in_dim3A_605], %gather3A_606 : memref<2x16x128xf32, #tpu.memory_space<vmem>>[vector<16xi32>, vector<16xi32>, vector<16xi32>], vector<16xf32>,
        %broadcast_in_dim3A_607 = arith.constant 47 : i32
        %broadcast_in_dim3A_608 = vector.broadcast %broadcast_in_dim3A_607 : i32 to vector<16xi32>
        %gather3A_609 = tpu.vector_load_idx %arg11[%broadcast_in_dim3A_466, %broadcast_in_dim3A_608, %select_n3A_443] : memref<2x64x512xf32, #tpu.memory_space<vmem>>[vector<16xi32>, vector<16xi32>, vector<16xi32>], vector<16xf32>,
        tpu.vector_store_idx %arg13[%broadcast_in_dim3A_465, %iota3A, %broadcast_in_dim3A_608], %gather3A_609 : memref<2x16x128xf32, #tpu.memory_space<vmem>>[vector<16xi32>, vector<16xi32>, vector<16xi32>], vector<16xf32>,
        %broadcast_in_dim3A_610 = arith.constant 48 : i32
        %broadcast_in_dim3A_611 = vector.broadcast %broadcast_in_dim3A_610 : i32 to vector<16xi32>
        %gather3A_612 = tpu.vector_load_idx %arg11[%broadcast_in_dim3A_466, %broadcast_in_dim3A_611, %select_n3A_443] : memref<2x64x512xf32, #tpu.memory_space<vmem>>[vector<16xi32>, vector<16xi32>, vector<16xi32>], vector<16xf32>,
        tpu.vector_store_idx %arg13[%broadcast_in_dim3A_465, %iota3A, %broadcast_in_dim3A_611], %gather3A_612 : memref<2x16x128xf32, #tpu.memory_space<vmem>>[vector<16xi32>, vector<16xi32>, vector<16xi32>], vector<16xf32>,
        %broadcast_in_dim3A_613 = arith.constant 49 : i32
        %broadcast_in_dim3A_614 = vector.broadcast %broadcast_in_dim3A_613 : i32 to vector<16xi32>
        %gather3A_615 = tpu.vector_load_idx %arg11[%broadcast_in_dim3A_466, %broadcast_in_dim3A_614, %select_n3A_443] : memref<2x64x512xf32, #tpu.memory_space<vmem>>[vector<16xi32>, vector<16xi32>, vector<16xi32>], vector<16xf32>,
        tpu.vector_store_idx %arg13[%broadcast_in_dim3A_465, %iota3A, %broadcast_in_dim3A_614], %gather3A_615 : memref<2x16x128xf32, #tpu.memory_space<vmem>>[vector<16xi32>, vector<16xi32>, vector<16xi32>], vector<16xf32>,
        %broadcast_in_dim3A_616 = arith.constant 50 : i32
        %broadcast_in_dim3A_617 = vector.broadcast %broadcast_in_dim3A_616 : i32 to vector<16xi32>
        %gather3A_618 = tpu.vector_load_idx %arg11[%broadcast_in_dim3A_466, %broadcast_in_dim3A_617, %select_n3A_443] : memref<2x64x512xf32, #tpu.memory_space<vmem>>[vector<16xi32>, vector<16xi32>, vector<16xi32>], vector<16xf32>,
        tpu.vector_store_idx %arg13[%broadcast_in_dim3A_465, %iota3A, %broadcast_in_dim3A_617], %gather3A_618 : memref<2x16x128xf32, #tpu.memory_space<vmem>>[vector<16xi32>, vector<16xi32>, vector<16xi32>], vector<16xf32>,
        %broadcast_in_dim3A_619 = arith.constant 51 : i32
        %broadcast_in_dim3A_620 = vector.broadcast %broadcast_in_dim3A_619 : i32 to vector<16xi32>
        %gather3A_621 = tpu.vector_load_idx %arg11[%broadcast_in_dim3A_466, %broadcast_in_dim3A_620, %select_n3A_443] : memref<2x64x512xf32, #tpu.memory_space<vmem>>[vector<16xi32>, vector<16xi32>, vector<16xi32>], vector<16xf32>,
        tpu.vector_store_idx %arg13[%broadcast_in_dim3A_465, %iota3A, %broadcast_in_dim3A_620], %gather3A_621 : memref<2x16x128xf32, #tpu.memory_space<vmem>>[vector<16xi32>, vector<16xi32>, vector<16xi32>], vector<16xf32>,
        %broadcast_in_dim3A_622 = arith.constant 52 : i32
        %broadcast_in_dim3A_623 = vector.broadcast %broadcast_in_dim3A_622 : i32 to vector<16xi32>
        %gather3A_624 = tpu.vector_load_idx %arg11[%broadcast_in_dim3A_466, %broadcast_in_dim3A_623, %select_n3A_443] : memref<2x64x512xf32, #tpu.memory_space<vmem>>[vector<16xi32>, vector<16xi32>, vector<16xi32>], vector<16xf32>,
        tpu.vector_store_idx %arg13[%broadcast_in_dim3A_465, %iota3A, %broadcast_in_dim3A_623], %gather3A_624 : memref<2x16x128xf32, #tpu.memory_space<vmem>>[vector<16xi32>, vector<16xi32>, vector<16xi32>], vector<16xf32>,
        %broadcast_in_dim3A_625 = arith.constant 53 : i32
        %broadcast_in_dim3A_626 = vector.broadcast %broadcast_in_dim3A_625 : i32 to vector<16xi32>
        %gather3A_627 = tpu.vector_load_idx %arg11[%broadcast_in_dim3A_466, %broadcast_in_dim3A_626, %select_n3A_443] : memref<2x64x512xf32, #tpu.memory_space<vmem>>[vector<16xi32>, vector<16xi32>, vector<16xi32>], vector<16xf32>,
        tpu.vector_store_idx %arg13[%broadcast_in_dim3A_465, %iota3A, %broadcast_in_dim3A_626], %gather3A_627 : memref<2x16x128xf32, #tpu.memory_space<vmem>>[vector<16xi32>, vector<16xi32>, vector<16xi32>], vector<16xf32>,
        %broadcast_in_dim3A_628 = arith.constant 54 : i32
        %broadcast_in_dim3A_629 = vector.broadcast %broadcast_in_dim3A_628 : i32 to vector<16xi32>
        %gather3A_630 = tpu.vector_load_idx %arg11[%broadcast_in_dim3A_466, %broadcast_in_dim3A_629, %select_n3A_443] : memref<2x64x512xf32, #tpu.memory_space<vmem>>[vector<16xi32>, vector<16xi32>, vector<16xi32>], vector<16xf32>,
        tpu.vector_store_idx %arg13[%broadcast_in_dim3A_465, %iota3A, %broadcast_in_dim3A_629], %gather3A_630 : memref<2x16x128xf32, #tpu.memory_space<vmem>>[vector<16xi32>, vector<16xi32>, vector<16xi32>], vector<16xf32>,
        %broadcast_in_dim3A_631 = arith.constant 55 : i32
        %broadcast_in_dim3A_632 = vector.broadcast %broadcast_in_dim3A_631 : i32 to vector<16xi32>
        %gather3A_633 = tpu.vector_load_idx %arg11[%broadcast_in_dim3A_466, %broadcast_in_dim3A_632, %select_n3A_443] : memref<2x64x512xf32, #tpu.memory_space<vmem>>[vector<16xi32>, vector<16xi32>, vector<16xi32>], vector<16xf32>,
        tpu.vector_store_idx %arg13[%broadcast_in_dim3A_465, %iota3A, %broadcast_in_dim3A_632], %gather3A_633 : memref<2x16x128xf32, #tpu.memory_space<vmem>>[vector<16xi32>, vector<16xi32>, vector<16xi32>], vector<16xf32>,
        %broadcast_in_dim3A_634 = arith.constant 56 : i32
        %broadcast_in_dim3A_635 = vector.broadcast %broadcast_in_dim3A_634 : i32 to vector<16xi32>
        %gather3A_636 = tpu.vector_load_idx %arg11[%broadcast_in_dim3A_466, %broadcast_in_dim3A_635, %select_n3A_443] : memref<2x64x512xf32, #tpu.memory_space<vmem>>[vector<16xi32>, vector<16xi32>, vector<16xi32>], vector<16xf32>,
        tpu.vector_store_idx %arg13[%broadcast_in_dim3A_465, %iota3A, %broadcast_in_dim3A_635], %gather3A_636 : memref<2x16x128xf32, #tpu.memory_space<vmem>>[vector<16xi32>, vector<16xi32>, vector<16xi32>], vector<16xf32>,
        %broadcast_in_dim3A_637 = arith.constant 57 : i32
        %broadcast_in_dim3A_638 = vector.broadcast %broadcast_in_dim3A_637 : i32 to vector<16xi32>
        %gather3A_639 = tpu.vector_load_idx %arg11[%broadcast_in_dim3A_466, %broadcast_in_dim3A_638, %select_n3A_443] : memref<2x64x512xf32, #tpu.memory_space<vmem>>[vector<16xi32>, vector<16xi32>, vector<16xi32>], vector<16xf32>,
        tpu.vector_store_idx %arg13[%broadcast_in_dim3A_465, %iota3A, %broadcast_in_dim3A_638], %gather3A_639 : memref<2x16x128xf32, #tpu.memory_space<vmem>>[vector<16xi32>, vector<16xi32>, vector<16xi32>], vector<16xf32>,
        %broadcast_in_dim3A_640 = arith.constant 58 : i32
        %broadcast_in_dim3A_641 = vector.broadcast %broadcast_in_dim3A_640 : i32 to vector<16xi32>
        %gather3A_642 = tpu.vector_load_idx %arg11[%broadcast_in_dim3A_466, %broadcast_in_dim3A_641, %select_n3A_443] : memref<2x64x512xf32, #tpu.memory_space<vmem>>[vector<16xi32>, vector<16xi32>, vector<16xi32>], vector<16xf32>,
        tpu.vector_store_idx %arg13[%broadcast_in_dim3A_465, %iota3A, %broadcast_in_dim3A_641], %gather3A_642 : memref<2x16x128xf32, #tpu.memory_space<vmem>>[vector<16xi32>, vector<16xi32>, vector<16xi32>], vector<16xf32>,
        %broadcast_in_dim3A_643 = arith.constant 59 : i32
        %broadcast_in_dim3A_644 = vector.broadcast %broadcast_in_dim3A_643 : i32 to vector<16xi32>
        %gather3A_645 = tpu.vector_load_idx %arg11[%broadcast_in_dim3A_466, %broadcast_in_dim3A_644, %select_n3A_443] : memref<2x64x512xf32, #tpu.memory_space<vmem>>[vector<16xi32>, vector<16xi32>, vector<16xi32>], vector<16xf32>,
        tpu.vector_store_idx %arg13[%broadcast_in_dim3A_465, %iota3A, %broadcast_in_dim3A_644], %gather3A_645 : memref<2x16x128xf32, #tpu.memory_space<vmem>>[vector<16xi32>, vector<16xi32>, vector<16xi32>], vector<16xf32>,
        %broadcast_in_dim3A_646 = arith.constant 60 : i32
        %broadcast_in_dim3A_647 = vector.broadcast %broadcast_in_dim3A_646 : i32 to vector<16xi32>
        %gather3A_648 = tpu.vector_load_idx %arg11[%broadcast_in_dim3A_466, %broadcast_in_dim3A_647, %select_n3A_443] : memref<2x64x512xf32, #tpu.memory_space<vmem>>[vector<16xi32>, vector<16xi32>, vector<16xi32>], vector<16xf32>,
        tpu.vector_store_idx %arg13[%broadcast_in_dim3A_465, %iota3A, %broadcast_in_dim3A_647], %gather3A_648 : memref<2x16x128xf32, #tpu.memory_space<vmem>>[vector<16xi32>, vector<16xi32>, vector<16xi32>], vector<16xf32>,
        %broadcast_in_dim3A_649 = arith.constant 61 : i32
        %broadcast_in_dim3A_650 = vector.broadcast %broadcast_in_dim3A_649 : i32 to vector<16xi32>
        %gather3A_651 = tpu.vector_load_idx %arg11[%broadcast_in_dim3A_466, %broadcast_in_dim3A_650, %select_n3A_443] : memref<2x64x512xf32, #tpu.memory_space<vmem>>[vector<16xi32>, vector<16xi32>, vector<16xi32>], vector<16xf32>,
        tpu.vector_store_idx %arg13[%broadcast_in_dim3A_465, %iota3A, %broadcast_in_dim3A_650], %gather3A_651 : memref<2x16x128xf32, #tpu.memory_space<vmem>>[vector<16xi32>, vector<16xi32>, vector<16xi32>], vector<16xf32>,
        %broadcast_in_dim3A_652 = arith.constant 62 : i32
        %broadcast_in_dim3A_653 = vector.broadcast %broadcast_in_dim3A_652 : i32 to vector<16xi32>
        %gather3A_654 = tpu.vector_load_idx %arg11[%broadcast_in_dim3A_466, %broadcast_in_dim3A_653, %select_n3A_443] : memref<2x64x512xf32, #tpu.memory_space<vmem>>[vector<16xi32>, vector<16xi32>, vector<16xi32>], vector<16xf32>,
        tpu.vector_store_idx %arg13[%broadcast_in_dim3A_465, %iota3A, %broadcast_in_dim3A_653], %gather3A_654 : memref<2x16x128xf32, #tpu.memory_space<vmem>>[vector<16xi32>, vector<16xi32>, vector<16xi32>], vector<16xf32>,
        %broadcast_in_dim3A_655 = arith.constant 63 : i32
        %broadcast_in_dim3A_656 = vector.broadcast %broadcast_in_dim3A_655 : i32 to vector<16xi32>
        %gather3A_657 = tpu.vector_load_idx %arg11[%broadcast_in_dim3A_466, %broadcast_in_dim3A_656, %select_n3A_443] : memref<2x64x512xf32, #tpu.memory_space<vmem>>[vector<16xi32>, vector<16xi32>, vector<16xi32>], vector<16xf32>,
        tpu.vector_store_idx %arg13[%broadcast_in_dim3A_465, %iota3A, %broadcast_in_dim3A_656], %gather3A_657 : memref<2x16x128xf32, #tpu.memory_space<vmem>>[vector<16xi32>, vector<16xi32>, vector<16xi32>], vector<16xf32>,
        %dma_start3A_658 = arith.constant 0 : i32
        %dma_start3A_659 = arith.constant 0 : i32
        %dma_start3A_660 = tpu.memref_slice %arg13[%and3A_422, %dma_start3A_658, %dma_start3A_659] : memref<2x16x128xf32, #tpu.memory_space<vmem>> -> memref<1x16x128xf32, #tpu.memory_space<vmem>>
        %dma_start3A_661 = tpu.memref_squeeze %dma_start3A_660 : memref<1x16x128xf32, #tpu.memory_space<vmem>> -> memref<16x128xf32, #tpu.memory_space<vmem>>
        %dma_start3A_662 = arith.constant 0 : i32
        %dma_start3A_663 = tpu.memref_slice %arg12[%and3A_422, %dma_start3A_662] : memref<2x16xi32, #tpu.memory_space<vmem>> -> memref<1x16xi32, #tpu.memory_space<vmem>>
        %dma_start3A_664 = tpu.memref_squeeze %dma_start3A_663 : memref<1x16xi32, #tpu.memory_space<vmem>> -> memref<16xi32, #tpu.memory_space<vmem>>
        %dma_start3A_665 = arith.constant 0 : i32
        %dma_start3A_666 = arith.constant 0 : i32
        %dma_start3A_667 = tpu.memref_slice %arg5[%dma_start3A_665, %dma_start3A_666] : memref<18432x128xf32, #tpu.memory_space<hbm>> -> memref<18432x128xf32, #tpu.memory_space<hbm>>
        %dma_start3A_668 = tpu.memref_slice %arg15[%and3A_422] : memref<2x!tpu.dma_semaphore, #tpu.memory_space<semaphore_mem>> -> memref<1x!tpu.dma_semaphore, #tpu.memory_space<semaphore_mem>>
        %dma_start3A_669 = tpu.memref_squeeze %dma_start3A_668 : memref<1x!tpu.dma_semaphore, #tpu.memory_space<semaphore_mem>> -> memref<!tpu.dma_semaphore, #tpu.memory_space<semaphore_mem>>
        tpu.enqueue_indirect_dma source(%dma_start3A_661 : memref<16x128xf32, #tpu.memory_space<vmem>>) target(%dma_start3A_667 : memref<18432x128xf32, #tpu.memory_space<hbm>>) offsets(%dma_start3A_664 : memref<16xi32, #tpu.memory_space<vmem>>) semaphore(%dma_start3A_669 : memref<!tpu.dma_semaphore, #tpu.memory_space<semaphore_mem>>)
        %add3A_670 = arith.constant 1 : i32
        %add3A_671 = arith.addi %while3A_420, %add3A_670 : i32
        scf.yield %add3A_671 : i32
      }
      %while3A_412 = arith.constant 1 : i32
      %while3A_413 = scf.for %while3A_419 = %while3A_409 to %while3A_405 step %while3A_412 iter_args(%while3A_420 = %while3A_411) -> (i32)  : i32 {
        %and3A_421 = arith.constant 1 : i32
        %and3A_422 = arith.andi %while3A_420, %and3A_421 : i32
        %mul3A_423 = arith.constant 16 : i32
        %mul3A_424 = arith.muli %while3A_419, %mul3A_423 : i32
        %add3A_425 = arith.addi %while3A_214, %mul3A_424 : i32
        %get3A_426 = arith.index_cast %add3A_425 : i32 to index
        %get3A_427 = tpu.vector_load %arg7[%get3A_426] {strides = array<i32>} : memref<17408xi32, #tpu.memory_space<vmem>>, vector<16xi32>,
        %sub3A_428 = vector.broadcast %mul3A_399 : i32 to vector<16xi32>
        %sub3A_429 = arith.subi %get3A_427, %sub3A_428 : vector<16xi32>
        %mul3A_430 = arith.constant 16 : i32
        %mul3A_431 = arith.muli %while3A_419, %mul3A_430 : i32
        %add3A_432 = arith.addi %while3A_214, %mul3A_431 : i32
        %get3A_433 = arith.index_cast %add3A_432 : i32 to index
        %get3A_434 = tpu.vector_load %arg8[%get3A_433] {strides = array<i32>} : memref<17408xi32, #tpu.memory_space<vmem>>, vector<16xi32>,
        %mul3A_435 = arith.constant 16 : i32
        %mul3A_436 = arith.muli %while3A_419, %mul3A_435 : i32
        %add3A_437 = vector.broadcast %mul3A_436 : i32 to vector<16xi32>
        %add3A_438 = arith.addi %add3A_437, %iota3A : vector<16xi32>
        %lt3A_439 = vector.broadcast %add3A_395 : i32 to vector<16xi32>
        %lt3A_440 = arith.cmpi slt, %add3A_438, %lt3A_439 : vector<16xi32>
        %jit3A_441 = arith.constant 0 : i32
        %broadcast_in_dim3A_442 = vector.broadcast %jit3A_441 : i32 to vector<16xi32>
        %select_n3A_443 = arith.select %lt3A_440, %sub3A_429, %broadcast_in_dim3A_442 : vector<16xi1>, vector<16xi32>
        %mul3A_444 = arith.constant 16 : i32
        %mul3A_445 = arith.muli %while3A_419, %mul3A_444 : i32
        %add3A_446 = vector.broadcast %mul3A_445 : i32 to vector<16xi32>
        %add3A_447 = arith.addi %add3A_446, %iota3A : vector<16xi32>
        %mul3A_448 = arith.constant 64 : i32
        %mul3A_449 = arith.muli %add3A, %mul3A_448 : i32
        %add3A_450 = vector.broadcast %mul3A_449 : i32 to vector<16xi32>
        %add3A_451 = arith.addi %add3A_447, %add3A_450 : vector<16xi32>
        %and3A_452 = arith.constant 2047 : i32
        %and3A_453 = vector.broadcast %and3A_452 : i32 to vector<16xi32>
        %and3A_454 = arith.andi %add3A_451, %and3A_453 : vector<16xi32>
        %add3A_455 = arith.constant 16384 : i32
        %add3A_456 = vector.broadcast %add3A_455 : i32 to vector<16xi32>
        %add3A_457 = arith.addi %add3A_456, %and3A_454 : vector<16xi32>
        %ge3A_458 = arith.constant 2 : i32
        %ge3A_459 = arith.cmpi sge, %while3A_420, %ge3A_458 : i32
        %convert_element_type3A_460 = arith.extui %ge3A_459 : i1 to i32
        %cond3A_461 = arith.constant 0 : i32
        %cond3A_462 = arith.cmpi ne, %convert_element_type3A_460, %cond3A_461 : i32
        scf.if %cond3A_462 {
          %dma_wait3A_672 = arith.constant 0 : i32
          %dma_wait3A_673 = arith.constant 0 : i32
          %dma_wait3A_674 = tpu.memref_slice %arg13[%and3A_422, %dma_wait3A_672, %dma_wait3A_673] : memref<2x16x128xf32, #tpu.memory_space<vmem>> -> memref<1x16x128xf32, #tpu.memory_space<vmem>>
          %dma_wait3A_675 = tpu.memref_squeeze %dma_wait3A_674 : memref<1x16x128xf32, #tpu.memory_space<vmem>> -> memref<16x128xf32, #tpu.memory_space<vmem>>
          %dma_wait3A_676 = arith.constant 0 : i32
          %dma_wait3A_677 = tpu.memref_slice %arg12[%and3A_422, %dma_wait3A_676] : memref<2x16xi32, #tpu.memory_space<vmem>> -> memref<1x16xi32, #tpu.memory_space<vmem>>
          %dma_wait3A_678 = tpu.memref_squeeze %dma_wait3A_677 : memref<1x16xi32, #tpu.memory_space<vmem>> -> memref<16xi32, #tpu.memory_space<vmem>>
          %dma_wait3A_679 = arith.constant 0 : i32
          %dma_wait3A_680 = arith.constant 0 : i32
          %dma_wait3A_681 = tpu.memref_slice %arg5[%dma_wait3A_679, %dma_wait3A_680] : memref<18432x128xf32, #tpu.memory_space<hbm>> -> memref<18432x128xf32, #tpu.memory_space<hbm>>
          %dma_wait3A_682 = tpu.memref_slice %arg15[%and3A_422] : memref<2x!tpu.dma_semaphore, #tpu.memory_space<semaphore_mem>> -> memref<1x!tpu.dma_semaphore, #tpu.memory_space<semaphore_mem>>
          %dma_wait3A_683 = tpu.memref_squeeze %dma_wait3A_682 : memref<1x!tpu.dma_semaphore, #tpu.memory_space<semaphore_mem>> -> memref<!tpu.dma_semaphore, #tpu.memory_space<semaphore_mem>>
          tpu.wait_indirect_dma semaphore(%dma_wait3A_683 : memref<!tpu.dma_semaphore, #tpu.memory_space<semaphore_mem>>) src(%dma_wait3A_675 : memref<16x128xf32, #tpu.memory_space<vmem>>) dst(%dma_wait3A_681 : memref<18432x128xf32, #tpu.memory_space<hbm>>)
        } else {
        }
        %broadcast_in_dim3A_463 = vector.broadcast %and3A_422 : i32 to vector<16xi32>
        %select_n3A_464 = arith.select %lt3A_440, %get3A_434, %add3A_457 : vector<16xi1>, vector<16xi32>
        tpu.vector_store_idx %arg12[%broadcast_in_dim3A_463, %iota3A], %select_n3A_464 : memref<2x16xi32, #tpu.memory_space<vmem>>[vector<16xi32>, vector<16xi32>], vector<16xi32>,
        %broadcast_in_dim3A_465 = vector.broadcast %and3A_422 : i32 to vector<16xi32>
        %broadcast_in_dim3A_466 = vector.broadcast %and3A_397 : i32 to vector<16xi32>
        %broadcast_in_dim3A_467 = arith.constant 0 : i32
        %broadcast_in_dim3A_468 = vector.broadcast %broadcast_in_dim3A_467 : i32 to vector<16xi32>
        %gather3A = tpu.vector_load_idx %arg11[%broadcast_in_dim3A_466, %broadcast_in_dim3A_468, %select_n3A_443] : memref<2x64x512xf32, #tpu.memory_space<vmem>>[vector<16xi32>, vector<16xi32>, vector<16xi32>], vector<16xf32>,
        tpu.vector_store_idx %arg13[%broadcast_in_dim3A_465, %iota3A, %broadcast_in_dim3A_468], %gather3A : memref<2x16x128xf32, #tpu.memory_space<vmem>>[vector<16xi32>, vector<16xi32>, vector<16xi32>], vector<16xf32>,
        %broadcast_in_dim3A_469 = arith.constant 1 : i32
        %broadcast_in_dim3A_470 = vector.broadcast %broadcast_in_dim3A_469 : i32 to vector<16xi32>
        %gather3A_471 = tpu.vector_load_idx %arg11[%broadcast_in_dim3A_466, %broadcast_in_dim3A_470, %select_n3A_443] : memref<2x64x512xf32, #tpu.memory_space<vmem>>[vector<16xi32>, vector<16xi32>, vector<16xi32>], vector<16xf32>,
        tpu.vector_store_idx %arg13[%broadcast_in_dim3A_465, %iota3A, %broadcast_in_dim3A_470], %gather3A_471 : memref<2x16x128xf32, #tpu.memory_space<vmem>>[vector<16xi32>, vector<16xi32>, vector<16xi32>], vector<16xf32>,
        %broadcast_in_dim3A_472 = arith.constant 2 : i32
        %broadcast_in_dim3A_473 = vector.broadcast %broadcast_in_dim3A_472 : i32 to vector<16xi32>
        %gather3A_474 = tpu.vector_load_idx %arg11[%broadcast_in_dim3A_466, %broadcast_in_dim3A_473, %select_n3A_443] : memref<2x64x512xf32, #tpu.memory_space<vmem>>[vector<16xi32>, vector<16xi32>, vector<16xi32>], vector<16xf32>,
        tpu.vector_store_idx %arg13[%broadcast_in_dim3A_465, %iota3A, %broadcast_in_dim3A_473], %gather3A_474 : memref<2x16x128xf32, #tpu.memory_space<vmem>>[vector<16xi32>, vector<16xi32>, vector<16xi32>], vector<16xf32>,
        %broadcast_in_dim3A_475 = arith.constant 3 : i32
        %broadcast_in_dim3A_476 = vector.broadcast %broadcast_in_dim3A_475 : i32 to vector<16xi32>
        %gather3A_477 = tpu.vector_load_idx %arg11[%broadcast_in_dim3A_466, %broadcast_in_dim3A_476, %select_n3A_443] : memref<2x64x512xf32, #tpu.memory_space<vmem>>[vector<16xi32>, vector<16xi32>, vector<16xi32>], vector<16xf32>,
        tpu.vector_store_idx %arg13[%broadcast_in_dim3A_465, %iota3A, %broadcast_in_dim3A_476], %gather3A_477 : memref<2x16x128xf32, #tpu.memory_space<vmem>>[vector<16xi32>, vector<16xi32>, vector<16xi32>], vector<16xf32>,
        %broadcast_in_dim3A_478 = arith.constant 4 : i32
        %broadcast_in_dim3A_479 = vector.broadcast %broadcast_in_dim3A_478 : i32 to vector<16xi32>
        %gather3A_480 = tpu.vector_load_idx %arg11[%broadcast_in_dim3A_466, %broadcast_in_dim3A_479, %select_n3A_443] : memref<2x64x512xf32, #tpu.memory_space<vmem>>[vector<16xi32>, vector<16xi32>, vector<16xi32>], vector<16xf32>,
        tpu.vector_store_idx %arg13[%broadcast_in_dim3A_465, %iota3A, %broadcast_in_dim3A_479], %gather3A_480 : memref<2x16x128xf32, #tpu.memory_space<vmem>>[vector<16xi32>, vector<16xi32>, vector<16xi32>], vector<16xf32>,
        %broadcast_in_dim3A_481 = arith.constant 5 : i32
        %broadcast_in_dim3A_482 = vector.broadcast %broadcast_in_dim3A_481 : i32 to vector<16xi32>
        %gather3A_483 = tpu.vector_load_idx %arg11[%broadcast_in_dim3A_466, %broadcast_in_dim3A_482, %select_n3A_443] : memref<2x64x512xf32, #tpu.memory_space<vmem>>[vector<16xi32>, vector<16xi32>, vector<16xi32>], vector<16xf32>,
        tpu.vector_store_idx %arg13[%broadcast_in_dim3A_465, %iota3A, %broadcast_in_dim3A_482], %gather3A_483 : memref<2x16x128xf32, #tpu.memory_space<vmem>>[vector<16xi32>, vector<16xi32>, vector<16xi32>], vector<16xf32>,
        %broadcast_in_dim3A_484 = arith.constant 6 : i32
        %broadcast_in_dim3A_485 = vector.broadcast %broadcast_in_dim3A_484 : i32 to vector<16xi32>
        %gather3A_486 = tpu.vector_load_idx %arg11[%broadcast_in_dim3A_466, %broadcast_in_dim3A_485, %select_n3A_443] : memref<2x64x512xf32, #tpu.memory_space<vmem>>[vector<16xi32>, vector<16xi32>, vector<16xi32>], vector<16xf32>,
        tpu.vector_store_idx %arg13[%broadcast_in_dim3A_465, %iota3A, %broadcast_in_dim3A_485], %gather3A_486 : memref<2x16x128xf32, #tpu.memory_space<vmem>>[vector<16xi32>, vector<16xi32>, vector<16xi32>], vector<16xf32>,
        %broadcast_in_dim3A_487 = arith.constant 7 : i32
        %broadcast_in_dim3A_488 = vector.broadcast %broadcast_in_dim3A_487 : i32 to vector<16xi32>
        %gather3A_489 = tpu.vector_load_idx %arg11[%broadcast_in_dim3A_466, %broadcast_in_dim3A_488, %select_n3A_443] : memref<2x64x512xf32, #tpu.memory_space<vmem>>[vector<16xi32>, vector<16xi32>, vector<16xi32>], vector<16xf32>,
        tpu.vector_store_idx %arg13[%broadcast_in_dim3A_465, %iota3A, %broadcast_in_dim3A_488], %gather3A_489 : memref<2x16x128xf32, #tpu.memory_space<vmem>>[vector<16xi32>, vector<16xi32>, vector<16xi32>], vector<16xf32>,
        %broadcast_in_dim3A_490 = arith.constant 8 : i32
        %broadcast_in_dim3A_491 = vector.broadcast %broadcast_in_dim3A_490 : i32 to vector<16xi32>
        %gather3A_492 = tpu.vector_load_idx %arg11[%broadcast_in_dim3A_466, %broadcast_in_dim3A_491, %select_n3A_443] : memref<2x64x512xf32, #tpu.memory_space<vmem>>[vector<16xi32>, vector<16xi32>, vector<16xi32>], vector<16xf32>,
        tpu.vector_store_idx %arg13[%broadcast_in_dim3A_465, %iota3A, %broadcast_in_dim3A_491], %gather3A_492 : memref<2x16x128xf32, #tpu.memory_space<vmem>>[vector<16xi32>, vector<16xi32>, vector<16xi32>], vector<16xf32>,
        %broadcast_in_dim3A_493 = arith.constant 9 : i32
        %broadcast_in_dim3A_494 = vector.broadcast %broadcast_in_dim3A_493 : i32 to vector<16xi32>
        %gather3A_495 = tpu.vector_load_idx %arg11[%broadcast_in_dim3A_466, %broadcast_in_dim3A_494, %select_n3A_443] : memref<2x64x512xf32, #tpu.memory_space<vmem>>[vector<16xi32>, vector<16xi32>, vector<16xi32>], vector<16xf32>,
        tpu.vector_store_idx %arg13[%broadcast_in_dim3A_465, %iota3A, %broadcast_in_dim3A_494], %gather3A_495 : memref<2x16x128xf32, #tpu.memory_space<vmem>>[vector<16xi32>, vector<16xi32>, vector<16xi32>], vector<16xf32>,
        %broadcast_in_dim3A_496 = arith.constant 10 : i32
        %broadcast_in_dim3A_497 = vector.broadcast %broadcast_in_dim3A_496 : i32 to vector<16xi32>
        %gather3A_498 = tpu.vector_load_idx %arg11[%broadcast_in_dim3A_466, %broadcast_in_dim3A_497, %select_n3A_443] : memref<2x64x512xf32, #tpu.memory_space<vmem>>[vector<16xi32>, vector<16xi32>, vector<16xi32>], vector<16xf32>,
        tpu.vector_store_idx %arg13[%broadcast_in_dim3A_465, %iota3A, %broadcast_in_dim3A_497], %gather3A_498 : memref<2x16x128xf32, #tpu.memory_space<vmem>>[vector<16xi32>, vector<16xi32>, vector<16xi32>], vector<16xf32>,
        %broadcast_in_dim3A_499 = arith.constant 11 : i32
        %broadcast_in_dim3A_500 = vector.broadcast %broadcast_in_dim3A_499 : i32 to vector<16xi32>
        %gather3A_501 = tpu.vector_load_idx %arg11[%broadcast_in_dim3A_466, %broadcast_in_dim3A_500, %select_n3A_443] : memref<2x64x512xf32, #tpu.memory_space<vmem>>[vector<16xi32>, vector<16xi32>, vector<16xi32>], vector<16xf32>,
        tpu.vector_store_idx %arg13[%broadcast_in_dim3A_465, %iota3A, %broadcast_in_dim3A_500], %gather3A_501 : memref<2x16x128xf32, #tpu.memory_space<vmem>>[vector<16xi32>, vector<16xi32>, vector<16xi32>], vector<16xf32>,
        %broadcast_in_dim3A_502 = arith.constant 12 : i32
        %broadcast_in_dim3A_503 = vector.broadcast %broadcast_in_dim3A_502 : i32 to vector<16xi32>
        %gather3A_504 = tpu.vector_load_idx %arg11[%broadcast_in_dim3A_466, %broadcast_in_dim3A_503, %select_n3A_443] : memref<2x64x512xf32, #tpu.memory_space<vmem>>[vector<16xi32>, vector<16xi32>, vector<16xi32>], vector<16xf32>,
        tpu.vector_store_idx %arg13[%broadcast_in_dim3A_465, %iota3A, %broadcast_in_dim3A_503], %gather3A_504 : memref<2x16x128xf32, #tpu.memory_space<vmem>>[vector<16xi32>, vector<16xi32>, vector<16xi32>], vector<16xf32>,
        %broadcast_in_dim3A_505 = arith.constant 13 : i32
        %broadcast_in_dim3A_506 = vector.broadcast %broadcast_in_dim3A_505 : i32 to vector<16xi32>
        %gather3A_507 = tpu.vector_load_idx %arg11[%broadcast_in_dim3A_466, %broadcast_in_dim3A_506, %select_n3A_443] : memref<2x64x512xf32, #tpu.memory_space<vmem>>[vector<16xi32>, vector<16xi32>, vector<16xi32>], vector<16xf32>,
        tpu.vector_store_idx %arg13[%broadcast_in_dim3A_465, %iota3A, %broadcast_in_dim3A_506], %gather3A_507 : memref<2x16x128xf32, #tpu.memory_space<vmem>>[vector<16xi32>, vector<16xi32>, vector<16xi32>], vector<16xf32>,
        %broadcast_in_dim3A_508 = arith.constant 14 : i32
        %broadcast_in_dim3A_509 = vector.broadcast %broadcast_in_dim3A_508 : i32 to vector<16xi32>
        %gather3A_510 = tpu.vector_load_idx %arg11[%broadcast_in_dim3A_466, %broadcast_in_dim3A_509, %select_n3A_443] : memref<2x64x512xf32, #tpu.memory_space<vmem>>[vector<16xi32>, vector<16xi32>, vector<16xi32>], vector<16xf32>,
        tpu.vector_store_idx %arg13[%broadcast_in_dim3A_465, %iota3A, %broadcast_in_dim3A_509], %gather3A_510 : memref<2x16x128xf32, #tpu.memory_space<vmem>>[vector<16xi32>, vector<16xi32>, vector<16xi32>], vector<16xf32>,
        %broadcast_in_dim3A_511 = arith.constant 15 : i32
        %broadcast_in_dim3A_512 = vector.broadcast %broadcast_in_dim3A_511 : i32 to vector<16xi32>
        %gather3A_513 = tpu.vector_load_idx %arg11[%broadcast_in_dim3A_466, %broadcast_in_dim3A_512, %select_n3A_443] : memref<2x64x512xf32, #tpu.memory_space<vmem>>[vector<16xi32>, vector<16xi32>, vector<16xi32>], vector<16xf32>,
        tpu.vector_store_idx %arg13[%broadcast_in_dim3A_465, %iota3A, %broadcast_in_dim3A_512], %gather3A_513 : memref<2x16x128xf32, #tpu.memory_space<vmem>>[vector<16xi32>, vector<16xi32>, vector<16xi32>], vector<16xf32>,
        %broadcast_in_dim3A_514 = arith.constant 16 : i32
        %broadcast_in_dim3A_515 = vector.broadcast %broadcast_in_dim3A_514 : i32 to vector<16xi32>
        %gather3A_516 = tpu.vector_load_idx %arg11[%broadcast_in_dim3A_466, %broadcast_in_dim3A_515, %select_n3A_443] : memref<2x64x512xf32, #tpu.memory_space<vmem>>[vector<16xi32>, vector<16xi32>, vector<16xi32>], vector<16xf32>,
        tpu.vector_store_idx %arg13[%broadcast_in_dim3A_465, %iota3A, %broadcast_in_dim3A_515], %gather3A_516 : memref<2x16x128xf32, #tpu.memory_space<vmem>>[vector<16xi32>, vector<16xi32>, vector<16xi32>], vector<16xf32>,
        %broadcast_in_dim3A_517 = arith.constant 17 : i32
        %broadcast_in_dim3A_518 = vector.broadcast %broadcast_in_dim3A_517 : i32 to vector<16xi32>
        %gather3A_519 = tpu.vector_load_idx %arg11[%broadcast_in_dim3A_466, %broadcast_in_dim3A_518, %select_n3A_443] : memref<2x64x512xf32, #tpu.memory_space<vmem>>[vector<16xi32>, vector<16xi32>, vector<16xi32>], vector<16xf32>,
        tpu.vector_store_idx %arg13[%broadcast_in_dim3A_465, %iota3A, %broadcast_in_dim3A_518], %gather3A_519 : memref<2x16x128xf32, #tpu.memory_space<vmem>>[vector<16xi32>, vector<16xi32>, vector<16xi32>], vector<16xf32>,
        %broadcast_in_dim3A_520 = arith.constant 18 : i32
        %broadcast_in_dim3A_521 = vector.broadcast %broadcast_in_dim3A_520 : i32 to vector<16xi32>
        %gather3A_522 = tpu.vector_load_idx %arg11[%broadcast_in_dim3A_466, %broadcast_in_dim3A_521, %select_n3A_443] : memref<2x64x512xf32, #tpu.memory_space<vmem>>[vector<16xi32>, vector<16xi32>, vector<16xi32>], vector<16xf32>,
        tpu.vector_store_idx %arg13[%broadcast_in_dim3A_465, %iota3A, %broadcast_in_dim3A_521], %gather3A_522 : memref<2x16x128xf32, #tpu.memory_space<vmem>>[vector<16xi32>, vector<16xi32>, vector<16xi32>], vector<16xf32>,
        %broadcast_in_dim3A_523 = arith.constant 19 : i32
        %broadcast_in_dim3A_524 = vector.broadcast %broadcast_in_dim3A_523 : i32 to vector<16xi32>
        %gather3A_525 = tpu.vector_load_idx %arg11[%broadcast_in_dim3A_466, %broadcast_in_dim3A_524, %select_n3A_443] : memref<2x64x512xf32, #tpu.memory_space<vmem>>[vector<16xi32>, vector<16xi32>, vector<16xi32>], vector<16xf32>,
        tpu.vector_store_idx %arg13[%broadcast_in_dim3A_465, %iota3A, %broadcast_in_dim3A_524], %gather3A_525 : memref<2x16x128xf32, #tpu.memory_space<vmem>>[vector<16xi32>, vector<16xi32>, vector<16xi32>], vector<16xf32>,
        %broadcast_in_dim3A_526 = arith.constant 20 : i32
        %broadcast_in_dim3A_527 = vector.broadcast %broadcast_in_dim3A_526 : i32 to vector<16xi32>
        %gather3A_528 = tpu.vector_load_idx %arg11[%broadcast_in_dim3A_466, %broadcast_in_dim3A_527, %select_n3A_443] : memref<2x64x512xf32, #tpu.memory_space<vmem>>[vector<16xi32>, vector<16xi32>, vector<16xi32>], vector<16xf32>,
        tpu.vector_store_idx %arg13[%broadcast_in_dim3A_465, %iota3A, %broadcast_in_dim3A_527], %gather3A_528 : memref<2x16x128xf32, #tpu.memory_space<vmem>>[vector<16xi32>, vector<16xi32>, vector<16xi32>], vector<16xf32>,
        %broadcast_in_dim3A_529 = arith.constant 21 : i32
        %broadcast_in_dim3A_530 = vector.broadcast %broadcast_in_dim3A_529 : i32 to vector<16xi32>
        %gather3A_531 = tpu.vector_load_idx %arg11[%broadcast_in_dim3A_466, %broadcast_in_dim3A_530, %select_n3A_443] : memref<2x64x512xf32, #tpu.memory_space<vmem>>[vector<16xi32>, vector<16xi32>, vector<16xi32>], vector<16xf32>,
        tpu.vector_store_idx %arg13[%broadcast_in_dim3A_465, %iota3A, %broadcast_in_dim3A_530], %gather3A_531 : memref<2x16x128xf32, #tpu.memory_space<vmem>>[vector<16xi32>, vector<16xi32>, vector<16xi32>], vector<16xf32>,
        %broadcast_in_dim3A_532 = arith.constant 22 : i32
        %broadcast_in_dim3A_533 = vector.broadcast %broadcast_in_dim3A_532 : i32 to vector<16xi32>
        %gather3A_534 = tpu.vector_load_idx %arg11[%broadcast_in_dim3A_466, %broadcast_in_dim3A_533, %select_n3A_443] : memref<2x64x512xf32, #tpu.memory_space<vmem>>[vector<16xi32>, vector<16xi32>, vector<16xi32>], vector<16xf32>,
        tpu.vector_store_idx %arg13[%broadcast_in_dim3A_465, %iota3A, %broadcast_in_dim3A_533], %gather3A_534 : memref<2x16x128xf32, #tpu.memory_space<vmem>>[vector<16xi32>, vector<16xi32>, vector<16xi32>], vector<16xf32>,
        %broadcast_in_dim3A_535 = arith.constant 23 : i32
        %broadcast_in_dim3A_536 = vector.broadcast %broadcast_in_dim3A_535 : i32 to vector<16xi32>
        %gather3A_537 = tpu.vector_load_idx %arg11[%broadcast_in_dim3A_466, %broadcast_in_dim3A_536, %select_n3A_443] : memref<2x64x512xf32, #tpu.memory_space<vmem>>[vector<16xi32>, vector<16xi32>, vector<16xi32>], vector<16xf32>,
        tpu.vector_store_idx %arg13[%broadcast_in_dim3A_465, %iota3A, %broadcast_in_dim3A_536], %gather3A_537 : memref<2x16x128xf32, #tpu.memory_space<vmem>>[vector<16xi32>, vector<16xi32>, vector<16xi32>], vector<16xf32>,
        %broadcast_in_dim3A_538 = arith.constant 24 : i32
        %broadcast_in_dim3A_539 = vector.broadcast %broadcast_in_dim3A_538 : i32 to vector<16xi32>
        %gather3A_540 = tpu.vector_load_idx %arg11[%broadcast_in_dim3A_466, %broadcast_in_dim3A_539, %select_n3A_443] : memref<2x64x512xf32, #tpu.memory_space<vmem>>[vector<16xi32>, vector<16xi32>, vector<16xi32>], vector<16xf32>,
        tpu.vector_store_idx %arg13[%broadcast_in_dim3A_465, %iota3A, %broadcast_in_dim3A_539], %gather3A_540 : memref<2x16x128xf32, #tpu.memory_space<vmem>>[vector<16xi32>, vector<16xi32>, vector<16xi32>], vector<16xf32>,
        %broadcast_in_dim3A_541 = arith.constant 25 : i32
        %broadcast_in_dim3A_542 = vector.broadcast %broadcast_in_dim3A_541 : i32 to vector<16xi32>
        %gather3A_543 = tpu.vector_load_idx %arg11[%broadcast_in_dim3A_466, %broadcast_in_dim3A_542, %select_n3A_443] : memref<2x64x512xf32, #tpu.memory_space<vmem>>[vector<16xi32>, vector<16xi32>, vector<16xi32>], vector<16xf32>,
        tpu.vector_store_idx %arg13[%broadcast_in_dim3A_465, %iota3A, %broadcast_in_dim3A_542], %gather3A_543 : memref<2x16x128xf32, #tpu.memory_space<vmem>>[vector<16xi32>, vector<16xi32>, vector<16xi32>], vector<16xf32>,
        %broadcast_in_dim3A_544 = arith.constant 26 : i32
        %broadcast_in_dim3A_545 = vector.broadcast %broadcast_in_dim3A_544 : i32 to vector<16xi32>
        %gather3A_546 = tpu.vector_load_idx %arg11[%broadcast_in_dim3A_466, %broadcast_in_dim3A_545, %select_n3A_443] : memref<2x64x512xf32, #tpu.memory_space<vmem>>[vector<16xi32>, vector<16xi32>, vector<16xi32>], vector<16xf32>,
        tpu.vector_store_idx %arg13[%broadcast_in_dim3A_465, %iota3A, %broadcast_in_dim3A_545], %gather3A_546 : memref<2x16x128xf32, #tpu.memory_space<vmem>>[vector<16xi32>, vector<16xi32>, vector<16xi32>], vector<16xf32>,
        %broadcast_in_dim3A_547 = arith.constant 27 : i32
        %broadcast_in_dim3A_548 = vector.broadcast %broadcast_in_dim3A_547 : i32 to vector<16xi32>
        %gather3A_549 = tpu.vector_load_idx %arg11[%broadcast_in_dim3A_466, %broadcast_in_dim3A_548, %select_n3A_443] : memref<2x64x512xf32, #tpu.memory_space<vmem>>[vector<16xi32>, vector<16xi32>, vector<16xi32>], vector<16xf32>,
        tpu.vector_store_idx %arg13[%broadcast_in_dim3A_465, %iota3A, %broadcast_in_dim3A_548], %gather3A_549 : memref<2x16x128xf32, #tpu.memory_space<vmem>>[vector<16xi32>, vector<16xi32>, vector<16xi32>], vector<16xf32>,
        %broadcast_in_dim3A_550 = arith.constant 28 : i32
        %broadcast_in_dim3A_551 = vector.broadcast %broadcast_in_dim3A_550 : i32 to vector<16xi32>
        %gather3A_552 = tpu.vector_load_idx %arg11[%broadcast_in_dim3A_466, %broadcast_in_dim3A_551, %select_n3A_443] : memref<2x64x512xf32, #tpu.memory_space<vmem>>[vector<16xi32>, vector<16xi32>, vector<16xi32>], vector<16xf32>,
        tpu.vector_store_idx %arg13[%broadcast_in_dim3A_465, %iota3A, %broadcast_in_dim3A_551], %gather3A_552 : memref<2x16x128xf32, #tpu.memory_space<vmem>>[vector<16xi32>, vector<16xi32>, vector<16xi32>], vector<16xf32>,
        %broadcast_in_dim3A_553 = arith.constant 29 : i32
        %broadcast_in_dim3A_554 = vector.broadcast %broadcast_in_dim3A_553 : i32 to vector<16xi32>
        %gather3A_555 = tpu.vector_load_idx %arg11[%broadcast_in_dim3A_466, %broadcast_in_dim3A_554, %select_n3A_443] : memref<2x64x512xf32, #tpu.memory_space<vmem>>[vector<16xi32>, vector<16xi32>, vector<16xi32>], vector<16xf32>,
        tpu.vector_store_idx %arg13[%broadcast_in_dim3A_465, %iota3A, %broadcast_in_dim3A_554], %gather3A_555 : memref<2x16x128xf32, #tpu.memory_space<vmem>>[vector<16xi32>, vector<16xi32>, vector<16xi32>], vector<16xf32>,
        %broadcast_in_dim3A_556 = arith.constant 30 : i32
        %broadcast_in_dim3A_557 = vector.broadcast %broadcast_in_dim3A_556 : i32 to vector<16xi32>
        %gather3A_558 = tpu.vector_load_idx %arg11[%broadcast_in_dim3A_466, %broadcast_in_dim3A_557, %select_n3A_443] : memref<2x64x512xf32, #tpu.memory_space<vmem>>[vector<16xi32>, vector<16xi32>, vector<16xi32>], vector<16xf32>,
        tpu.vector_store_idx %arg13[%broadcast_in_dim3A_465, %iota3A, %broadcast_in_dim3A_557], %gather3A_558 : memref<2x16x128xf32, #tpu.memory_space<vmem>>[vector<16xi32>, vector<16xi32>, vector<16xi32>], vector<16xf32>,
        %broadcast_in_dim3A_559 = arith.constant 31 : i32
        %broadcast_in_dim3A_560 = vector.broadcast %broadcast_in_dim3A_559 : i32 to vector<16xi32>
        %gather3A_561 = tpu.vector_load_idx %arg11[%broadcast_in_dim3A_466, %broadcast_in_dim3A_560, %select_n3A_443] : memref<2x64x512xf32, #tpu.memory_space<vmem>>[vector<16xi32>, vector<16xi32>, vector<16xi32>], vector<16xf32>,
        tpu.vector_store_idx %arg13[%broadcast_in_dim3A_465, %iota3A, %broadcast_in_dim3A_560], %gather3A_561 : memref<2x16x128xf32, #tpu.memory_space<vmem>>[vector<16xi32>, vector<16xi32>, vector<16xi32>], vector<16xf32>,
        %broadcast_in_dim3A_562 = arith.constant 32 : i32
        %broadcast_in_dim3A_563 = vector.broadcast %broadcast_in_dim3A_562 : i32 to vector<16xi32>
        %gather3A_564 = tpu.vector_load_idx %arg11[%broadcast_in_dim3A_466, %broadcast_in_dim3A_563, %select_n3A_443] : memref<2x64x512xf32, #tpu.memory_space<vmem>>[vector<16xi32>, vector<16xi32>, vector<16xi32>], vector<16xf32>,
        tpu.vector_store_idx %arg13[%broadcast_in_dim3A_465, %iota3A, %broadcast_in_dim3A_563], %gather3A_564 : memref<2x16x128xf32, #tpu.memory_space<vmem>>[vector<16xi32>, vector<16xi32>, vector<16xi32>], vector<16xf32>,
        %broadcast_in_dim3A_565 = arith.constant 33 : i32
        %broadcast_in_dim3A_566 = vector.broadcast %broadcast_in_dim3A_565 : i32 to vector<16xi32>
        %gather3A_567 = tpu.vector_load_idx %arg11[%broadcast_in_dim3A_466, %broadcast_in_dim3A_566, %select_n3A_443] : memref<2x64x512xf32, #tpu.memory_space<vmem>>[vector<16xi32>, vector<16xi32>, vector<16xi32>], vector<16xf32>,
        tpu.vector_store_idx %arg13[%broadcast_in_dim3A_465, %iota3A, %broadcast_in_dim3A_566], %gather3A_567 : memref<2x16x128xf32, #tpu.memory_space<vmem>>[vector<16xi32>, vector<16xi32>, vector<16xi32>], vector<16xf32>,
        %broadcast_in_dim3A_568 = arith.constant 34 : i32
        %broadcast_in_dim3A_569 = vector.broadcast %broadcast_in_dim3A_568 : i32 to vector<16xi32>
        %gather3A_570 = tpu.vector_load_idx %arg11[%broadcast_in_dim3A_466, %broadcast_in_dim3A_569, %select_n3A_443] : memref<2x64x512xf32, #tpu.memory_space<vmem>>[vector<16xi32>, vector<16xi32>, vector<16xi32>], vector<16xf32>,
        tpu.vector_store_idx %arg13[%broadcast_in_dim3A_465, %iota3A, %broadcast_in_dim3A_569], %gather3A_570 : memref<2x16x128xf32, #tpu.memory_space<vmem>>[vector<16xi32>, vector<16xi32>, vector<16xi32>], vector<16xf32>,
        %broadcast_in_dim3A_571 = arith.constant 35 : i32
        %broadcast_in_dim3A_572 = vector.broadcast %broadcast_in_dim3A_571 : i32 to vector<16xi32>
        %gather3A_573 = tpu.vector_load_idx %arg11[%broadcast_in_dim3A_466, %broadcast_in_dim3A_572, %select_n3A_443] : memref<2x64x512xf32, #tpu.memory_space<vmem>>[vector<16xi32>, vector<16xi32>, vector<16xi32>], vector<16xf32>,
        tpu.vector_store_idx %arg13[%broadcast_in_dim3A_465, %iota3A, %broadcast_in_dim3A_572], %gather3A_573 : memref<2x16x128xf32, #tpu.memory_space<vmem>>[vector<16xi32>, vector<16xi32>, vector<16xi32>], vector<16xf32>,
        %broadcast_in_dim3A_574 = arith.constant 36 : i32
        %broadcast_in_dim3A_575 = vector.broadcast %broadcast_in_dim3A_574 : i32 to vector<16xi32>
        %gather3A_576 = tpu.vector_load_idx %arg11[%broadcast_in_dim3A_466, %broadcast_in_dim3A_575, %select_n3A_443] : memref<2x64x512xf32, #tpu.memory_space<vmem>>[vector<16xi32>, vector<16xi32>, vector<16xi32>], vector<16xf32>,
        tpu.vector_store_idx %arg13[%broadcast_in_dim3A_465, %iota3A, %broadcast_in_dim3A_575], %gather3A_576 : memref<2x16x128xf32, #tpu.memory_space<vmem>>[vector<16xi32>, vector<16xi32>, vector<16xi32>], vector<16xf32>,
        %broadcast_in_dim3A_577 = arith.constant 37 : i32
        %broadcast_in_dim3A_578 = vector.broadcast %broadcast_in_dim3A_577 : i32 to vector<16xi32>
        %gather3A_579 = tpu.vector_load_idx %arg11[%broadcast_in_dim3A_466, %broadcast_in_dim3A_578, %select_n3A_443] : memref<2x64x512xf32, #tpu.memory_space<vmem>>[vector<16xi32>, vector<16xi32>, vector<16xi32>], vector<16xf32>,
        tpu.vector_store_idx %arg13[%broadcast_in_dim3A_465, %iota3A, %broadcast_in_dim3A_578], %gather3A_579 : memref<2x16x128xf32, #tpu.memory_space<vmem>>[vector<16xi32>, vector<16xi32>, vector<16xi32>], vector<16xf32>,
        %broadcast_in_dim3A_580 = arith.constant 38 : i32
        %broadcast_in_dim3A_581 = vector.broadcast %broadcast_in_dim3A_580 : i32 to vector<16xi32>
        %gather3A_582 = tpu.vector_load_idx %arg11[%broadcast_in_dim3A_466, %broadcast_in_dim3A_581, %select_n3A_443] : memref<2x64x512xf32, #tpu.memory_space<vmem>>[vector<16xi32>, vector<16xi32>, vector<16xi32>], vector<16xf32>,
        tpu.vector_store_idx %arg13[%broadcast_in_dim3A_465, %iota3A, %broadcast_in_dim3A_581], %gather3A_582 : memref<2x16x128xf32, #tpu.memory_space<vmem>>[vector<16xi32>, vector<16xi32>, vector<16xi32>], vector<16xf32>,
        %broadcast_in_dim3A_583 = arith.constant 39 : i32
        %broadcast_in_dim3A_584 = vector.broadcast %broadcast_in_dim3A_583 : i32 to vector<16xi32>
        %gather3A_585 = tpu.vector_load_idx %arg11[%broadcast_in_dim3A_466, %broadcast_in_dim3A_584, %select_n3A_443] : memref<2x64x512xf32, #tpu.memory_space<vmem>>[vector<16xi32>, vector<16xi32>, vector<16xi32>], vector<16xf32>,
        tpu.vector_store_idx %arg13[%broadcast_in_dim3A_465, %iota3A, %broadcast_in_dim3A_584], %gather3A_585 : memref<2x16x128xf32, #tpu.memory_space<vmem>>[vector<16xi32>, vector<16xi32>, vector<16xi32>], vector<16xf32>,
        %broadcast_in_dim3A_586 = arith.constant 40 : i32
        %broadcast_in_dim3A_587 = vector.broadcast %broadcast_in_dim3A_586 : i32 to vector<16xi32>
        %gather3A_588 = tpu.vector_load_idx %arg11[%broadcast_in_dim3A_466, %broadcast_in_dim3A_587, %select_n3A_443] : memref<2x64x512xf32, #tpu.memory_space<vmem>>[vector<16xi32>, vector<16xi32>, vector<16xi32>], vector<16xf32>,
        tpu.vector_store_idx %arg13[%broadcast_in_dim3A_465, %iota3A, %broadcast_in_dim3A_587], %gather3A_588 : memref<2x16x128xf32, #tpu.memory_space<vmem>>[vector<16xi32>, vector<16xi32>, vector<16xi32>], vector<16xf32>,
        %broadcast_in_dim3A_589 = arith.constant 41 : i32
        %broadcast_in_dim3A_590 = vector.broadcast %broadcast_in_dim3A_589 : i32 to vector<16xi32>
        %gather3A_591 = tpu.vector_load_idx %arg11[%broadcast_in_dim3A_466, %broadcast_in_dim3A_590, %select_n3A_443] : memref<2x64x512xf32, #tpu.memory_space<vmem>>[vector<16xi32>, vector<16xi32>, vector<16xi32>], vector<16xf32>,
        tpu.vector_store_idx %arg13[%broadcast_in_dim3A_465, %iota3A, %broadcast_in_dim3A_590], %gather3A_591 : memref<2x16x128xf32, #tpu.memory_space<vmem>>[vector<16xi32>, vector<16xi32>, vector<16xi32>], vector<16xf32>,
        %broadcast_in_dim3A_592 = arith.constant 42 : i32
        %broadcast_in_dim3A_593 = vector.broadcast %broadcast_in_dim3A_592 : i32 to vector<16xi32>
        %gather3A_594 = tpu.vector_load_idx %arg11[%broadcast_in_dim3A_466, %broadcast_in_dim3A_593, %select_n3A_443] : memref<2x64x512xf32, #tpu.memory_space<vmem>>[vector<16xi32>, vector<16xi32>, vector<16xi32>], vector<16xf32>,
        tpu.vector_store_idx %arg13[%broadcast_in_dim3A_465, %iota3A, %broadcast_in_dim3A_593], %gather3A_594 : memref<2x16x128xf32, #tpu.memory_space<vmem>>[vector<16xi32>, vector<16xi32>, vector<16xi32>], vector<16xf32>,
        %broadcast_in_dim3A_595 = arith.constant 43 : i32
        %broadcast_in_dim3A_596 = vector.broadcast %broadcast_in_dim3A_595 : i32 to vector<16xi32>
        %gather3A_597 = tpu.vector_load_idx %arg11[%broadcast_in_dim3A_466, %broadcast_in_dim3A_596, %select_n3A_443] : memref<2x64x512xf32, #tpu.memory_space<vmem>>[vector<16xi32>, vector<16xi32>, vector<16xi32>], vector<16xf32>,
        tpu.vector_store_idx %arg13[%broadcast_in_dim3A_465, %iota3A, %broadcast_in_dim3A_596], %gather3A_597 : memref<2x16x128xf32, #tpu.memory_space<vmem>>[vector<16xi32>, vector<16xi32>, vector<16xi32>], vector<16xf32>,
        %broadcast_in_dim3A_598 = arith.constant 44 : i32
        %broadcast_in_dim3A_599 = vector.broadcast %broadcast_in_dim3A_598 : i32 to vector<16xi32>
        %gather3A_600 = tpu.vector_load_idx %arg11[%broadcast_in_dim3A_466, %broadcast_in_dim3A_599, %select_n3A_443] : memref<2x64x512xf32, #tpu.memory_space<vmem>>[vector<16xi32>, vector<16xi32>, vector<16xi32>], vector<16xf32>,
        tpu.vector_store_idx %arg13[%broadcast_in_dim3A_465, %iota3A, %broadcast_in_dim3A_599], %gather3A_600 : memref<2x16x128xf32, #tpu.memory_space<vmem>>[vector<16xi32>, vector<16xi32>, vector<16xi32>], vector<16xf32>,
        %broadcast_in_dim3A_601 = arith.constant 45 : i32
        %broadcast_in_dim3A_602 = vector.broadcast %broadcast_in_dim3A_601 : i32 to vector<16xi32>
        %gather3A_603 = tpu.vector_load_idx %arg11[%broadcast_in_dim3A_466, %broadcast_in_dim3A_602, %select_n3A_443] : memref<2x64x512xf32, #tpu.memory_space<vmem>>[vector<16xi32>, vector<16xi32>, vector<16xi32>], vector<16xf32>,
        tpu.vector_store_idx %arg13[%broadcast_in_dim3A_465, %iota3A, %broadcast_in_dim3A_602], %gather3A_603 : memref<2x16x128xf32, #tpu.memory_space<vmem>>[vector<16xi32>, vector<16xi32>, vector<16xi32>], vector<16xf32>,
        %broadcast_in_dim3A_604 = arith.constant 46 : i32
        %broadcast_in_dim3A_605 = vector.broadcast %broadcast_in_dim3A_604 : i32 to vector<16xi32>
        %gather3A_606 = tpu.vector_load_idx %arg11[%broadcast_in_dim3A_466, %broadcast_in_dim3A_605, %select_n3A_443] : memref<2x64x512xf32, #tpu.memory_space<vmem>>[vector<16xi32>, vector<16xi32>, vector<16xi32>], vector<16xf32>,
        tpu.vector_store_idx %arg13[%broadcast_in_dim3A_465, %iota3A, %broadcast_in_dim3A_605], %gather3A_606 : memref<2x16x128xf32, #tpu.memory_space<vmem>>[vector<16xi32>, vector<16xi32>, vector<16xi32>], vector<16xf32>,
        %broadcast_in_dim3A_607 = arith.constant 47 : i32
        %broadcast_in_dim3A_608 = vector.broadcast %broadcast_in_dim3A_607 : i32 to vector<16xi32>
        %gather3A_609 = tpu.vector_load_idx %arg11[%broadcast_in_dim3A_466, %broadcast_in_dim3A_608, %select_n3A_443] : memref<2x64x512xf32, #tpu.memory_space<vmem>>[vector<16xi32>, vector<16xi32>, vector<16xi32>], vector<16xf32>,
        tpu.vector_store_idx %arg13[%broadcast_in_dim3A_465, %iota3A, %broadcast_in_dim3A_608], %gather3A_609 : memref<2x16x128xf32, #tpu.memory_space<vmem>>[vector<16xi32>, vector<16xi32>, vector<16xi32>], vector<16xf32>,
        %broadcast_in_dim3A_610 = arith.constant 48 : i32
        %broadcast_in_dim3A_611 = vector.broadcast %broadcast_in_dim3A_610 : i32 to vector<16xi32>
        %gather3A_612 = tpu.vector_load_idx %arg11[%broadcast_in_dim3A_466, %broadcast_in_dim3A_611, %select_n3A_443] : memref<2x64x512xf32, #tpu.memory_space<vmem>>[vector<16xi32>, vector<16xi32>, vector<16xi32>], vector<16xf32>,
        tpu.vector_store_idx %arg13[%broadcast_in_dim3A_465, %iota3A, %broadcast_in_dim3A_611], %gather3A_612 : memref<2x16x128xf32, #tpu.memory_space<vmem>>[vector<16xi32>, vector<16xi32>, vector<16xi32>], vector<16xf32>,
        %broadcast_in_dim3A_613 = arith.constant 49 : i32
        %broadcast_in_dim3A_614 = vector.broadcast %broadcast_in_dim3A_613 : i32 to vector<16xi32>
        %gather3A_615 = tpu.vector_load_idx %arg11[%broadcast_in_dim3A_466, %broadcast_in_dim3A_614, %select_n3A_443] : memref<2x64x512xf32, #tpu.memory_space<vmem>>[vector<16xi32>, vector<16xi32>, vector<16xi32>], vector<16xf32>,
        tpu.vector_store_idx %arg13[%broadcast_in_dim3A_465, %iota3A, %broadcast_in_dim3A_614], %gather3A_615 : memref<2x16x128xf32, #tpu.memory_space<vmem>>[vector<16xi32>, vector<16xi32>, vector<16xi32>], vector<16xf32>,
        %broadcast_in_dim3A_616 = arith.constant 50 : i32
        %broadcast_in_dim3A_617 = vector.broadcast %broadcast_in_dim3A_616 : i32 to vector<16xi32>
        %gather3A_618 = tpu.vector_load_idx %arg11[%broadcast_in_dim3A_466, %broadcast_in_dim3A_617, %select_n3A_443] : memref<2x64x512xf32, #tpu.memory_space<vmem>>[vector<16xi32>, vector<16xi32>, vector<16xi32>], vector<16xf32>,
        tpu.vector_store_idx %arg13[%broadcast_in_dim3A_465, %iota3A, %broadcast_in_dim3A_617], %gather3A_618 : memref<2x16x128xf32, #tpu.memory_space<vmem>>[vector<16xi32>, vector<16xi32>, vector<16xi32>], vector<16xf32>,
        %broadcast_in_dim3A_619 = arith.constant 51 : i32
        %broadcast_in_dim3A_620 = vector.broadcast %broadcast_in_dim3A_619 : i32 to vector<16xi32>
        %gather3A_621 = tpu.vector_load_idx %arg11[%broadcast_in_dim3A_466, %broadcast_in_dim3A_620, %select_n3A_443] : memref<2x64x512xf32, #tpu.memory_space<vmem>>[vector<16xi32>, vector<16xi32>, vector<16xi32>], vector<16xf32>,
        tpu.vector_store_idx %arg13[%broadcast_in_dim3A_465, %iota3A, %broadcast_in_dim3A_620], %gather3A_621 : memref<2x16x128xf32, #tpu.memory_space<vmem>>[vector<16xi32>, vector<16xi32>, vector<16xi32>], vector<16xf32>,
        %broadcast_in_dim3A_622 = arith.constant 52 : i32
        %broadcast_in_dim3A_623 = vector.broadcast %broadcast_in_dim3A_622 : i32 to vector<16xi32>
        %gather3A_624 = tpu.vector_load_idx %arg11[%broadcast_in_dim3A_466, %broadcast_in_dim3A_623, %select_n3A_443] : memref<2x64x512xf32, #tpu.memory_space<vmem>>[vector<16xi32>, vector<16xi32>, vector<16xi32>], vector<16xf32>,
        tpu.vector_store_idx %arg13[%broadcast_in_dim3A_465, %iota3A, %broadcast_in_dim3A_623], %gather3A_624 : memref<2x16x128xf32, #tpu.memory_space<vmem>>[vector<16xi32>, vector<16xi32>, vector<16xi32>], vector<16xf32>,
        %broadcast_in_dim3A_625 = arith.constant 53 : i32
        %broadcast_in_dim3A_626 = vector.broadcast %broadcast_in_dim3A_625 : i32 to vector<16xi32>
        %gather3A_627 = tpu.vector_load_idx %arg11[%broadcast_in_dim3A_466, %broadcast_in_dim3A_626, %select_n3A_443] : memref<2x64x512xf32, #tpu.memory_space<vmem>>[vector<16xi32>, vector<16xi32>, vector<16xi32>], vector<16xf32>,
        tpu.vector_store_idx %arg13[%broadcast_in_dim3A_465, %iota3A, %broadcast_in_dim3A_626], %gather3A_627 : memref<2x16x128xf32, #tpu.memory_space<vmem>>[vector<16xi32>, vector<16xi32>, vector<16xi32>], vector<16xf32>,
        %broadcast_in_dim3A_628 = arith.constant 54 : i32
        %broadcast_in_dim3A_629 = vector.broadcast %broadcast_in_dim3A_628 : i32 to vector<16xi32>
        %gather3A_630 = tpu.vector_load_idx %arg11[%broadcast_in_dim3A_466, %broadcast_in_dim3A_629, %select_n3A_443] : memref<2x64x512xf32, #tpu.memory_space<vmem>>[vector<16xi32>, vector<16xi32>, vector<16xi32>], vector<16xf32>,
        tpu.vector_store_idx %arg13[%broadcast_in_dim3A_465, %iota3A, %broadcast_in_dim3A_629], %gather3A_630 : memref<2x16x128xf32, #tpu.memory_space<vmem>>[vector<16xi32>, vector<16xi32>, vector<16xi32>], vector<16xf32>,
        %broadcast_in_dim3A_631 = arith.constant 55 : i32
        %broadcast_in_dim3A_632 = vector.broadcast %broadcast_in_dim3A_631 : i32 to vector<16xi32>
        %gather3A_633 = tpu.vector_load_idx %arg11[%broadcast_in_dim3A_466, %broadcast_in_dim3A_632, %select_n3A_443] : memref<2x64x512xf32, #tpu.memory_space<vmem>>[vector<16xi32>, vector<16xi32>, vector<16xi32>], vector<16xf32>,
        tpu.vector_store_idx %arg13[%broadcast_in_dim3A_465, %iota3A, %broadcast_in_dim3A_632], %gather3A_633 : memref<2x16x128xf32, #tpu.memory_space<vmem>>[vector<16xi32>, vector<16xi32>, vector<16xi32>], vector<16xf32>,
        %broadcast_in_dim3A_634 = arith.constant 56 : i32
        %broadcast_in_dim3A_635 = vector.broadcast %broadcast_in_dim3A_634 : i32 to vector<16xi32>
        %gather3A_636 = tpu.vector_load_idx %arg11[%broadcast_in_dim3A_466, %broadcast_in_dim3A_635, %select_n3A_443] : memref<2x64x512xf32, #tpu.memory_space<vmem>>[vector<16xi32>, vector<16xi32>, vector<16xi32>], vector<16xf32>,
        tpu.vector_store_idx %arg13[%broadcast_in_dim3A_465, %iota3A, %broadcast_in_dim3A_635], %gather3A_636 : memref<2x16x128xf32, #tpu.memory_space<vmem>>[vector<16xi32>, vector<16xi32>, vector<16xi32>], vector<16xf32>,
        %broadcast_in_dim3A_637 = arith.constant 57 : i32
        %broadcast_in_dim3A_638 = vector.broadcast %broadcast_in_dim3A_637 : i32 to vector<16xi32>
        %gather3A_639 = tpu.vector_load_idx %arg11[%broadcast_in_dim3A_466, %broadcast_in_dim3A_638, %select_n3A_443] : memref<2x64x512xf32, #tpu.memory_space<vmem>>[vector<16xi32>, vector<16xi32>, vector<16xi32>], vector<16xf32>,
        tpu.vector_store_idx %arg13[%broadcast_in_dim3A_465, %iota3A, %broadcast_in_dim3A_638], %gather3A_639 : memref<2x16x128xf32, #tpu.memory_space<vmem>>[vector<16xi32>, vector<16xi32>, vector<16xi32>], vector<16xf32>,
        %broadcast_in_dim3A_640 = arith.constant 58 : i32
        %broadcast_in_dim3A_641 = vector.broadcast %broadcast_in_dim3A_640 : i32 to vector<16xi32>
        %gather3A_642 = tpu.vector_load_idx %arg11[%broadcast_in_dim3A_466, %broadcast_in_dim3A_641, %select_n3A_443] : memref<2x64x512xf32, #tpu.memory_space<vmem>>[vector<16xi32>, vector<16xi32>, vector<16xi32>], vector<16xf32>,
        tpu.vector_store_idx %arg13[%broadcast_in_dim3A_465, %iota3A, %broadcast_in_dim3A_641], %gather3A_642 : memref<2x16x128xf32, #tpu.memory_space<vmem>>[vector<16xi32>, vector<16xi32>, vector<16xi32>], vector<16xf32>,
        %broadcast_in_dim3A_643 = arith.constant 59 : i32
        %broadcast_in_dim3A_644 = vector.broadcast %broadcast_in_dim3A_643 : i32 to vector<16xi32>
        %gather3A_645 = tpu.vector_load_idx %arg11[%broadcast_in_dim3A_466, %broadcast_in_dim3A_644, %select_n3A_443] : memref<2x64x512xf32, #tpu.memory_space<vmem>>[vector<16xi32>, vector<16xi32>, vector<16xi32>], vector<16xf32>,
        tpu.vector_store_idx %arg13[%broadcast_in_dim3A_465, %iota3A, %broadcast_in_dim3A_644], %gather3A_645 : memref<2x16x128xf32, #tpu.memory_space<vmem>>[vector<16xi32>, vector<16xi32>, vector<16xi32>], vector<16xf32>,
        %broadcast_in_dim3A_646 = arith.constant 60 : i32
        %broadcast_in_dim3A_647 = vector.broadcast %broadcast_in_dim3A_646 : i32 to vector<16xi32>
        %gather3A_648 = tpu.vector_load_idx %arg11[%broadcast_in_dim3A_466, %broadcast_in_dim3A_647, %select_n3A_443] : memref<2x64x512xf32, #tpu.memory_space<vmem>>[vector<16xi32>, vector<16xi32>, vector<16xi32>], vector<16xf32>,
        tpu.vector_store_idx %arg13[%broadcast_in_dim3A_465, %iota3A, %broadcast_in_dim3A_647], %gather3A_648 : memref<2x16x128xf32, #tpu.memory_space<vmem>>[vector<16xi32>, vector<16xi32>, vector<16xi32>], vector<16xf32>,
        %broadcast_in_dim3A_649 = arith.constant 61 : i32
        %broadcast_in_dim3A_650 = vector.broadcast %broadcast_in_dim3A_649 : i32 to vector<16xi32>
        %gather3A_651 = tpu.vector_load_idx %arg11[%broadcast_in_dim3A_466, %broadcast_in_dim3A_650, %select_n3A_443] : memref<2x64x512xf32, #tpu.memory_space<vmem>>[vector<16xi32>, vector<16xi32>, vector<16xi32>], vector<16xf32>,
        tpu.vector_store_idx %arg13[%broadcast_in_dim3A_465, %iota3A, %broadcast_in_dim3A_650], %gather3A_651 : memref<2x16x128xf32, #tpu.memory_space<vmem>>[vector<16xi32>, vector<16xi32>, vector<16xi32>], vector<16xf32>,
        %broadcast_in_dim3A_652 = arith.constant 62 : i32
        %broadcast_in_dim3A_653 = vector.broadcast %broadcast_in_dim3A_652 : i32 to vector<16xi32>
        %gather3A_654 = tpu.vector_load_idx %arg11[%broadcast_in_dim3A_466, %broadcast_in_dim3A_653, %select_n3A_443] : memref<2x64x512xf32, #tpu.memory_space<vmem>>[vector<16xi32>, vector<16xi32>, vector<16xi32>], vector<16xf32>,
        tpu.vector_store_idx %arg13[%broadcast_in_dim3A_465, %iota3A, %broadcast_in_dim3A_653], %gather3A_654 : memref<2x16x128xf32, #tpu.memory_space<vmem>>[vector<16xi32>, vector<16xi32>, vector<16xi32>], vector<16xf32>,
        %broadcast_in_dim3A_655 = arith.constant 63 : i32
        %broadcast_in_dim3A_656 = vector.broadcast %broadcast_in_dim3A_655 : i32 to vector<16xi32>
        %gather3A_657 = tpu.vector_load_idx %arg11[%broadcast_in_dim3A_466, %broadcast_in_dim3A_656, %select_n3A_443] : memref<2x64x512xf32, #tpu.memory_space<vmem>>[vector<16xi32>, vector<16xi32>, vector<16xi32>], vector<16xf32>,
        tpu.vector_store_idx %arg13[%broadcast_in_dim3A_465, %iota3A, %broadcast_in_dim3A_656], %gather3A_657 : memref<2x16x128xf32, #tpu.memory_space<vmem>>[vector<16xi32>, vector<16xi32>, vector<16xi32>], vector<16xf32>,
        %dma_start3A_658 = arith.constant 0 : i32
        %dma_start3A_659 = arith.constant 0 : i32
        %dma_start3A_660 = tpu.memref_slice %arg13[%and3A_422, %dma_start3A_658, %dma_start3A_659] : memref<2x16x128xf32, #tpu.memory_space<vmem>> -> memref<1x16x128xf32, #tpu.memory_space<vmem>>
        %dma_start3A_661 = tpu.memref_squeeze %dma_start3A_660 : memref<1x16x128xf32, #tpu.memory_space<vmem>> -> memref<16x128xf32, #tpu.memory_space<vmem>>
        %dma_start3A_662 = arith.constant 0 : i32
        %dma_start3A_663 = tpu.memref_slice %arg12[%and3A_422, %dma_start3A_662] : memref<2x16xi32, #tpu.memory_space<vmem>> -> memref<1x16xi32, #tpu.memory_space<vmem>>
        %dma_start3A_664 = tpu.memref_squeeze %dma_start3A_663 : memref<1x16xi32, #tpu.memory_space<vmem>> -> memref<16xi32, #tpu.memory_space<vmem>>
        %dma_start3A_665 = arith.constant 0 : i32
        %dma_start3A_666 = arith.constant 0 : i32
        %dma_start3A_667 = tpu.memref_slice %arg5[%dma_start3A_665, %dma_start3A_666] : memref<18432x128xf32, #tpu.memory_space<hbm>> -> memref<18432x128xf32, #tpu.memory_space<hbm>>
        %dma_start3A_668 = tpu.memref_slice %arg15[%and3A_422] : memref<2x!tpu.dma_semaphore, #tpu.memory_space<semaphore_mem>> -> memref<1x!tpu.dma_semaphore, #tpu.memory_space<semaphore_mem>>
        %dma_start3A_669 = tpu.memref_squeeze %dma_start3A_668 : memref<1x!tpu.dma_semaphore, #tpu.memory_space<semaphore_mem>> -> memref<!tpu.dma_semaphore, #tpu.memory_space<semaphore_mem>>
        tpu.enqueue_indirect_dma source(%dma_start3A_661 : memref<16x128xf32, #tpu.memory_space<vmem>>) target(%dma_start3A_667 : memref<18432x128xf32, #tpu.memory_space<hbm>>) offsets(%dma_start3A_664 : memref<16xi32, #tpu.memory_space<vmem>>) semaphore(%dma_start3A_669 : memref<!tpu.dma_semaphore, #tpu.memory_space<semaphore_mem>>)
        %add3A_670 = arith.constant 1 : i32
        %add3A_671 = arith.addi %while3A_420, %add3A_670 : i32
        scf.yield %add3A_671 : i32
      }
      %add3A_414 = arith.constant 15 : i32
      %add3A_415 = arith.addi %add3A_395, %add3A_414 : i32
      %and3A_416 = arith.constant -16 : i32
      %and3A_417 = arith.andi %add3A_415, %and3A_416 : i32
      %add3A_418 = arith.addi %while3A_214, %and3A_417 : i32
      scf.yield %add3A_418, %while3A_413 : i32, i32
    }
    %eq3A = arith.constant 1 : i32
    %eq3A_201 = arith.cmpi eq, %add3A, %eq3A : i32
    %convert_element_type3A = arith.extui %eq3A_201 : i1 to i32
    %cond3A = arith.constant 0 : i32
    %cond3A_202 = arith.cmpi ne, %convert_element_type3A, %cond3A : i32
    %cond3A_203:2 = scf.if %cond3A_202 -> (i32, i32) {
      %and3A_213 = arith.constant 1 : i32
      %and3A_214 = arith.andi %add3A_45, %and3A_213 : i32
      "tpu.region"() ({
        %run_scoped3A = tpu.sem_alloc : memref<!tpu.dma_semaphore, #tpu.memory_space<semaphore_mem>>
        %dma_start3A_282 = arith.constant 0 : i32
        %dma_start3A_283 = arith.constant 0 : i32
        %dma_start3A_284 = tpu.memref_slice %arg11[%and3A_214, %dma_start3A_282, %dma_start3A_283] : memref<2x64x512xf32, #tpu.memory_space<vmem>> -> memref<1x64x128xf32, #tpu.memory_space<vmem>>
        %dma_start3A_285 = tpu.memref_squeeze %dma_start3A_284 : memref<1x64x128xf32, #tpu.memory_space<vmem>> -> memref<64x128xf32, #tpu.memory_space<vmem>>
        %dma_start3A_286 = arith.constant 0 : i32
        %dma_start3A_287 = arith.constant 0 : i32
        %dma_start3A_288 = tpu.memref_slice %arg11[%and3A_214, %dma_start3A_286, %dma_start3A_287] : memref<2x64x512xf32, #tpu.memory_space<vmem>> -> memref<1x64x128xf32, #tpu.memory_space<vmem>>
        %dma_start3A_289 = tpu.memref_squeeze %dma_start3A_288 : memref<1x64x128xf32, #tpu.memory_space<vmem>> -> memref<64x128xf32, #tpu.memory_space<vmem>>
        tpu.enqueue_dma source(%arg3 : memref<64x128xf32, #tpu.memory_space<hbm>>) target(%dma_start3A_289 : memref<64x128xf32, #tpu.memory_space<vmem>>) target_semaphore(%run_scoped3A : memref<!tpu.dma_semaphore, #tpu.memory_space<semaphore_mem>>)
        %dma_wait3A = arith.constant 0 : i32
        %dma_wait3A_290 = arith.constant 0 : i32
        %dma_wait3A_291 = tpu.memref_slice %arg11[%and3A_214, %dma_wait3A, %dma_wait3A_290] : memref<2x64x512xf32, #tpu.memory_space<vmem>> -> memref<1x64x128xf32, #tpu.memory_space<vmem>>
        %dma_wait3A_292 = tpu.memref_squeeze %dma_wait3A_291 : memref<1x64x128xf32, #tpu.memory_space<vmem>> -> memref<64x128xf32, #tpu.memory_space<vmem>>
        %dma_wait3A_293 = arith.constant 0 : i32
        %dma_wait3A_294 = arith.constant 0 : i32
        %dma_wait3A_295 = tpu.memref_slice %arg11[%and3A_214, %dma_wait3A_293, %dma_wait3A_294] : memref<2x64x512xf32, #tpu.memory_space<vmem>> -> memref<1x64x128xf32, #tpu.memory_space<vmem>>
        %dma_wait3A_296 = tpu.memref_squeeze %dma_wait3A_295 : memref<1x64x128xf32, #tpu.memory_space<vmem>> -> memref<64x128xf32, #tpu.memory_space<vmem>>
        tpu.wait_dma2 semaphore(%run_scoped3A : memref<!tpu.dma_semaphore, #tpu.memory_space<semaphore_mem>>) src(%arg3 : memref<64x128xf32, #tpu.memory_space<hbm>>) dst(%dma_wait3A_296 : memref<64x128xf32, #tpu.memory_space<vmem>>)
        tpu.yield
      }) : () -> ()
      %mul3A_215 = arith.constant 64 : i32
      %mul3A_216 = arith.muli %add3A_45, %mul3A_215 : i32
      %add3A_217 = arith.constant 0 : i32
      %add3A_218 = arith.addi %mul3A_216, %add3A_217 : i32
      %get3A = arith.index_cast %add3A_218 : i32 to index
      %get3A_219 = tpu.vector_load %arg9[%get3A] {strides = array<i32>} : memref<4096xi32, #tpu.memory_space<vmem>>, vector<16xi32>,
      %reduce_sum3A = arith.constant true
      %reduce_sum3A_220 = vector.broadcast %reduce_sum3A : i1 to vector<16xi1>
      %reduce_sum3A_221 = tpu.scan <sum>, %get3A_219 masked %reduce_sum3A_220 : vector<16xi32>, vector<16xi1> -> vector<16xi32>
      %reduce_sum3A_222 = vector.extract %reduce_sum3A_221[15] : i32 from vector<16xi32>
      %add3A_223 = arith.constant 0 : i32
      %add3A_224 = arith.addi %add3A_223, %reduce_sum3A_222 : i32
      %mul3A_225 = arith.constant 64 : i32
      %mul3A_226 = arith.muli %add3A_45, %mul3A_225 : i32
      %add3A_227 = arith.constant 16 : i32
      %add3A_228 = arith.addi %mul3A_226, %add3A_227 : i32
      %get3A_229 = arith.index_cast %add3A_228 : i32 to index
      %get3A_230 = tpu.vector_load %arg9[%get3A_229] {strides = array<i32>} : memref<4096xi32, #tpu.memory_space<vmem>>, vector<16xi32>,
      %reduce_sum3A_231 = arith.constant true
      %reduce_sum3A_232 = vector.broadcast %reduce_sum3A_231 : i1 to vector<16xi1>
      %reduce_sum3A_233 = tpu.scan <sum>, %get3A_230 masked %reduce_sum3A_232 : vector<16xi32>, vector<16xi1> -> vector<16xi32>
      %reduce_sum3A_234 = vector.extract %reduce_sum3A_233[15] : i32 from vector<16xi32>
      %add3A_235 = arith.addi %add3A_224, %reduce_sum3A_234 : i32
      %mul3A_236 = arith.constant 64 : i32
      %mul3A_237 = arith.muli %add3A_45, %mul3A_236 : i32
      %add3A_238 = arith.constant 32 : i32
      %add3A_239 = arith.addi %mul3A_237, %add3A_238 : i32
      %get3A_240 = arith.index_cast %add3A_239 : i32 to index
      %get3A_241 = tpu.vector_load %arg9[%get3A_240] {strides = array<i32>} : memref<4096xi32, #tpu.memory_space<vmem>>, vector<16xi32>,
      %reduce_sum3A_242 = arith.constant true
      %reduce_sum3A_243 = vector.broadcast %reduce_sum3A_242 : i1 to vector<16xi1>
      %reduce_sum3A_244 = tpu.scan <sum>, %get3A_241 masked %reduce_sum3A_243 : vector<16xi32>, vector<16xi1> -> vector<16xi32>
      %reduce_sum3A_245 = vector.extract %reduce_sum3A_244[15] : i32 from vector<16xi32>
      %add3A_246 = arith.addi %add3A_235, %reduce_sum3A_245 : i32
      %mul3A_247 = arith.constant 64 : i32
      %mul3A_248 = arith.muli %add3A_45, %mul3A_247 : i32
      %add3A_249 = arith.constant 48 : i32
      %add3A_250 = arith.addi %mul3A_248, %add3A_249 : i32
      %get3A_251 = arith.index_cast %add3A_250 : i32 to index
      %get3A_252 = tpu.vector_load %arg9[%get3A_251] {strides = array<i32>} : memref<4096xi32, #tpu.memory_space<vmem>>, vector<16xi32>,
      %reduce_sum3A_253 = arith.constant true
      %reduce_sum3A_254 = vector.broadcast %reduce_sum3A_253 : i1 to vector<16xi1>
      %reduce_sum3A_255 = tpu.scan <sum>, %get3A_252 masked %reduce_sum3A_254 : vector<16xi32>, vector<16xi1> -> vector<16xi32>
      %reduce_sum3A_256 = vector.extract %reduce_sum3A_255[15] : i32 from vector<16xi32>
      %add3A_257 = arith.addi %add3A_246, %reduce_sum3A_256 : i32
      %and3A_258 = arith.constant 1 : i32
      %and3A_259 = arith.andi %add3A_45, %and3A_258 : i32
      %mul3A_260 = arith.constant 1953 : i32
      %mul3A_261 = arith.constant 512 : i32
      %mul3A_262 = arith.muli %mul3A_260, %mul3A_261 : i32
      %add3A_263 = arith.constant 15 : i32
      %add3A_264 = arith.addi %add3A_257, %add3A_263 : i32
      %shift_right_arithmetic3A = arith.constant 4 : i32
      %shift_right_arithmetic3A_265 = arith.shrsi %add3A_264, %shift_right_arithmetic3A : i32
      %while3A_266 = arith.constant 0 : i32
      %while3A_267 = arith.subi %shift_right_arithmetic3A_265, %while3A_266 : i32
      %while3A_268 = arith.addi %while3A_266, %while3A_267 : i32
      %while3A_269 = arith.constant 1 : i32
      %while3A_270 = arith.divsi %while3A_267, %while3A_269 : i32
      %while3A_271 = arith.muli %while3A_270, %while3A_269 : i32
      %while3A_272 = arith.addi %while3A_266, %while3A_271 : i32
      %while3A_273 = arith.constant 1 : i32
      %while3A_274 = scf.for %while3A_282 = %while3A_266 to %while3A_272 step %while3A_273 iter_args(%while3A_283 = %while3A_200#1) -> (i32)  : i32 {
        %and3A_284 = arith.constant 1 : i32
        %and3A_285 = arith.andi %while3A_283, %and3A_284 : i32
        %mul3A_286 = arith.constant 16 : i32
        %mul3A_287 = arith.muli %while3A_282, %mul3A_286 : i32
        %add3A_288 = arith.addi %while3A_200#0, %mul3A_287 : i32
        %get3A_289 = arith.index_cast %add3A_288 : i32 to index
        %get3A_290 = tpu.vector_load %arg7[%get3A_289] {strides = array<i32>} : memref<17408xi32, #tpu.memory_space<vmem>>, vector<16xi32>,
        %sub3A_291 = vector.broadcast %mul3A_262 : i32 to vector<16xi32>
        %sub3A_292 = arith.subi %get3A_290, %sub3A_291 : vector<16xi32>
        %mul3A_293 = arith.constant 16 : i32
        %mul3A_294 = arith.muli %while3A_282, %mul3A_293 : i32
        %add3A_295 = arith.addi %while3A_200#0, %mul3A_294 : i32
        %get3A_296 = arith.index_cast %add3A_295 : i32 to index
        %get3A_297 = tpu.vector_load %arg8[%get3A_296] {strides = array<i32>} : memref<17408xi32, #tpu.memory_space<vmem>>, vector<16xi32>,
        %mul3A_298 = arith.constant 16 : i32
        %mul3A_299 = arith.muli %while3A_282, %mul3A_298 : i32
        %add3A_300 = vector.broadcast %mul3A_299 : i32 to vector<16xi32>
        %add3A_301 = arith.addi %add3A_300, %iota3A : vector<16xi32>
        %lt3A = vector.broadcast %add3A_257 : i32 to vector<16xi32>
        %lt3A_302 = arith.cmpi slt, %add3A_301, %lt3A : vector<16xi32>
        %jit3A_303 = arith.constant 0 : i32
        %broadcast_in_dim3A_304 = vector.broadcast %jit3A_303 : i32 to vector<16xi32>
        %select_n3A_305 = arith.select %lt3A_302, %sub3A_292, %broadcast_in_dim3A_304 : vector<16xi1>, vector<16xi32>
        %mul3A_306 = arith.constant 16 : i32
        %mul3A_307 = arith.muli %while3A_282, %mul3A_306 : i32
        %add3A_308 = vector.broadcast %mul3A_307 : i32 to vector<16xi32>
        %add3A_309 = arith.addi %add3A_308, %iota3A : vector<16xi32>
        %mul3A_310 = arith.constant 64 : i32
        %mul3A_311 = arith.muli %add3A, %mul3A_310 : i32
        %add3A_312 = vector.broadcast %mul3A_311 : i32 to vector<16xi32>
        %add3A_313 = arith.addi %add3A_309, %add3A_312 : vector<16xi32>
        %and3A_314 = arith.constant 2047 : i32
        %and3A_315 = vector.broadcast %and3A_314 : i32 to vector<16xi32>
        %and3A_316 = arith.andi %add3A_313, %and3A_315 : vector<16xi32>
        %add3A_317 = arith.constant 16384 : i32
        %add3A_318 = vector.broadcast %add3A_317 : i32 to vector<16xi32>
        %add3A_319 = arith.addi %add3A_318, %and3A_316 : vector<16xi32>
        %ge3A_320 = arith.constant 2 : i32
        %ge3A_321 = arith.cmpi sge, %while3A_283, %ge3A_320 : i32
        %convert_element_type3A_322 = arith.extui %ge3A_321 : i1 to i32
        %cond3A_323 = arith.constant 0 : i32
        %cond3A_324 = arith.cmpi ne, %convert_element_type3A_322, %cond3A_323 : i32
        scf.if %cond3A_324 {
          %dma_wait3A = arith.constant 0 : i32
          %dma_wait3A_534 = arith.constant 0 : i32
          %dma_wait3A_535 = tpu.memref_slice %arg13[%and3A_285, %dma_wait3A, %dma_wait3A_534] : memref<2x16x128xf32, #tpu.memory_space<vmem>> -> memref<1x16x128xf32, #tpu.memory_space<vmem>>
          %dma_wait3A_536 = tpu.memref_squeeze %dma_wait3A_535 : memref<1x16x128xf32, #tpu.memory_space<vmem>> -> memref<16x128xf32, #tpu.memory_space<vmem>>
          %dma_wait3A_537 = arith.constant 0 : i32
          %dma_wait3A_538 = tpu.memref_slice %arg12[%and3A_285, %dma_wait3A_537] : memref<2x16xi32, #tpu.memory_space<vmem>> -> memref<1x16xi32, #tpu.memory_space<vmem>>
          %dma_wait3A_539 = tpu.memref_squeeze %dma_wait3A_538 : memref<1x16xi32, #tpu.memory_space<vmem>> -> memref<16xi32, #tpu.memory_space<vmem>>
          %dma_wait3A_540 = arith.constant 0 : i32
          %dma_wait3A_541 = arith.constant 0 : i32
          %dma_wait3A_542 = tpu.memref_slice %arg5[%dma_wait3A_540, %dma_wait3A_541] : memref<18432x128xf32, #tpu.memory_space<hbm>> -> memref<18432x128xf32, #tpu.memory_space<hbm>>
          %dma_wait3A_543 = tpu.memref_slice %arg15[%and3A_285] : memref<2x!tpu.dma_semaphore, #tpu.memory_space<semaphore_mem>> -> memref<1x!tpu.dma_semaphore, #tpu.memory_space<semaphore_mem>>
          %dma_wait3A_544 = tpu.memref_squeeze %dma_wait3A_543 : memref<1x!tpu.dma_semaphore, #tpu.memory_space<semaphore_mem>> -> memref<!tpu.dma_semaphore, #tpu.memory_space<semaphore_mem>>
          tpu.wait_indirect_dma semaphore(%dma_wait3A_544 : memref<!tpu.dma_semaphore, #tpu.memory_space<semaphore_mem>>) src(%dma_wait3A_536 : memref<16x128xf32, #tpu.memory_space<vmem>>) dst(%dma_wait3A_542 : memref<18432x128xf32, #tpu.memory_space<hbm>>)
        } else {
        }
        %broadcast_in_dim3A_325 = vector.broadcast %and3A_285 : i32 to vector<16xi32>
        %select_n3A_326 = arith.select %lt3A_302, %get3A_297, %add3A_319 : vector<16xi1>, vector<16xi32>
        tpu.vector_store_idx %arg12[%broadcast_in_dim3A_325, %iota3A], %select_n3A_326 : memref<2x16xi32, #tpu.memory_space<vmem>>[vector<16xi32>, vector<16xi32>], vector<16xi32>,
        %broadcast_in_dim3A_327 = vector.broadcast %and3A_285 : i32 to vector<16xi32>
        %broadcast_in_dim3A_328 = vector.broadcast %and3A_259 : i32 to vector<16xi32>
        %broadcast_in_dim3A_329 = arith.constant 0 : i32
        %broadcast_in_dim3A_330 = vector.broadcast %broadcast_in_dim3A_329 : i32 to vector<16xi32>
        %gather3A = tpu.vector_load_idx %arg11[%broadcast_in_dim3A_328, %broadcast_in_dim3A_330, %select_n3A_305] : memref<2x64x512xf32, #tpu.memory_space<vmem>>[vector<16xi32>, vector<16xi32>, vector<16xi32>], vector<16xf32>,
        tpu.vector_store_idx %arg13[%broadcast_in_dim3A_327, %iota3A, %broadcast_in_dim3A_330], %gather3A : memref<2x16x128xf32, #tpu.memory_space<vmem>>[vector<16xi32>, vector<16xi32>, vector<16xi32>], vector<16xf32>,
        %broadcast_in_dim3A_331 = arith.constant 1 : i32
        %broadcast_in_dim3A_332 = vector.broadcast %broadcast_in_dim3A_331 : i32 to vector<16xi32>
        %gather3A_333 = tpu.vector_load_idx %arg11[%broadcast_in_dim3A_328, %broadcast_in_dim3A_332, %select_n3A_305] : memref<2x64x512xf32, #tpu.memory_space<vmem>>[vector<16xi32>, vector<16xi32>, vector<16xi32>], vector<16xf32>,
        tpu.vector_store_idx %arg13[%broadcast_in_dim3A_327, %iota3A, %broadcast_in_dim3A_332], %gather3A_333 : memref<2x16x128xf32, #tpu.memory_space<vmem>>[vector<16xi32>, vector<16xi32>, vector<16xi32>], vector<16xf32>,
        %broadcast_in_dim3A_334 = arith.constant 2 : i32
        %broadcast_in_dim3A_335 = vector.broadcast %broadcast_in_dim3A_334 : i32 to vector<16xi32>
        %gather3A_336 = tpu.vector_load_idx %arg11[%broadcast_in_dim3A_328, %broadcast_in_dim3A_335, %select_n3A_305] : memref<2x64x512xf32, #tpu.memory_space<vmem>>[vector<16xi32>, vector<16xi32>, vector<16xi32>], vector<16xf32>,
        tpu.vector_store_idx %arg13[%broadcast_in_dim3A_327, %iota3A, %broadcast_in_dim3A_335], %gather3A_336 : memref<2x16x128xf32, #tpu.memory_space<vmem>>[vector<16xi32>, vector<16xi32>, vector<16xi32>], vector<16xf32>,
        %broadcast_in_dim3A_337 = arith.constant 3 : i32
        %broadcast_in_dim3A_338 = vector.broadcast %broadcast_in_dim3A_337 : i32 to vector<16xi32>
        %gather3A_339 = tpu.vector_load_idx %arg11[%broadcast_in_dim3A_328, %broadcast_in_dim3A_338, %select_n3A_305] : memref<2x64x512xf32, #tpu.memory_space<vmem>>[vector<16xi32>, vector<16xi32>, vector<16xi32>], vector<16xf32>,
        tpu.vector_store_idx %arg13[%broadcast_in_dim3A_327, %iota3A, %broadcast_in_dim3A_338], %gather3A_339 : memref<2x16x128xf32, #tpu.memory_space<vmem>>[vector<16xi32>, vector<16xi32>, vector<16xi32>], vector<16xf32>,
        %broadcast_in_dim3A_340 = arith.constant 4 : i32
        %broadcast_in_dim3A_341 = vector.broadcast %broadcast_in_dim3A_340 : i32 to vector<16xi32>
        %gather3A_342 = tpu.vector_load_idx %arg11[%broadcast_in_dim3A_328, %broadcast_in_dim3A_341, %select_n3A_305] : memref<2x64x512xf32, #tpu.memory_space<vmem>>[vector<16xi32>, vector<16xi32>, vector<16xi32>], vector<16xf32>,
        tpu.vector_store_idx %arg13[%broadcast_in_dim3A_327, %iota3A, %broadcast_in_dim3A_341], %gather3A_342 : memref<2x16x128xf32, #tpu.memory_space<vmem>>[vector<16xi32>, vector<16xi32>, vector<16xi32>], vector<16xf32>,
        %broadcast_in_dim3A_343 = arith.constant 5 : i32
        %broadcast_in_dim3A_344 = vector.broadcast %broadcast_in_dim3A_343 : i32 to vector<16xi32>
        %gather3A_345 = tpu.vector_load_idx %arg11[%broadcast_in_dim3A_328, %broadcast_in_dim3A_344, %select_n3A_305] : memref<2x64x512xf32, #tpu.memory_space<vmem>>[vector<16xi32>, vector<16xi32>, vector<16xi32>], vector<16xf32>,
        tpu.vector_store_idx %arg13[%broadcast_in_dim3A_327, %iota3A, %broadcast_in_dim3A_344], %gather3A_345 : memref<2x16x128xf32, #tpu.memory_space<vmem>>[vector<16xi32>, vector<16xi32>, vector<16xi32>], vector<16xf32>,
        %broadcast_in_dim3A_346 = arith.constant 6 : i32
        %broadcast_in_dim3A_347 = vector.broadcast %broadcast_in_dim3A_346 : i32 to vector<16xi32>
        %gather3A_348 = tpu.vector_load_idx %arg11[%broadcast_in_dim3A_328, %broadcast_in_dim3A_347, %select_n3A_305] : memref<2x64x512xf32, #tpu.memory_space<vmem>>[vector<16xi32>, vector<16xi32>, vector<16xi32>], vector<16xf32>,
        tpu.vector_store_idx %arg13[%broadcast_in_dim3A_327, %iota3A, %broadcast_in_dim3A_347], %gather3A_348 : memref<2x16x128xf32, #tpu.memory_space<vmem>>[vector<16xi32>, vector<16xi32>, vector<16xi32>], vector<16xf32>,
        %broadcast_in_dim3A_349 = arith.constant 7 : i32
        %broadcast_in_dim3A_350 = vector.broadcast %broadcast_in_dim3A_349 : i32 to vector<16xi32>
        %gather3A_351 = tpu.vector_load_idx %arg11[%broadcast_in_dim3A_328, %broadcast_in_dim3A_350, %select_n3A_305] : memref<2x64x512xf32, #tpu.memory_space<vmem>>[vector<16xi32>, vector<16xi32>, vector<16xi32>], vector<16xf32>,
        tpu.vector_store_idx %arg13[%broadcast_in_dim3A_327, %iota3A, %broadcast_in_dim3A_350], %gather3A_351 : memref<2x16x128xf32, #tpu.memory_space<vmem>>[vector<16xi32>, vector<16xi32>, vector<16xi32>], vector<16xf32>,
        %broadcast_in_dim3A_352 = arith.constant 8 : i32
        %broadcast_in_dim3A_353 = vector.broadcast %broadcast_in_dim3A_352 : i32 to vector<16xi32>
        %gather3A_354 = tpu.vector_load_idx %arg11[%broadcast_in_dim3A_328, %broadcast_in_dim3A_353, %select_n3A_305] : memref<2x64x512xf32, #tpu.memory_space<vmem>>[vector<16xi32>, vector<16xi32>, vector<16xi32>], vector<16xf32>,
        tpu.vector_store_idx %arg13[%broadcast_in_dim3A_327, %iota3A, %broadcast_in_dim3A_353], %gather3A_354 : memref<2x16x128xf32, #tpu.memory_space<vmem>>[vector<16xi32>, vector<16xi32>, vector<16xi32>], vector<16xf32>,
        %broadcast_in_dim3A_355 = arith.constant 9 : i32
        %broadcast_in_dim3A_356 = vector.broadcast %broadcast_in_dim3A_355 : i32 to vector<16xi32>
        %gather3A_357 = tpu.vector_load_idx %arg11[%broadcast_in_dim3A_328, %broadcast_in_dim3A_356, %select_n3A_305] : memref<2x64x512xf32, #tpu.memory_space<vmem>>[vector<16xi32>, vector<16xi32>, vector<16xi32>], vector<16xf32>,
        tpu.vector_store_idx %arg13[%broadcast_in_dim3A_327, %iota3A, %broadcast_in_dim3A_356], %gather3A_357 : memref<2x16x128xf32, #tpu.memory_space<vmem>>[vector<16xi32>, vector<16xi32>, vector<16xi32>], vector<16xf32>,
        %broadcast_in_dim3A_358 = arith.constant 10 : i32
        %broadcast_in_dim3A_359 = vector.broadcast %broadcast_in_dim3A_358 : i32 to vector<16xi32>
        %gather3A_360 = tpu.vector_load_idx %arg11[%broadcast_in_dim3A_328, %broadcast_in_dim3A_359, %select_n3A_305] : memref<2x64x512xf32, #tpu.memory_space<vmem>>[vector<16xi32>, vector<16xi32>, vector<16xi32>], vector<16xf32>,
        tpu.vector_store_idx %arg13[%broadcast_in_dim3A_327, %iota3A, %broadcast_in_dim3A_359], %gather3A_360 : memref<2x16x128xf32, #tpu.memory_space<vmem>>[vector<16xi32>, vector<16xi32>, vector<16xi32>], vector<16xf32>,
        %broadcast_in_dim3A_361 = arith.constant 11 : i32
        %broadcast_in_dim3A_362 = vector.broadcast %broadcast_in_dim3A_361 : i32 to vector<16xi32>
        %gather3A_363 = tpu.vector_load_idx %arg11[%broadcast_in_dim3A_328, %broadcast_in_dim3A_362, %select_n3A_305] : memref<2x64x512xf32, #tpu.memory_space<vmem>>[vector<16xi32>, vector<16xi32>, vector<16xi32>], vector<16xf32>,
        tpu.vector_store_idx %arg13[%broadcast_in_dim3A_327, %iota3A, %broadcast_in_dim3A_362], %gather3A_363 : memref<2x16x128xf32, #tpu.memory_space<vmem>>[vector<16xi32>, vector<16xi32>, vector<16xi32>], vector<16xf32>,
        %broadcast_in_dim3A_364 = arith.constant 12 : i32
        %broadcast_in_dim3A_365 = vector.broadcast %broadcast_in_dim3A_364 : i32 to vector<16xi32>
        %gather3A_366 = tpu.vector_load_idx %arg11[%broadcast_in_dim3A_328, %broadcast_in_dim3A_365, %select_n3A_305] : memref<2x64x512xf32, #tpu.memory_space<vmem>>[vector<16xi32>, vector<16xi32>, vector<16xi32>], vector<16xf32>,
        tpu.vector_store_idx %arg13[%broadcast_in_dim3A_327, %iota3A, %broadcast_in_dim3A_365], %gather3A_366 : memref<2x16x128xf32, #tpu.memory_space<vmem>>[vector<16xi32>, vector<16xi32>, vector<16xi32>], vector<16xf32>,
        %broadcast_in_dim3A_367 = arith.constant 13 : i32
        %broadcast_in_dim3A_368 = vector.broadcast %broadcast_in_dim3A_367 : i32 to vector<16xi32>
        %gather3A_369 = tpu.vector_load_idx %arg11[%broadcast_in_dim3A_328, %broadcast_in_dim3A_368, %select_n3A_305] : memref<2x64x512xf32, #tpu.memory_space<vmem>>[vector<16xi32>, vector<16xi32>, vector<16xi32>], vector<16xf32>,
        tpu.vector_store_idx %arg13[%broadcast_in_dim3A_327, %iota3A, %broadcast_in_dim3A_368], %gather3A_369 : memref<2x16x128xf32, #tpu.memory_space<vmem>>[vector<16xi32>, vector<16xi32>, vector<16xi32>], vector<16xf32>,
        %broadcast_in_dim3A_370 = arith.constant 14 : i32
        %broadcast_in_dim3A_371 = vector.broadcast %broadcast_in_dim3A_370 : i32 to vector<16xi32>
        %gather3A_372 = tpu.vector_load_idx %arg11[%broadcast_in_dim3A_328, %broadcast_in_dim3A_371, %select_n3A_305] : memref<2x64x512xf32, #tpu.memory_space<vmem>>[vector<16xi32>, vector<16xi32>, vector<16xi32>], vector<16xf32>,
        tpu.vector_store_idx %arg13[%broadcast_in_dim3A_327, %iota3A, %broadcast_in_dim3A_371], %gather3A_372 : memref<2x16x128xf32, #tpu.memory_space<vmem>>[vector<16xi32>, vector<16xi32>, vector<16xi32>], vector<16xf32>,
        %broadcast_in_dim3A_373 = arith.constant 15 : i32
        %broadcast_in_dim3A_374 = vector.broadcast %broadcast_in_dim3A_373 : i32 to vector<16xi32>
        %gather3A_375 = tpu.vector_load_idx %arg11[%broadcast_in_dim3A_328, %broadcast_in_dim3A_374, %select_n3A_305] : memref<2x64x512xf32, #tpu.memory_space<vmem>>[vector<16xi32>, vector<16xi32>, vector<16xi32>], vector<16xf32>,
        tpu.vector_store_idx %arg13[%broadcast_in_dim3A_327, %iota3A, %broadcast_in_dim3A_374], %gather3A_375 : memref<2x16x128xf32, #tpu.memory_space<vmem>>[vector<16xi32>, vector<16xi32>, vector<16xi32>], vector<16xf32>,
        %broadcast_in_dim3A_376 = arith.constant 16 : i32
        %broadcast_in_dim3A_377 = vector.broadcast %broadcast_in_dim3A_376 : i32 to vector<16xi32>
        %gather3A_378 = tpu.vector_load_idx %arg11[%broadcast_in_dim3A_328, %broadcast_in_dim3A_377, %select_n3A_305] : memref<2x64x512xf32, #tpu.memory_space<vmem>>[vector<16xi32>, vector<16xi32>, vector<16xi32>], vector<16xf32>,
        tpu.vector_store_idx %arg13[%broadcast_in_dim3A_327, %iota3A, %broadcast_in_dim3A_377], %gather3A_378 : memref<2x16x128xf32, #tpu.memory_space<vmem>>[vector<16xi32>, vector<16xi32>, vector<16xi32>], vector<16xf32>,
        %broadcast_in_dim3A_379 = arith.constant 17 : i32
        %broadcast_in_dim3A_380 = vector.broadcast %broadcast_in_dim3A_379 : i32 to vector<16xi32>
        %gather3A_381 = tpu.vector_load_idx %arg11[%broadcast_in_dim3A_328, %broadcast_in_dim3A_380, %select_n3A_305] : memref<2x64x512xf32, #tpu.memory_space<vmem>>[vector<16xi32>, vector<16xi32>, vector<16xi32>], vector<16xf32>,
        tpu.vector_store_idx %arg13[%broadcast_in_dim3A_327, %iota3A, %broadcast_in_dim3A_380], %gather3A_381 : memref<2x16x128xf32, #tpu.memory_space<vmem>>[vector<16xi32>, vector<16xi32>, vector<16xi32>], vector<16xf32>,
        %broadcast_in_dim3A_382 = arith.constant 18 : i32
        %broadcast_in_dim3A_383 = vector.broadcast %broadcast_in_dim3A_382 : i32 to vector<16xi32>
        %gather3A_384 = tpu.vector_load_idx %arg11[%broadcast_in_dim3A_328, %broadcast_in_dim3A_383, %select_n3A_305] : memref<2x64x512xf32, #tpu.memory_space<vmem>>[vector<16xi32>, vector<16xi32>, vector<16xi32>], vector<16xf32>,
        tpu.vector_store_idx %arg13[%broadcast_in_dim3A_327, %iota3A, %broadcast_in_dim3A_383], %gather3A_384 : memref<2x16x128xf32, #tpu.memory_space<vmem>>[vector<16xi32>, vector<16xi32>, vector<16xi32>], vector<16xf32>,
        %broadcast_in_dim3A_385 = arith.constant 19 : i32
        %broadcast_in_dim3A_386 = vector.broadcast %broadcast_in_dim3A_385 : i32 to vector<16xi32>
        %gather3A_387 = tpu.vector_load_idx %arg11[%broadcast_in_dim3A_328, %broadcast_in_dim3A_386, %select_n3A_305] : memref<2x64x512xf32, #tpu.memory_space<vmem>>[vector<16xi32>, vector<16xi32>, vector<16xi32>], vector<16xf32>,
        tpu.vector_store_idx %arg13[%broadcast_in_dim3A_327, %iota3A, %broadcast_in_dim3A_386], %gather3A_387 : memref<2x16x128xf32, #tpu.memory_space<vmem>>[vector<16xi32>, vector<16xi32>, vector<16xi32>], vector<16xf32>,
        %broadcast_in_dim3A_388 = arith.constant 20 : i32
        %broadcast_in_dim3A_389 = vector.broadcast %broadcast_in_dim3A_388 : i32 to vector<16xi32>
        %gather3A_390 = tpu.vector_load_idx %arg11[%broadcast_in_dim3A_328, %broadcast_in_dim3A_389, %select_n3A_305] : memref<2x64x512xf32, #tpu.memory_space<vmem>>[vector<16xi32>, vector<16xi32>, vector<16xi32>], vector<16xf32>,
        tpu.vector_store_idx %arg13[%broadcast_in_dim3A_327, %iota3A, %broadcast_in_dim3A_389], %gather3A_390 : memref<2x16x128xf32, #tpu.memory_space<vmem>>[vector<16xi32>, vector<16xi32>, vector<16xi32>], vector<16xf32>,
        %broadcast_in_dim3A_391 = arith.constant 21 : i32
        %broadcast_in_dim3A_392 = vector.broadcast %broadcast_in_dim3A_391 : i32 to vector<16xi32>
        %gather3A_393 = tpu.vector_load_idx %arg11[%broadcast_in_dim3A_328, %broadcast_in_dim3A_392, %select_n3A_305] : memref<2x64x512xf32, #tpu.memory_space<vmem>>[vector<16xi32>, vector<16xi32>, vector<16xi32>], vector<16xf32>,
        tpu.vector_store_idx %arg13[%broadcast_in_dim3A_327, %iota3A, %broadcast_in_dim3A_392], %gather3A_393 : memref<2x16x128xf32, #tpu.memory_space<vmem>>[vector<16xi32>, vector<16xi32>, vector<16xi32>], vector<16xf32>,
        %broadcast_in_dim3A_394 = arith.constant 22 : i32
        %broadcast_in_dim3A_395 = vector.broadcast %broadcast_in_dim3A_394 : i32 to vector<16xi32>
        %gather3A_396 = tpu.vector_load_idx %arg11[%broadcast_in_dim3A_328, %broadcast_in_dim3A_395, %select_n3A_305] : memref<2x64x512xf32, #tpu.memory_space<vmem>>[vector<16xi32>, vector<16xi32>, vector<16xi32>], vector<16xf32>,
        tpu.vector_store_idx %arg13[%broadcast_in_dim3A_327, %iota3A, %broadcast_in_dim3A_395], %gather3A_396 : memref<2x16x128xf32, #tpu.memory_space<vmem>>[vector<16xi32>, vector<16xi32>, vector<16xi32>], vector<16xf32>,
        %broadcast_in_dim3A_397 = arith.constant 23 : i32
        %broadcast_in_dim3A_398 = vector.broadcast %broadcast_in_dim3A_397 : i32 to vector<16xi32>
        %gather3A_399 = tpu.vector_load_idx %arg11[%broadcast_in_dim3A_328, %broadcast_in_dim3A_398, %select_n3A_305] : memref<2x64x512xf32, #tpu.memory_space<vmem>>[vector<16xi32>, vector<16xi32>, vector<16xi32>], vector<16xf32>,
        tpu.vector_store_idx %arg13[%broadcast_in_dim3A_327, %iota3A, %broadcast_in_dim3A_398], %gather3A_399 : memref<2x16x128xf32, #tpu.memory_space<vmem>>[vector<16xi32>, vector<16xi32>, vector<16xi32>], vector<16xf32>,
        %broadcast_in_dim3A_400 = arith.constant 24 : i32
        %broadcast_in_dim3A_401 = vector.broadcast %broadcast_in_dim3A_400 : i32 to vector<16xi32>
        %gather3A_402 = tpu.vector_load_idx %arg11[%broadcast_in_dim3A_328, %broadcast_in_dim3A_401, %select_n3A_305] : memref<2x64x512xf32, #tpu.memory_space<vmem>>[vector<16xi32>, vector<16xi32>, vector<16xi32>], vector<16xf32>,
        tpu.vector_store_idx %arg13[%broadcast_in_dim3A_327, %iota3A, %broadcast_in_dim3A_401], %gather3A_402 : memref<2x16x128xf32, #tpu.memory_space<vmem>>[vector<16xi32>, vector<16xi32>, vector<16xi32>], vector<16xf32>,
        %broadcast_in_dim3A_403 = arith.constant 25 : i32
        %broadcast_in_dim3A_404 = vector.broadcast %broadcast_in_dim3A_403 : i32 to vector<16xi32>
        %gather3A_405 = tpu.vector_load_idx %arg11[%broadcast_in_dim3A_328, %broadcast_in_dim3A_404, %select_n3A_305] : memref<2x64x512xf32, #tpu.memory_space<vmem>>[vector<16xi32>, vector<16xi32>, vector<16xi32>], vector<16xf32>,
        tpu.vector_store_idx %arg13[%broadcast_in_dim3A_327, %iota3A, %broadcast_in_dim3A_404], %gather3A_405 : memref<2x16x128xf32, #tpu.memory_space<vmem>>[vector<16xi32>, vector<16xi32>, vector<16xi32>], vector<16xf32>,
        %broadcast_in_dim3A_406 = arith.constant 26 : i32
        %broadcast_in_dim3A_407 = vector.broadcast %broadcast_in_dim3A_406 : i32 to vector<16xi32>
        %gather3A_408 = tpu.vector_load_idx %arg11[%broadcast_in_dim3A_328, %broadcast_in_dim3A_407, %select_n3A_305] : memref<2x64x512xf32, #tpu.memory_space<vmem>>[vector<16xi32>, vector<16xi32>, vector<16xi32>], vector<16xf32>,
        tpu.vector_store_idx %arg13[%broadcast_in_dim3A_327, %iota3A, %broadcast_in_dim3A_407], %gather3A_408 : memref<2x16x128xf32, #tpu.memory_space<vmem>>[vector<16xi32>, vector<16xi32>, vector<16xi32>], vector<16xf32>,
        %broadcast_in_dim3A_409 = arith.constant 27 : i32
        %broadcast_in_dim3A_410 = vector.broadcast %broadcast_in_dim3A_409 : i32 to vector<16xi32>
        %gather3A_411 = tpu.vector_load_idx %arg11[%broadcast_in_dim3A_328, %broadcast_in_dim3A_410, %select_n3A_305] : memref<2x64x512xf32, #tpu.memory_space<vmem>>[vector<16xi32>, vector<16xi32>, vector<16xi32>], vector<16xf32>,
        tpu.vector_store_idx %arg13[%broadcast_in_dim3A_327, %iota3A, %broadcast_in_dim3A_410], %gather3A_411 : memref<2x16x128xf32, #tpu.memory_space<vmem>>[vector<16xi32>, vector<16xi32>, vector<16xi32>], vector<16xf32>,
        %broadcast_in_dim3A_412 = arith.constant 28 : i32
        %broadcast_in_dim3A_413 = vector.broadcast %broadcast_in_dim3A_412 : i32 to vector<16xi32>
        %gather3A_414 = tpu.vector_load_idx %arg11[%broadcast_in_dim3A_328, %broadcast_in_dim3A_413, %select_n3A_305] : memref<2x64x512xf32, #tpu.memory_space<vmem>>[vector<16xi32>, vector<16xi32>, vector<16xi32>], vector<16xf32>,
        tpu.vector_store_idx %arg13[%broadcast_in_dim3A_327, %iota3A, %broadcast_in_dim3A_413], %gather3A_414 : memref<2x16x128xf32, #tpu.memory_space<vmem>>[vector<16xi32>, vector<16xi32>, vector<16xi32>], vector<16xf32>,
        %broadcast_in_dim3A_415 = arith.constant 29 : i32
        %broadcast_in_dim3A_416 = vector.broadcast %broadcast_in_dim3A_415 : i32 to vector<16xi32>
        %gather3A_417 = tpu.vector_load_idx %arg11[%broadcast_in_dim3A_328, %broadcast_in_dim3A_416, %select_n3A_305] : memref<2x64x512xf32, #tpu.memory_space<vmem>>[vector<16xi32>, vector<16xi32>, vector<16xi32>], vector<16xf32>,
        tpu.vector_store_idx %arg13[%broadcast_in_dim3A_327, %iota3A, %broadcast_in_dim3A_416], %gather3A_417 : memref<2x16x128xf32, #tpu.memory_space<vmem>>[vector<16xi32>, vector<16xi32>, vector<16xi32>], vector<16xf32>,
        %broadcast_in_dim3A_418 = arith.constant 30 : i32
        %broadcast_in_dim3A_419 = vector.broadcast %broadcast_in_dim3A_418 : i32 to vector<16xi32>
        %gather3A_420 = tpu.vector_load_idx %arg11[%broadcast_in_dim3A_328, %broadcast_in_dim3A_419, %select_n3A_305] : memref<2x64x512xf32, #tpu.memory_space<vmem>>[vector<16xi32>, vector<16xi32>, vector<16xi32>], vector<16xf32>,
        tpu.vector_store_idx %arg13[%broadcast_in_dim3A_327, %iota3A, %broadcast_in_dim3A_419], %gather3A_420 : memref<2x16x128xf32, #tpu.memory_space<vmem>>[vector<16xi32>, vector<16xi32>, vector<16xi32>], vector<16xf32>,
        %broadcast_in_dim3A_421 = arith.constant 31 : i32
        %broadcast_in_dim3A_422 = vector.broadcast %broadcast_in_dim3A_421 : i32 to vector<16xi32>
        %gather3A_423 = tpu.vector_load_idx %arg11[%broadcast_in_dim3A_328, %broadcast_in_dim3A_422, %select_n3A_305] : memref<2x64x512xf32, #tpu.memory_space<vmem>>[vector<16xi32>, vector<16xi32>, vector<16xi32>], vector<16xf32>,
        tpu.vector_store_idx %arg13[%broadcast_in_dim3A_327, %iota3A, %broadcast_in_dim3A_422], %gather3A_423 : memref<2x16x128xf32, #tpu.memory_space<vmem>>[vector<16xi32>, vector<16xi32>, vector<16xi32>], vector<16xf32>,
        %broadcast_in_dim3A_424 = arith.constant 32 : i32
        %broadcast_in_dim3A_425 = vector.broadcast %broadcast_in_dim3A_424 : i32 to vector<16xi32>
        %gather3A_426 = tpu.vector_load_idx %arg11[%broadcast_in_dim3A_328, %broadcast_in_dim3A_425, %select_n3A_305] : memref<2x64x512xf32, #tpu.memory_space<vmem>>[vector<16xi32>, vector<16xi32>, vector<16xi32>], vector<16xf32>,
        tpu.vector_store_idx %arg13[%broadcast_in_dim3A_327, %iota3A, %broadcast_in_dim3A_425], %gather3A_426 : memref<2x16x128xf32, #tpu.memory_space<vmem>>[vector<16xi32>, vector<16xi32>, vector<16xi32>], vector<16xf32>,
        %broadcast_in_dim3A_427 = arith.constant 33 : i32
        %broadcast_in_dim3A_428 = vector.broadcast %broadcast_in_dim3A_427 : i32 to vector<16xi32>
        %gather3A_429 = tpu.vector_load_idx %arg11[%broadcast_in_dim3A_328, %broadcast_in_dim3A_428, %select_n3A_305] : memref<2x64x512xf32, #tpu.memory_space<vmem>>[vector<16xi32>, vector<16xi32>, vector<16xi32>], vector<16xf32>,
        tpu.vector_store_idx %arg13[%broadcast_in_dim3A_327, %iota3A, %broadcast_in_dim3A_428], %gather3A_429 : memref<2x16x128xf32, #tpu.memory_space<vmem>>[vector<16xi32>, vector<16xi32>, vector<16xi32>], vector<16xf32>,
        %broadcast_in_dim3A_430 = arith.constant 34 : i32
        %broadcast_in_dim3A_431 = vector.broadcast %broadcast_in_dim3A_430 : i32 to vector<16xi32>
        %gather3A_432 = tpu.vector_load_idx %arg11[%broadcast_in_dim3A_328, %broadcast_in_dim3A_431, %select_n3A_305] : memref<2x64x512xf32, #tpu.memory_space<vmem>>[vector<16xi32>, vector<16xi32>, vector<16xi32>], vector<16xf32>,
        tpu.vector_store_idx %arg13[%broadcast_in_dim3A_327, %iota3A, %broadcast_in_dim3A_431], %gather3A_432 : memref<2x16x128xf32, #tpu.memory_space<vmem>>[vector<16xi32>, vector<16xi32>, vector<16xi32>], vector<16xf32>,
        %broadcast_in_dim3A_433 = arith.constant 35 : i32
        %broadcast_in_dim3A_434 = vector.broadcast %broadcast_in_dim3A_433 : i32 to vector<16xi32>
        %gather3A_435 = tpu.vector_load_idx %arg11[%broadcast_in_dim3A_328, %broadcast_in_dim3A_434, %select_n3A_305] : memref<2x64x512xf32, #tpu.memory_space<vmem>>[vector<16xi32>, vector<16xi32>, vector<16xi32>], vector<16xf32>,
        tpu.vector_store_idx %arg13[%broadcast_in_dim3A_327, %iota3A, %broadcast_in_dim3A_434], %gather3A_435 : memref<2x16x128xf32, #tpu.memory_space<vmem>>[vector<16xi32>, vector<16xi32>, vector<16xi32>], vector<16xf32>,
        %broadcast_in_dim3A_436 = arith.constant 36 : i32
        %broadcast_in_dim3A_437 = vector.broadcast %broadcast_in_dim3A_436 : i32 to vector<16xi32>
        %gather3A_438 = tpu.vector_load_idx %arg11[%broadcast_in_dim3A_328, %broadcast_in_dim3A_437, %select_n3A_305] : memref<2x64x512xf32, #tpu.memory_space<vmem>>[vector<16xi32>, vector<16xi32>, vector<16xi32>], vector<16xf32>,
        tpu.vector_store_idx %arg13[%broadcast_in_dim3A_327, %iota3A, %broadcast_in_dim3A_437], %gather3A_438 : memref<2x16x128xf32, #tpu.memory_space<vmem>>[vector<16xi32>, vector<16xi32>, vector<16xi32>], vector<16xf32>,
        %broadcast_in_dim3A_439 = arith.constant 37 : i32
        %broadcast_in_dim3A_440 = vector.broadcast %broadcast_in_dim3A_439 : i32 to vector<16xi32>
        %gather3A_441 = tpu.vector_load_idx %arg11[%broadcast_in_dim3A_328, %broadcast_in_dim3A_440, %select_n3A_305] : memref<2x64x512xf32, #tpu.memory_space<vmem>>[vector<16xi32>, vector<16xi32>, vector<16xi32>], vector<16xf32>,
        tpu.vector_store_idx %arg13[%broadcast_in_dim3A_327, %iota3A, %broadcast_in_dim3A_440], %gather3A_441 : memref<2x16x128xf32, #tpu.memory_space<vmem>>[vector<16xi32>, vector<16xi32>, vector<16xi32>], vector<16xf32>,
        %broadcast_in_dim3A_442 = arith.constant 38 : i32
        %broadcast_in_dim3A_443 = vector.broadcast %broadcast_in_dim3A_442 : i32 to vector<16xi32>
        %gather3A_444 = tpu.vector_load_idx %arg11[%broadcast_in_dim3A_328, %broadcast_in_dim3A_443, %select_n3A_305] : memref<2x64x512xf32, #tpu.memory_space<vmem>>[vector<16xi32>, vector<16xi32>, vector<16xi32>], vector<16xf32>,
        tpu.vector_store_idx %arg13[%broadcast_in_dim3A_327, %iota3A, %broadcast_in_dim3A_443], %gather3A_444 : memref<2x16x128xf32, #tpu.memory_space<vmem>>[vector<16xi32>, vector<16xi32>, vector<16xi32>], vector<16xf32>,
        %broadcast_in_dim3A_445 = arith.constant 39 : i32
        %broadcast_in_dim3A_446 = vector.broadcast %broadcast_in_dim3A_445 : i32 to vector<16xi32>
        %gather3A_447 = tpu.vector_load_idx %arg11[%broadcast_in_dim3A_328, %broadcast_in_dim3A_446, %select_n3A_305] : memref<2x64x512xf32, #tpu.memory_space<vmem>>[vector<16xi32>, vector<16xi32>, vector<16xi32>], vector<16xf32>,
        tpu.vector_store_idx %arg13[%broadcast_in_dim3A_327, %iota3A, %broadcast_in_dim3A_446], %gather3A_447 : memref<2x16x128xf32, #tpu.memory_space<vmem>>[vector<16xi32>, vector<16xi32>, vector<16xi32>], vector<16xf32>,
        %broadcast_in_dim3A_448 = arith.constant 40 : i32
        %broadcast_in_dim3A_449 = vector.broadcast %broadcast_in_dim3A_448 : i32 to vector<16xi32>
        %gather3A_450 = tpu.vector_load_idx %arg11[%broadcast_in_dim3A_328, %broadcast_in_dim3A_449, %select_n3A_305] : memref<2x64x512xf32, #tpu.memory_space<vmem>>[vector<16xi32>, vector<16xi32>, vector<16xi32>], vector<16xf32>,
        tpu.vector_store_idx %arg13[%broadcast_in_dim3A_327, %iota3A, %broadcast_in_dim3A_449], %gather3A_450 : memref<2x16x128xf32, #tpu.memory_space<vmem>>[vector<16xi32>, vector<16xi32>, vector<16xi32>], vector<16xf32>,
        %broadcast_in_dim3A_451 = arith.constant 41 : i32
        %broadcast_in_dim3A_452 = vector.broadcast %broadcast_in_dim3A_451 : i32 to vector<16xi32>
        %gather3A_453 = tpu.vector_load_idx %arg11[%broadcast_in_dim3A_328, %broadcast_in_dim3A_452, %select_n3A_305] : memref<2x64x512xf32, #tpu.memory_space<vmem>>[vector<16xi32>, vector<16xi32>, vector<16xi32>], vector<16xf32>,
        tpu.vector_store_idx %arg13[%broadcast_in_dim3A_327, %iota3A, %broadcast_in_dim3A_452], %gather3A_453 : memref<2x16x128xf32, #tpu.memory_space<vmem>>[vector<16xi32>, vector<16xi32>, vector<16xi32>], vector<16xf32>,
        %broadcast_in_dim3A_454 = arith.constant 42 : i32
        %broadcast_in_dim3A_455 = vector.broadcast %broadcast_in_dim3A_454 : i32 to vector<16xi32>
        %gather3A_456 = tpu.vector_load_idx %arg11[%broadcast_in_dim3A_328, %broadcast_in_dim3A_455, %select_n3A_305] : memref<2x64x512xf32, #tpu.memory_space<vmem>>[vector<16xi32>, vector<16xi32>, vector<16xi32>], vector<16xf32>,
        tpu.vector_store_idx %arg13[%broadcast_in_dim3A_327, %iota3A, %broadcast_in_dim3A_455], %gather3A_456 : memref<2x16x128xf32, #tpu.memory_space<vmem>>[vector<16xi32>, vector<16xi32>, vector<16xi32>], vector<16xf32>,
        %broadcast_in_dim3A_457 = arith.constant 43 : i32
        %broadcast_in_dim3A_458 = vector.broadcast %broadcast_in_dim3A_457 : i32 to vector<16xi32>
        %gather3A_459 = tpu.vector_load_idx %arg11[%broadcast_in_dim3A_328, %broadcast_in_dim3A_458, %select_n3A_305] : memref<2x64x512xf32, #tpu.memory_space<vmem>>[vector<16xi32>, vector<16xi32>, vector<16xi32>], vector<16xf32>,
        tpu.vector_store_idx %arg13[%broadcast_in_dim3A_327, %iota3A, %broadcast_in_dim3A_458], %gather3A_459 : memref<2x16x128xf32, #tpu.memory_space<vmem>>[vector<16xi32>, vector<16xi32>, vector<16xi32>], vector<16xf32>,
        %broadcast_in_dim3A_460 = arith.constant 44 : i32
        %broadcast_in_dim3A_461 = vector.broadcast %broadcast_in_dim3A_460 : i32 to vector<16xi32>
        %gather3A_462 = tpu.vector_load_idx %arg11[%broadcast_in_dim3A_328, %broadcast_in_dim3A_461, %select_n3A_305] : memref<2x64x512xf32, #tpu.memory_space<vmem>>[vector<16xi32>, vector<16xi32>, vector<16xi32>], vector<16xf32>,
        tpu.vector_store_idx %arg13[%broadcast_in_dim3A_327, %iota3A, %broadcast_in_dim3A_461], %gather3A_462 : memref<2x16x128xf32, #tpu.memory_space<vmem>>[vector<16xi32>, vector<16xi32>, vector<16xi32>], vector<16xf32>,
        %broadcast_in_dim3A_463 = arith.constant 45 : i32
        %broadcast_in_dim3A_464 = vector.broadcast %broadcast_in_dim3A_463 : i32 to vector<16xi32>
        %gather3A_465 = tpu.vector_load_idx %arg11[%broadcast_in_dim3A_328, %broadcast_in_dim3A_464, %select_n3A_305] : memref<2x64x512xf32, #tpu.memory_space<vmem>>[vector<16xi32>, vector<16xi32>, vector<16xi32>], vector<16xf32>,
        tpu.vector_store_idx %arg13[%broadcast_in_dim3A_327, %iota3A, %broadcast_in_dim3A_464], %gather3A_465 : memref<2x16x128xf32, #tpu.memory_space<vmem>>[vector<16xi32>, vector<16xi32>, vector<16xi32>], vector<16xf32>,
        %broadcast_in_dim3A_466 = arith.constant 46 : i32
        %broadcast_in_dim3A_467 = vector.broadcast %broadcast_in_dim3A_466 : i32 to vector<16xi32>
        %gather3A_468 = tpu.vector_load_idx %arg11[%broadcast_in_dim3A_328, %broadcast_in_dim3A_467, %select_n3A_305] : memref<2x64x512xf32, #tpu.memory_space<vmem>>[vector<16xi32>, vector<16xi32>, vector<16xi32>], vector<16xf32>,
        tpu.vector_store_idx %arg13[%broadcast_in_dim3A_327, %iota3A, %broadcast_in_dim3A_467], %gather3A_468 : memref<2x16x128xf32, #tpu.memory_space<vmem>>[vector<16xi32>, vector<16xi32>, vector<16xi32>], vector<16xf32>,
        %broadcast_in_dim3A_469 = arith.constant 47 : i32
        %broadcast_in_dim3A_470 = vector.broadcast %broadcast_in_dim3A_469 : i32 to vector<16xi32>
        %gather3A_471 = tpu.vector_load_idx %arg11[%broadcast_in_dim3A_328, %broadcast_in_dim3A_470, %select_n3A_305] : memref<2x64x512xf32, #tpu.memory_space<vmem>>[vector<16xi32>, vector<16xi32>, vector<16xi32>], vector<16xf32>,
        tpu.vector_store_idx %arg13[%broadcast_in_dim3A_327, %iota3A, %broadcast_in_dim3A_470], %gather3A_471 : memref<2x16x128xf32, #tpu.memory_space<vmem>>[vector<16xi32>, vector<16xi32>, vector<16xi32>], vector<16xf32>,
        %broadcast_in_dim3A_472 = arith.constant 48 : i32
        %broadcast_in_dim3A_473 = vector.broadcast %broadcast_in_dim3A_472 : i32 to vector<16xi32>
        %gather3A_474 = tpu.vector_load_idx %arg11[%broadcast_in_dim3A_328, %broadcast_in_dim3A_473, %select_n3A_305] : memref<2x64x512xf32, #tpu.memory_space<vmem>>[vector<16xi32>, vector<16xi32>, vector<16xi32>], vector<16xf32>,
        tpu.vector_store_idx %arg13[%broadcast_in_dim3A_327, %iota3A, %broadcast_in_dim3A_473], %gather3A_474 : memref<2x16x128xf32, #tpu.memory_space<vmem>>[vector<16xi32>, vector<16xi32>, vector<16xi32>], vector<16xf32>,
        %broadcast_in_dim3A_475 = arith.constant 49 : i32
        %broadcast_in_dim3A_476 = vector.broadcast %broadcast_in_dim3A_475 : i32 to vector<16xi32>
        %gather3A_477 = tpu.vector_load_idx %arg11[%broadcast_in_dim3A_328, %broadcast_in_dim3A_476, %select_n3A_305] : memref<2x64x512xf32, #tpu.memory_space<vmem>>[vector<16xi32>, vector<16xi32>, vector<16xi32>], vector<16xf32>,
        tpu.vector_store_idx %arg13[%broadcast_in_dim3A_327, %iota3A, %broadcast_in_dim3A_476], %gather3A_477 : memref<2x16x128xf32, #tpu.memory_space<vmem>>[vector<16xi32>, vector<16xi32>, vector<16xi32>], vector<16xf32>,
        %broadcast_in_dim3A_478 = arith.constant 50 : i32
        %broadcast_in_dim3A_479 = vector.broadcast %broadcast_in_dim3A_478 : i32 to vector<16xi32>
        %gather3A_480 = tpu.vector_load_idx %arg11[%broadcast_in_dim3A_328, %broadcast_in_dim3A_479, %select_n3A_305] : memref<2x64x512xf32, #tpu.memory_space<vmem>>[vector<16xi32>, vector<16xi32>, vector<16xi32>], vector<16xf32>,
        tpu.vector_store_idx %arg13[%broadcast_in_dim3A_327, %iota3A, %broadcast_in_dim3A_479], %gather3A_480 : memref<2x16x128xf32, #tpu.memory_space<vmem>>[vector<16xi32>, vector<16xi32>, vector<16xi32>], vector<16xf32>,
        %broadcast_in_dim3A_481 = arith.constant 51 : i32
        %broadcast_in_dim3A_482 = vector.broadcast %broadcast_in_dim3A_481 : i32 to vector<16xi32>
        %gather3A_483 = tpu.vector_load_idx %arg11[%broadcast_in_dim3A_328, %broadcast_in_dim3A_482, %select_n3A_305] : memref<2x64x512xf32, #tpu.memory_space<vmem>>[vector<16xi32>, vector<16xi32>, vector<16xi32>], vector<16xf32>,
        tpu.vector_store_idx %arg13[%broadcast_in_dim3A_327, %iota3A, %broadcast_in_dim3A_482], %gather3A_483 : memref<2x16x128xf32, #tpu.memory_space<vmem>>[vector<16xi32>, vector<16xi32>, vector<16xi32>], vector<16xf32>,
        %broadcast_in_dim3A_484 = arith.constant 52 : i32
        %broadcast_in_dim3A_485 = vector.broadcast %broadcast_in_dim3A_484 : i32 to vector<16xi32>
        %gather3A_486 = tpu.vector_load_idx %arg11[%broadcast_in_dim3A_328, %broadcast_in_dim3A_485, %select_n3A_305] : memref<2x64x512xf32, #tpu.memory_space<vmem>>[vector<16xi32>, vector<16xi32>, vector<16xi32>], vector<16xf32>,
        tpu.vector_store_idx %arg13[%broadcast_in_dim3A_327, %iota3A, %broadcast_in_dim3A_485], %gather3A_486 : memref<2x16x128xf32, #tpu.memory_space<vmem>>[vector<16xi32>, vector<16xi32>, vector<16xi32>], vector<16xf32>,
        %broadcast_in_dim3A_487 = arith.constant 53 : i32
        %broadcast_in_dim3A_488 = vector.broadcast %broadcast_in_dim3A_487 : i32 to vector<16xi32>
        %gather3A_489 = tpu.vector_load_idx %arg11[%broadcast_in_dim3A_328, %broadcast_in_dim3A_488, %select_n3A_305] : memref<2x64x512xf32, #tpu.memory_space<vmem>>[vector<16xi32>, vector<16xi32>, vector<16xi32>], vector<16xf32>,
        tpu.vector_store_idx %arg13[%broadcast_in_dim3A_327, %iota3A, %broadcast_in_dim3A_488], %gather3A_489 : memref<2x16x128xf32, #tpu.memory_space<vmem>>[vector<16xi32>, vector<16xi32>, vector<16xi32>], vector<16xf32>,
        %broadcast_in_dim3A_490 = arith.constant 54 : i32
        %broadcast_in_dim3A_491 = vector.broadcast %broadcast_in_dim3A_490 : i32 to vector<16xi32>
        %gather3A_492 = tpu.vector_load_idx %arg11[%broadcast_in_dim3A_328, %broadcast_in_dim3A_491, %select_n3A_305] : memref<2x64x512xf32, #tpu.memory_space<vmem>>[vector<16xi32>, vector<16xi32>, vector<16xi32>], vector<16xf32>,
        tpu.vector_store_idx %arg13[%broadcast_in_dim3A_327, %iota3A, %broadcast_in_dim3A_491], %gather3A_492 : memref<2x16x128xf32, #tpu.memory_space<vmem>>[vector<16xi32>, vector<16xi32>, vector<16xi32>], vector<16xf32>,
        %broadcast_in_dim3A_493 = arith.constant 55 : i32
        %broadcast_in_dim3A_494 = vector.broadcast %broadcast_in_dim3A_493 : i32 to vector<16xi32>
        %gather3A_495 = tpu.vector_load_idx %arg11[%broadcast_in_dim3A_328, %broadcast_in_dim3A_494, %select_n3A_305] : memref<2x64x512xf32, #tpu.memory_space<vmem>>[vector<16xi32>, vector<16xi32>, vector<16xi32>], vector<16xf32>,
        tpu.vector_store_idx %arg13[%broadcast_in_dim3A_327, %iota3A, %broadcast_in_dim3A_494], %gather3A_495 : memref<2x16x128xf32, #tpu.memory_space<vmem>>[vector<16xi32>, vector<16xi32>, vector<16xi32>], vector<16xf32>,
        %broadcast_in_dim3A_496 = arith.constant 56 : i32
        %broadcast_in_dim3A_497 = vector.broadcast %broadcast_in_dim3A_496 : i32 to vector<16xi32>
        %gather3A_498 = tpu.vector_load_idx %arg11[%broadcast_in_dim3A_328, %broadcast_in_dim3A_497, %select_n3A_305] : memref<2x64x512xf32, #tpu.memory_space<vmem>>[vector<16xi32>, vector<16xi32>, vector<16xi32>], vector<16xf32>,
        tpu.vector_store_idx %arg13[%broadcast_in_dim3A_327, %iota3A, %broadcast_in_dim3A_497], %gather3A_498 : memref<2x16x128xf32, #tpu.memory_space<vmem>>[vector<16xi32>, vector<16xi32>, vector<16xi32>], vector<16xf32>,
        %broadcast_in_dim3A_499 = arith.constant 57 : i32
        %broadcast_in_dim3A_500 = vector.broadcast %broadcast_in_dim3A_499 : i32 to vector<16xi32>
        %gather3A_501 = tpu.vector_load_idx %arg11[%broadcast_in_dim3A_328, %broadcast_in_dim3A_500, %select_n3A_305] : memref<2x64x512xf32, #tpu.memory_space<vmem>>[vector<16xi32>, vector<16xi32>, vector<16xi32>], vector<16xf32>,
        tpu.vector_store_idx %arg13[%broadcast_in_dim3A_327, %iota3A, %broadcast_in_dim3A_500], %gather3A_501 : memref<2x16x128xf32, #tpu.memory_space<vmem>>[vector<16xi32>, vector<16xi32>, vector<16xi32>], vector<16xf32>,
        %broadcast_in_dim3A_502 = arith.constant 58 : i32
        %broadcast_in_dim3A_503 = vector.broadcast %broadcast_in_dim3A_502 : i32 to vector<16xi32>
        %gather3A_504 = tpu.vector_load_idx %arg11[%broadcast_in_dim3A_328, %broadcast_in_dim3A_503, %select_n3A_305] : memref<2x64x512xf32, #tpu.memory_space<vmem>>[vector<16xi32>, vector<16xi32>, vector<16xi32>], vector<16xf32>,
        tpu.vector_store_idx %arg13[%broadcast_in_dim3A_327, %iota3A, %broadcast_in_dim3A_503], %gather3A_504 : memref<2x16x128xf32, #tpu.memory_space<vmem>>[vector<16xi32>, vector<16xi32>, vector<16xi32>], vector<16xf32>,
        %broadcast_in_dim3A_505 = arith.constant 59 : i32
        %broadcast_in_dim3A_506 = vector.broadcast %broadcast_in_dim3A_505 : i32 to vector<16xi32>
        %gather3A_507 = tpu.vector_load_idx %arg11[%broadcast_in_dim3A_328, %broadcast_in_dim3A_506, %select_n3A_305] : memref<2x64x512xf32, #tpu.memory_space<vmem>>[vector<16xi32>, vector<16xi32>, vector<16xi32>], vector<16xf32>,
        tpu.vector_store_idx %arg13[%broadcast_in_dim3A_327, %iota3A, %broadcast_in_dim3A_506], %gather3A_507 : memref<2x16x128xf32, #tpu.memory_space<vmem>>[vector<16xi32>, vector<16xi32>, vector<16xi32>], vector<16xf32>,
        %broadcast_in_dim3A_508 = arith.constant 60 : i32
        %broadcast_in_dim3A_509 = vector.broadcast %broadcast_in_dim3A_508 : i32 to vector<16xi32>
        %gather3A_510 = tpu.vector_load_idx %arg11[%broadcast_in_dim3A_328, %broadcast_in_dim3A_509, %select_n3A_305] : memref<2x64x512xf32, #tpu.memory_space<vmem>>[vector<16xi32>, vector<16xi32>, vector<16xi32>], vector<16xf32>,
        tpu.vector_store_idx %arg13[%broadcast_in_dim3A_327, %iota3A, %broadcast_in_dim3A_509], %gather3A_510 : memref<2x16x128xf32, #tpu.memory_space<vmem>>[vector<16xi32>, vector<16xi32>, vector<16xi32>], vector<16xf32>,
        %broadcast_in_dim3A_511 = arith.constant 61 : i32
        %broadcast_in_dim3A_512 = vector.broadcast %broadcast_in_dim3A_511 : i32 to vector<16xi32>
        %gather3A_513 = tpu.vector_load_idx %arg11[%broadcast_in_dim3A_328, %broadcast_in_dim3A_512, %select_n3A_305] : memref<2x64x512xf32, #tpu.memory_space<vmem>>[vector<16xi32>, vector<16xi32>, vector<16xi32>], vector<16xf32>,
        tpu.vector_store_idx %arg13[%broadcast_in_dim3A_327, %iota3A, %broadcast_in_dim3A_512], %gather3A_513 : memref<2x16x128xf32, #tpu.memory_space<vmem>>[vector<16xi32>, vector<16xi32>, vector<16xi32>], vector<16xf32>,
        %broadcast_in_dim3A_514 = arith.constant 62 : i32
        %broadcast_in_dim3A_515 = vector.broadcast %broadcast_in_dim3A_514 : i32 to vector<16xi32>
        %gather3A_516 = tpu.vector_load_idx %arg11[%broadcast_in_dim3A_328, %broadcast_in_dim3A_515, %select_n3A_305] : memref<2x64x512xf32, #tpu.memory_space<vmem>>[vector<16xi32>, vector<16xi32>, vector<16xi32>], vector<16xf32>,
        tpu.vector_store_idx %arg13[%broadcast_in_dim3A_327, %iota3A, %broadcast_in_dim3A_515], %gather3A_516 : memref<2x16x128xf32, #tpu.memory_space<vmem>>[vector<16xi32>, vector<16xi32>, vector<16xi32>], vector<16xf32>,
        %broadcast_in_dim3A_517 = arith.constant 63 : i32
        %broadcast_in_dim3A_518 = vector.broadcast %broadcast_in_dim3A_517 : i32 to vector<16xi32>
        %gather3A_519 = tpu.vector_load_idx %arg11[%broadcast_in_dim3A_328, %broadcast_in_dim3A_518, %select_n3A_305] : memref<2x64x512xf32, #tpu.memory_space<vmem>>[vector<16xi32>, vector<16xi32>, vector<16xi32>], vector<16xf32>,
        tpu.vector_store_idx %arg13[%broadcast_in_dim3A_327, %iota3A, %broadcast_in_dim3A_518], %gather3A_519 : memref<2x16x128xf32, #tpu.memory_space<vmem>>[vector<16xi32>, vector<16xi32>, vector<16xi32>], vector<16xf32>,
        %dma_start3A_520 = arith.constant 0 : i32
        %dma_start3A_521 = arith.constant 0 : i32
        %dma_start3A_522 = tpu.memref_slice %arg13[%and3A_285, %dma_start3A_520, %dma_start3A_521] : memref<2x16x128xf32, #tpu.memory_space<vmem>> -> memref<1x16x128xf32, #tpu.memory_space<vmem>>
        %dma_start3A_523 = tpu.memref_squeeze %dma_start3A_522 : memref<1x16x128xf32, #tpu.memory_space<vmem>> -> memref<16x128xf32, #tpu.memory_space<vmem>>
        %dma_start3A_524 = arith.constant 0 : i32
        %dma_start3A_525 = tpu.memref_slice %arg12[%and3A_285, %dma_start3A_524] : memref<2x16xi32, #tpu.memory_space<vmem>> -> memref<1x16xi32, #tpu.memory_space<vmem>>
        %dma_start3A_526 = tpu.memref_squeeze %dma_start3A_525 : memref<1x16xi32, #tpu.memory_space<vmem>> -> memref<16xi32, #tpu.memory_space<vmem>>
        %dma_start3A_527 = arith.constant 0 : i32
        %dma_start3A_528 = arith.constant 0 : i32
        %dma_start3A_529 = tpu.memref_slice %arg5[%dma_start3A_527, %dma_start3A_528] : memref<18432x128xf32, #tpu.memory_space<hbm>> -> memref<18432x128xf32, #tpu.memory_space<hbm>>
        %dma_start3A_530 = tpu.memref_slice %arg15[%and3A_285] : memref<2x!tpu.dma_semaphore, #tpu.memory_space<semaphore_mem>> -> memref<1x!tpu.dma_semaphore, #tpu.memory_space<semaphore_mem>>
        %dma_start3A_531 = tpu.memref_squeeze %dma_start3A_530 : memref<1x!tpu.dma_semaphore, #tpu.memory_space<semaphore_mem>> -> memref<!tpu.dma_semaphore, #tpu.memory_space<semaphore_mem>>
        tpu.enqueue_indirect_dma source(%dma_start3A_523 : memref<16x128xf32, #tpu.memory_space<vmem>>) target(%dma_start3A_529 : memref<18432x128xf32, #tpu.memory_space<hbm>>) offsets(%dma_start3A_526 : memref<16xi32, #tpu.memory_space<vmem>>) semaphore(%dma_start3A_531 : memref<!tpu.dma_semaphore, #tpu.memory_space<semaphore_mem>>)
        %add3A_532 = arith.constant 1 : i32
        %add3A_533 = arith.addi %while3A_283, %add3A_532 : i32
        scf.yield %add3A_533 : i32
      }
      %while3A_275 = arith.constant 1 : i32
      %while3A_276 = scf.for %while3A_282 = %while3A_272 to %while3A_268 step %while3A_275 iter_args(%while3A_283 = %while3A_274) -> (i32)  : i32 {
        %and3A_284 = arith.constant 1 : i32
        %and3A_285 = arith.andi %while3A_283, %and3A_284 : i32
        %mul3A_286 = arith.constant 16 : i32
        %mul3A_287 = arith.muli %while3A_282, %mul3A_286 : i32
        %add3A_288 = arith.addi %while3A_200#0, %mul3A_287 : i32
        %get3A_289 = arith.index_cast %add3A_288 : i32 to index
        %get3A_290 = tpu.vector_load %arg7[%get3A_289] {strides = array<i32>} : memref<17408xi32, #tpu.memory_space<vmem>>, vector<16xi32>,
        %sub3A_291 = vector.broadcast %mul3A_262 : i32 to vector<16xi32>
        %sub3A_292 = arith.subi %get3A_290, %sub3A_291 : vector<16xi32>
        %mul3A_293 = arith.constant 16 : i32
        %mul3A_294 = arith.muli %while3A_282, %mul3A_293 : i32
        %add3A_295 = arith.addi %while3A_200#0, %mul3A_294 : i32
        %get3A_296 = arith.index_cast %add3A_295 : i32 to index
        %get3A_297 = tpu.vector_load %arg8[%get3A_296] {strides = array<i32>} : memref<17408xi32, #tpu.memory_space<vmem>>, vector<16xi32>,
        %mul3A_298 = arith.constant 16 : i32
        %mul3A_299 = arith.muli %while3A_282, %mul3A_298 : i32
        %add3A_300 = vector.broadcast %mul3A_299 : i32 to vector<16xi32>
        %add3A_301 = arith.addi %add3A_300, %iota3A : vector<16xi32>
        %lt3A = vector.broadcast %add3A_257 : i32 to vector<16xi32>
        %lt3A_302 = arith.cmpi slt, %add3A_301, %lt3A : vector<16xi32>
        %jit3A_303 = arith.constant 0 : i32
        %broadcast_in_dim3A_304 = vector.broadcast %jit3A_303 : i32 to vector<16xi32>
        %select_n3A_305 = arith.select %lt3A_302, %sub3A_292, %broadcast_in_dim3A_304 : vector<16xi1>, vector<16xi32>
        %mul3A_306 = arith.constant 16 : i32
        %mul3A_307 = arith.muli %while3A_282, %mul3A_306 : i32
        %add3A_308 = vector.broadcast %mul3A_307 : i32 to vector<16xi32>
        %add3A_309 = arith.addi %add3A_308, %iota3A : vector<16xi32>
        %mul3A_310 = arith.constant 64 : i32
        %mul3A_311 = arith.muli %add3A, %mul3A_310 : i32
        %add3A_312 = vector.broadcast %mul3A_311 : i32 to vector<16xi32>
        %add3A_313 = arith.addi %add3A_309, %add3A_312 : vector<16xi32>
        %and3A_314 = arith.constant 2047 : i32
        %and3A_315 = vector.broadcast %and3A_314 : i32 to vector<16xi32>
        %and3A_316 = arith.andi %add3A_313, %and3A_315 : vector<16xi32>
        %add3A_317 = arith.constant 16384 : i32
        %add3A_318 = vector.broadcast %add3A_317 : i32 to vector<16xi32>
        %add3A_319 = arith.addi %add3A_318, %and3A_316 : vector<16xi32>
        %ge3A_320 = arith.constant 2 : i32
        %ge3A_321 = arith.cmpi sge, %while3A_283, %ge3A_320 : i32
        %convert_element_type3A_322 = arith.extui %ge3A_321 : i1 to i32
        %cond3A_323 = arith.constant 0 : i32
        %cond3A_324 = arith.cmpi ne, %convert_element_type3A_322, %cond3A_323 : i32
        scf.if %cond3A_324 {
          %dma_wait3A = arith.constant 0 : i32
          %dma_wait3A_534 = arith.constant 0 : i32
          %dma_wait3A_535 = tpu.memref_slice %arg13[%and3A_285, %dma_wait3A, %dma_wait3A_534] : memref<2x16x128xf32, #tpu.memory_space<vmem>> -> memref<1x16x128xf32, #tpu.memory_space<vmem>>
          %dma_wait3A_536 = tpu.memref_squeeze %dma_wait3A_535 : memref<1x16x128xf32, #tpu.memory_space<vmem>> -> memref<16x128xf32, #tpu.memory_space<vmem>>
          %dma_wait3A_537 = arith.constant 0 : i32
          %dma_wait3A_538 = tpu.memref_slice %arg12[%and3A_285, %dma_wait3A_537] : memref<2x16xi32, #tpu.memory_space<vmem>> -> memref<1x16xi32, #tpu.memory_space<vmem>>
          %dma_wait3A_539 = tpu.memref_squeeze %dma_wait3A_538 : memref<1x16xi32, #tpu.memory_space<vmem>> -> memref<16xi32, #tpu.memory_space<vmem>>
          %dma_wait3A_540 = arith.constant 0 : i32
          %dma_wait3A_541 = arith.constant 0 : i32
          %dma_wait3A_542 = tpu.memref_slice %arg5[%dma_wait3A_540, %dma_wait3A_541] : memref<18432x128xf32, #tpu.memory_space<hbm>> -> memref<18432x128xf32, #tpu.memory_space<hbm>>
          %dma_wait3A_543 = tpu.memref_slice %arg15[%and3A_285] : memref<2x!tpu.dma_semaphore, #tpu.memory_space<semaphore_mem>> -> memref<1x!tpu.dma_semaphore, #tpu.memory_space<semaphore_mem>>
          %dma_wait3A_544 = tpu.memref_squeeze %dma_wait3A_543 : memref<1x!tpu.dma_semaphore, #tpu.memory_space<semaphore_mem>> -> memref<!tpu.dma_semaphore, #tpu.memory_space<semaphore_mem>>
          tpu.wait_indirect_dma semaphore(%dma_wait3A_544 : memref<!tpu.dma_semaphore, #tpu.memory_space<semaphore_mem>>) src(%dma_wait3A_536 : memref<16x128xf32, #tpu.memory_space<vmem>>) dst(%dma_wait3A_542 : memref<18432x128xf32, #tpu.memory_space<hbm>>)
        } else {
        }
        %broadcast_in_dim3A_325 = vector.broadcast %and3A_285 : i32 to vector<16xi32>
        %select_n3A_326 = arith.select %lt3A_302, %get3A_297, %add3A_319 : vector<16xi1>, vector<16xi32>
        tpu.vector_store_idx %arg12[%broadcast_in_dim3A_325, %iota3A], %select_n3A_326 : memref<2x16xi32, #tpu.memory_space<vmem>>[vector<16xi32>, vector<16xi32>], vector<16xi32>,
        %broadcast_in_dim3A_327 = vector.broadcast %and3A_285 : i32 to vector<16xi32>
        %broadcast_in_dim3A_328 = vector.broadcast %and3A_259 : i32 to vector<16xi32>
        %broadcast_in_dim3A_329 = arith.constant 0 : i32
        %broadcast_in_dim3A_330 = vector.broadcast %broadcast_in_dim3A_329 : i32 to vector<16xi32>
        %gather3A = tpu.vector_load_idx %arg11[%broadcast_in_dim3A_328, %broadcast_in_dim3A_330, %select_n3A_305] : memref<2x64x512xf32, #tpu.memory_space<vmem>>[vector<16xi32>, vector<16xi32>, vector<16xi32>], vector<16xf32>,
        tpu.vector_store_idx %arg13[%broadcast_in_dim3A_327, %iota3A, %broadcast_in_dim3A_330], %gather3A : memref<2x16x128xf32, #tpu.memory_space<vmem>>[vector<16xi32>, vector<16xi32>, vector<16xi32>], vector<16xf32>,
        %broadcast_in_dim3A_331 = arith.constant 1 : i32
        %broadcast_in_dim3A_332 = vector.broadcast %broadcast_in_dim3A_331 : i32 to vector<16xi32>
        %gather3A_333 = tpu.vector_load_idx %arg11[%broadcast_in_dim3A_328, %broadcast_in_dim3A_332, %select_n3A_305] : memref<2x64x512xf32, #tpu.memory_space<vmem>>[vector<16xi32>, vector<16xi32>, vector<16xi32>], vector<16xf32>,
        tpu.vector_store_idx %arg13[%broadcast_in_dim3A_327, %iota3A, %broadcast_in_dim3A_332], %gather3A_333 : memref<2x16x128xf32, #tpu.memory_space<vmem>>[vector<16xi32>, vector<16xi32>, vector<16xi32>], vector<16xf32>,
        %broadcast_in_dim3A_334 = arith.constant 2 : i32
        %broadcast_in_dim3A_335 = vector.broadcast %broadcast_in_dim3A_334 : i32 to vector<16xi32>
        %gather3A_336 = tpu.vector_load_idx %arg11[%broadcast_in_dim3A_328, %broadcast_in_dim3A_335, %select_n3A_305] : memref<2x64x512xf32, #tpu.memory_space<vmem>>[vector<16xi32>, vector<16xi32>, vector<16xi32>], vector<16xf32>,
        tpu.vector_store_idx %arg13[%broadcast_in_dim3A_327, %iota3A, %broadcast_in_dim3A_335], %gather3A_336 : memref<2x16x128xf32, #tpu.memory_space<vmem>>[vector<16xi32>, vector<16xi32>, vector<16xi32>], vector<16xf32>,
        %broadcast_in_dim3A_337 = arith.constant 3 : i32
        %broadcast_in_dim3A_338 = vector.broadcast %broadcast_in_dim3A_337 : i32 to vector<16xi32>
        %gather3A_339 = tpu.vector_load_idx %arg11[%broadcast_in_dim3A_328, %broadcast_in_dim3A_338, %select_n3A_305] : memref<2x64x512xf32, #tpu.memory_space<vmem>>[vector<16xi32>, vector<16xi32>, vector<16xi32>], vector<16xf32>,
        tpu.vector_store_idx %arg13[%broadcast_in_dim3A_327, %iota3A, %broadcast_in_dim3A_338], %gather3A_339 : memref<2x16x128xf32, #tpu.memory_space<vmem>>[vector<16xi32>, vector<16xi32>, vector<16xi32>], vector<16xf32>,
        %broadcast_in_dim3A_340 = arith.constant 4 : i32
        %broadcast_in_dim3A_341 = vector.broadcast %broadcast_in_dim3A_340 : i32 to vector<16xi32>
        %gather3A_342 = tpu.vector_load_idx %arg11[%broadcast_in_dim3A_328, %broadcast_in_dim3A_341, %select_n3A_305] : memref<2x64x512xf32, #tpu.memory_space<vmem>>[vector<16xi32>, vector<16xi32>, vector<16xi32>], vector<16xf32>,
        tpu.vector_store_idx %arg13[%broadcast_in_dim3A_327, %iota3A, %broadcast_in_dim3A_341], %gather3A_342 : memref<2x16x128xf32, #tpu.memory_space<vmem>>[vector<16xi32>, vector<16xi32>, vector<16xi32>], vector<16xf32>,
        %broadcast_in_dim3A_343 = arith.constant 5 : i32
        %broadcast_in_dim3A_344 = vector.broadcast %broadcast_in_dim3A_343 : i32 to vector<16xi32>
        %gather3A_345 = tpu.vector_load_idx %arg11[%broadcast_in_dim3A_328, %broadcast_in_dim3A_344, %select_n3A_305] : memref<2x64x512xf32, #tpu.memory_space<vmem>>[vector<16xi32>, vector<16xi32>, vector<16xi32>], vector<16xf32>,
        tpu.vector_store_idx %arg13[%broadcast_in_dim3A_327, %iota3A, %broadcast_in_dim3A_344], %gather3A_345 : memref<2x16x128xf32, #tpu.memory_space<vmem>>[vector<16xi32>, vector<16xi32>, vector<16xi32>], vector<16xf32>,
        %broadcast_in_dim3A_346 = arith.constant 6 : i32
        %broadcast_in_dim3A_347 = vector.broadcast %broadcast_in_dim3A_346 : i32 to vector<16xi32>
        %gather3A_348 = tpu.vector_load_idx %arg11[%broadcast_in_dim3A_328, %broadcast_in_dim3A_347, %select_n3A_305] : memref<2x64x512xf32, #tpu.memory_space<vmem>>[vector<16xi32>, vector<16xi32>, vector<16xi32>], vector<16xf32>,
        tpu.vector_store_idx %arg13[%broadcast_in_dim3A_327, %iota3A, %broadcast_in_dim3A_347], %gather3A_348 : memref<2x16x128xf32, #tpu.memory_space<vmem>>[vector<16xi32>, vector<16xi32>, vector<16xi32>], vector<16xf32>,
        %broadcast_in_dim3A_349 = arith.constant 7 : i32
        %broadcast_in_dim3A_350 = vector.broadcast %broadcast_in_dim3A_349 : i32 to vector<16xi32>
        %gather3A_351 = tpu.vector_load_idx %arg11[%broadcast_in_dim3A_328, %broadcast_in_dim3A_350, %select_n3A_305] : memref<2x64x512xf32, #tpu.memory_space<vmem>>[vector<16xi32>, vector<16xi32>, vector<16xi32>], vector<16xf32>,
        tpu.vector_store_idx %arg13[%broadcast_in_dim3A_327, %iota3A, %broadcast_in_dim3A_350], %gather3A_351 : memref<2x16x128xf32, #tpu.memory_space<vmem>>[vector<16xi32>, vector<16xi32>, vector<16xi32>], vector<16xf32>,
        %broadcast_in_dim3A_352 = arith.constant 8 : i32
        %broadcast_in_dim3A_353 = vector.broadcast %broadcast_in_dim3A_352 : i32 to vector<16xi32>
        %gather3A_354 = tpu.vector_load_idx %arg11[%broadcast_in_dim3A_328, %broadcast_in_dim3A_353, %select_n3A_305] : memref<2x64x512xf32, #tpu.memory_space<vmem>>[vector<16xi32>, vector<16xi32>, vector<16xi32>], vector<16xf32>,
        tpu.vector_store_idx %arg13[%broadcast_in_dim3A_327, %iota3A, %broadcast_in_dim3A_353], %gather3A_354 : memref<2x16x128xf32, #tpu.memory_space<vmem>>[vector<16xi32>, vector<16xi32>, vector<16xi32>], vector<16xf32>,
        %broadcast_in_dim3A_355 = arith.constant 9 : i32
        %broadcast_in_dim3A_356 = vector.broadcast %broadcast_in_dim3A_355 : i32 to vector<16xi32>
        %gather3A_357 = tpu.vector_load_idx %arg11[%broadcast_in_dim3A_328, %broadcast_in_dim3A_356, %select_n3A_305] : memref<2x64x512xf32, #tpu.memory_space<vmem>>[vector<16xi32>, vector<16xi32>, vector<16xi32>], vector<16xf32>,
        tpu.vector_store_idx %arg13[%broadcast_in_dim3A_327, %iota3A, %broadcast_in_dim3A_356], %gather3A_357 : memref<2x16x128xf32, #tpu.memory_space<vmem>>[vector<16xi32>, vector<16xi32>, vector<16xi32>], vector<16xf32>,
        %broadcast_in_dim3A_358 = arith.constant 10 : i32
        %broadcast_in_dim3A_359 = vector.broadcast %broadcast_in_dim3A_358 : i32 to vector<16xi32>
        %gather3A_360 = tpu.vector_load_idx %arg11[%broadcast_in_dim3A_328, %broadcast_in_dim3A_359, %select_n3A_305] : memref<2x64x512xf32, #tpu.memory_space<vmem>>[vector<16xi32>, vector<16xi32>, vector<16xi32>], vector<16xf32>,
        tpu.vector_store_idx %arg13[%broadcast_in_dim3A_327, %iota3A, %broadcast_in_dim3A_359], %gather3A_360 : memref<2x16x128xf32, #tpu.memory_space<vmem>>[vector<16xi32>, vector<16xi32>, vector<16xi32>], vector<16xf32>,
        %broadcast_in_dim3A_361 = arith.constant 11 : i32
        %broadcast_in_dim3A_362 = vector.broadcast %broadcast_in_dim3A_361 : i32 to vector<16xi32>
        %gather3A_363 = tpu.vector_load_idx %arg11[%broadcast_in_dim3A_328, %broadcast_in_dim3A_362, %select_n3A_305] : memref<2x64x512xf32, #tpu.memory_space<vmem>>[vector<16xi32>, vector<16xi32>, vector<16xi32>], vector<16xf32>,
        tpu.vector_store_idx %arg13[%broadcast_in_dim3A_327, %iota3A, %broadcast_in_dim3A_362], %gather3A_363 : memref<2x16x128xf32, #tpu.memory_space<vmem>>[vector<16xi32>, vector<16xi32>, vector<16xi32>], vector<16xf32>,
        %broadcast_in_dim3A_364 = arith.constant 12 : i32
        %broadcast_in_dim3A_365 = vector.broadcast %broadcast_in_dim3A_364 : i32 to vector<16xi32>
        %gather3A_366 = tpu.vector_load_idx %arg11[%broadcast_in_dim3A_328, %broadcast_in_dim3A_365, %select_n3A_305] : memref<2x64x512xf32, #tpu.memory_space<vmem>>[vector<16xi32>, vector<16xi32>, vector<16xi32>], vector<16xf32>,
        tpu.vector_store_idx %arg13[%broadcast_in_dim3A_327, %iota3A, %broadcast_in_dim3A_365], %gather3A_366 : memref<2x16x128xf32, #tpu.memory_space<vmem>>[vector<16xi32>, vector<16xi32>, vector<16xi32>], vector<16xf32>,
        %broadcast_in_dim3A_367 = arith.constant 13 : i32
        %broadcast_in_dim3A_368 = vector.broadcast %broadcast_in_dim3A_367 : i32 to vector<16xi32>
        %gather3A_369 = tpu.vector_load_idx %arg11[%broadcast_in_dim3A_328, %broadcast_in_dim3A_368, %select_n3A_305] : memref<2x64x512xf32, #tpu.memory_space<vmem>>[vector<16xi32>, vector<16xi32>, vector<16xi32>], vector<16xf32>,
        tpu.vector_store_idx %arg13[%broadcast_in_dim3A_327, %iota3A, %broadcast_in_dim3A_368], %gather3A_369 : memref<2x16x128xf32, #tpu.memory_space<vmem>>[vector<16xi32>, vector<16xi32>, vector<16xi32>], vector<16xf32>,
        %broadcast_in_dim3A_370 = arith.constant 14 : i32
        %broadcast_in_dim3A_371 = vector.broadcast %broadcast_in_dim3A_370 : i32 to vector<16xi32>
        %gather3A_372 = tpu.vector_load_idx %arg11[%broadcast_in_dim3A_328, %broadcast_in_dim3A_371, %select_n3A_305] : memref<2x64x512xf32, #tpu.memory_space<vmem>>[vector<16xi32>, vector<16xi32>, vector<16xi32>], vector<16xf32>,
        tpu.vector_store_idx %arg13[%broadcast_in_dim3A_327, %iota3A, %broadcast_in_dim3A_371], %gather3A_372 : memref<2x16x128xf32, #tpu.memory_space<vmem>>[vector<16xi32>, vector<16xi32>, vector<16xi32>], vector<16xf32>,
        %broadcast_in_dim3A_373 = arith.constant 15 : i32
        %broadcast_in_dim3A_374 = vector.broadcast %broadcast_in_dim3A_373 : i32 to vector<16xi32>
        %gather3A_375 = tpu.vector_load_idx %arg11[%broadcast_in_dim3A_328, %broadcast_in_dim3A_374, %select_n3A_305] : memref<2x64x512xf32, #tpu.memory_space<vmem>>[vector<16xi32>, vector<16xi32>, vector<16xi32>], vector<16xf32>,
        tpu.vector_store_idx %arg13[%broadcast_in_dim3A_327, %iota3A, %broadcast_in_dim3A_374], %gather3A_375 : memref<2x16x128xf32, #tpu.memory_space<vmem>>[vector<16xi32>, vector<16xi32>, vector<16xi32>], vector<16xf32>,
        %broadcast_in_dim3A_376 = arith.constant 16 : i32
        %broadcast_in_dim3A_377 = vector.broadcast %broadcast_in_dim3A_376 : i32 to vector<16xi32>
        %gather3A_378 = tpu.vector_load_idx %arg11[%broadcast_in_dim3A_328, %broadcast_in_dim3A_377, %select_n3A_305] : memref<2x64x512xf32, #tpu.memory_space<vmem>>[vector<16xi32>, vector<16xi32>, vector<16xi32>], vector<16xf32>,
        tpu.vector_store_idx %arg13[%broadcast_in_dim3A_327, %iota3A, %broadcast_in_dim3A_377], %gather3A_378 : memref<2x16x128xf32, #tpu.memory_space<vmem>>[vector<16xi32>, vector<16xi32>, vector<16xi32>], vector<16xf32>,
        %broadcast_in_dim3A_379 = arith.constant 17 : i32
        %broadcast_in_dim3A_380 = vector.broadcast %broadcast_in_dim3A_379 : i32 to vector<16xi32>
        %gather3A_381 = tpu.vector_load_idx %arg11[%broadcast_in_dim3A_328, %broadcast_in_dim3A_380, %select_n3A_305] : memref<2x64x512xf32, #tpu.memory_space<vmem>>[vector<16xi32>, vector<16xi32>, vector<16xi32>], vector<16xf32>,
        tpu.vector_store_idx %arg13[%broadcast_in_dim3A_327, %iota3A, %broadcast_in_dim3A_380], %gather3A_381 : memref<2x16x128xf32, #tpu.memory_space<vmem>>[vector<16xi32>, vector<16xi32>, vector<16xi32>], vector<16xf32>,
        %broadcast_in_dim3A_382 = arith.constant 18 : i32
        %broadcast_in_dim3A_383 = vector.broadcast %broadcast_in_dim3A_382 : i32 to vector<16xi32>
        %gather3A_384 = tpu.vector_load_idx %arg11[%broadcast_in_dim3A_328, %broadcast_in_dim3A_383, %select_n3A_305] : memref<2x64x512xf32, #tpu.memory_space<vmem>>[vector<16xi32>, vector<16xi32>, vector<16xi32>], vector<16xf32>,
        tpu.vector_store_idx %arg13[%broadcast_in_dim3A_327, %iota3A, %broadcast_in_dim3A_383], %gather3A_384 : memref<2x16x128xf32, #tpu.memory_space<vmem>>[vector<16xi32>, vector<16xi32>, vector<16xi32>], vector<16xf32>,
        %broadcast_in_dim3A_385 = arith.constant 19 : i32
        %broadcast_in_dim3A_386 = vector.broadcast %broadcast_in_dim3A_385 : i32 to vector<16xi32>
        %gather3A_387 = tpu.vector_load_idx %arg11[%broadcast_in_dim3A_328, %broadcast_in_dim3A_386, %select_n3A_305] : memref<2x64x512xf32, #tpu.memory_space<vmem>>[vector<16xi32>, vector<16xi32>, vector<16xi32>], vector<16xf32>,
        tpu.vector_store_idx %arg13[%broadcast_in_dim3A_327, %iota3A, %broadcast_in_dim3A_386], %gather3A_387 : memref<2x16x128xf32, #tpu.memory_space<vmem>>[vector<16xi32>, vector<16xi32>, vector<16xi32>], vector<16xf32>,
        %broadcast_in_dim3A_388 = arith.constant 20 : i32
        %broadcast_in_dim3A_389 = vector.broadcast %broadcast_in_dim3A_388 : i32 to vector<16xi32>
        %gather3A_390 = tpu.vector_load_idx %arg11[%broadcast_in_dim3A_328, %broadcast_in_dim3A_389, %select_n3A_305] : memref<2x64x512xf32, #tpu.memory_space<vmem>>[vector<16xi32>, vector<16xi32>, vector<16xi32>], vector<16xf32>,
        tpu.vector_store_idx %arg13[%broadcast_in_dim3A_327, %iota3A, %broadcast_in_dim3A_389], %gather3A_390 : memref<2x16x128xf32, #tpu.memory_space<vmem>>[vector<16xi32>, vector<16xi32>, vector<16xi32>], vector<16xf32>,
        %broadcast_in_dim3A_391 = arith.constant 21 : i32
        %broadcast_in_dim3A_392 = vector.broadcast %broadcast_in_dim3A_391 : i32 to vector<16xi32>
        %gather3A_393 = tpu.vector_load_idx %arg11[%broadcast_in_dim3A_328, %broadcast_in_dim3A_392, %select_n3A_305] : memref<2x64x512xf32, #tpu.memory_space<vmem>>[vector<16xi32>, vector<16xi32>, vector<16xi32>], vector<16xf32>,
        tpu.vector_store_idx %arg13[%broadcast_in_dim3A_327, %iota3A, %broadcast_in_dim3A_392], %gather3A_393 : memref<2x16x128xf32, #tpu.memory_space<vmem>>[vector<16xi32>, vector<16xi32>, vector<16xi32>], vector<16xf32>,
        %broadcast_in_dim3A_394 = arith.constant 22 : i32
        %broadcast_in_dim3A_395 = vector.broadcast %broadcast_in_dim3A_394 : i32 to vector<16xi32>
        %gather3A_396 = tpu.vector_load_idx %arg11[%broadcast_in_dim3A_328, %broadcast_in_dim3A_395, %select_n3A_305] : memref<2x64x512xf32, #tpu.memory_space<vmem>>[vector<16xi32>, vector<16xi32>, vector<16xi32>], vector<16xf32>,
        tpu.vector_store_idx %arg13[%broadcast_in_dim3A_327, %iota3A, %broadcast_in_dim3A_395], %gather3A_396 : memref<2x16x128xf32, #tpu.memory_space<vmem>>[vector<16xi32>, vector<16xi32>, vector<16xi32>], vector<16xf32>,
        %broadcast_in_dim3A_397 = arith.constant 23 : i32
        %broadcast_in_dim3A_398 = vector.broadcast %broadcast_in_dim3A_397 : i32 to vector<16xi32>
        %gather3A_399 = tpu.vector_load_idx %arg11[%broadcast_in_dim3A_328, %broadcast_in_dim3A_398, %select_n3A_305] : memref<2x64x512xf32, #tpu.memory_space<vmem>>[vector<16xi32>, vector<16xi32>, vector<16xi32>], vector<16xf32>,
        tpu.vector_store_idx %arg13[%broadcast_in_dim3A_327, %iota3A, %broadcast_in_dim3A_398], %gather3A_399 : memref<2x16x128xf32, #tpu.memory_space<vmem>>[vector<16xi32>, vector<16xi32>, vector<16xi32>], vector<16xf32>,
        %broadcast_in_dim3A_400 = arith.constant 24 : i32
        %broadcast_in_dim3A_401 = vector.broadcast %broadcast_in_dim3A_400 : i32 to vector<16xi32>
        %gather3A_402 = tpu.vector_load_idx %arg11[%broadcast_in_dim3A_328, %broadcast_in_dim3A_401, %select_n3A_305] : memref<2x64x512xf32, #tpu.memory_space<vmem>>[vector<16xi32>, vector<16xi32>, vector<16xi32>], vector<16xf32>,
        tpu.vector_store_idx %arg13[%broadcast_in_dim3A_327, %iota3A, %broadcast_in_dim3A_401], %gather3A_402 : memref<2x16x128xf32, #tpu.memory_space<vmem>>[vector<16xi32>, vector<16xi32>, vector<16xi32>], vector<16xf32>,
        %broadcast_in_dim3A_403 = arith.constant 25 : i32
        %broadcast_in_dim3A_404 = vector.broadcast %broadcast_in_dim3A_403 : i32 to vector<16xi32>
        %gather3A_405 = tpu.vector_load_idx %arg11[%broadcast_in_dim3A_328, %broadcast_in_dim3A_404, %select_n3A_305] : memref<2x64x512xf32, #tpu.memory_space<vmem>>[vector<16xi32>, vector<16xi32>, vector<16xi32>], vector<16xf32>,
        tpu.vector_store_idx %arg13[%broadcast_in_dim3A_327, %iota3A, %broadcast_in_dim3A_404], %gather3A_405 : memref<2x16x128xf32, #tpu.memory_space<vmem>>[vector<16xi32>, vector<16xi32>, vector<16xi32>], vector<16xf32>,
        %broadcast_in_dim3A_406 = arith.constant 26 : i32
        %broadcast_in_dim3A_407 = vector.broadcast %broadcast_in_dim3A_406 : i32 to vector<16xi32>
        %gather3A_408 = tpu.vector_load_idx %arg11[%broadcast_in_dim3A_328, %broadcast_in_dim3A_407, %select_n3A_305] : memref<2x64x512xf32, #tpu.memory_space<vmem>>[vector<16xi32>, vector<16xi32>, vector<16xi32>], vector<16xf32>,
        tpu.vector_store_idx %arg13[%broadcast_in_dim3A_327, %iota3A, %broadcast_in_dim3A_407], %gather3A_408 : memref<2x16x128xf32, #tpu.memory_space<vmem>>[vector<16xi32>, vector<16xi32>, vector<16xi32>], vector<16xf32>,
        %broadcast_in_dim3A_409 = arith.constant 27 : i32
        %broadcast_in_dim3A_410 = vector.broadcast %broadcast_in_dim3A_409 : i32 to vector<16xi32>
        %gather3A_411 = tpu.vector_load_idx %arg11[%broadcast_in_dim3A_328, %broadcast_in_dim3A_410, %select_n3A_305] : memref<2x64x512xf32, #tpu.memory_space<vmem>>[vector<16xi32>, vector<16xi32>, vector<16xi32>], vector<16xf32>,
        tpu.vector_store_idx %arg13[%broadcast_in_dim3A_327, %iota3A, %broadcast_in_dim3A_410], %gather3A_411 : memref<2x16x128xf32, #tpu.memory_space<vmem>>[vector<16xi32>, vector<16xi32>, vector<16xi32>], vector<16xf32>,
        %broadcast_in_dim3A_412 = arith.constant 28 : i32
        %broadcast_in_dim3A_413 = vector.broadcast %broadcast_in_dim3A_412 : i32 to vector<16xi32>
        %gather3A_414 = tpu.vector_load_idx %arg11[%broadcast_in_dim3A_328, %broadcast_in_dim3A_413, %select_n3A_305] : memref<2x64x512xf32, #tpu.memory_space<vmem>>[vector<16xi32>, vector<16xi32>, vector<16xi32>], vector<16xf32>,
        tpu.vector_store_idx %arg13[%broadcast_in_dim3A_327, %iota3A, %broadcast_in_dim3A_413], %gather3A_414 : memref<2x16x128xf32, #tpu.memory_space<vmem>>[vector<16xi32>, vector<16xi32>, vector<16xi32>], vector<16xf32>,
        %broadcast_in_dim3A_415 = arith.constant 29 : i32
        %broadcast_in_dim3A_416 = vector.broadcast %broadcast_in_dim3A_415 : i32 to vector<16xi32>
        %gather3A_417 = tpu.vector_load_idx %arg11[%broadcast_in_dim3A_328, %broadcast_in_dim3A_416, %select_n3A_305] : memref<2x64x512xf32, #tpu.memory_space<vmem>>[vector<16xi32>, vector<16xi32>, vector<16xi32>], vector<16xf32>,
        tpu.vector_store_idx %arg13[%broadcast_in_dim3A_327, %iota3A, %broadcast_in_dim3A_416], %gather3A_417 : memref<2x16x128xf32, #tpu.memory_space<vmem>>[vector<16xi32>, vector<16xi32>, vector<16xi32>], vector<16xf32>,
        %broadcast_in_dim3A_418 = arith.constant 30 : i32
        %broadcast_in_dim3A_419 = vector.broadcast %broadcast_in_dim3A_418 : i32 to vector<16xi32>
        %gather3A_420 = tpu.vector_load_idx %arg11[%broadcast_in_dim3A_328, %broadcast_in_dim3A_419, %select_n3A_305] : memref<2x64x512xf32, #tpu.memory_space<vmem>>[vector<16xi32>, vector<16xi32>, vector<16xi32>], vector<16xf32>,
        tpu.vector_store_idx %arg13[%broadcast_in_dim3A_327, %iota3A, %broadcast_in_dim3A_419], %gather3A_420 : memref<2x16x128xf32, #tpu.memory_space<vmem>>[vector<16xi32>, vector<16xi32>, vector<16xi32>], vector<16xf32>,
        %broadcast_in_dim3A_421 = arith.constant 31 : i32
        %broadcast_in_dim3A_422 = vector.broadcast %broadcast_in_dim3A_421 : i32 to vector<16xi32>
        %gather3A_423 = tpu.vector_load_idx %arg11[%broadcast_in_dim3A_328, %broadcast_in_dim3A_422, %select_n3A_305] : memref<2x64x512xf32, #tpu.memory_space<vmem>>[vector<16xi32>, vector<16xi32>, vector<16xi32>], vector<16xf32>,
        tpu.vector_store_idx %arg13[%broadcast_in_dim3A_327, %iota3A, %broadcast_in_dim3A_422], %gather3A_423 : memref<2x16x128xf32, #tpu.memory_space<vmem>>[vector<16xi32>, vector<16xi32>, vector<16xi32>], vector<16xf32>,
        %broadcast_in_dim3A_424 = arith.constant 32 : i32
        %broadcast_in_dim3A_425 = vector.broadcast %broadcast_in_dim3A_424 : i32 to vector<16xi32>
        %gather3A_426 = tpu.vector_load_idx %arg11[%broadcast_in_dim3A_328, %broadcast_in_dim3A_425, %select_n3A_305] : memref<2x64x512xf32, #tpu.memory_space<vmem>>[vector<16xi32>, vector<16xi32>, vector<16xi32>], vector<16xf32>,
        tpu.vector_store_idx %arg13[%broadcast_in_dim3A_327, %iota3A, %broadcast_in_dim3A_425], %gather3A_426 : memref<2x16x128xf32, #tpu.memory_space<vmem>>[vector<16xi32>, vector<16xi32>, vector<16xi32>], vector<16xf32>,
        %broadcast_in_dim3A_427 = arith.constant 33 : i32
        %broadcast_in_dim3A_428 = vector.broadcast %broadcast_in_dim3A_427 : i32 to vector<16xi32>
        %gather3A_429 = tpu.vector_load_idx %arg11[%broadcast_in_dim3A_328, %broadcast_in_dim3A_428, %select_n3A_305] : memref<2x64x512xf32, #tpu.memory_space<vmem>>[vector<16xi32>, vector<16xi32>, vector<16xi32>], vector<16xf32>,
        tpu.vector_store_idx %arg13[%broadcast_in_dim3A_327, %iota3A, %broadcast_in_dim3A_428], %gather3A_429 : memref<2x16x128xf32, #tpu.memory_space<vmem>>[vector<16xi32>, vector<16xi32>, vector<16xi32>], vector<16xf32>,
        %broadcast_in_dim3A_430 = arith.constant 34 : i32
        %broadcast_in_dim3A_431 = vector.broadcast %broadcast_in_dim3A_430 : i32 to vector<16xi32>
        %gather3A_432 = tpu.vector_load_idx %arg11[%broadcast_in_dim3A_328, %broadcast_in_dim3A_431, %select_n3A_305] : memref<2x64x512xf32, #tpu.memory_space<vmem>>[vector<16xi32>, vector<16xi32>, vector<16xi32>], vector<16xf32>,
        tpu.vector_store_idx %arg13[%broadcast_in_dim3A_327, %iota3A, %broadcast_in_dim3A_431], %gather3A_432 : memref<2x16x128xf32, #tpu.memory_space<vmem>>[vector<16xi32>, vector<16xi32>, vector<16xi32>], vector<16xf32>,
        %broadcast_in_dim3A_433 = arith.constant 35 : i32
        %broadcast_in_dim3A_434 = vector.broadcast %broadcast_in_dim3A_433 : i32 to vector<16xi32>
        %gather3A_435 = tpu.vector_load_idx %arg11[%broadcast_in_dim3A_328, %broadcast_in_dim3A_434, %select_n3A_305] : memref<2x64x512xf32, #tpu.memory_space<vmem>>[vector<16xi32>, vector<16xi32>, vector<16xi32>], vector<16xf32>,
        tpu.vector_store_idx %arg13[%broadcast_in_dim3A_327, %iota3A, %broadcast_in_dim3A_434], %gather3A_435 : memref<2x16x128xf32, #tpu.memory_space<vmem>>[vector<16xi32>, vector<16xi32>, vector<16xi32>], vector<16xf32>,
        %broadcast_in_dim3A_436 = arith.constant 36 : i32
        %broadcast_in_dim3A_437 = vector.broadcast %broadcast_in_dim3A_436 : i32 to vector<16xi32>
        %gather3A_438 = tpu.vector_load_idx %arg11[%broadcast_in_dim3A_328, %broadcast_in_dim3A_437, %select_n3A_305] : memref<2x64x512xf32, #tpu.memory_space<vmem>>[vector<16xi32>, vector<16xi32>, vector<16xi32>], vector<16xf32>,
        tpu.vector_store_idx %arg13[%broadcast_in_dim3A_327, %iota3A, %broadcast_in_dim3A_437], %gather3A_438 : memref<2x16x128xf32, #tpu.memory_space<vmem>>[vector<16xi32>, vector<16xi32>, vector<16xi32>], vector<16xf32>,
        %broadcast_in_dim3A_439 = arith.constant 37 : i32
        %broadcast_in_dim3A_440 = vector.broadcast %broadcast_in_dim3A_439 : i32 to vector<16xi32>
        %gather3A_441 = tpu.vector_load_idx %arg11[%broadcast_in_dim3A_328, %broadcast_in_dim3A_440, %select_n3A_305] : memref<2x64x512xf32, #tpu.memory_space<vmem>>[vector<16xi32>, vector<16xi32>, vector<16xi32>], vector<16xf32>,
        tpu.vector_store_idx %arg13[%broadcast_in_dim3A_327, %iota3A, %broadcast_in_dim3A_440], %gather3A_441 : memref<2x16x128xf32, #tpu.memory_space<vmem>>[vector<16xi32>, vector<16xi32>, vector<16xi32>], vector<16xf32>,
        %broadcast_in_dim3A_442 = arith.constant 38 : i32
        %broadcast_in_dim3A_443 = vector.broadcast %broadcast_in_dim3A_442 : i32 to vector<16xi32>
        %gather3A_444 = tpu.vector_load_idx %arg11[%broadcast_in_dim3A_328, %broadcast_in_dim3A_443, %select_n3A_305] : memref<2x64x512xf32, #tpu.memory_space<vmem>>[vector<16xi32>, vector<16xi32>, vector<16xi32>], vector<16xf32>,
        tpu.vector_store_idx %arg13[%broadcast_in_dim3A_327, %iota3A, %broadcast_in_dim3A_443], %gather3A_444 : memref<2x16x128xf32, #tpu.memory_space<vmem>>[vector<16xi32>, vector<16xi32>, vector<16xi32>], vector<16xf32>,
        %broadcast_in_dim3A_445 = arith.constant 39 : i32
        %broadcast_in_dim3A_446 = vector.broadcast %broadcast_in_dim3A_445 : i32 to vector<16xi32>
        %gather3A_447 = tpu.vector_load_idx %arg11[%broadcast_in_dim3A_328, %broadcast_in_dim3A_446, %select_n3A_305] : memref<2x64x512xf32, #tpu.memory_space<vmem>>[vector<16xi32>, vector<16xi32>, vector<16xi32>], vector<16xf32>,
        tpu.vector_store_idx %arg13[%broadcast_in_dim3A_327, %iota3A, %broadcast_in_dim3A_446], %gather3A_447 : memref<2x16x128xf32, #tpu.memory_space<vmem>>[vector<16xi32>, vector<16xi32>, vector<16xi32>], vector<16xf32>,
        %broadcast_in_dim3A_448 = arith.constant 40 : i32
        %broadcast_in_dim3A_449 = vector.broadcast %broadcast_in_dim3A_448 : i32 to vector<16xi32>
        %gather3A_450 = tpu.vector_load_idx %arg11[%broadcast_in_dim3A_328, %broadcast_in_dim3A_449, %select_n3A_305] : memref<2x64x512xf32, #tpu.memory_space<vmem>>[vector<16xi32>, vector<16xi32>, vector<16xi32>], vector<16xf32>,
        tpu.vector_store_idx %arg13[%broadcast_in_dim3A_327, %iota3A, %broadcast_in_dim3A_449], %gather3A_450 : memref<2x16x128xf32, #tpu.memory_space<vmem>>[vector<16xi32>, vector<16xi32>, vector<16xi32>], vector<16xf32>,
        %broadcast_in_dim3A_451 = arith.constant 41 : i32
        %broadcast_in_dim3A_452 = vector.broadcast %broadcast_in_dim3A_451 : i32 to vector<16xi32>
        %gather3A_453 = tpu.vector_load_idx %arg11[%broadcast_in_dim3A_328, %broadcast_in_dim3A_452, %select_n3A_305] : memref<2x64x512xf32, #tpu.memory_space<vmem>>[vector<16xi32>, vector<16xi32>, vector<16xi32>], vector<16xf32>,
        tpu.vector_store_idx %arg13[%broadcast_in_dim3A_327, %iota3A, %broadcast_in_dim3A_452], %gather3A_453 : memref<2x16x128xf32, #tpu.memory_space<vmem>>[vector<16xi32>, vector<16xi32>, vector<16xi32>], vector<16xf32>,
        %broadcast_in_dim3A_454 = arith.constant 42 : i32
        %broadcast_in_dim3A_455 = vector.broadcast %broadcast_in_dim3A_454 : i32 to vector<16xi32>
        %gather3A_456 = tpu.vector_load_idx %arg11[%broadcast_in_dim3A_328, %broadcast_in_dim3A_455, %select_n3A_305] : memref<2x64x512xf32, #tpu.memory_space<vmem>>[vector<16xi32>, vector<16xi32>, vector<16xi32>], vector<16xf32>,
        tpu.vector_store_idx %arg13[%broadcast_in_dim3A_327, %iota3A, %broadcast_in_dim3A_455], %gather3A_456 : memref<2x16x128xf32, #tpu.memory_space<vmem>>[vector<16xi32>, vector<16xi32>, vector<16xi32>], vector<16xf32>,
        %broadcast_in_dim3A_457 = arith.constant 43 : i32
        %broadcast_in_dim3A_458 = vector.broadcast %broadcast_in_dim3A_457 : i32 to vector<16xi32>
        %gather3A_459 = tpu.vector_load_idx %arg11[%broadcast_in_dim3A_328, %broadcast_in_dim3A_458, %select_n3A_305] : memref<2x64x512xf32, #tpu.memory_space<vmem>>[vector<16xi32>, vector<16xi32>, vector<16xi32>], vector<16xf32>,
        tpu.vector_store_idx %arg13[%broadcast_in_dim3A_327, %iota3A, %broadcast_in_dim3A_458], %gather3A_459 : memref<2x16x128xf32, #tpu.memory_space<vmem>>[vector<16xi32>, vector<16xi32>, vector<16xi32>], vector<16xf32>,
        %broadcast_in_dim3A_460 = arith.constant 44 : i32
        %broadcast_in_dim3A_461 = vector.broadcast %broadcast_in_dim3A_460 : i32 to vector<16xi32>
        %gather3A_462 = tpu.vector_load_idx %arg11[%broadcast_in_dim3A_328, %broadcast_in_dim3A_461, %select_n3A_305] : memref<2x64x512xf32, #tpu.memory_space<vmem>>[vector<16xi32>, vector<16xi32>, vector<16xi32>], vector<16xf32>,
        tpu.vector_store_idx %arg13[%broadcast_in_dim3A_327, %iota3A, %broadcast_in_dim3A_461], %gather3A_462 : memref<2x16x128xf32, #tpu.memory_space<vmem>>[vector<16xi32>, vector<16xi32>, vector<16xi32>], vector<16xf32>,
        %broadcast_in_dim3A_463 = arith.constant 45 : i32
        %broadcast_in_dim3A_464 = vector.broadcast %broadcast_in_dim3A_463 : i32 to vector<16xi32>
        %gather3A_465 = tpu.vector_load_idx %arg11[%broadcast_in_dim3A_328, %broadcast_in_dim3A_464, %select_n3A_305] : memref<2x64x512xf32, #tpu.memory_space<vmem>>[vector<16xi32>, vector<16xi32>, vector<16xi32>], vector<16xf32>,
        tpu.vector_store_idx %arg13[%broadcast_in_dim3A_327, %iota3A, %broadcast_in_dim3A_464], %gather3A_465 : memref<2x16x128xf32, #tpu.memory_space<vmem>>[vector<16xi32>, vector<16xi32>, vector<16xi32>], vector<16xf32>,
        %broadcast_in_dim3A_466 = arith.constant 46 : i32
        %broadcast_in_dim3A_467 = vector.broadcast %broadcast_in_dim3A_466 : i32 to vector<16xi32>
        %gather3A_468 = tpu.vector_load_idx %arg11[%broadcast_in_dim3A_328, %broadcast_in_dim3A_467, %select_n3A_305] : memref<2x64x512xf32, #tpu.memory_space<vmem>>[vector<16xi32>, vector<16xi32>, vector<16xi32>], vector<16xf32>,
        tpu.vector_store_idx %arg13[%broadcast_in_dim3A_327, %iota3A, %broadcast_in_dim3A_467], %gather3A_468 : memref<2x16x128xf32, #tpu.memory_space<vmem>>[vector<16xi32>, vector<16xi32>, vector<16xi32>], vector<16xf32>,
        %broadcast_in_dim3A_469 = arith.constant 47 : i32
        %broadcast_in_dim3A_470 = vector.broadcast %broadcast_in_dim3A_469 : i32 to vector<16xi32>
        %gather3A_471 = tpu.vector_load_idx %arg11[%broadcast_in_dim3A_328, %broadcast_in_dim3A_470, %select_n3A_305] : memref<2x64x512xf32, #tpu.memory_space<vmem>>[vector<16xi32>, vector<16xi32>, vector<16xi32>], vector<16xf32>,
        tpu.vector_store_idx %arg13[%broadcast_in_dim3A_327, %iota3A, %broadcast_in_dim3A_470], %gather3A_471 : memref<2x16x128xf32, #tpu.memory_space<vmem>>[vector<16xi32>, vector<16xi32>, vector<16xi32>], vector<16xf32>,
        %broadcast_in_dim3A_472 = arith.constant 48 : i32
        %broadcast_in_dim3A_473 = vector.broadcast %broadcast_in_dim3A_472 : i32 to vector<16xi32>
        %gather3A_474 = tpu.vector_load_idx %arg11[%broadcast_in_dim3A_328, %broadcast_in_dim3A_473, %select_n3A_305] : memref<2x64x512xf32, #tpu.memory_space<vmem>>[vector<16xi32>, vector<16xi32>, vector<16xi32>], vector<16xf32>,
        tpu.vector_store_idx %arg13[%broadcast_in_dim3A_327, %iota3A, %broadcast_in_dim3A_473], %gather3A_474 : memref<2x16x128xf32, #tpu.memory_space<vmem>>[vector<16xi32>, vector<16xi32>, vector<16xi32>], vector<16xf32>,
        %broadcast_in_dim3A_475 = arith.constant 49 : i32
        %broadcast_in_dim3A_476 = vector.broadcast %broadcast_in_dim3A_475 : i32 to vector<16xi32>
        %gather3A_477 = tpu.vector_load_idx %arg11[%broadcast_in_dim3A_328, %broadcast_in_dim3A_476, %select_n3A_305] : memref<2x64x512xf32, #tpu.memory_space<vmem>>[vector<16xi32>, vector<16xi32>, vector<16xi32>], vector<16xf32>,
        tpu.vector_store_idx %arg13[%broadcast_in_dim3A_327, %iota3A, %broadcast_in_dim3A_476], %gather3A_477 : memref<2x16x128xf32, #tpu.memory_space<vmem>>[vector<16xi32>, vector<16xi32>, vector<16xi32>], vector<16xf32>,
        %broadcast_in_dim3A_478 = arith.constant 50 : i32
        %broadcast_in_dim3A_479 = vector.broadcast %broadcast_in_dim3A_478 : i32 to vector<16xi32>
        %gather3A_480 = tpu.vector_load_idx %arg11[%broadcast_in_dim3A_328, %broadcast_in_dim3A_479, %select_n3A_305] : memref<2x64x512xf32, #tpu.memory_space<vmem>>[vector<16xi32>, vector<16xi32>, vector<16xi32>], vector<16xf32>,
        tpu.vector_store_idx %arg13[%broadcast_in_dim3A_327, %iota3A, %broadcast_in_dim3A_479], %gather3A_480 : memref<2x16x128xf32, #tpu.memory_space<vmem>>[vector<16xi32>, vector<16xi32>, vector<16xi32>], vector<16xf32>,
        %broadcast_in_dim3A_481 = arith.constant 51 : i32
        %broadcast_in_dim3A_482 = vector.broadcast %broadcast_in_dim3A_481 : i32 to vector<16xi32>
        %gather3A_483 = tpu.vector_load_idx %arg11[%broadcast_in_dim3A_328, %broadcast_in_dim3A_482, %select_n3A_305] : memref<2x64x512xf32, #tpu.memory_space<vmem>>[vector<16xi32>, vector<16xi32>, vector<16xi32>], vector<16xf32>,
        tpu.vector_store_idx %arg13[%broadcast_in_dim3A_327, %iota3A, %broadcast_in_dim3A_482], %gather3A_483 : memref<2x16x128xf32, #tpu.memory_space<vmem>>[vector<16xi32>, vector<16xi32>, vector<16xi32>], vector<16xf32>,
        %broadcast_in_dim3A_484 = arith.constant 52 : i32
        %broadcast_in_dim3A_485 = vector.broadcast %broadcast_in_dim3A_484 : i32 to vector<16xi32>
        %gather3A_486 = tpu.vector_load_idx %arg11[%broadcast_in_dim3A_328, %broadcast_in_dim3A_485, %select_n3A_305] : memref<2x64x512xf32, #tpu.memory_space<vmem>>[vector<16xi32>, vector<16xi32>, vector<16xi32>], vector<16xf32>,
        tpu.vector_store_idx %arg13[%broadcast_in_dim3A_327, %iota3A, %broadcast_in_dim3A_485], %gather3A_486 : memref<2x16x128xf32, #tpu.memory_space<vmem>>[vector<16xi32>, vector<16xi32>, vector<16xi32>], vector<16xf32>,
        %broadcast_in_dim3A_487 = arith.constant 53 : i32
        %broadcast_in_dim3A_488 = vector.broadcast %broadcast_in_dim3A_487 : i32 to vector<16xi32>
        %gather3A_489 = tpu.vector_load_idx %arg11[%broadcast_in_dim3A_328, %broadcast_in_dim3A_488, %select_n3A_305] : memref<2x64x512xf32, #tpu.memory_space<vmem>>[vector<16xi32>, vector<16xi32>, vector<16xi32>], vector<16xf32>,
        tpu.vector_store_idx %arg13[%broadcast_in_dim3A_327, %iota3A, %broadcast_in_dim3A_488], %gather3A_489 : memref<2x16x128xf32, #tpu.memory_space<vmem>>[vector<16xi32>, vector<16xi32>, vector<16xi32>], vector<16xf32>,
        %broadcast_in_dim3A_490 = arith.constant 54 : i32
        %broadcast_in_dim3A_491 = vector.broadcast %broadcast_in_dim3A_490 : i32 to vector<16xi32>
        %gather3A_492 = tpu.vector_load_idx %arg11[%broadcast_in_dim3A_328, %broadcast_in_dim3A_491, %select_n3A_305] : memref<2x64x512xf32, #tpu.memory_space<vmem>>[vector<16xi32>, vector<16xi32>, vector<16xi32>], vector<16xf32>,
        tpu.vector_store_idx %arg13[%broadcast_in_dim3A_327, %iota3A, %broadcast_in_dim3A_491], %gather3A_492 : memref<2x16x128xf32, #tpu.memory_space<vmem>>[vector<16xi32>, vector<16xi32>, vector<16xi32>], vector<16xf32>,
        %broadcast_in_dim3A_493 = arith.constant 55 : i32
        %broadcast_in_dim3A_494 = vector.broadcast %broadcast_in_dim3A_493 : i32 to vector<16xi32>
        %gather3A_495 = tpu.vector_load_idx %arg11[%broadcast_in_dim3A_328, %broadcast_in_dim3A_494, %select_n3A_305] : memref<2x64x512xf32, #tpu.memory_space<vmem>>[vector<16xi32>, vector<16xi32>, vector<16xi32>], vector<16xf32>,
        tpu.vector_store_idx %arg13[%broadcast_in_dim3A_327, %iota3A, %broadcast_in_dim3A_494], %gather3A_495 : memref<2x16x128xf32, #tpu.memory_space<vmem>>[vector<16xi32>, vector<16xi32>, vector<16xi32>], vector<16xf32>,
        %broadcast_in_dim3A_496 = arith.constant 56 : i32
        %broadcast_in_dim3A_497 = vector.broadcast %broadcast_in_dim3A_496 : i32 to vector<16xi32>
        %gather3A_498 = tpu.vector_load_idx %arg11[%broadcast_in_dim3A_328, %broadcast_in_dim3A_497, %select_n3A_305] : memref<2x64x512xf32, #tpu.memory_space<vmem>>[vector<16xi32>, vector<16xi32>, vector<16xi32>], vector<16xf32>,
        tpu.vector_store_idx %arg13[%broadcast_in_dim3A_327, %iota3A, %broadcast_in_dim3A_497], %gather3A_498 : memref<2x16x128xf32, #tpu.memory_space<vmem>>[vector<16xi32>, vector<16xi32>, vector<16xi32>], vector<16xf32>,
        %broadcast_in_dim3A_499 = arith.constant 57 : i32
        %broadcast_in_dim3A_500 = vector.broadcast %broadcast_in_dim3A_499 : i32 to vector<16xi32>
        %gather3A_501 = tpu.vector_load_idx %arg11[%broadcast_in_dim3A_328, %broadcast_in_dim3A_500, %select_n3A_305] : memref<2x64x512xf32, #tpu.memory_space<vmem>>[vector<16xi32>, vector<16xi32>, vector<16xi32>], vector<16xf32>,
        tpu.vector_store_idx %arg13[%broadcast_in_dim3A_327, %iota3A, %broadcast_in_dim3A_500], %gather3A_501 : memref<2x16x128xf32, #tpu.memory_space<vmem>>[vector<16xi32>, vector<16xi32>, vector<16xi32>], vector<16xf32>,
        %broadcast_in_dim3A_502 = arith.constant 58 : i32
        %broadcast_in_dim3A_503 = vector.broadcast %broadcast_in_dim3A_502 : i32 to vector<16xi32>
        %gather3A_504 = tpu.vector_load_idx %arg11[%broadcast_in_dim3A_328, %broadcast_in_dim3A_503, %select_n3A_305] : memref<2x64x512xf32, #tpu.memory_space<vmem>>[vector<16xi32>, vector<16xi32>, vector<16xi32>], vector<16xf32>,
        tpu.vector_store_idx %arg13[%broadcast_in_dim3A_327, %iota3A, %broadcast_in_dim3A_503], %gather3A_504 : memref<2x16x128xf32, #tpu.memory_space<vmem>>[vector<16xi32>, vector<16xi32>, vector<16xi32>], vector<16xf32>,
        %broadcast_in_dim3A_505 = arith.constant 59 : i32
        %broadcast_in_dim3A_506 = vector.broadcast %broadcast_in_dim3A_505 : i32 to vector<16xi32>
        %gather3A_507 = tpu.vector_load_idx %arg11[%broadcast_in_dim3A_328, %broadcast_in_dim3A_506, %select_n3A_305] : memref<2x64x512xf32, #tpu.memory_space<vmem>>[vector<16xi32>, vector<16xi32>, vector<16xi32>], vector<16xf32>,
        tpu.vector_store_idx %arg13[%broadcast_in_dim3A_327, %iota3A, %broadcast_in_dim3A_506], %gather3A_507 : memref<2x16x128xf32, #tpu.memory_space<vmem>>[vector<16xi32>, vector<16xi32>, vector<16xi32>], vector<16xf32>,
        %broadcast_in_dim3A_508 = arith.constant 60 : i32
        %broadcast_in_dim3A_509 = vector.broadcast %broadcast_in_dim3A_508 : i32 to vector<16xi32>
        %gather3A_510 = tpu.vector_load_idx %arg11[%broadcast_in_dim3A_328, %broadcast_in_dim3A_509, %select_n3A_305] : memref<2x64x512xf32, #tpu.memory_space<vmem>>[vector<16xi32>, vector<16xi32>, vector<16xi32>], vector<16xf32>,
        tpu.vector_store_idx %arg13[%broadcast_in_dim3A_327, %iota3A, %broadcast_in_dim3A_509], %gather3A_510 : memref<2x16x128xf32, #tpu.memory_space<vmem>>[vector<16xi32>, vector<16xi32>, vector<16xi32>], vector<16xf32>,
        %broadcast_in_dim3A_511 = arith.constant 61 : i32
        %broadcast_in_dim3A_512 = vector.broadcast %broadcast_in_dim3A_511 : i32 to vector<16xi32>
        %gather3A_513 = tpu.vector_load_idx %arg11[%broadcast_in_dim3A_328, %broadcast_in_dim3A_512, %select_n3A_305] : memref<2x64x512xf32, #tpu.memory_space<vmem>>[vector<16xi32>, vector<16xi32>, vector<16xi32>], vector<16xf32>,
        tpu.vector_store_idx %arg13[%broadcast_in_dim3A_327, %iota3A, %broadcast_in_dim3A_512], %gather3A_513 : memref<2x16x128xf32, #tpu.memory_space<vmem>>[vector<16xi32>, vector<16xi32>, vector<16xi32>], vector<16xf32>,
        %broadcast_in_dim3A_514 = arith.constant 62 : i32
        %broadcast_in_dim3A_515 = vector.broadcast %broadcast_in_dim3A_514 : i32 to vector<16xi32>
        %gather3A_516 = tpu.vector_load_idx %arg11[%broadcast_in_dim3A_328, %broadcast_in_dim3A_515, %select_n3A_305] : memref<2x64x512xf32, #tpu.memory_space<vmem>>[vector<16xi32>, vector<16xi32>, vector<16xi32>], vector<16xf32>,
        tpu.vector_store_idx %arg13[%broadcast_in_dim3A_327, %iota3A, %broadcast_in_dim3A_515], %gather3A_516 : memref<2x16x128xf32, #tpu.memory_space<vmem>>[vector<16xi32>, vector<16xi32>, vector<16xi32>], vector<16xf32>,
        %broadcast_in_dim3A_517 = arith.constant 63 : i32
        %broadcast_in_dim3A_518 = vector.broadcast %broadcast_in_dim3A_517 : i32 to vector<16xi32>
        %gather3A_519 = tpu.vector_load_idx %arg11[%broadcast_in_dim3A_328, %broadcast_in_dim3A_518, %select_n3A_305] : memref<2x64x512xf32, #tpu.memory_space<vmem>>[vector<16xi32>, vector<16xi32>, vector<16xi32>], vector<16xf32>,
        tpu.vector_store_idx %arg13[%broadcast_in_dim3A_327, %iota3A, %broadcast_in_dim3A_518], %gather3A_519 : memref<2x16x128xf32, #tpu.memory_space<vmem>>[vector<16xi32>, vector<16xi32>, vector<16xi32>], vector<16xf32>,
        %dma_start3A_520 = arith.constant 0 : i32
        %dma_start3A_521 = arith.constant 0 : i32
        %dma_start3A_522 = tpu.memref_slice %arg13[%and3A_285, %dma_start3A_520, %dma_start3A_521] : memref<2x16x128xf32, #tpu.memory_space<vmem>> -> memref<1x16x128xf32, #tpu.memory_space<vmem>>
        %dma_start3A_523 = tpu.memref_squeeze %dma_start3A_522 : memref<1x16x128xf32, #tpu.memory_space<vmem>> -> memref<16x128xf32, #tpu.memory_space<vmem>>
        %dma_start3A_524 = arith.constant 0 : i32
        %dma_start3A_525 = tpu.memref_slice %arg12[%and3A_285, %dma_start3A_524] : memref<2x16xi32, #tpu.memory_space<vmem>> -> memref<1x16xi32, #tpu.memory_space<vmem>>
        %dma_start3A_526 = tpu.memref_squeeze %dma_start3A_525 : memref<1x16xi32, #tpu.memory_space<vmem>> -> memref<16xi32, #tpu.memory_space<vmem>>
        %dma_start3A_527 = arith.constant 0 : i32
        %dma_start3A_528 = arith.constant 0 : i32
        %dma_start3A_529 = tpu.memref_slice %arg5[%dma_start3A_527, %dma_start3A_528] : memref<18432x128xf32, #tpu.memory_space<hbm>> -> memref<18432x128xf32, #tpu.memory_space<hbm>>
        %dma_start3A_530 = tpu.memref_slice %arg15[%and3A_285] : memref<2x!tpu.dma_semaphore, #tpu.memory_space<semaphore_mem>> -> memref<1x!tpu.dma_semaphore, #tpu.memory_space<semaphore_mem>>
        %dma_start3A_531 = tpu.memref_squeeze %dma_start3A_530 : memref<1x!tpu.dma_semaphore, #tpu.memory_space<semaphore_mem>> -> memref<!tpu.dma_semaphore, #tpu.memory_space<semaphore_mem>>
        tpu.enqueue_indirect_dma source(%dma_start3A_523 : memref<16x128xf32, #tpu.memory_space<vmem>>) target(%dma_start3A_529 : memref<18432x128xf32, #tpu.memory_space<hbm>>) offsets(%dma_start3A_526 : memref<16xi32, #tpu.memory_space<vmem>>) semaphore(%dma_start3A_531 : memref<!tpu.dma_semaphore, #tpu.memory_space<semaphore_mem>>)
        %add3A_532 = arith.constant 1 : i32
        %add3A_533 = arith.addi %while3A_283, %add3A_532 : i32
        scf.yield %add3A_533 : i32
      }
      %add3A_277 = arith.constant 15 : i32
      %add3A_278 = arith.addi %add3A_257, %add3A_277 : i32
      %and3A_279 = arith.constant -16 : i32
      %and3A_280 = arith.andi %add3A_278, %and3A_279 : i32
      %add3A_281 = arith.addi %while3A_200#0, %and3A_280 : i32
      scf.yield %add3A_281, %while3A_276 : i32, i32
    } else {
      scf.yield %while3A_200#0, %while3A_200#1 : i32, i32
    }
    %ge3A = arith.constant 2 : i32
    %ge3A_204 = arith.cmpi sge, %cond3A_203#1, %ge3A : i32
    %convert_element_type3A_205 = arith.extui %ge3A_204 : i1 to i32
    %cond3A_206 = arith.constant 0 : i32
    %cond3A_207 = arith.cmpi ne, %convert_element_type3A_205, %cond3A_206 : i32
    scf.if %cond3A_207 {
      %and3A_213 = arith.constant 1 : i32
      %and3A_214 = arith.andi %cond3A_203#1, %and3A_213 : i32
      %dma_wait3A = arith.constant 0 : i32
      %dma_wait3A_215 = arith.constant 0 : i32
      %dma_wait3A_216 = tpu.memref_slice %arg13[%and3A_214, %dma_wait3A, %dma_wait3A_215] : memref<2x16x128xf32, #tpu.memory_space<vmem>> -> memref<1x16x128xf32, #tpu.memory_space<vmem>>
      %dma_wait3A_217 = tpu.memref_squeeze %dma_wait3A_216 : memref<1x16x128xf32, #tpu.memory_space<vmem>> -> memref<16x128xf32, #tpu.memory_space<vmem>>
      %dma_wait3A_218 = arith.constant 0 : i32
      %dma_wait3A_219 = tpu.memref_slice %arg12[%and3A_214, %dma_wait3A_218] : memref<2x16xi32, #tpu.memory_space<vmem>> -> memref<1x16xi32, #tpu.memory_space<vmem>>
      %dma_wait3A_220 = tpu.memref_squeeze %dma_wait3A_219 : memref<1x16xi32, #tpu.memory_space<vmem>> -> memref<16xi32, #tpu.memory_space<vmem>>
      %dma_wait3A_221 = arith.constant 0 : i32
      %dma_wait3A_222 = arith.constant 0 : i32
      %dma_wait3A_223 = tpu.memref_slice %arg5[%dma_wait3A_221, %dma_wait3A_222] : memref<18432x128xf32, #tpu.memory_space<hbm>> -> memref<18432x128xf32, #tpu.memory_space<hbm>>
      %dma_wait3A_224 = tpu.memref_slice %arg15[%and3A_214] : memref<2x!tpu.dma_semaphore, #tpu.memory_space<semaphore_mem>> -> memref<1x!tpu.dma_semaphore, #tpu.memory_space<semaphore_mem>>
      %dma_wait3A_225 = tpu.memref_squeeze %dma_wait3A_224 : memref<1x!tpu.dma_semaphore, #tpu.memory_space<semaphore_mem>> -> memref<!tpu.dma_semaphore, #tpu.memory_space<semaphore_mem>>
      tpu.wait_indirect_dma semaphore(%dma_wait3A_225 : memref<!tpu.dma_semaphore, #tpu.memory_space<semaphore_mem>>) src(%dma_wait3A_217 : memref<16x128xf32, #tpu.memory_space<vmem>>) dst(%dma_wait3A_223 : memref<18432x128xf32, #tpu.memory_space<hbm>>)
    } else {
    }
    %ge3A_208 = arith.constant 1 : i32
    %ge3A_209 = arith.cmpi sge, %cond3A_203#1, %ge3A_208 : i32
    %convert_element_type3A_210 = arith.extui %ge3A_209 : i1 to i32
    %cond3A_211 = arith.constant 0 : i32
    %cond3A_212 = arith.cmpi ne, %convert_element_type3A_210, %cond3A_211 : i32
    scf.if %cond3A_212 {
      %sub3A_213 = arith.constant 1 : i32
      %sub3A_214 = arith.subi %cond3A_203#1, %sub3A_213 : i32
      %and3A_215 = arith.constant 1 : i32
      %and3A_216 = arith.andi %sub3A_214, %and3A_215 : i32
      %dma_wait3A = arith.constant 0 : i32
      %dma_wait3A_217 = arith.constant 0 : i32
      %dma_wait3A_218 = tpu.memref_slice %arg13[%and3A_216, %dma_wait3A, %dma_wait3A_217] : memref<2x16x128xf32, #tpu.memory_space<vmem>> -> memref<1x16x128xf32, #tpu.memory_space<vmem>>
      %dma_wait3A_219 = tpu.memref_squeeze %dma_wait3A_218 : memref<1x16x128xf32, #tpu.memory_space<vmem>> -> memref<16x128xf32, #tpu.memory_space<vmem>>
      %dma_wait3A_220 = arith.constant 0 : i32
      %dma_wait3A_221 = tpu.memref_slice %arg12[%and3A_216, %dma_wait3A_220] : memref<2x16xi32, #tpu.memory_space<vmem>> -> memref<1x16xi32, #tpu.memory_space<vmem>>
      %dma_wait3A_222 = tpu.memref_squeeze %dma_wait3A_221 : memref<1x16xi32, #tpu.memory_space<vmem>> -> memref<16xi32, #tpu.memory_space<vmem>>
      %dma_wait3A_223 = arith.constant 0 : i32
      %dma_wait3A_224 = arith.constant 0 : i32
      %dma_wait3A_225 = tpu.memref_slice %arg5[%dma_wait3A_223, %dma_wait3A_224] : memref<18432x128xf32, #tpu.memory_space<hbm>> -> memref<18432x128xf32, #tpu.memory_space<hbm>>
      %dma_wait3A_226 = tpu.memref_slice %arg15[%and3A_216] : memref<2x!tpu.dma_semaphore, #tpu.memory_space<semaphore_mem>> -> memref<1x!tpu.dma_semaphore, #tpu.memory_space<semaphore_mem>>
      %dma_wait3A_227 = tpu.memref_squeeze %dma_wait3A_226 : memref<1x!tpu.dma_semaphore, #tpu.memory_space<semaphore_mem>> -> memref<!tpu.dma_semaphore, #tpu.memory_space<semaphore_mem>>
      tpu.wait_indirect_dma semaphore(%dma_wait3A_227 : memref<!tpu.dma_semaphore, #tpu.memory_space<semaphore_mem>>) src(%dma_wait3A_219 : memref<16x128xf32, #tpu.memory_space<vmem>>) dst(%dma_wait3A_225 : memref<18432x128xf32, #tpu.memory_space<hbm>>)
    } else {
    }
    return
  }
}

module attributes {stable_mosaic.version = 14 : i64} {
  func.func @_mlp_body(%arg0: i32, %arg1: memref<2048x128xf32, #tpu.memory_space<vmem>>, %arg2: memref<64x256xf32, #tpu.memory_space<vmem>>, %arg3: memref<1x256xf32, #tpu.memory_space<vmem>>, %arg4: memref<256x64xf32, #tpu.memory_space<vmem>>, %arg5: memref<1x64xf32, #tpu.memory_space<vmem>>, %arg6: memref<2048x64xf32, #tpu.memory_space<vmem>>) attributes {dimension_semantics = [#tpu.dimension_semantics<arbitrary>], iteration_bounds = array<i64: 8>, scalar_prefetch = 0 : i64, scratch_operands = 0 : i64, tpu.core_type = #tpu.core_type<tc>, window_params = [{transform_indices = @transform_0, window_bounds = array<i64: 2048, 128>}, {pipeline_mode = #tpu.pipeline_mode<synchronous>, transform_indices = @transform_1, window_bounds = array<i64: 64, 256>}, {pipeline_mode = #tpu.pipeline_mode<synchronous>, transform_indices = @transform_2, window_bounds = array<i64: 1, 256>}, {pipeline_mode = #tpu.pipeline_mode<synchronous>, transform_indices = @transform_3, window_bounds = array<i64: 256, 64>}, {pipeline_mode = #tpu.pipeline_mode<synchronous>, transform_indices = @transform_4, window_bounds = array<i64: 1, 64>}, {transform_indices = @transform_5, window_bounds = array<i64: 2048, 64>}]} {
    %get3A = arith.constant 0 : index
    %get3A_0 = arith.constant 0 : index
    %get3A_1 = vector.load %arg1[%get3A, %get3A_0] : memref<2048x128xf32, #tpu.memory_space<vmem>>, vector<2048x64xf32>
    %get3A_2 = arith.constant 0 : index
    %get3A_3 = arith.constant 0 : index
    %get3A_4 = vector.load %arg2[%get3A_2, %get3A_3] : memref<64x256xf32, #tpu.memory_space<vmem>>, vector<64x256xf32>
    %dot_general3A = arith.constant dense<0.000000e+00> : vector<2048x256xf32>
    %dot_general3A_5 = tpu.matmul %get3A_1, %get3A_4, %dot_general3A {dimension_numbers = #tpu.dot_dimension_numbers<[1], [0], [0], [1], [0, 0, 1, 1], [], []>, transpose_lhs_hint = false} : vector<2048x64xf32>, vector<64x256xf32>, vector<2048x256xf32> -> vector<2048x256xf32>
    %get3A_6 = arith.constant 0 : index
    %get3A_7 = arith.constant 0 : index
    %get3A_8 = vector.load %arg3[%get3A_6, %get3A_7] : memref<1x256xf32, #tpu.memory_space<vmem>>, vector<1x256xf32>
    %add3A = vector.broadcast %get3A_8 : vector<1x256xf32> to vector<2048x256xf32>
    %add3A_9 = arith.addf %dot_general3A_5, %add3A : vector<2048x256xf32>
    %max3A = arith.constant 0.000000e+00 : f32
    %max3A_10 = vector.broadcast %max3A : f32 to vector<2048x256xf32>
    %max3A_11 = arith.maximumf %add3A_9, %max3A_10 : vector<2048x256xf32>
    %get3A_12 = arith.constant 0 : index
    %get3A_13 = arith.constant 0 : index
    %get3A_14 = vector.load %arg4[%get3A_12, %get3A_13] : memref<256x64xf32, #tpu.memory_space<vmem>>, vector<256x64xf32>
    %dot_general3A_15 = arith.constant dense<0.000000e+00> : vector<2048x64xf32>
    %dot_general3A_16 = tpu.matmul %max3A_11, %get3A_14, %dot_general3A_15 {dimension_numbers = #tpu.dot_dimension_numbers<[1], [0], [0], [1], [0, 0, 1, 1], [], []>, transpose_lhs_hint = false} : vector<2048x256xf32>, vector<256x64xf32>, vector<2048x64xf32> -> vector<2048x64xf32>
    %get3A_17 = arith.constant 0 : index
    %get3A_18 = arith.constant 0 : index
    %get3A_19 = vector.load %arg5[%get3A_17, %get3A_18] : memref<1x64xf32, #tpu.memory_space<vmem>>, vector<1x64xf32>
    %add3A_20 = vector.broadcast %get3A_19 : vector<1x64xf32> to vector<2048x64xf32>
    %add3A_21 = arith.addf %dot_general3A_16, %add3A_20 : vector<2048x64xf32>
    %max3A_22 = arith.constant 0.000000e+00 : f32
    %max3A_23 = vector.broadcast %max3A_22 : f32 to vector<2048x64xf32>
    %max3A_24 = arith.maximumf %add3A_21, %max3A_23 : vector<2048x64xf32>
    %swap3A = arith.constant 0 : index
    %swap3A_25 = arith.constant 0 : index
    %swap3A_26 = vector.load %arg6[%swap3A, %swap3A_25] : memref<2048x64xf32, #tpu.memory_space<vmem>>, vector<2048x64xf32>
    tpu.vector_store %arg6[%swap3A, %swap3A_25], %max3A_24 {strides = array<i32>} : memref<2048x64xf32, #tpu.memory_space<vmem>>, vector<2048x64xf32>,
    return
  }
  func.func @transform_0(%arg0: i32) -> (i32, i32) {
    %c0_i32 = arith.constant 0 : i32
    %c0_i32_0 = arith.constant 0 : i32
    return %arg0, %c0_i32 : i32, i32
  }
  func.func @transform_1(%arg0: i32) -> (i32, i32) {
    %c0_i32 = arith.constant 0 : i32
    %c0_i32_0 = arith.constant 0 : i32
    %c0_i32_1 = arith.constant 0 : i32
    return %c0_i32, %c0_i32_0 : i32, i32
  }
  func.func @transform_2(%arg0: i32) -> (i32, i32) {
    %c0_i32 = arith.constant 0 : i32
    %c0_i32_0 = arith.constant 0 : i32
    %c0_i32_1 = arith.constant 0 : i32
    return %c0_i32, %c0_i32_0 : i32, i32
  }
  func.func @transform_3(%arg0: i32) -> (i32, i32) {
    %c0_i32 = arith.constant 0 : i32
    %c0_i32_0 = arith.constant 0 : i32
    %c0_i32_1 = arith.constant 0 : i32
    return %c0_i32, %c0_i32_0 : i32, i32
  }
  func.func @transform_4(%arg0: i32) -> (i32, i32) {
    %c0_i32 = arith.constant 0 : i32
    %c0_i32_0 = arith.constant 0 : i32
    %c0_i32_1 = arith.constant 0 : i32
    return %c0_i32, %c0_i32_0 : i32, i32
  }
  func.func @transform_5(%arg0: i32) -> (i32, i32) {
    %c0_i32 = arith.constant 0 : i32
    %c0_i32_0 = arith.constant 0 : i32
    return %arg0, %c0_i32 : i32, i32
  }
}

</mosaic_0001>

<sc_bundles>
// kernel: kernel.4.cloned.1.call-start
scs
__scs_entry_jumppad:
0x0: {  	(pc) =	sbr.rel $0x88, $3  }
0x1: {  	(tag) =	ssettag $0x0;
	lr =	simm.s32 $0x1  }
0x2: {  	[smem:$0x3F9B] =	sst lr;
	_ =	strace $0xD0000000  }
0x3: {  	_ = 	snop  }
0x4: {  	_ = 	snop  }
0x5: {  	_ = 	snop  }
0x6: {  	_ = 	snop  }
0x7: {  	_ = 	snop  }
__scs_overlays_trampoline_lowered:
0x8: {  	[smem:$0x3FAA] =	sst s0  }
0x9: {  	[smem:$0x3FAB] =	sst s1  }
0xa: {  	[smem:$0x3FAC] =	sst s2  }
0xb: {  	[smem:$0x3FAD] =	sst s3  }
0xc: {  	[smem:$0x3FAE] =	sst s4  }
0xd: {  	[smem:$0x3FAF] =	sst s5  }
0xe: {  	[smem:$0x3FB0] =	sst s6  }
0xf: {  	[smem:$0x3FB1] =	sst s7  }
0x10: {  	[smem:$0x3FB2] =	sst s8  }
0x11: {  	[smem:$0x3FB3] =	sst s9;
	s0 =	simm.s32 @!p0 $0x0  }
0x12: {  	s1 =	sld [smem:$0x3F99];
	s0 =	simm.s32 @p0 $0x1  }
0x13: {  	[smem:$0x3FB4] =	sst s0;
	s0 =	simm.s32 @!p1 $0x0  }
0x14: {  	s2 =	sld [smem:$0x3F98];
	s0 =	simm.s32 @p1 $0x1  }
0x15: {  	[smem:$0x3FB5] =	sst s0;
	s0 =	simm.s32 @!p2 $0x0  }
0x16: {  	s3 =	sld [smem:$0x3FDB];
	s0 =	simm.s32 @p2 $0x1  }
0x17: {  	s4 =	simm.s32 $0x1BF5;
	[smem:$0x3FB7] =	sst s0  }
0x18: {  	s0 =	sld [smem:$0x3F9A];
	_ =	swait.ge [sflag:s4], $0x0  }
0x19: {  	s7 =	sld [smem:$0x3F9B]  }
0x1a: {  	s8 =	sadd.s32 $0xFFFFE003, lr  }
0x1b: {  	s9 =	sadd.s32 $0xFFFFFEF7, lr;
	s5 =	simm.s32 $0xFFFFFFFF;
	p2 =	slt.u32 s8, $0xFFFFF086  }
0x1c: {  	p1 =	slt.u32 s9, $0xF7A;
	s5 =	simm.s32 @!p2 $0x0  }
0x1d: {  	s5 =	simm.s32 @p1 $0x1;
	p0 =	seq.s32 s7, s2  }
0x1e: {  	s7 =	smul.u32 @!p0 $0xF7A, s2;
	p2 =	seq.s32 @!p0 s5, $0x0  }
0x1f: {  	s9 =	smul.u32 $0xF7A, s1;
	s8 =	simm.s32 @!p0 $0x1BF5;
	p2 =	por !p2, p0  }
0x20: {  	[sflag:s8] =	ssyncset.s32 @!p0 $0xFFFFF086;
	s6 =	sadd.s32 @!p0 s3, s7;
	s7 =	simm.s32 @!p0 $0x108  }
0x21: {  	s3 =	sadd.s32 s3, s9;
	s6 =	sadd.s32 @!p0 $0x88, s6;
	s7 =	simm.s32 @p2 $0x1082  }
0x22: {  	[simem:s7], [sflag:s8] =	dma.local @!p0 [hbm:s6], $0xF7A  }
0x23: {  	s9 =	sor.u32 $0xD0000000, s2;
	s6 =	simm.s32 $0x108;
	_ =	swait.ge @!p0 [sflag:s8], $0x0  }
0x24: {  	s3 =	sadd.s32 $0x88, s3;
	s6 =	simm.s32 @!p1 $0x1082;
	[sflag:s4] =	ssyncset.s32 $0xFFFFF086  }
0x25: {  	[simem:s6], [sflag:s4] =	dma.local [hbm:s3], $0xF7A  }
0x26: {  	[smem:$0x3F9B] =	sst s1;
	(tag) =	ssettag s2;
	_ =	strace s9  }
0x27: {  	s1 =	sld [smem:$0x3FAB]  }
0x28: {  	s2 =	sld [smem:$0x3FAC]  }
0x29: {  	s4 =	sld [smem:$0x3FAE]  }
0x2a: {  	p0 =	seq.s32 s5, $0x0;
	s5 =	sld [smem:$0x3FAF]  }
0x2b: {  	s6 =	sld [smem:$0x3FB0]  }
0x2c: {  	s7 =	sld [smem:$0x3FB1]  }
0x2d: {  	s3 =	simm.s32 $0x108;
	s8 =	sld [smem:$0x3FB2]  }
0x2e: {  	s3 =	simm.s32 @!p0 $0x1082;
	s9 =	sld [smem:$0x3FB3]  }
0x2f: {  	lr =	sadd.s32 s0, s3;
	s0 =	sld [smem:$0x3FAA]  }
0x30: {  	s3 =	sld [smem:$0x3FAD]  }
0x31: {  	[smem:$0x3FB6] =	sst s10  }
0x32: {  	s10 =	sld [smem:$0x3FB4];
	_ =	sdelay $0x3  }
0x33: {  	p0 =	seq.s32 s10, $0x1;
	s10 =	sld [smem:$0x3FB6];
	_ =	sdelay $0x3  }
0x34: {  	[smem:$0x3FB6] =	sst s10  }
0x35: {  	s10 =	sld [smem:$0x3FB5];
	_ =	sdelay $0x3  }
0x36: {  	p1 =	seq.s32 s10, $0x1;
	s10 =	sld [smem:$0x3FB6];
	_ =	sdelay $0x3  }
0x37: {  	[smem:$0x3FB6] =	sst s10  }
0x38: {  	s10 =	sld [smem:$0x3FB7]  }
0x39: {  	_ = 	snop;
	(pc) =	sbr.ind lr, $3  }
0x3a: {  	_ = 	snop  }
0x3b: {  	_ = 	snop  }
0x3c: {  	p2 =	seq.s32 s10, $0x1;
	s10 =	sld [smem:$0x3FB6]  }
0x3d: {  	_ =	shalt  }
0x3e: {  	_ =	shalt  }
0x3f: {  	_ =	shalt  }
0x40: {  	_ =	shalt  }
0x41: {  	_ =	shalt  }
0x42: {  	_ =	shalt  }
0x43: {  	_ =	shalt  }
0x44: {  	_ =	shalt  }
0x45: {  	_ =	shalt  }
0x46: {  	_ =	shalt  }
0x47: {  	_ =	shalt  }
0x48: {  	_ =	shalt  }
0x49: {  	_ =	shalt  }
0x4a: {  	_ =	shalt  }
0x4b: {  	_ =	shalt  }
0x4c: {  	_ =	shalt  }
0x4d: {  	_ =	shalt  }
0x4e: {  	_ =	shalt  }
0x4f: {  	_ =	shalt  }
0x50: {  	_ =	shalt  }
0x51: {  	_ =	shalt  }
0x52: {  	_ =	shalt  }
0x53: {  	_ =	shalt  }
0x54: {  	_ =	shalt  }
0x55: {  	_ =	shalt  }
0x56: {  	_ =	shalt  }
0x57: {  	_ =	shalt  }
0x58: {  	_ =	shalt  }
0x59: {  	_ =	shalt  }
0x5a: {  	_ =	shalt  }
0x5b: {  	_ =	shalt  }
0x5c: {  	_ =	shalt  }
0x5d: {  	_ =	shalt  }
0x5e: {  	_ =	shalt  }
0x5f: {  	_ =	shalt  }
0x60: {  	_ =	shalt  }
0x61: {  	_ =	shalt  }
0x62: {  	_ =	shalt  }
0x63: {  	_ =	shalt  }
0x64: {  	_ =	shalt  }
0x65: {  	_ =	shalt  }
0x66: {  	_ =	shalt  }
0x67: {  	_ =	shalt  }
0x68: {  	_ =	shalt  }
0x69: {  	_ =	shalt  }
0x6a: {  	_ =	shalt  }
0x6b: {  	_ =	shalt  }
0x6c: {  	_ =	shalt  }
0x6d: {  	_ =	shalt  }
0x6e: {  	_ =	shalt  }
0x6f: {  	_ =	shalt  }
0x70: {  	_ =	shalt  }
0x71: {  	_ =	shalt  }
0x72: {  	_ =	shalt  }
0x73: {  	_ =	shalt  }
0x74: {  	_ =	shalt  }
0x75: {  	_ =	shalt  }
0x76: {  	_ =	shalt  }
0x77: {  	_ =	shalt  }
0x78: {  	_ =	shalt  }
0x79: {  	_ =	shalt  }
0x7a: {  	_ =	shalt  }
0x7b: {  	_ =	shalt  }
0x7c: {  	_ =	shalt  }
0x7d: {  	_ =	shalt  }
0x7e: {  	_ =	shalt  }
0x7f: {  	_ =	shalt  }
0x80: {  	_ =	shalt  }
0x81: {  	_ =	shalt  }
0x82: {  	_ =	shalt  }
0x83: {  	_ =	shalt  }
0x84: {  	_ =	shalt  }
0x85: {  	_ =	shalt  }
0x86: {  	_ =	shalt  }
0x87: {  	_ =	shalt  }
.Lfunc_end0:
.L_simem_size_0:
called_computation_lowered:
.L_overlay_start_0:
0x88: {  	s2 =	sld [smem:$0x3FD9]  }
0x89: {  	s3 =	sld [smem:$0x3FFE];
	_ =	sdelay $0x1  }
0x8a: {  	s1 =	srdreg.scid  }
0x8b: {  	s0 =	sand.u32 $0x1, s1  }
0x8c: {  	s17 =	sshll.u32 s0, $0xA;
	s2 =	sadd.s32 s3, s2  }
0x8d: {  	s2 =	sadd.s32 s2, s17  }
0x8e: {  	[smem:$0x3FC2] =	sst s2  }
0x8f: {  	_ = 	snop  }
0x90: {  	s2 =	sld [smem:$0x3FC9]  }
0x91: {  	s18 =	sld [smem:$0x3FC8]  }
0x92: {  	s4 =	sld [smem:$0x3FD0];
	(tm) =	ssettm $0x1  }
0x93: {  	s5 =	sld [smem:$0x3FFB];
	_ =	sdelay $0x3  }
0x94: {  	_ =	strace s5  }
0x95: {  	s5 =	sld [smem:$0x3FFC];
	_ =	sdelay $0x3  }
0x96: {  	_ =	strace s5  }
0x97: {  	s5 =	sld [smem:$0x3FFD];
	_ =	sdelay $0x3  }
0x98: {  	_ =	strace s5  }
0x99: {  	_ =	strace $0x8FFFFFFF  }
0x9a: {  	s19 =	sld [smem:$0x3FDB];
	_ =	sdelay $0x1  }
0x9b: {  	s6 =	simm.s32 $_scs_section_size  }
0x9c: {  	s7 =	simm.s32 $_size__tile_overlayer_lowered;
	s8 =	simm.s32 $_tile_overlayer_lowered  }
0x9d: {  	s22 =	simm.s32 $0x1BFF;
	s21 =	sshll.u32 s8, $0x1;
	s5 =	sadd.s32 s6, s19  }
0x9e: {  	s9 =	simm.s32 $0x0;
	s20 =	sshll.u32 s7, $0x1;
	s7 =	sadd.s32 s21, s5  }
0x9f: {  	[timem:s9], [sflag:s22] =	dma.local [hbm:s7], s20  }
0xa0: {  	_ =	swait.ge [sflag:s22], s20  }
0xa1: {  	s6 =	ssub.s32 $0x0, s20;
	[sflag:s22] =	ssyncset.done $0x0  }
0xa2: {  	[sflag:s22] =	ssyncadd.s32 s6;
	_ =	sdelay $0x1  }
0xa3: {  	s23 =	simm.s32 $0x1B8B  }
0xa4: {  	_ =	swait.ge [sflag:s23], $0x1  }
0xa5: {  	[sflag:s23] =	ssyncset.done $0x0  }
0xa6: {  	s25 =	simm.s32 $0x1B8E;
	s24 =	sld [smem:$0x3FFE];
	[sflag:s23] =	ssyncadd.s32 $0xFFFFFFFF  }
0xa7: {  	s26 =	simm.s32 $execute0_lowered;
	[smem:$0x3FD2] =	sst s25  }
0xa8: {  	s7 =	sshll.u32 s26, $0x1;
	_ =	strace $0x80000046;
	[dreg:$0x1] =	wrdreg $0xFFFFFFFF  }
0xa9: {  	s28 =	simm.s32 $_size_execute0_lowered;
	s5 =	sadd.s32 s5, s7;
	[dreg:$0x0] =	wrdreg $0x0  }
0xaa: {  	s7 =	sshll.u32 s28, $0x1;
	[dreg:$0x2] =	wrdreg s5  }
0xab: {  	[dreg:$0x3] =	wrdreg s7  }
0xac: {  	[dreg:$0x4] =	wrdreg $0xC0  }
0xad: {  	_ =	task [dreg:s9], $0x5FFFF  }
0xae: {  	[dreg:$0x1] =	wrdreg $0xFFFFFFFF  }
0xaf: {  	[dreg:$0x0] =	wrdreg $0x60  }
0xb0: {  	[dreg:$0x2] =	wrdreg s18  }
0xb1: {  	[dreg:$0x3] =	wrdreg s4  }
0xb2: {  	[dreg:$0x4] =	wrdreg s2  }
0xb3: {  	[dreg:$0x5] =	wrdreg s24  }
0xb4: {  	[dreg:$0x6] =	wrdreg $0x9  }
0xb5: {  	_ =	task.clear_ibuf [dreg:s9], $0x7FFFF;
	_ =	strace $0x90000046  }
0xb6: {  	s29 =	simm.s32 $0x9;
	_ =	strace $0x80000048  }
0xb7: {  	_ =	swait.ge [sflag:s29], $0x1  }
0xb8: {  	[sflag:s29] =	ssyncadd.s32 $0xFFFFFFFF  }
0xb9: {  	_ =	strace $0x90000048  }
0xba: {  	_ =	sfence  }
0xbb: {  	s30 =	sld [smem:$0x0];
	_ =	sdelay $0x2  }
0xbc: {  	s31 =	sshll.u32 s1, $0xD;
	s1 =	sshrl.u32 s1, $0x2  }
0xbd: {  	s3 =	sand.u32 $0x4000, s31;
	s1 =	sadd.s32 s1, s30  }
0xbe: {  	s0 =	sor.u32 s3, s0;
	s1 =	sshll.u32 s1, $0x11  }
0xbf: {  	s0 =	sor.u32 s1, s0  }
0xc0: {  	s0 =	sadd.s32 $0x8F2B, s0  }
0xc1: {  	[sflag:s0] =	ssyncadd.remote.s32 $0x1  }
0xc2: {  	_ =	sfence.sel $0xFFFF  }
0xc3: {  	[dreg:$0x0] =	wrdreg $0xFFFFFFFF;
	(pc) =	sbr.abs _section_cstart, $3  }
0xc4: {  	[dreg:$0x1] =	wrdreg $0xFFFFFFFF  }
0xc5: {  	_ =	task.clear_ibuf [dreg:s9], $0x2FFFF;
	_ =	strace $0x9FFFFFFF  }
0xc6: {  	(tm) =	ssettm $0x7FFFFFFF  }
0xc7: {  	_ =	shalt  }
tec
execute0_lowered:
.L_overlay_start_1:
0x0: {  	(tag) =	ssettag $0x1  }
0x1: {  	s1 =	rddreg [dreg:$0x0]  }
0x2: {  	s4 =	rddreg [dreg:$0x1]  }
0x3: {  	s0 =	srdreg.scid;
	s3 =	stileid.u32  }
0x4: {  	s2 =	rddreg [dreg:$0x3];
	s5 =	simm.s32 $0x0;
	s28 =	simm.s32 $0xD800  }
0x5: {  	s29 =	simm.s32 $0x4000;
	s30 =	simm.s32 $0x8400;
	s31 =	simm.s32 $0xE800  }
0x6: {  	s0 =	sand.u32 $0x1, s0;
	s3 =	sshll.u32 s3, $0x1;
	[smem:$0x7FF] =	sst s5  }
0x7: {  	s7 =	sadd.s32 $0xE00, s2;
	s24 =	sadd.s32 $0x80, s4;
	s25 =	sadd.s32 $0x100, s4  }
0x8: {  	s26 =	sadd.s32 $0x180, s4;
	_ =	strace $0x80000047;
	[dreg:$0xd] =	wrdreg s24  }
0x9: {  	s5 =	simm.s32 $0x1E800;
	s6 =	sor.u32 s0, s3;
	[dreg:$0xe] =	wrdreg s25  }
0xa: {  	s0 =	ssub.s32 $0x2, s0;
	[dreg:$0xf] =	wrdreg s26;
	s3 =	sshll.u32 s6, $0x9  }
0xb: {  	s24 =	sadd.s32 $0x380, s4;
	s25 =	simm.s32 $0x5;
	s8 =	sadd.s32 s1, s3  }
0xc: {  	s26 =	simm.s32 $0xC800;
	s15 =	ssub.s32 $0x7A0, s6;
	s3 =	sadd.s32 $0xF4280, s8  }
0xd: {  	s16 =	sshrl.u32 s0, $0x1;
	s17 =	sadd.s32 $0x1E8500, s8;
	[dreg:$0x5] =	wrdreg s3  }
0xe: {  	v2 =	vlaneseq.u32;
	s23 =	sshll.u32 s6, $0x6;
	s18 =	sadd.s32 $0x2DC780, s8;
	[dreg:$0x6] =	wrdreg s17  }
0xf: {  	v3 =	vimm.s32 $0x0;
	v5 =	vmul.u32 $0x80, v2;
	p0 =	sne.s32 s6, $0x1;
	s19 =	sadd.s32 $0x3D0A00, s8;
	[dreg:$0x7] =	wrdreg s18  }
0x10: {  	v4 =	vimm.s32 $0x1;
	v6 =	vor.u32 $0x10, v2;
	v7 =	vor.u32 $0x20, v2;
	s0 =	ssub.s32 s0, s16;
	s20 =	sadd.s32 $0x4C4C80, s8;
	[dreg:$0x8] =	wrdreg s19  }
.Ltmp0:
0x11: {  	v8 =	vor.u32 $0x30, v2;
	v0 =	vmov s6;
	v9 =	vor.u32 $0x1, v5;
	s21 =	sadd.s32 $0x5B8F00, s8;
	[dreg:$0x9] =	wrdreg s20;
	(pc) =	sbr.rel .LBB2_1-.Ltmp0, $4  }
0x12: {  	v10 =	vor.u32 $0x2, v5;
	v11 =	vor.u32 $0x3, v5;
	v12 =	vor.u32 $0x4, v5;
	s14 =	sshrl.u32 s15, $0x5;
	s22 =	sadd.s32 $0x6AD180, s8;
	[dreg:$0xa] =	wrdreg s21  }
0x13: {  	v13 =	vor.u32 $0x5, v5;
	v14 =	vor.u32 $0x6, v5;
	v1 =	vmov s23;
	s23 =	sadd.s32 $0x300, s4;
	s0 =	smax.u32 s0, $0x1;
	[dreg:$0xb] =	wrdreg s22  }
0x14: {  	v15 =	vor.u32 $0x7, v5;
	v16 =	vor.u32 $0x8, v5;
	v17 =	vor.u32 $0x9, v5;
	[dreg:$0xc] =	wrdreg s0;
	s21 =	sadd.s32 $0x200, s4;
	s22 =	sadd.s32 $0x280, s4  }
0x15: {  	v18 =	vor.u32 $0xA, v5;
	v19 =	vor.u32 $0xB, v5;
	v20 =	vor.u32 $0xC, v5;
	s3 =	simm.s32 $0x1E900;
	s0 =	simm.s32 $0x10;
	s4 =	simm.s32 $0x0  }
.LBB2_19:
0x16: {  	s2 =	sand.u32 $0x1, s2  }
0x17: {  	s9 =	sadd.s32 $0x3, s2  }
0x18: {  	_ =	swait.ge [sflag:s9], $0x800  }
0x19: {  	[sflag:s9] =	ssyncset.done $0x0  }
0x1a: {  	s2 =	sxor.u32 $0x1, s2;
	[sflag:s9] =	ssyncadd.s32 $0xFFFFF800  }
.LBB2_21:
0x1b: {  	s2 =	sadd.s32 $0x3, s2  }
0x1c: {  	_ =	swait.ge [sflag:s2], $0x800  }
0x1d: {  	[sflag:s2] =	ssyncset.done $0x0  }
0x1e: {  	[sflag:s2] =	ssyncadd.s32 $0xFFFFF800  }
.LBB2_22:
0x1f: {  	s4 =	sadd.s32 $0x1, s4;
	s2 =	rddreg [dreg:$0xc]  }
0x20: {  	p1 =	sne.s32 s4, s2  }
.Ltmp1:
0x21: {  	_ = 	snop;
	(pc) =	sbr.rel @!p1 .LBB2_23-.Ltmp1, $1  }
0x22: {  	_ =	sdelay $0x3  }
.LBB2_1:
0x23: {  	s2 =	rddreg [dreg:$0x2];
	s9 =	simm.s32 $0x0  }
0x24: {  	[tilespmem:s9], [sflag:$0x5] =	stream.linear.gather [hbm4b:s2+s9], $0x4000, $0x38;
	[tilespmem:$0x1F900] =	vst v63  }
0x25: {  	_ =	swait.ge [sflag:s25], $0x4000  }
0x26: {  	[sflag:s25] =	ssyncset.done $0x0  }
0x27: {  	s9 =	simm.s32 $0x100;
	s2 =	simm.s32 $0x0;
	[sflag:s25] =	ssyncadd.s32 $0xFFFFC000  }
.LBB2_2:
0x28: {  	p1 =	sne.s32 s9, $0x3F00;
	[tilespmem:s2+$0xC830] =	vst v3;
	s10 =	smov.u32 s9;
	s9 =	sadd.s32 $0x100, s9  }
.Ltmp2:
0x29: {  	[tilespmem:s2+$0xC820] =	vst v3;
	(pc) =	sbr.rel @p1 .LBB2_2-.Ltmp2, $3  }
0x2a: {  	[tilespmem:s2+$0xC800] =	vst v3  }
0x2b: {  	[tilespmem:s2+$0xC810] =	vst v3;
	_ =	sdelay $0x1  }
0x2c: {  	s2 =	sshra.s32 s10, $0x2  }
0x2d: {  	[tilespmem:s2+$0xC830] =	vst v3  }
0x2e: {  	[tilespmem:s2+$0xC820] =	vst v3  }
0x2f: {  	[tilespmem:s2+$0xC800] =	vst v3  }
0x30: {  	s13 =	simm.s32 $0x0;
	[tilespmem:s2+$0xC810] =	vst v3;
	s2 =	simm.s32 $0x0  }
.LBB2_4:
0x31: {  	s9 =	sshra.s32 s2, $0x2  }
0x32: {  	v21 =	vld [tilespmem:s9+$0x0];
	_ =	sdelay $0x4  }
0x33: {  	v21 =	vshra.s32 v21, $0x9  }
0x34: {  	v22 =	vsub.s32 v21, v0  }
0x35: {  	v21 =	vand.u32 $0x1F, v21;
	v22 =	vshll.u32 v22, $0x1  }
0x36: {  	vm0 =	veq.s32 v21, v0;
	v21 =	vand.u32 $0xFC0, v22  }
0x37: {  	v21 =	vor.u32 v2, v21;
	_ =	sdelay $0x4  }
0x38: {  	[tilespmem:v21+s26+$0x0] =	vst.idx.add.s32.msk vm0, v4  }
0x39: {  	v21 =	vld [tilespmem:s9+$0x10];
	_ =	sdelay $0x4  }
0x3a: {  	v21 =	vshra.s32 v21, $0x9  }
0x3b: {  	v22 =	vsub.s32 v21, v0  }
0x3c: {  	v21 =	vand.u32 $0x1F, v21;
	v22 =	vshll.u32 v22, $0x1  }
0x3d: {  	vm13 =	veq.s32 v21, v0;
	v21 =	vand.u32 $0xFC0, v22  }
0x3e: {  	v21 =	vor.u32 v6, v21;
	_ =	sdelay $0x4  }
0x3f: {  	[tilespmem:v21+s26+$0x0] =	vst.idx.add.s32.msk vm13, v4  }
0x40: {  	v21 =	vld [tilespmem:s9+$0x20];
	_ =	sdelay $0x4  }
0x41: {  	v21 =	vshra.s32 v21, $0x9  }
0x42: {  	v22 =	vsub.s32 v21, v0  }
0x43: {  	v21 =	vand.u32 $0x1F, v21;
	v22 =	vshll.u32 v22, $0x1  }
0x44: {  	vm14 =	veq.s32 v21, v0;
	v21 =	vand.u32 $0xFC0, v22  }
0x45: {  	v21 =	vor.u32 v7, v21;
	_ =	sdelay $0x4  }
0x46: {  	[tilespmem:v21+s26+$0x0] =	vst.idx.add.s32.msk vm14, v4  }
0x47: {  	v21 =	vld [tilespmem:s9+$0x30];
	_ =	sdelay $0x4  }
0x48: {  	v21 =	vshra.s32 v21, $0x9  }
0x49: {  	v22 =	vsub.s32 v21, v0  }
0x4a: {  	v21 =	vand.u32 $0x1F, v21;
	v22 =	vshll.u32 v22, $0x1  }
0x4b: {  	vm15 =	veq.s32 v21, v0;
	v21 =	vand.u32 $0xFC0, v22  }
0x4c: {  	p1 =	sne.s32 s2, $0xFF00;
	v21 =	vor.u32 v8, v21  }
.Ltmp3:
0x4d: {  	_ = 	snop;
	(pc) =	sbr.rel @p1 .LBB2_4-.Ltmp3, $2  }
0x4e: {  	_ =	sdelay $0x2  }
0x4f: {  	s2 =	sadd.s32 $0x100, s2;
	[tilespmem:v21+s26+$0x0] =	vst.idx.add.s32.msk vm15, v4  }
0x50: {  	s11 =	simm.s32 $0x0  }
0x51: {  	v40 =	vld [tilespmem:s11+$0xC800]  }
0x52: {  	v28 =	vld [tilespmem:s11+$0xC810]  }
0x53: {  	v29 =	vld [tilespmem:s11+$0xC820]  }
0x54: {  	s10 =	simm.s32 $0x40;
	v30 =	vld [tilespmem:s11+$0xC830]  }
0x55: {  	v23 =	vld [tilespmem:s10+$0xC800]  }
0x56: {  	v32 =	vld [tilespmem:s10+$0xC810];
	(xrf0) =	vadd.scan.msk.s32 $0xffff, v40  }
0x57: {  	v33 =	vld [tilespmem:s10+$0xC820];
	(xrf0) =	vadd.scan.msk.s32 $0xffff, v28  }
0x58: {  	s9 =	simm.s32 $0x80;
	v37 =	vld [tilespmem:s10+$0xC830];
	(xrf0) =	vadd.scan.msk.s32 $0xffff, v29  }
0x59: {  	v21 =	vld [tilespmem:s9+$0xC800];
	(xrf0) =	vadd.scan.msk.s32 $0xffff, v30  }
0x5a: {  	v38 =	vld [tilespmem:s9+$0xC810];
	(xrf0) =	vadd.scan.msk.s32 $0xffff, v23  }
0x5b: {  	(xrf0) =	vadd.scan.msk.s32 $0xffff, v32  }
0x5c: {  	v31, _, _ =	vpop (xrf0);
	(xrf0) =	vadd.scan.msk.s32 $0xffff, v33  }
0x5d: {  	(v2sf) =	vpush v31, $0xF;
	v34, _, _ =	vpop (xrf0);
	(xrf0) =	vadd.scan.msk.s32 $0xffff, v37  }
0x5e: {  	(v2sf) =	vpush v34, $0xF;
	v35, _, _ =	vpop (xrf0);
	(xrf0) =	vadd.scan.msk.s32 $0xffff, v21  }
0x5f: {  	(v2sf) =	vpush v35, $0xF;
	v41, _, _ =	vpop (xrf0);
	(xrf0) =	vadd.scan.msk.s32 $0xffff, v38  }
0x60: {  	(v2sf) =	vpush v41, $0xF;
	v27, _, _ =	vpop (xrf0)  }
0x61: {  	v42, _, _ =	vpop (xrf0);
	(v2sf) =	vpush v27, $0xF  }
0x62: {  	v26 =	vld [tilespmem:s9+$0xC820];
	v43, _, _ =	vpop (xrf0);
	(v2sf) =	vpush v42, $0xF  }
0x63: {  	v24 =	vld [tilespmem:s9+$0xC830];
	v39 =	vsub.s32 v34, v28;
	(v2sf) =	vpush v43, $0xF;
	v28, _, _ =	vpop (xrf0)  }
0x64: {  	v36 =	vsub.s32 v35, v29;
	(v2sf) =	vpush v28, $0xF;
	v29, _, _ =	vpop (xrf0)  }
0x65: {  	(v2sf) =	vpush v29, $0xF;
	v63, _, _ =	vpop (xrf0)  }
0x66: {  	s2 =	simm.s32 $0xC0;
	(v2sf) =	vpush v63, $0xF  }
0x67: {  	v22 =	vld [tilespmem:s2+$0xC800];
	(xrf0) =	vadd.scan.msk.s32 $0xffff, v26  }
0x68: {  	v25 =	vld [tilespmem:s2+$0xC810];
	(xrf0) =	vadd.scan.msk.s32 $0xffff, v24  }
0x69: {  	v35 =	vsub.s32 v41, v30;
	v30 =	vld [tilespmem:s2+$0xC820];
	_ =	sdelay $0x1  }
0x6a: {  	v34 =	vsub.s32 v42, v32;
	v32 =	vsub.s32 v28, v37;
	v28 =	vld [tilespmem:s2+$0xC830]  }
0x6b: {  	(xrf0) =	vadd.scan.msk.s32 $0xffff, v22  }
0x6c: {  	s12 =	simm.s32 $0x100;
	s15 =	simm.s32 $0x500;
	v40 =	vsub.s32 s13, v40;
	v33 =	vsub.s32 v43, v33;
	(xrf0) =	vadd.scan.msk.s32 $0xffff, v25;
	v37 =	vsub.s32 v63, v38;
	v38, _, _ =	vpop (xrf0);
	s16 =	spop (v2sf)  }
.LBB2_6:
0x6d: {  	p1 =	sne.s32 s15, $0x3F00;
	(xrf0) =	vadd.scan.msk.s32 $0xffff, v30;
	v41 =	vsub.s32 v38, v26;
	(v2sf) =	vpush v38, $0xF;
	v38, _, _ =	vpop (xrf0);
	v40 =	vadd.s32 v31, v40;
	s13 =	sadd.s32 s13, s16;
	s16 =	spop (v2sf)  }
0x6e: {  	v42 =	vmovc v23;
	v23 =	vmovc v21;
	v21 =	vmov v22;
	v22 =	vld [tilespmem:s12+$0xC800];
	v43 =	vmov v25;
	v26 =	vmov v30;
	s17 =	smov.u32 s9;
	s9 =	smov.u32 s2;
	s2 =	smov.u32 s12  }
0x6f: {  	v25 =	vld [tilespmem:s2+$0xC810];
	(xrf0) =	vadd.scan.msk.s32 $0xffff, v28;
	v44 =	vsub.s32 v38, v24;
	(v2sf) =	vpush v38, $0xF;
	v45 =	vadd.s32 s13, v39;
	s12 =	sadd.s32 s13, s16;
	s13 =	spop (v2sf);
	v24 =	vmovc v28  }
.Ltmp4:
0x70: {  	v31 =	vmovc v27;
	v27 =	vmovc v29;
	v30 =	vld [tilespmem:s2+$0xC820];
	[tilespmem:s11+$0xD810] =	vst v45;
	v38 =	vadd.s32 s12, v36;
	s12 =	sadd.s32 s12, s13;
	s13 =	spop (v2sf);
	v36 =	vmov v33;
	v33 =	vmov v41;
	(pc) =	sbr.rel @p1 .LBB2_6-.Ltmp4, $4  }
0x71: {  	v39 =	vmovc v34;
	v34 =	vmovc v37;
	v28 =	vld [tilespmem:s2+$0xC830];
	[tilespmem:s11+$0xD820] =	vst v38;
	v41 =	vadd.s32 s12, v35;
	s12 =	sadd.s32 s13, s12;
	v35 =	vmov v32;
	v32 =	vmov v44  }
0x72: {  	v29, _, _ =	vpop (xrf0);
	[tilespmem:s11+$0xD830] =	vst v41;
	s12 =	sadd.s32 $0xF, s12  }
0x73: {  	(xrf0) =	vadd.scan.msk.s32 $0xffff, v22;
	(v2sf) =	vpush v29, $0xF;
	v38, _, _ =	vpop (xrf0);
	[tilespmem:s11+$0xD800] =	vst v40;
	s13 =	sand.u32 $0xFFFFFFF0, s12;
	s11 =	smov.u32 s10;
	s10 =	smov.u32 s17  }
0x74: {  	s12 =	sshra.s32 s15, $0x2;
	s15 =	sadd.s32 $0x100, s15;
	(xrf0) =	vadd.scan.msk.s32 $0xffff, v25;
	v37 =	vsub.s32 v38, v43;
	(v2sf) =	vpush v38, $0xF;
	v38, _, _ =	vpop (xrf0);
	v40 =	vsub.s32 s13, v42;
	s16 =	spop (v2sf)  }
0x75: {  	v41 =	vld [tilespmem:s12+$0xC800]  }
0x76: {  	(xrf0) =	vadd.scan.msk.s32 $0xffff, v30;
	v42 =	vld [tilespmem:s12+$0xC810]  }
0x77: {  	(v2sf) =	vpush v38, $0xF;
	v43, _, _ =	vpop (xrf0);
	v44 =	vld [tilespmem:s12+$0xC820];
	(xrf0) =	vadd.scan.msk.s32 $0xffff, v28  }
0x78: {  	s13 =	sadd.s32 s13, s16;
	(v2sf) =	vpush v43, $0xF  }
0x79: {  	s15 =	spop (v2sf);
	v39 =	vadd.s32 s13, v39  }
0x7a: {  	s13 =	sadd.s32 s13, s15;
	s18 =	spop (v2sf);
	[tilespmem:s11+$0xD810] =	vst v39;
	v57, _, _ =	vpop (xrf0);
	(xrf0) =	vadd.scan.msk.s32 $0xffff, v41  }
0x7b: {  	s15 =	sadd.s32 s13, s18;
	s19 =	spop (v2sf);
	v45 =	vld [tilespmem:s12+$0xC830];
	(v2sf) =	vpush v57, $0xF;
	v46, _, _ =	vpop (xrf0);
	(xrf0) =	vadd.scan.msk.s32 $0xffff, v42  }
0x7c: {  	s16 =	sadd.s32 s19, s15;
	(v2sf) =	vpush v46, $0xF;
	v47, _, _ =	vpop (xrf0);
	(xrf0) =	vadd.scan.msk.s32 $0xffff, v44  }
0x7d: {  	s16 =	sadd.s32 $0xF, s16;
	(v2sf) =	vpush v47, $0xF;
	v48, _, _ =	vpop (xrf0)  }
0x7e: {  	s17 =	spop (v2sf);
	s16 =	sand.u32 $0xFFFFFFF0, s16;
	(v2sf) =	vpush v48, $0xF  }
0x7f: {  	s18 =	spop (v2sf);
	s17 =	sadd.s32 s16, s17  }
0x80: {  	s18 =	sadd.s32 s17, s18;
	s19 =	spop (v2sf);
	(xrf0) =	vadd.scan.msk.s32 $0xffff, v45;
	v49, _, _ =	vpop (xrf0)  }
0x81: {  	s19 =	sadd.s32 s18, s19;
	s20 =	spop (v2sf);
	(v2sf) =	vpush v49, $0xF;
	v50, _, _ =	vpop (xrf0)  }
0x82: {  	s20 =	sadd.s32 s20, s19;
	(v2sf) =	vpush v50, $0xF;
	v51, _, _ =	vpop (xrf0)  }
0x83: {  	v36 =	vadd.s32 s13, v36;
	s13 =	sadd.s32 $0xF, s20;
	(v2sf) =	vpush v51, $0xF  }
0x84: {  	v31 =	vadd.s32 v31, v40;
	[tilespmem:s11+$0xD820] =	vst v36;
	s13 =	sand.u32 $0xFFFFFFF0, s13;
	s20 =	spop (v2sf)  }
0x85: {  	v35 =	vadd.s32 s15, v35;
	[tilespmem:s11+$0xD800] =	vst v31;
	s15 =	sadd.s32 s13, s20;
	s20 =	spop (v2sf)  }
0x86: {  	[tilespmem:s11+$0xD830] =	vst v35;
	v23 =	vsub.s32 s16, v23;
	v58 =	vadd.s32 s17, v34;
	v59, _, _ =	vpop (xrf0);
	s11 =	sadd.s32 s15, s20;
	s20 =	spop (v2sf)  }
0x87: {  	v23 =	vadd.s32 v27, v23;
	[tilespmem:s10+$0xD810] =	vst v58;
	(v2sf) =	vpush v59, $0xF;
	s17 =	sadd.s32 s11, s20;
	s20 =	spop (v2sf)  }
0x88: {  	v60 =	vadd.s32 s18, v33;
	[tilespmem:s10+$0xD800] =	vst v23;
	v32 =	vadd.s32 s19, v32;
	s19 =	sadd.s32 s20, s17  }
0x89: {  	[tilespmem:s10+$0xD820] =	vst v60;
	v21 =	vsub.s32 s13, v21;
	s16 =	sadd.s32 $0xF, s19  }
0x8a: {  	v23 =	vsub.s32 v38, v26;
	[tilespmem:s10+$0xD830] =	vst v32;
	v21 =	vadd.s32 v29, v21;
	s10 =	sand.u32 $0xFFFFFFF0, s16;
	s20 =	spop (v2sf)  }
0x8b: {  	v61 =	vadd.s32 s15, v37;
	[tilespmem:s9+$0xD800] =	vst v21;
	v23 =	vadd.s32 s11, v23;
	s11 =	sadd.s32 s10, s20;
	s16 =	spop (v2sf)  }
0x8c: {  	v24 =	vsub.s32 v43, v24;
	[tilespmem:s9+$0xD810] =	vst v61;
	s18 =	sadd.s32 s11, s16;
	s19 =	spop (v2sf)  }
0x8d: {  	v62 =	vsub.s32 v46, v25;
	[tilespmem:s9+$0xD820] =	vst v23;
	v23 =	vadd.s32 s17, v24;
	v22 =	vsub.s32 s10, v22;
	s15 =	sadd.s32 s18, s19;
	s20 =	spop (v2sf)  }
0x8e: {  	[tilespmem:s9+$0xD830] =	vst v23;
	v22 =	vadd.s32 v57, v22;
	v23 =	vadd.s32 s11, v62;
	s11 =	sadd.s32 s20, s15  }
0x8f: {  	v21 =	vsub.s32 v47, v30;
	[tilespmem:s2+$0xD800] =	vst v22;
	s9 =	sadd.s32 $0xF, s11  }
0x90: {  	v63 =	vsub.s32 v48, v28;
	[tilespmem:s2+$0xD810] =	vst v23;
	v21 =	vadd.s32 s18, v21;
	s9 =	sand.u32 $0xFFFFFFF0, s9;
	s16 =	spop (v2sf)  }
0x91: {  	v23 =	vsub.s32 v50, v42;
	[tilespmem:s2+$0xD820] =	vst v21;
	v21 =	vadd.s32 s15, v63;
	s10 =	sadd.s32 s9, s16;
	s17 =	spop (v2sf)  }
0x92: {  	[tilespmem:s2+$0xD830] =	vst v21;
	v21 =	vsub.s32 v51, v44;
	v22 =	vadd.s32 s10, v23;
	s18 =	sadd.s32 s10, s17;
	s19 =	spop (v2sf)  }
0x93: {  	v23 =	vsub.s32 v59, v45;
	[tilespmem:s12+$0xD810] =	vst v22;
	v21 =	vadd.s32 s18, v21;
	s2 =	sadd.s32 s18, s19  }
0x94: {  	v22 =	vsub.s32 s9, v41;
	[tilespmem:s12+$0xD820] =	vst v21;
	v21 =	vadd.s32 s2, v23  }
0x95: {  	v22 =	vadd.s32 v49, v22;
	[tilespmem:s12+$0xD830] =	vst v21  }
0x96: {  	s20 =	spop (v2sf);
	s9 =	simm.s32 $0x20;
	s2 =	simm.s32 $0x0;
	[tilespmem:s12+$0xD800] =	vst v22  }
.LBB2_8:
0x97: {  	v21 =	vld [tilespmem:s9+$0xFFFFFFE0];
	_ =	sdelay $0x4  }
0x98: {  	v22 =	vshra.s32 v21, $0x9  }
0x99: {  	v23 =	vsub.s32 v22, v0  }
0x9a: {  	v22 =	vand.u32 $0x1F, v22;
	v23 =	vshll.u32 v23, $0x1  }
0x9b: {  	vm0 =	veq.s32 v22, v0;
	v22 =	vand.u32 $0xFC0, v23  }
0x9c: {  	v22 =	vor.u32 v2, v22;
	_ =	sdelay $0x4  }
0x9d: {  	v23 =	vld.idx.msk [tilespmem:v22+s28+$0x0], vm0;
	_ =	sdelay $0x7  }
0x9e: {  	[tilespmem:v23+s29+$0x0] =	vst.idx.msk vm0, v21;
	v21 =	vor.u32 s2, v2  }
0x9f: {  	[tilespmem:v23+s30+$0x0] =	vst.idx.msk vm0, v21  }
0xa0: {  	[tilespmem:v22+s28+$0x0] =	vst.idx.add.s32.msk vm0, v4  }
0xa1: {  	v21 =	vld [tilespmem:s9+$0xFFFFFFF0];
	_ =	sdelay $0x4  }
0xa2: {  	v22 =	vshra.s32 v21, $0x9  }
0xa3: {  	v23 =	vsub.s32 v22, v0  }
0xa4: {  	v22 =	vand.u32 $0x1F, v22;
	v23 =	vshll.u32 v23, $0x1  }
0xa5: {  	vm13 =	veq.s32 v22, v0;
	v22 =	vand.u32 $0xFC0, v23  }
0xa6: {  	v22 =	vor.u32 v6, v22;
	_ =	sdelay $0x4  }
0xa7: {  	v23 =	vld.idx.msk [tilespmem:v22+s28+$0x0], vm13;
	_ =	sdelay $0x6  }
0xa8: {  	s10 =	sadd.s32 $0x10, s2  }
0xa9: {  	[tilespmem:v23+s29+$0x0] =	vst.idx.msk vm13, v21;
	v21 =	vor.u32 s10, v2  }
0xaa: {  	[tilespmem:v23+s30+$0x0] =	vst.idx.msk vm13, v21  }
0xab: {  	[tilespmem:v22+s28+$0x0] =	vst.idx.add.s32.msk vm13, v4  }
0xac: {  	v21 =	vld [tilespmem:s9+$0x0];
	_ =	sdelay $0x4  }
0xad: {  	v22 =	vshra.s32 v21, $0x9  }
0xae: {  	v23 =	vsub.s32 v22, v0  }
0xaf: {  	v22 =	vand.u32 $0x1F, v22;
	v23 =	vshll.u32 v23, $0x1  }
0xb0: {  	vm14 =	veq.s32 v22, v0;
	v22 =	vand.u32 $0xFC0, v23  }
0xb1: {  	v22 =	vor.u32 v7, v22;
	_ =	sdelay $0x4  }
0xb2: {  	v23 =	vld.idx.msk [tilespmem:v22+s28+$0x0], vm14;
	_ =	sdelay $0x6  }
0xb3: {  	s19 =	sadd.s32 $0x20, s2  }
0xb4: {  	[tilespmem:v23+s29+$0x0] =	vst.idx.msk vm14, v21;
	v21 =	vor.u32 s19, v2  }
0xb5: {  	[tilespmem:v23+s30+$0x0] =	vst.idx.msk vm14, v21  }
0xb6: {  	[tilespmem:v22+s28+$0x0] =	vst.idx.add.s32.msk vm14, v4  }
0xb7: {  	v21 =	vld [tilespmem:s9+$0x10];
	_ =	sdelay $0x4  }
0xb8: {  	v22 =	vshra.s32 v21, $0x9  }
0xb9: {  	v23 =	vsub.s32 v22, v0  }
0xba: {  	v22 =	vand.u32 $0x1F, v22;
	v23 =	vshll.u32 v23, $0x1  }
0xbb: {  	vm15 =	veq.s32 v22, v0;
	v22 =	vand.u32 $0xFC0, v23  }
0xbc: {  	v22 =	vor.u32 v8, v22;
	_ =	sdelay $0x4  }
0xbd: {  	v23 =	vld.idx.msk [tilespmem:v22+s28+$0x0], vm15;
	_ =	sdelay $0x4  }
0xbe: {  	p1 =	sne.s32 s2, $0x3FC0  }
.Ltmp5:
0xbf: {  	_ = 	snop;
	(pc) =	sbr.rel @p1 .LBB2_8-.Ltmp5, $4  }
0xc0: {  	s20 =	sadd.s32 $0x30, s2  }
0xc1: {  	[tilespmem:v23+s29+$0x0] =	vst.idx.msk vm15, v21;
	v21 =	vor.u32 s20, v2  }
0xc2: {  	[tilespmem:v23+s30+$0x0] =	vst.idx.msk vm15, v21  }
0xc3: {  	s2 =	sadd.s32 $0x40, s2;
	s9 =	sadd.s32 $0x40, s9;
	[tilespmem:v22+s28+$0x0] =	vst.idx.add.s32.msk vm15, v4  }
0xc4: {  	s2 =	simm.s32 $0x0  }
0xc5: {  	[tilespmem:s31], [sflag:$0x1] =	stream.linear.gather [hbm4b:s8+s2], $0x1000, $0x38;
	[tilespmem:$0x1F900] =	vst v63  }
0xc6: {  	s9 =	rddreg [dreg:$0x5];
	s10 =	simm.s32 $0xF800  }
0xc7: {  	[tilespmem:s10], [sflag:$0x1] =	stream.linear.gather [hbm4b:s9+s2], $0x1000, $0x38;
	[tilespmem:$0x1F900] =	vst v63  }
0xc8: {  	s19 =	rddreg [dreg:$0x6];
	s20 =	simm.s32 $0x10800  }
0xc9: {  	[tilespmem:s20], [sflag:$0x1] =	stream.linear.gather [hbm4b:s19+s2], $0x1000, $0x38;
	[tilespmem:$0x1F900] =	vst v63  }
0xca: {  	s11 =	simm.s32 $0x11800;
	s10 =	rddreg [dreg:$0x7]  }
0xcb: {  	[tilespmem:s11], [sflag:$0x1] =	stream.linear.gather [hbm4b:s10+s2], $0x1000, $0x38;
	[tilespmem:$0x1F900] =	vst v63  }
0xcc: {  	s12 =	rddreg [dreg:$0x8];
	s13 =	simm.s32 $0x12800  }
0xcd: {  	[tilespmem:s13], [sflag:$0x1] =	stream.linear.gather [hbm4b:s12+s2], $0x1000, $0x38;
	[tilespmem:$0x1F900] =	vst v63  }
0xce: {  	s15 =	rddreg [dreg:$0x9];
	s16 =	simm.s32 $0x13800  }
0xcf: {  	[tilespmem:s16], [sflag:$0x1] =	stream.linear.gather [hbm4b:s15+s2], $0x1000, $0x38;
	[tilespmem:$0x1F900] =	vst v63  }
.Ltmp6:
0xd0: {  	_ = 	snop;
	(pc) =	sbr.rel .LBB2_10-.Ltmp6, $4  }
0xd1: {  	s17 =	rddreg [dreg:$0xa];
	s18 =	simm.s32 $0x14800;
	s9 =	simm.s32 $0x0  }
0xd2: {  	[tilespmem:s18], [sflag:$0x1] =	stream.linear.gather [hbm4b:s17+s2], $0x1000, $0x38;
	[tilespmem:$0x1F900] =	vst v63  }
0xd3: {  	s19 =	rddreg [dreg:$0xb];
	s20 =	simm.s32 $0x15800;
	s15 =	simm.s32 $0x0  }
0xd4: {  	[tilespmem:s20], [sflag:$0x1] =	stream.linear.gather [hbm4b:s19+s2], $0x1000, $0x38;
	[tilespmem:$0x1F900] =	vst v63  }
.LBB2_13:
0xd5: {  	p1 =	sne.s32 s9, s14  }
.Ltmp7:
0xd6: {  	_ = 	snop;
	(pc) =	sbr.rel @!p1 .LBB2_14-.Ltmp7, $3  }
0xd7: {  	_ =	sdelay $0x1  }
0xd8: {  	s13 =	sadd.s32 $0x1, s9;
	s12 =	sand.u32 $0xFFFFFFF0, s12  }
0xd9: {  	s15 =	sadd.s32 s11, s12;
	s9 =	smov.u32 s13  }
.LBB2_10:
0xda: {  	s10 =	sshll.u32 s9, $0x5  }
0xdb: {  	p1 =	sge.u32 s9, s14;
	s16 =	sor.u32 s6, s10  }
0xdc: {  	s17 =	sand.u32 $0x1, s9;
	s10 =	sshll.u32 @!p1 s16, $0xC  }
0xdd: {  	s11 =	sxor.u32 @!p1 $0x1, s17;
	s12 =	sadd.s32 @!p1 $0x20000, s10  }
0xde: {  	s13 =	sadd.s32 @!p1 $0x1, s11;
	s11 =	sshll.u32 @!p1 s11, $0xF;
	s12 =	sshrl.u32 @!p1 s12, $0x3  }
0xdf: {  	s19 =	simm.s32 @!p1 $0x0;
	s18 =	sadd.s32 @!p1 $0xE800, s11;
	s12 =	sadd.s32 @!p1 s1, s12  }
0xe0: {  	[tilespmem:s18], [sflag:s13] =	stream.linear.gather @!p1 [hbm4b:s12+s19], $0x1000, $0x38;
	[tilespmem:$0x1F900] =	vst v63  }
0xe1: {  	s12 =	sadd.s32 @!p1 $0x7C1400, s10  }
0xe2: {  	s12 =	sshrl.u32 @!p1 s12, $0x3  }
0xe3: {  	s18 =	sadd.s32 @!p1 $0xF800, s11;
	s12 =	sadd.s32 @!p1 s1, s12  }
0xe4: {  	[tilespmem:s18], [sflag:s13] =	stream.linear.gather @!p1 [hbm4b:s12+s19], $0x1000, $0x38;
	[tilespmem:$0x1F900] =	vst v63  }
0xe5: {  	s12 =	sadd.s32 @!p1 $0xF62800, s10  }
0xe6: {  	s12 =	sshrl.u32 @!p1 s12, $0x3  }
0xe7: {  	s18 =	sor.u32 @!p1 $0x10800, s11;
	s12 =	sadd.s32 @!p1 s1, s12  }
0xe8: {  	[tilespmem:s18], [sflag:s13] =	stream.linear.gather @!p1 [hbm4b:s12+s19], $0x1000, $0x38;
	[tilespmem:$0x1F900] =	vst v63  }
0xe9: {  	s12 =	sadd.s32 @!p1 $0x1703C00, s10  }
0xea: {  	s12 =	sshrl.u32 @!p1 s12, $0x3  }
0xeb: {  	s18 =	sor.u32 @!p1 $0x11800, s11;
	s12 =	sadd.s32 @!p1 s1, s12  }
0xec: {  	[tilespmem:s18], [sflag:s13] =	stream.linear.gather @!p1 [hbm4b:s12+s19], $0x1000, $0x38;
	[tilespmem:$0x1F900] =	vst v63  }
0xed: {  	s12 =	sadd.s32 @!p1 $0x1EA5000, s10  }
0xee: {  	s12 =	sshrl.u32 @!p1 s12, $0x3  }
0xef: {  	s18 =	sor.u32 @!p1 $0x12800, s11;
	s12 =	sadd.s32 @!p1 s1, s12  }
0xf0: {  	[tilespmem:s18], [sflag:s13] =	stream.linear.gather @!p1 [hbm4b:s12+s19], $0x1000, $0x38;
	[tilespmem:$0x1F900] =	vst v63  }
0xf1: {  	s12 =	sadd.s32 @!p1 $0x2646400, s10  }
0xf2: {  	s12 =	sshrl.u32 @!p1 s12, $0x3  }
0xf3: {  	s18 =	sor.u32 @!p1 $0x13800, s11;
	s12 =	sadd.s32 @!p1 s1, s12  }
0xf4: {  	[tilespmem:s18], [sflag:s13] =	stream.linear.gather @!p1 [hbm4b:s12+s19], $0x1000, $0x38;
	[tilespmem:$0x1F900] =	vst v63  }
0xf5: {  	s12 =	sadd.s32 @!p1 $0x2DE7800, s10  }
0xf6: {  	s10 =	sadd.s32 @!p1 $0x3588C00, s10;
	s12 =	sshrl.u32 @!p1 s12, $0x3  }
0xf7: {  	s18 =	sor.u32 @!p1 $0x14800, s11;
	s10 =	sshrl.u32 @!p1 s10, $0x3;
	s12 =	sadd.s32 @!p1 s1, s12  }
0xf8: {  	[tilespmem:s18], [sflag:s13] =	stream.linear.gather @!p1 [hbm4b:s12+s19], $0x1000, $0x38;
	[tilespmem:$0x1F900] =	vst v63  }
0xf9: {  	s11 =	sor.u32 @!p1 $0x15800, s11;
	s10 =	sadd.s32 @!p1 s1, s10  }
0xfa: {  	[tilespmem:s11], [sflag:s13] =	stream.linear.gather @!p1 [hbm4b:s10+s19], $0x1000, $0x38;
	[tilespmem:$0x1F900] =	vst v63  }
0xfb: {  	s19 =	sadd.s32 $0x1, s17  }
0xfc: {  	_ =	swait.ge [sflag:s19], $0x1000  }
0xfd: {  	[sflag:s19] =	ssyncset.done $0x0  }
0xfe: {  	[sflag:s19] =	ssyncadd.s32 $0xFFFFF000  }
0xff: {  	_ =	swait.ge [sflag:s19], $0x1000  }
0x100: {  	[sflag:s19] =	ssyncset.done $0x0  }
0x101: {  	[sflag:s19] =	ssyncadd.s32 $0xFFFFF000  }
0x102: {  	_ =	swait.ge [sflag:s19], $0x1000  }
0x103: {  	[sflag:s19] =	ssyncset.done $0x0  }
0x104: {  	[sflag:s19] =	ssyncadd.s32 $0xFFFFF000  }
0x105: {  	_ =	swait.ge [sflag:s19], $0x1000  }
0x106: {  	[sflag:s19] =	ssyncset.done $0x0  }
0x107: {  	[sflag:s19] =	ssyncadd.s32 $0xFFFFF000  }
0x108: {  	_ =	swait.ge [sflag:s19], $0x1000  }
0x109: {  	[sflag:s19] =	ssyncset.done $0x0  }
0x10a: {  	[sflag:s19] =	ssyncadd.s32 $0xFFFFF000  }
0x10b: {  	_ =	swait.ge [sflag:s19], $0x1000  }
0x10c: {  	[sflag:s19] =	ssyncset.done $0x0  }
0x10d: {  	[sflag:s19] =	ssyncadd.s32 $0xFFFFF000  }
0x10e: {  	_ =	swait.ge [sflag:s19], $0x1000  }
0x10f: {  	[sflag:s19] =	ssyncset.done $0x0  }
0x110: {  	[sflag:s19] =	ssyncadd.s32 $0xFFFFF000  }
0x111: {  	_ =	swait.ge [sflag:s19], $0x1000  }
0x112: {  	s20 =	sshll.u32 s9, $0x8;
	[sflag:s19] =	ssyncset.done $0x0  }
0x113: {  	s12 =	sshra.s32 s20, $0x2;
	[sflag:s19] =	ssyncadd.s32 $0xFFFFF000  }
0x114: {  	v21 =	vld [tilespmem:s12+$0xC800]  }
0x115: {  	v22 =	vld [tilespmem:s12+$0xC810]  }
0x116: {  	v23 =	vld [tilespmem:s12+$0xC820]  }
0x117: {  	v24 =	vld [tilespmem:s12+$0xC830];
	_ =	sdelay $0x1  }
0x118: {  	(xrf0) =	vadd.scan.msk.s32 $0xffff, v21  }
0x119: {  	(xrf0) =	vadd.scan.msk.s32 $0xffff, v22  }
0x11a: {  	(xrf0) =	vadd.scan.msk.s32 $0xffff, v23  }
0x11b: {  	(xrf0) =	vadd.scan.msk.s32 $0xffff, v24;
	_ =	sdelay $0x2  }
0x11c: {  	v21, _, _ =	vpop (xrf0)  }
0x11d: {  	v22, _, _ =	vpop (xrf0);
	(v2sf) =	vpush v21, $0xF  }
0x11e: {  	v21, _, _ =	vpop (xrf0);
	(v2sf) =	vpush v22, $0xF  }
0x11f: {  	(v2sf) =	vpush v21, $0xF;
	v21, _, _ =	vpop (xrf0)  }
0x120: {  	(v2sf) =	vpush v21, $0xF;
	_ =	sdelay $0xb  }
0x121: {  	s13 =	spop (v2sf)  }
0x122: {  	s18 =	spop (v2sf)  }
0x123: {  	s19 =	spop (v2sf);
	s10 =	sadd.s32 s13, s18  }
0x124: {  	s10 =	sadd.s32 s19, s10;
	s20 =	spop (v2sf)  }
0x125: {  	s10 =	sadd.s32 s20, s10  }
0x126: {  	s12 =	sadd.s32 $0xF, s10  }
0x127: {  	s13 =	sshra.s32 s12, $0x4  }
0x128: {  	p1 =	slt.s32 s13, $0x1  }
.Ltmp8:
0x129: {  	_ = 	snop;
	(pc) =	sbr.rel @p1 .LBB2_13-.Ltmp8, $2  }
0x12a: {  	_ =	sdelay $0x2  }
0x12b: {  	s11 =	smov.u32 s15  }
0x12c: {  	s15 =	sshll.u32 s17, $0xF  }
0x12d: {  	s16 =	sshll.u32 s16, $0x9;
	v21 =	vmov s15  }
0x12e: {  	v23 =	vmov s10;
	s19 =	sshll.u32 s11, $0x2;
	v22 =	vmov s16;
	v24 =	vor.u32 $0x1000, v21  }
0x12f: {  	s20 =	sshra.s32 s19, $0x2;
	v25 =	vor.u32 $0x2000, v21;
	v26 =	vor.u32 $0x3000, v21;
	v27 =	vor.u32 $0x4000, v21  }
0x130: {  	s17 =	simm.s32 $0x0;
	v28 =	vor.u32 $0x5000, v21;
	v29 =	vor.u32 $0x6000, v21;
	v30 =	vor.u32 $0x7000, v21;
	s15 =	sadd.s32 $0x4000, s20;
	s16 =	sadd.s32 $0x8400, s20  }
.LBB2_12:
0x131: {  	v31 =	vld [tilespmem:s15+$0x0];
	_ =	sdelay $0x3  }
0x132: {  	v34 =	vor.u32 s17, v2  }
0x133: {  	vm0 =	vlt.s32 v34, v23;
	v31 =	vsub.s32 v31, v22  }
0x134: {  	s18 =	sand.u32 $0x1, s2;
	v31 =	vnsel vm0, $0x0, v31  }
0x135: {  	v35 =	vmov s18;
	v32 =	vshll.u32 v31, $0x3  }
0x136: {  	v36 =	vld [tilespmem:s16+$0x0];
	v33 =	vshll.u32 v35, $0x7;
	v32 =	vand.u32 $0xFFFFFC00, v32  }
0x137: {  	p1 =	slt.s32 s2, $0x2;
	v37 =	vor.u32 v2, v33;
	v33 =	vand.u32 $0x7F, v31;
	v41 =	vadd.s32 v21, v32  }
0x138: {  	s19 =	sadd.s32 @!p1 $0x3, s18;
	v31 =	vadd.s32 v1, v34;
	v42 =	vor.u32 v33, v41  }
0x139: {  	_ =	swait.ge @!p1 [sflag:s19], $0x800;
	v31 =	vand.u32 $0x7FF, v31  }
0x13a: {  	[sflag:s19] =	ssyncset.done @!p1 $0x0;
	v31 =	vor.u32 $0x4000, v31  }
0x13b: {  	[sflag:s19] =	ssyncadd.s32 @!p1 $0xFFFFF800;
	v31 =	vsel vm0, v36, v31  }
0x13c: {  	[tilespmem:v37+s5+$0x0] =	vst.idx.msk $0xffff, v31;
	v31 =	vshll.u32 v35, $0xB  }
0x13d: {  	v34 =	vor.u32 $0x80, v33;
	v44 =	vor.u32 v5, v31;
	v43 =	vld.idx.msk [tilespmem:v42+s31+$0x0], $0xffff  }
0x13e: {  	v45 =	vor.u32 v41, v34;
	_ =	sdelay $0x3  }
0x13f: {  	[tilespmem:v44+s3+$0x0] =	vst.idx.msk $0xffff, v43  }
0x140: {  	v35 =	vor.u32 $0x100, v33;
	v46 =	vor.u32 v9, v31;
	v36 =	vld.idx.msk [tilespmem:v45+s31+$0x0], $0xffff  }
0x141: {  	v38 =	vor.u32 v41, v35;
	_ =	sdelay $0x3  }
0x142: {  	[tilespmem:v46+s3+$0x0] =	vst.idx.msk $0xffff, v36  }
0x143: {  	v47 =	vor.u32 v10, v31;
	v36 =	vor.u32 $0x180, v33;
	v37 =	vld.idx.msk [tilespmem:v38+s31+$0x0], $0xffff  }
0x144: {  	v39 =	vor.u32 v41, v36;
	_ =	sdelay $0x3  }
0x145: {  	[tilespmem:v47+s3+$0x0] =	vst.idx.msk $0xffff, v37  }
0x146: {  	v48 =	vor.u32 v11, v31;
	v37 =	vor.u32 $0x200, v33;
	v38 =	vld.idx.msk [tilespmem:v39+s31+$0x0], $0xffff  }
0x147: {  	v40 =	vor.u32 v41, v37;
	_ =	sdelay $0x3  }
0x148: {  	[tilespmem:v48+s3+$0x0] =	vst.idx.msk $0xffff, v38  }
0x149: {  	v49 =	vor.u32 v12, v31;
	v38 =	vor.u32 $0x280, v33;
	v39 =	vld.idx.msk [tilespmem:v40+s31+$0x0], $0xffff  }
0x14a: {  	v42 =	vor.u32 v41, v38;
	_ =	sdelay $0x3  }
0x14b: {  	[tilespmem:v49+s3+$0x0] =	vst.idx.msk $0xffff, v39  }
0x14c: {  	v50 =	vor.u32 v13, v31;
	v39 =	vor.u32 $0x300, v33;
	v40 =	vld.idx.msk [tilespmem:v42+s31+$0x0], $0xffff  }
0x14d: {  	v43 =	vor.u32 v41, v39;
	_ =	sdelay $0x3  }
0x14e: {  	[tilespmem:v50+s3+$0x0] =	vst.idx.msk $0xffff, v40  }
0x14f: {  	v51 =	vor.u32 v14, v31;
	v40 =	vor.u32 $0x380, v33;
	v42 =	vld.idx.msk [tilespmem:v43+s31+$0x0], $0xffff  }
0x150: {  	v41 =	vor.u32 v41, v40;
	_ =	sdelay $0x3  }
0x151: {  	[tilespmem:v51+s3+$0x0] =	vst.idx.msk $0xffff, v42  }
0x152: {  	v53 =	vadd.s32 v24, v32;
	v52 =	vor.u32 v15, v31;
	v41 =	vld.idx.msk [tilespmem:v41+s31+$0x0], $0xffff  }
0x153: {  	v44 =	vor.u32 v33, v53;
	_ =	sdelay $0x3  }
0x154: {  	[tilespmem:v52+s3+$0x0] =	vst.idx.msk $0xffff, v41  }
0x155: {  	v54 =	vor.u32 v16, v31;
	v41 =	vld.idx.msk [tilespmem:v44+s31+$0x0], $0xffff  }
0x156: {  	v55 =	vor.u32 v53, v34;
	_ =	sdelay $0x3  }
0x157: {  	[tilespmem:v54+s3+$0x0] =	vst.idx.msk $0xffff, v41  }
0x158: {  	v56 =	vor.u32 v17, v31;
	v41 =	vld.idx.msk [tilespmem:v55+s31+$0x0], $0xffff  }
0x159: {  	v57 =	vor.u32 v53, v35;
	_ =	sdelay $0x3  }
0x15a: {  	[tilespmem:v56+s3+$0x0] =	vst.idx.msk $0xffff, v41  }
0x15b: {  	v58 =	vor.u32 v18, v31;
	v41 =	vld.idx.msk [tilespmem:v57+s31+$0x0], $0xffff  }
0x15c: {  	v59 =	vor.u32 v53, v36;
	_ =	sdelay $0x3  }
0x15d: {  	[tilespmem:v58+s3+$0x0] =	vst.idx.msk $0xffff, v41  }
0x15e: {  	v60 =	vor.u32 v19, v31;
	v41 =	vld.idx.msk [tilespmem:v59+s31+$0x0], $0xffff  }
0x15f: {  	v61 =	vor.u32 v53, v37;
	_ =	sdelay $0x3  }
0x160: {  	[tilespmem:v60+s3+$0x0] =	vst.idx.msk $0xffff, v41  }
0x161: {  	v62 =	vor.u32 v20, v31;
	v41 =	vld.idx.msk [tilespmem:v61+s31+$0x0], $0xffff  }
0x162: {  	v63 =	vor.u32 v53, v38;
	_ =	sdelay $0x3  }
0x163: {  	v48 =	vor.u32 $0xD, v5;
	[tilespmem:v62+s3+$0x0] =	vst.idx.msk $0xffff, v41  }
0x164: {  	v41 =	vor.u32 v48, v31;
	v42 =	vld.idx.msk [tilespmem:v63+s31+$0x0], $0xffff  }
0x165: {  	v49 =	vor.u32 v53, v39;
	_ =	sdelay $0x3  }
0x166: {  	v50 =	vor.u32 $0xE, v5;
	[tilespmem:v41+s3+$0x0] =	vst.idx.msk $0xffff, v42  }
0x167: {  	v41 =	vor.u32 v50, v31;
	v42 =	vld.idx.msk [tilespmem:v49+s31+$0x0], $0xffff  }
0x168: {  	v43 =	vor.u32 v53, v40;
	_ =	sdelay $0x3  }
0x169: {  	v51 =	vor.u32 $0xF, v5;
	[tilespmem:v41+s3+$0x0] =	vst.idx.msk $0xffff, v42  }
0x16a: {  	v52 =	vadd.s32 v25, v32;
	v41 =	vor.u32 v51, v31;
	v42 =	vld.idx.msk [tilespmem:v43+s31+$0x0], $0xffff  }
0x16b: {  	v53 =	vor.u32 v33, v52;
	_ =	sdelay $0x3  }
0x16c: {  	v54 =	vor.u32 $0x10, v5;
	[tilespmem:v41+s3+$0x0] =	vst.idx.msk $0xffff, v42  }
0x16d: {  	v41 =	vor.u32 v54, v31;
	v42 =	vld.idx.msk [tilespmem:v53+s31+$0x0], $0xffff  }
0x16e: {  	v55 =	vor.u32 v52, v34;
	_ =	sdelay $0x3  }
0x16f: {  	v56 =	vor.u32 $0x11, v5;
	[tilespmem:v41+s3+$0x0] =	vst.idx.msk $0xffff, v42  }
0x170: {  	v41 =	vor.u32 v56, v31;
	v42 =	vld.idx.msk [tilespmem:v55+s31+$0x0], $0xffff  }
0x171: {  	v57 =	vor.u32 v52, v35;
	_ =	sdelay $0x3  }
0x172: {  	v58 =	vor.u32 $0x12, v5;
	[tilespmem:v41+s3+$0x0] =	vst.idx.msk $0xffff, v42  }
0x173: {  	v41 =	vor.u32 v58, v31;
	v42 =	vld.idx.msk [tilespmem:v57+s31+$0x0], $0xffff  }
0x174: {  	v59 =	vor.u32 v52, v36;
	_ =	sdelay $0x3  }
0x175: {  	v60 =	vor.u32 $0x13, v5;
	[tilespmem:v41+s3+$0x0] =	vst.idx.msk $0xffff, v42  }
0x176: {  	v41 =	vor.u32 v60, v31;
	v42 =	vld.idx.msk [tilespmem:v59+s31+$0x0], $0xffff  }
0x177: {  	v61 =	vor.u32 v52, v37;
	_ =	sdelay $0x3  }
0x178: {  	v62 =	vor.u32 $0x14, v5;
	[tilespmem:v41+s3+$0x0] =	vst.idx.msk $0xffff, v42  }
0x179: {  	v41 =	vor.u32 v62, v31;
	v42 =	vld.idx.msk [tilespmem:v61+s31+$0x0], $0xffff  }
0x17a: {  	v63 =	vor.u32 v52, v38;
	_ =	sdelay $0x3  }
0x17b: {  	v48 =	vor.u32 $0x15, v5;
	[tilespmem:v41+s3+$0x0] =	vst.idx.msk $0xffff, v42  }
0x17c: {  	v41 =	vor.u32 v48, v31;
	v42 =	vld.idx.msk [tilespmem:v63+s31+$0x0], $0xffff  }
0x17d: {  	v49 =	vor.u32 v52, v39;
	_ =	sdelay $0x3  }
0x17e: {  	v50 =	vor.u32 $0x16, v5;
	[tilespmem:v41+s3+$0x0] =	vst.idx.msk $0xffff, v42  }
0x17f: {  	v41 =	vor.u32 v50, v31;
	v42 =	vld.idx.msk [tilespmem:v49+s31+$0x0], $0xffff  }
0x180: {  	v43 =	vor.u32 v52, v40;
	_ =	sdelay $0x3  }
0x181: {  	v51 =	vor.u32 $0x17, v5;
	[tilespmem:v41+s3+$0x0] =	vst.idx.msk $0xffff, v42  }
0x182: {  	v52 =	vadd.s32 v26, v32;
	v41 =	vor.u32 v51, v31;
	v42 =	vld.idx.msk [tilespmem:v43+s31+$0x0], $0xffff  }
0x183: {  	v53 =	vor.u32 v33, v52;
	_ =	sdelay $0x3  }
0x184: {  	v54 =	vor.u32 $0x18, v5;
	[tilespmem:v41+s3+$0x0] =	vst.idx.msk $0xffff, v42  }
0x185: {  	v41 =	vor.u32 v54, v31;
	v42 =	vld.idx.msk [tilespmem:v53+s31+$0x0], $0xffff  }
0x186: {  	v55 =	vor.u32 v52, v34;
	_ =	sdelay $0x3  }
0x187: {  	v56 =	vor.u32 $0x19, v5;
	[tilespmem:v41+s3+$0x0] =	vst.idx.msk $0xffff, v42  }
0x188: {  	v41 =	vor.u32 v56, v31;
	v42 =	vld.idx.msk [tilespmem:v55+s31+$0x0], $0xffff  }
0x189: {  	v57 =	vor.u32 v52, v35;
	_ =	sdelay $0x3  }
0x18a: {  	v58 =	vor.u32 $0x1A, v5;
	[tilespmem:v41+s3+$0x0] =	vst.idx.msk $0xffff, v42  }
0x18b: {  	v41 =	vor.u32 v58, v31;
	v42 =	vld.idx.msk [tilespmem:v57+s31+$0x0], $0xffff  }
0x18c: {  	v59 =	vor.u32 v52, v36;
	_ =	sdelay $0x3  }
0x18d: {  	v60 =	vor.u32 $0x1B, v5;
	[tilespmem:v41+s3+$0x0] =	vst.idx.msk $0xffff, v42  }
0x18e: {  	v41 =	vor.u32 v60, v31;
	v42 =	vld.idx.msk [tilespmem:v59+s31+$0x0], $0xffff  }
0x18f: {  	v61 =	vor.u32 v52, v37;
	_ =	sdelay $0x3  }
0x190: {  	v62 =	vor.u32 $0x1C, v5;
	[tilespmem:v41+s3+$0x0] =	vst.idx.msk $0xffff, v42  }
0x191: {  	v41 =	vor.u32 v62, v31;
	v42 =	vld.idx.msk [tilespmem:v61+s31+$0x0], $0xffff  }
0x192: {  	v63 =	vor.u32 v52, v38;
	_ =	sdelay $0x3  }
0x193: {  	v48 =	vor.u32 $0x1D, v5;
	[tilespmem:v41+s3+$0x0] =	vst.idx.msk $0xffff, v42  }
0x194: {  	v41 =	vor.u32 v48, v31;
	v42 =	vld.idx.msk [tilespmem:v63+s31+$0x0], $0xffff  }
0x195: {  	v49 =	vor.u32 v52, v39;
	_ =	sdelay $0x3  }
0x196: {  	v50 =	vor.u32 $0x1E, v5;
	[tilespmem:v41+s3+$0x0] =	vst.idx.msk $0xffff, v42  }
0x197: {  	v41 =	vor.u32 v50, v31;
	v42 =	vld.idx.msk [tilespmem:v49+s31+$0x0], $0xffff  }
0x198: {  	v43 =	vor.u32 v52, v40;
	_ =	sdelay $0x3  }
0x199: {  	v51 =	vor.u32 $0x1F, v5;
	[tilespmem:v41+s3+$0x0] =	vst.idx.msk $0xffff, v42  }
0x19a: {  	v52 =	vadd.s32 v27, v32;
	v41 =	vor.u32 v51, v31;
	v42 =	vld.idx.msk [tilespmem:v43+s31+$0x0], $0xffff  }
0x19b: {  	v53 =	vor.u32 v33, v52;
	_ =	sdelay $0x3  }
0x19c: {  	v54 =	vor.u32 $0x20, v5;
	[tilespmem:v41+s3+$0x0] =	vst.idx.msk $0xffff, v42  }
0x19d: {  	v41 =	vor.u32 v54, v31;
	v42 =	vld.idx.msk [tilespmem:v53+s31+$0x0], $0xffff  }
0x19e: {  	v55 =	vor.u32 v52, v34;
	_ =	sdelay $0x3  }
0x19f: {  	v56 =	vor.u32 $0x21, v5;
	[tilespmem:v41+s3+$0x0] =	vst.idx.msk $0xffff, v42  }
0x1a0: {  	v41 =	vor.u32 v56, v31;
	v42 =	vld.idx.msk [tilespmem:v55+s31+$0x0], $0xffff  }
0x1a1: {  	v57 =	vor.u32 v52, v35;
	_ =	sdelay $0x3  }
0x1a2: {  	v58 =	vor.u32 $0x22, v5;
	[tilespmem:v41+s3+$0x0] =	vst.idx.msk $0xffff, v42  }
0x1a3: {  	v41 =	vor.u32 v58, v31;
	v42 =	vld.idx.msk [tilespmem:v57+s31+$0x0], $0xffff  }
0x1a4: {  	v59 =	vor.u32 v52, v36;
	_ =	sdelay $0x3  }
0x1a5: {  	v60 =	vor.u32 $0x23, v5;
	[tilespmem:v41+s3+$0x0] =	vst.idx.msk $0xffff, v42  }
0x1a6: {  	v41 =	vor.u32 v60, v31;
	v42 =	vld.idx.msk [tilespmem:v59+s31+$0x0], $0xffff  }
0x1a7: {  	v61 =	vor.u32 v52, v37;
	_ =	sdelay $0x3  }
0x1a8: {  	v62 =	vor.u32 $0x24, v5;
	[tilespmem:v41+s3+$0x0] =	vst.idx.msk $0xffff, v42  }
0x1a9: {  	v41 =	vor.u32 v62, v31;
	v42 =	vld.idx.msk [tilespmem:v61+s31+$0x0], $0xffff  }
0x1aa: {  	v63 =	vor.u32 v52, v38;
	_ =	sdelay $0x3  }
0x1ab: {  	v48 =	vor.u32 $0x25, v5;
	[tilespmem:v41+s3+$0x0] =	vst.idx.msk $0xffff, v42  }
0x1ac: {  	v41 =	vor.u32 v48, v31;
	v42 =	vld.idx.msk [tilespmem:v63+s31+$0x0], $0xffff  }
0x1ad: {  	v49 =	vor.u32 v52, v39;
	_ =	sdelay $0x3  }
0x1ae: {  	v50 =	vor.u32 $0x26, v5;
	[tilespmem:v41+s3+$0x0] =	vst.idx.msk $0xffff, v42  }
0x1af: {  	v41 =	vor.u32 v50, v31;
	v42 =	vld.idx.msk [tilespmem:v49+s31+$0x0], $0xffff  }
0x1b0: {  	v43 =	vor.u32 v52, v40;
	_ =	sdelay $0x3  }
0x1b1: {  	v51 =	vor.u32 $0x27, v5;
	[tilespmem:v41+s3+$0x0] =	vst.idx.msk $0xffff, v42  }
0x1b2: {  	v52 =	vadd.s32 v28, v32;
	v41 =	vor.u32 v51, v31;
	v42 =	vld.idx.msk [tilespmem:v43+s31+$0x0], $0xffff  }
0x1b3: {  	v53 =	vor.u32 v33, v52;
	_ =	sdelay $0x3  }
0x1b4: {  	v54 =	vor.u32 $0x28, v5;
	[tilespmem:v41+s3+$0x0] =	vst.idx.msk $0xffff, v42  }
0x1b5: {  	v41 =	vor.u32 v54, v31;
	v42 =	vld.idx.msk [tilespmem:v53+s31+$0x0], $0xffff  }
0x1b6: {  	v55 =	vor.u32 v52, v34;
	_ =	sdelay $0x3  }
0x1b7: {  	v56 =	vor.u32 $0x29, v5;
	[tilespmem:v41+s3+$0x0] =	vst.idx.msk $0xffff, v42  }
0x1b8: {  	v41 =	vor.u32 v56, v31;
	v42 =	vld.idx.msk [tilespmem:v55+s31+$0x0], $0xffff  }
0x1b9: {  	v57 =	vor.u32 v52, v35;
	_ =	sdelay $0x3  }
0x1ba: {  	v58 =	vor.u32 $0x2A, v5;
	[tilespmem:v41+s3+$0x0] =	vst.idx.msk $0xffff, v42  }
0x1bb: {  	v41 =	vor.u32 v58, v31;
	v42 =	vld.idx.msk [tilespmem:v57+s31+$0x0], $0xffff  }
0x1bc: {  	v59 =	vor.u32 v52, v36;
	_ =	sdelay $0x3  }
0x1bd: {  	v60 =	vor.u32 $0x2B, v5;
	[tilespmem:v41+s3+$0x0] =	vst.idx.msk $0xffff, v42  }
0x1be: {  	v41 =	vor.u32 v60, v31;
	v42 =	vld.idx.msk [tilespmem:v59+s31+$0x0], $0xffff  }
0x1bf: {  	v61 =	vor.u32 v52, v37;
	_ =	sdelay $0x3  }
0x1c0: {  	v62 =	vor.u32 $0x2C, v5;
	[tilespmem:v41+s3+$0x0] =	vst.idx.msk $0xffff, v42  }
0x1c1: {  	v41 =	vor.u32 v62, v31;
	v42 =	vld.idx.msk [tilespmem:v61+s31+$0x0], $0xffff  }
0x1c2: {  	v63 =	vor.u32 v52, v38;
	_ =	sdelay $0x3  }
0x1c3: {  	v48 =	vor.u32 $0x2D, v5;
	[tilespmem:v41+s3+$0x0] =	vst.idx.msk $0xffff, v42  }
0x1c4: {  	v41 =	vor.u32 v48, v31;
	v42 =	vld.idx.msk [tilespmem:v63+s31+$0x0], $0xffff  }
0x1c5: {  	v49 =	vor.u32 v52, v39;
	_ =	sdelay $0x3  }
0x1c6: {  	v50 =	vor.u32 $0x2E, v5;
	[tilespmem:v41+s3+$0x0] =	vst.idx.msk $0xffff, v42  }
0x1c7: {  	v41 =	vor.u32 v50, v31;
	v42 =	vld.idx.msk [tilespmem:v49+s31+$0x0], $0xffff  }
0x1c8: {  	v43 =	vor.u32 v52, v40;
	_ =	sdelay $0x3  }
0x1c9: {  	v51 =	vor.u32 $0x2F, v5;
	[tilespmem:v41+s3+$0x0] =	vst.idx.msk $0xffff, v42  }
0x1ca: {  	v52 =	vadd.s32 v29, v32;
	v41 =	vor.u32 v51, v31;
	v42 =	vld.idx.msk [tilespmem:v43+s31+$0x0], $0xffff  }
0x1cb: {  	v53 =	vor.u32 v33, v52;
	_ =	sdelay $0x3  }
0x1cc: {  	v54 =	vor.u32 $0x30, v5;
	[tilespmem:v41+s3+$0x0] =	vst.idx.msk $0xffff, v42  }
0x1cd: {  	v41 =	vor.u32 v54, v31;
	v42 =	vld.idx.msk [tilespmem:v53+s31+$0x0], $0xffff  }
0x1ce: {  	v55 =	vor.u32 v52, v34;
	_ =	sdelay $0x3  }
0x1cf: {  	v56 =	vor.u32 $0x31, v5;
	[tilespmem:v41+s3+$0x0] =	vst.idx.msk $0xffff, v42  }
0x1d0: {  	v41 =	vor.u32 v56, v31;
	v42 =	vld.idx.msk [tilespmem:v55+s31+$0x0], $0xffff  }
0x1d1: {  	v57 =	vor.u32 v52, v35;
	_ =	sdelay $0x3  }
0x1d2: {  	v58 =	vor.u32 $0x32, v5;
	[tilespmem:v41+s3+$0x0] =	vst.idx.msk $0xffff, v42  }
0x1d3: {  	v41 =	vor.u32 v58, v31;
	v42 =	vld.idx.msk [tilespmem:v57+s31+$0x0], $0xffff  }
0x1d4: {  	v59 =	vor.u32 v52, v36;
	_ =	sdelay $0x3  }
0x1d5: {  	v60 =	vor.u32 $0x33, v5;
	[tilespmem:v41+s3+$0x0] =	vst.idx.msk $0xffff, v42  }
0x1d6: {  	v41 =	vor.u32 v60, v31;
	v42 =	vld.idx.msk [tilespmem:v59+s31+$0x0], $0xffff  }
0x1d7: {  	v61 =	vor.u32 v52, v37;
	_ =	sdelay $0x3  }
0x1d8: {  	v62 =	vor.u32 $0x34, v5;
	[tilespmem:v41+s3+$0x0] =	vst.idx.msk $0xffff, v42  }
0x1d9: {  	v41 =	vor.u32 v62, v31;
	v42 =	vld.idx.msk [tilespmem:v61+s31+$0x0], $0xffff  }
0x1da: {  	v63 =	vor.u32 v52, v38;
	_ =	sdelay $0x3  }
0x1db: {  	v48 =	vor.u32 $0x35, v5;
	[tilespmem:v41+s3+$0x0] =	vst.idx.msk $0xffff, v42  }
0x1dc: {  	v41 =	vor.u32 v48, v31;
	v42 =	vld.idx.msk [tilespmem:v63+s31+$0x0], $0xffff  }
0x1dd: {  	v49 =	vor.u32 v52, v39;
	_ =	sdelay $0x3  }
0x1de: {  	v50 =	vor.u32 $0x36, v5;
	[tilespmem:v41+s3+$0x0] =	vst.idx.msk $0xffff, v42  }
0x1df: {  	v41 =	vor.u32 v50, v31;
	v42 =	vld.idx.msk [tilespmem:v49+s31+$0x0], $0xffff  }
0x1e0: {  	v43 =	vor.u32 v52, v40;
	_ =	sdelay $0x3  }
0x1e1: {  	v51 =	vor.u32 $0x37, v5;
	[tilespmem:v41+s3+$0x0] =	vst.idx.msk $0xffff, v42  }
0x1e2: {  	v32 =	vadd.s32 v30, v32;
	v41 =	vor.u32 v51, v31;
	v42 =	vld.idx.msk [tilespmem:v43+s31+$0x0], $0xffff  }
0x1e3: {  	v33 =	vor.u32 v33, v32;
	_ =	sdelay $0x3  }
0x1e4: {  	v52 =	vor.u32 $0x38, v5;
	[tilespmem:v41+s3+$0x0] =	vst.idx.msk $0xffff, v42  }
0x1e5: {  	v41 =	vor.u32 v52, v31;
	v33 =	vld.idx.msk [tilespmem:v33+s31+$0x0], $0xffff  }
0x1e6: {  	v34 =	vor.u32 v32, v34;
	_ =	sdelay $0x3  }
0x1e7: {  	v53 =	vor.u32 $0x39, v5;
	[tilespmem:v41+s3+$0x0] =	vst.idx.msk $0xffff, v33  }
0x1e8: {  	v33 =	vor.u32 v53, v31;
	v34 =	vld.idx.msk [tilespmem:v34+s31+$0x0], $0xffff  }
0x1e9: {  	v35 =	vor.u32 v32, v35;
	_ =	sdelay $0x3  }
0x1ea: {  	v54 =	vor.u32 $0x3A, v5;
	[tilespmem:v33+s3+$0x0] =	vst.idx.msk $0xffff, v34  }
0x1eb: {  	v33 =	vor.u32 v54, v31;
	v34 =	vld.idx.msk [tilespmem:v35+s31+$0x0], $0xffff  }
0x1ec: {  	v55 =	vor.u32 v32, v36;
	_ =	sdelay $0x3  }
0x1ed: {  	v56 =	vor.u32 $0x3B, v5;
	[tilespmem:v33+s3+$0x0] =	vst.idx.msk $0xffff, v34  }
0x1ee: {  	v33 =	vor.u32 v56, v31;
	v34 =	vld.idx.msk [tilespmem:v55+s31+$0x0], $0xffff  }
0x1ef: {  	v57 =	vor.u32 v32, v37;
	_ =	sdelay $0x3  }
0x1f0: {  	v58 =	vor.u32 $0x3C, v5;
	[tilespmem:v33+s3+$0x0] =	vst.idx.msk $0xffff, v34  }
0x1f1: {  	v33 =	vor.u32 v58, v31;
	v34 =	vld.idx.msk [tilespmem:v57+s31+$0x0], $0xffff  }
0x1f2: {  	v59 =	vor.u32 v32, v38;
	_ =	sdelay $0x3  }
0x1f3: {  	v60 =	vor.u32 $0x3D, v5;
	[tilespmem:v33+s3+$0x0] =	vst.idx.msk $0xffff, v34  }
0x1f4: {  	v33 =	vor.u32 v60, v31;
	v34 =	vld.idx.msk [tilespmem:v59+s31+$0x0], $0xffff  }
0x1f5: {  	v61 =	vor.u32 v32, v39;
	_ =	sdelay $0x3  }
0x1f6: {  	v62 =	vor.u32 $0x3E, v5;
	[tilespmem:v33+s3+$0x0] =	vst.idx.msk $0xffff, v34  }
0x1f7: {  	v33 =	vor.u32 v62, v31;
	v34 =	vld.idx.msk [tilespmem:v61+s31+$0x0], $0xffff  }
0x1f8: {  	v32 =	vor.u32 v32, v40;
	_ =	sdelay $0x3  }
0x1f9: {  	v63 =	vor.u32 $0x3F, v5;
	[tilespmem:v33+s3+$0x0] =	vst.idx.msk $0xffff, v34  }
0x1fa: {  	s13 =	sadd.s32 $0xFFFFFFFF, s13;
	v31 =	vor.u32 v63, v31;
	v32 =	vld.idx.msk [tilespmem:v32+s31+$0x0], $0xffff  }
0x1fb: {  	p1 =	sne.s32 s13, $0x0  }
.Ltmp9:
0x1fc: {  	_ = 	snop;
	(pc) =	sbr.rel @p1 .LBB2_12-.Ltmp9, $4  }
0x1fd: {  	s2 =	sadd.s32 $0x1, s2;
	s15 =	sadd.s32 $0x10, s15;
	s16 =	sadd.s32 $0x10, s16  }
0x1fe: {  	s17 =	sadd.s32 $0x10, s17;
	s20 =	sshll.u32 s18, $0x7;
	s19 =	sshll.u32 s18, $0xB  }
0x1ff: {  	s20 =	sor.u32 $0x1E800, s20;
	s18 =	sadd.s32 $0x3, s18;
	s19 =	sadd.s32 $0x1E900, s19;
	[tilespmem:v31+s3+$0x0] =	vst.idx.msk $0xffff, v32  }
0x200: {  	[hbm4b:s7+s0] =	stream.indirect.scatter [tilespmem:s19], [sflag:s18], $0x80, s20, s0, $0xb8;
	[tilespmem:$0x1F900] =	vst v63  }
.Ltmp10:
0x201: {  	_ = 	snop;
	(pc) =	sbr.rel .LBB2_13-.Ltmp10, $1  }
0x202: {  	_ =	sdelay $0x3  }
.LBB2_14:
0x203: {  	s9 =	simm.s32 @!p0 $0x0;
	s12 =	simm.s32 @!p0 $0x16800;
	s13 =	rddreg [dreg:$0x1]  }
0x204: {  	[tilespmem:s12], [sflag:$0x5] =	stream.linear.gather @!p0 [hbm4b:s13+s9], $0x400, $0x38;
	[tilespmem:$0x1F900] =	vst v63  }
0x205: {  	s12 =	simm.s32 @!p0 $0x17800;
	s13 =	rddreg [dreg:$0xd]  }
0x206: {  	[tilespmem:s12], [sflag:$0x5] =	stream.linear.gather @!p0 [hbm4b:s13+s9], $0x400, $0x38;
	[tilespmem:$0x1F900] =	vst v63  }
0x207: {  	s12 =	simm.s32 @!p0 $0x18800;
	s13 =	rddreg [dreg:$0xe]  }
0x208: {  	[tilespmem:s12], [sflag:$0x5] =	stream.linear.gather @!p0 [hbm4b:s13+s9], $0x400, $0x38;
	[tilespmem:$0x1F900] =	vst v63  }
0x209: {  	s12 =	simm.s32 @!p0 $0x19800;
	s13 =	rddreg [dreg:$0xf]  }
0x20a: {  	[tilespmem:s12], [sflag:$0x5] =	stream.linear.gather @!p0 [hbm4b:s13+s9], $0x400, $0x38;
	[tilespmem:$0x1F900] =	vst v63  }
0x20b: {  	s12 =	simm.s32 @!p0 $0x1A800  }
0x20c: {  	[tilespmem:s12], [sflag:$0x5] =	stream.linear.gather @!p0 [hbm4b:s21+s9], $0x400, $0x38;
	[tilespmem:$0x1F900] =	vst v63  }
0x20d: {  	s12 =	simm.s32 @!p0 $0x1B800  }
0x20e: {  	[tilespmem:s12], [sflag:$0x5] =	stream.linear.gather @!p0 [hbm4b:s22+s9], $0x400, $0x38;
	[tilespmem:$0x1F900] =	vst v63  }
0x20f: {  	s12 =	simm.s32 @!p0 $0x1C800  }
0x210: {  	[tilespmem:s12], [sflag:$0x5] =	stream.linear.gather @!p0 [hbm4b:s23+s9], $0x400, $0x38;
	[tilespmem:$0x1F900] =	vst v63  }
0x211: {  	s12 =	simm.s32 @!p0 $0x1D800  }
0x212: {  	[tilespmem:s12], [sflag:$0x5] =	stream.linear.gather @!p0 [hbm4b:s24+s9], $0x400, $0x38;
	[tilespmem:$0x1F900] =	vst v63  }
0x213: {  	s9 =	simm.s32 @!p0 $0x5  }
0x214: {  	_ =	swait.ge @!p0 [sflag:s9], $0x2000  }
0x215: {  	[sflag:s9] =	ssyncset.done @!p0 $0x0  }
0x216: {  	[sflag:s9] =	ssyncadd.s32 @!p0 $0xFFFFE000  }
0x217: {  	v21 =	vld @!p0 [tilespmem:$0xD740]  }
0x218: {  	v22 =	vld @!p0 [tilespmem:$0xD750]  }
0x219: {  	v23 =	vld @!p0 [tilespmem:$0xD760]  }
0x21a: {  	v24 =	vld @!p0 [tilespmem:$0xD770];
	_ =	sdelay $0x1  }
0x21b: {  	(xrf0) =	vadd.scan.msk.s32 @!p0 $0xffff, v21  }
0x21c: {  	(xrf0) =	vadd.scan.msk.s32 @!p0 $0xffff, v22  }
0x21d: {  	(xrf0) =	vadd.scan.msk.s32 @!p0 $0xffff, v23  }
0x21e: {  	(xrf0) =	vadd.scan.msk.s32 @!p0 $0xffff, v24;
	_ =	sdelay $0x2  }
0x21f: {  	v21, _, _ =	vpop @!p0 (xrf0)  }
0x220: {  	v22, _, _ =	vpop @!p0 (xrf0);
	(v2sf) =	vpush @!p0 v21, $0xF  }
0x221: {  	v21, _, _ =	vpop @!p0 (xrf0);
	(v2sf) =	vpush @!p0 v22, $0xF  }
0x222: {  	(v2sf) =	vpush @!p0 v21, $0xF;
	v21, _, _ =	vpop @!p0 (xrf0)  }
0x223: {  	(v2sf) =	vpush @!p0 v21, $0xF;
	_ =	sdelay $0xb  }
0x224: {  	s9 =	spop @!p0 (v2sf)  }
0x225: {  	s12 =	spop @!p0 (v2sf)  }
0x226: {  	s9 =	sadd.s32 @!p0 s9, s12;
	s12 =	spop @!p0 (v2sf)  }
0x227: {  	s9 =	sadd.s32 @!p0 s12, s9;
	s12 =	spop @!p0 (v2sf)  }
0x228: {  	s12 =	sadd.s32 @!p0 s12, s9  }
0x229: {  	s9 =	sadd.s32 @!p0 $0xF, s12  }
0x22a: {  	s9 =	sshra.s32 @!p0 s9, $0x4  }
0x22b: {  	p1 =	slt.s32 @!p0 s9, $0x1  }
0x22c: {  	p1 =	por p0, p1  }
.Ltmp11:
0x22d: {  	_ = 	snop;
	(pc) =	sbr.rel @p1 .LBB2_15-.Ltmp11, $1  }
0x22e: {  	_ =	sdelay $0x3  }
0x22f: {  	s10 =	sshll.u32 s10, $0x2  }
0x230: {  	s10 =	sadd.s32 $0x3C, s10  }
0x231: {  	s11 =	sshll.u32 s11, $0x2;
	s10 =	sand.u32 $0xFFFFFFC0, s10  }
0x232: {  	s10 =	sadd.s32 s11, s10  }
0x233: {  	s11 =	sshra.s32 s10, $0x2  }
0x234: {  	v21 =	vmov s12;
	s12 =	simm.s32 $0x0;
	s10 =	sadd.s32 $0x4000, s11;
	s11 =	sadd.s32 $0x8400, s11  }
.LBB2_17:
0x235: {  	v22 =	vld [tilespmem:s10+$0x0];
	_ =	sdelay $0x3  }
0x236: {  	v23 =	vor.u32 s12, v2  }
0x237: {  	vm0 =	vlt.s32 v23, v21;
	v22 =	vadd.s32 $0xFFF0BE00, v22  }
0x238: {  	s13 =	sand.u32 $0x1, s2;
	v22 =	vnsel vm0, $0x0, v22  }
0x239: {  	v25 =	vmov s13;
	v23 =	vshll.u32 v22, $0x3  }
0x23a: {  	v26 =	vld [tilespmem:s11+$0x0];
	v27 =	vor.u32 $0x40, v2;
	v24 =	vshll.u32 v25, $0x7;
	v23 =	vand.u32 $0xFFFFFC00, v23  }
0x23b: {  	p1 =	slt.s32 s2, $0x2;
	v28 =	vor.u32 v2, v24;
	v24 =	vand.u32 $0x7F, v22;
	v32 =	vadd.s32 $0x8000, v23  }
0x23c: {  	s15 =	sadd.s32 @!p1 $0x3, s13;
	v22 =	vadd.s32 s12, v27;
	v61 =	vor.u32 v24, v32  }
0x23d: {  	_ =	swait.ge @!p1 [sflag:s15], $0x800;
	v22 =	vand.u32 $0x7FF, v22  }
0x23e: {  	[sflag:s15] =	ssyncset.done @!p1 $0x0;
	v22 =	vor.u32 $0x4000, v22  }
0x23f: {  	[sflag:s15] =	ssyncadd.s32 @!p1 $0xFFFFF800;
	v22 =	vsel vm0, v26, v22  }
0x240: {  	[tilespmem:v28+s5+$0x0] =	vst.idx.msk $0xffff, v22;
	v22 =	vshll.u32 v25, $0xB  }
0x241: {  	v25 =	vor.u32 $0x80, v24;
	v63 =	vor.u32 v5, v22;
	v62 =	vld.idx.msk [tilespmem:v61+s31+$0x0], $0xffff  }
0x242: {  	v33 =	vor.u32 v32, v25;
	_ =	sdelay $0x3  }
0x243: {  	[tilespmem:v63+s3+$0x0] =	vst.idx.msk $0xffff, v62  }
0x244: {  	v26 =	vor.u32 $0x100, v24;
	v34 =	vor.u32 v9, v22;
	v27 =	vld.idx.msk [tilespmem:v33+s31+$0x0], $0xffff  }
0x245: {  	v29 =	vor.u32 v32, v26;
	_ =	sdelay $0x3  }
0x246: {  	[tilespmem:v34+s3+$0x0] =	vst.idx.msk $0xffff, v27  }
0x247: {  	v35 =	vor.u32 v10, v22;
	v27 =	vor.u32 $0x180, v24;
	v28 =	vld.idx.msk [tilespmem:v29+s31+$0x0], $0xffff  }
0x248: {  	v30 =	vor.u32 v32, v27;
	_ =	sdelay $0x3  }
0x249: {  	[tilespmem:v35+s3+$0x0] =	vst.idx.msk $0xffff, v28  }
0x24a: {  	v36 =	vor.u32 v11, v22;
	v28 =	vor.u32 $0x200, v24;
	v29 =	vld.idx.msk [tilespmem:v30+s31+$0x0], $0xffff  }
0x24b: {  	v31 =	vor.u32 v32, v28;
	_ =	sdelay $0x3  }
0x24c: {  	[tilespmem:v36+s3+$0x0] =	vst.idx.msk $0xffff, v29  }
0x24d: {  	v37 =	vor.u32 v12, v22;
	v29 =	vor.u32 $0x280, v24;
	v30 =	vld.idx.msk [tilespmem:v31+s31+$0x0], $0xffff  }
0x24e: {  	v33 =	vor.u32 v32, v29;
	_ =	sdelay $0x3  }
0x24f: {  	[tilespmem:v37+s3+$0x0] =	vst.idx.msk $0xffff, v30  }
0x250: {  	v38 =	vor.u32 v13, v22;
	v30 =	vor.u32 $0x300, v24;
	v31 =	vld.idx.msk [tilespmem:v33+s31+$0x0], $0xffff  }
0x251: {  	v34 =	vor.u32 v32, v30;
	_ =	sdelay $0x3  }
0x252: {  	[tilespmem:v38+s3+$0x0] =	vst.idx.msk $0xffff, v31  }
0x253: {  	v39 =	vor.u32 v14, v22;
	v31 =	vor.u32 $0x380, v24;
	v33 =	vld.idx.msk [tilespmem:v34+s31+$0x0], $0xffff  }
0x254: {  	v32 =	vor.u32 v32, v31;
	_ =	sdelay $0x3  }
0x255: {  	[tilespmem:v39+s3+$0x0] =	vst.idx.msk $0xffff, v33  }
0x256: {  	v41 =	vadd.s32 $0x9000, v23;
	v40 =	vor.u32 v15, v22;
	v32 =	vld.idx.msk [tilespmem:v32+s31+$0x0], $0xffff  }
0x257: {  	v35 =	vor.u32 v24, v41;
	_ =	sdelay $0x3  }
0x258: {  	[tilespmem:v40+s3+$0x0] =	vst.idx.msk $0xffff, v32  }
0x259: {  	v42 =	vor.u32 v16, v22;
	v32 =	vld.idx.msk [tilespmem:v35+s31+$0x0], $0xffff  }
0x25a: {  	v43 =	vor.u32 v41, v25;
	_ =	sdelay $0x3  }
0x25b: {  	[tilespmem:v42+s3+$0x0] =	vst.idx.msk $0xffff, v32  }
0x25c: {  	v44 =	vor.u32 v17, v22;
	v32 =	vld.idx.msk [tilespmem:v43+s31+$0x0], $0xffff  }
0x25d: {  	v45 =	vor.u32 v41, v26;
	_ =	sdelay $0x3  }
0x25e: {  	[tilespmem:v44+s3+$0x0] =	vst.idx.msk $0xffff, v32  }
0x25f: {  	v46 =	vor.u32 v18, v22;
	v32 =	vld.idx.msk [tilespmem:v45+s31+$0x0], $0xffff  }
0x260: {  	v47 =	vor.u32 v41, v27;
	_ =	sdelay $0x3  }
0x261: {  	[tilespmem:v46+s3+$0x0] =	vst.idx.msk $0xffff, v32  }
0x262: {  	v48 =	vor.u32 v19, v22;
	v32 =	vld.idx.msk [tilespmem:v47+s31+$0x0], $0xffff  }
0x263: {  	v49 =	vor.u32 v41, v28;
	_ =	sdelay $0x3  }
0x264: {  	[tilespmem:v48+s3+$0x0] =	vst.idx.msk $0xffff, v32  }
0x265: {  	v50 =	vor.u32 v20, v22;
	v32 =	vld.idx.msk [tilespmem:v49+s31+$0x0], $0xffff  }
0x266: {  	v51 =	vor.u32 v41, v29;
	_ =	sdelay $0x3  }
0x267: {  	v52 =	vor.u32 $0xD, v5;
	[tilespmem:v50+s3+$0x0] =	vst.idx.msk $0xffff, v32  }
0x268: {  	v32 =	vor.u32 v52, v22;
	v33 =	vld.idx.msk [tilespmem:v51+s31+$0x0], $0xffff  }
0x269: {  	v53 =	vor.u32 v41, v30;
	_ =	sdelay $0x3  }
0x26a: {  	v54 =	vor.u32 $0xE, v5;
	[tilespmem:v32+s3+$0x0] =	vst.idx.msk $0xffff, v33  }
0x26b: {  	v32 =	vor.u32 v54, v22;
	v33 =	vld.idx.msk [tilespmem:v53+s31+$0x0], $0xffff  }
0x26c: {  	v34 =	vor.u32 v41, v31;
	_ =	sdelay $0x3  }
0x26d: {  	v55 =	vor.u32 $0xF, v5;
	[tilespmem:v32+s3+$0x0] =	vst.idx.msk $0xffff, v33  }
0x26e: {  	v56 =	vadd.s32 $0xA000, v23;
	v32 =	vor.u32 v55, v22;
	v33 =	vld.idx.msk [tilespmem:v34+s31+$0x0], $0xffff  }
0x26f: {  	v57 =	vor.u32 v24, v56;
	_ =	sdelay $0x3  }
0x270: {  	v58 =	vor.u32 $0x10, v5;
	[tilespmem:v32+s3+$0x0] =	vst.idx.msk $0xffff, v33  }
0x271: {  	v32 =	vor.u32 v58, v22;
	v33 =	vld.idx.msk [tilespmem:v57+s31+$0x0], $0xffff  }
0x272: {  	v59 =	vor.u32 v56, v25;
	_ =	sdelay $0x3  }
0x273: {  	v60 =	vor.u32 $0x11, v5;
	[tilespmem:v32+s3+$0x0] =	vst.idx.msk $0xffff, v33  }
0x274: {  	v32 =	vor.u32 v60, v22;
	v33 =	vld.idx.msk [tilespmem:v59+s31+$0x0], $0xffff  }
0x275: {  	v61 =	vor.u32 v56, v26;
	_ =	sdelay $0x3  }
0x276: {  	v62 =	vor.u32 $0x12, v5;
	[tilespmem:v32+s3+$0x0] =	vst.idx.msk $0xffff, v33  }
0x277: {  	v32 =	vor.u32 v62, v22;
	v33 =	vld.idx.msk [tilespmem:v61+s31+$0x0], $0xffff  }
0x278: {  	v63 =	vor.u32 v56, v27;
	_ =	sdelay $0x3  }
0x279: {  	v36 =	vor.u32 $0x13, v5;
	[tilespmem:v32+s3+$0x0] =	vst.idx.msk $0xffff, v33  }
0x27a: {  	v32 =	vor.u32 v36, v22;
	v33 =	vld.idx.msk [tilespmem:v63+s31+$0x0], $0xffff  }
0x27b: {  	v37 =	vor.u32 v56, v28;
	_ =	sdelay $0x3  }
0x27c: {  	v38 =	vor.u32 $0x14, v5;
	[tilespmem:v32+s3+$0x0] =	vst.idx.msk $0xffff, v33  }
0x27d: {  	v32 =	vor.u32 v38, v22;
	v33 =	vld.idx.msk [tilespmem:v37+s31+$0x0], $0xffff  }
0x27e: {  	v39 =	vor.u32 v56, v29;
	_ =	sdelay $0x3  }
0x27f: {  	v40 =	vor.u32 $0x15, v5;
	[tilespmem:v32+s3+$0x0] =	vst.idx.msk $0xffff, v33  }
0x280: {  	v32 =	vor.u32 v40, v22;
	v33 =	vld.idx.msk [tilespmem:v39+s31+$0x0], $0xffff  }
0x281: {  	v41 =	vor.u32 v56, v30;
	_ =	sdelay $0x3  }
0x282: {  	v42 =	vor.u32 $0x16, v5;
	[tilespmem:v32+s3+$0x0] =	vst.idx.msk $0xffff, v33  }
0x283: {  	v32 =	vor.u32 v42, v22;
	v33 =	vld.idx.msk [tilespmem:v41+s31+$0x0], $0xffff  }
0x284: {  	v34 =	vor.u32 v56, v31;
	_ =	sdelay $0x3  }
0x285: {  	v43 =	vor.u32 $0x17, v5;
	[tilespmem:v32+s3+$0x0] =	vst.idx.msk $0xffff, v33  }
0x286: {  	v44 =	vadd.s32 $0xB000, v23;
	v32 =	vor.u32 v43, v22;
	v33 =	vld.idx.msk [tilespmem:v34+s31+$0x0], $0xffff  }
0x287: {  	v45 =	vor.u32 v24, v44;
	_ =	sdelay $0x3  }
0x288: {  	v46 =	vor.u32 $0x18, v5;
	[tilespmem:v32+s3+$0x0] =	vst.idx.msk $0xffff, v33  }
0x289: {  	v32 =	vor.u32 v46, v22;
	v33 =	vld.idx.msk [tilespmem:v45+s31+$0x0], $0xffff  }
0x28a: {  	v47 =	vor.u32 v44, v25;
	_ =	sdelay $0x3  }
0x28b: {  	v48 =	vor.u32 $0x19, v5;
	[tilespmem:v32+s3+$0x0] =	vst.idx.msk $0xffff, v33  }
0x28c: {  	v32 =	vor.u32 v48, v22;
	v33 =	vld.idx.msk [tilespmem:v47+s31+$0x0], $0xffff  }
0x28d: {  	v49 =	vor.u32 v44, v26;
	_ =	sdelay $0x3  }
0x28e: {  	v50 =	vor.u32 $0x1A, v5;
	[tilespmem:v32+s3+$0x0] =	vst.idx.msk $0xffff, v33  }
0x28f: {  	v32 =	vor.u32 v50, v22;
	v33 =	vld.idx.msk [tilespmem:v49+s31+$0x0], $0xffff  }
0x290: {  	v51 =	vor.u32 v44, v27;
	_ =	sdelay $0x3  }
0x291: {  	v52 =	vor.u32 $0x1B, v5;
	[tilespmem:v32+s3+$0x0] =	vst.idx.msk $0xffff, v33  }
0x292: {  	v32 =	vor.u32 v52, v22;
	v33 =	vld.idx.msk [tilespmem:v51+s31+$0x0], $0xffff  }
0x293: {  	v53 =	vor.u32 v44, v28;
	_ =	sdelay $0x3  }
0x294: {  	v54 =	vor.u32 $0x1C, v5;
	[tilespmem:v32+s3+$0x0] =	vst.idx.msk $0xffff, v33  }
0x295: {  	v32 =	vor.u32 v54, v22;
	v33 =	vld.idx.msk [tilespmem:v53+s31+$0x0], $0xffff  }
0x296: {  	v55 =	vor.u32 v44, v29;
	_ =	sdelay $0x3  }
0x297: {  	v56 =	vor.u32 $0x1D, v5;
	[tilespmem:v32+s3+$0x0] =	vst.idx.msk $0xffff, v33  }
0x298: {  	v32 =	vor.u32 v56, v22;
	v33 =	vld.idx.msk [tilespmem:v55+s31+$0x0], $0xffff  }
0x299: {  	v57 =	vor.u32 v44, v30;
	_ =	sdelay $0x3  }
0x29a: {  	v58 =	vor.u32 $0x1E, v5;
	[tilespmem:v32+s3+$0x0] =	vst.idx.msk $0xffff, v33  }
0x29b: {  	v32 =	vor.u32 v58, v22;
	v33 =	vld.idx.msk [tilespmem:v57+s31+$0x0], $0xffff  }
0x29c: {  	v34 =	vor.u32 v44, v31;
	_ =	sdelay $0x3  }
0x29d: {  	v59 =	vor.u32 $0x1F, v5;
	[tilespmem:v32+s3+$0x0] =	vst.idx.msk $0xffff, v33  }
0x29e: {  	v60 =	vadd.s32 $0xC000, v23;
	v32 =	vor.u32 v59, v22;
	v33 =	vld.idx.msk [tilespmem:v34+s31+$0x0], $0xffff  }
0x29f: {  	v61 =	vor.u32 v24, v60;
	_ =	sdelay $0x3  }
0x2a0: {  	v62 =	vor.u32 $0x20, v5;
	[tilespmem:v32+s3+$0x0] =	vst.idx.msk $0xffff, v33  }
0x2a1: {  	v32 =	vor.u32 v62, v22;
	v33 =	vld.idx.msk [tilespmem:v61+s31+$0x0], $0xffff  }
0x2a2: {  	v63 =	vor.u32 v60, v25;
	_ =	sdelay $0x3  }
0x2a3: {  	v36 =	vor.u32 $0x21, v5;
	[tilespmem:v32+s3+$0x0] =	vst.idx.msk $0xffff, v33  }
0x2a4: {  	v32 =	vor.u32 v36, v22;
	v33 =	vld.idx.msk [tilespmem:v63+s31+$0x0], $0xffff  }
0x2a5: {  	v37 =	vor.u32 v60, v26;
	_ =	sdelay $0x3  }
0x2a6: {  	v38 =	vor.u32 $0x22, v5;
	[tilespmem:v32+s3+$0x0] =	vst.idx.msk $0xffff, v33  }
0x2a7: {  	v32 =	vor.u32 v38, v22;
	v33 =	vld.idx.msk [tilespmem:v37+s31+$0x0], $0xffff  }
0x2a8: {  	v39 =	vor.u32 v60, v27;
	_ =	sdelay $0x3  }
0x2a9: {  	v40 =	vor.u32 $0x23, v5;
	[tilespmem:v32+s3+$0x0] =	vst.idx.msk $0xffff, v33  }
0x2aa: {  	v32 =	vor.u32 v40, v22;
	v33 =	vld.idx.msk [tilespmem:v39+s31+$0x0], $0xffff  }
0x2ab: {  	v41 =	vor.u32 v60, v28;
	_ =	sdelay $0x3  }
0x2ac: {  	v42 =	vor.u32 $0x24, v5;
	[tilespmem:v32+s3+$0x0] =	vst.idx.msk $0xffff, v33  }
0x2ad: {  	v32 =	vor.u32 v42, v22;
	v33 =	vld.idx.msk [tilespmem:v41+s31+$0x0], $0xffff  }
0x2ae: {  	v43 =	vor.u32 v60, v29;
	_ =	sdelay $0x3  }
0x2af: {  	v44 =	vor.u32 $0x25, v5;
	[tilespmem:v32+s3+$0x0] =	vst.idx.msk $0xffff, v33  }
0x2b0: {  	v32 =	vor.u32 v44, v22;
	v33 =	vld.idx.msk [tilespmem:v43+s31+$0x0], $0xffff  }
0x2b1: {  	v45 =	vor.u32 v60, v30;
	_ =	sdelay $0x3  }
0x2b2: {  	v46 =	vor.u32 $0x26, v5;
	[tilespmem:v32+s3+$0x0] =	vst.idx.msk $0xffff, v33  }
0x2b3: {  	v32 =	vor.u32 v46, v22;
	v33 =	vld.idx.msk [tilespmem:v45+s31+$0x0], $0xffff  }
0x2b4: {  	v34 =	vor.u32 v60, v31;
	_ =	sdelay $0x3  }
0x2b5: {  	v47 =	vor.u32 $0x27, v5;
	[tilespmem:v32+s3+$0x0] =	vst.idx.msk $0xffff, v33  }
0x2b6: {  	v48 =	vadd.s32 $0xD000, v23;
	v32 =	vor.u32 v47, v22;
	v33 =	vld.idx.msk [tilespmem:v34+s31+$0x0], $0xffff  }
0x2b7: {  	v49 =	vor.u32 v24, v48;
	_ =	sdelay $0x3  }
0x2b8: {  	v50 =	vor.u32 $0x28, v5;
	[tilespmem:v32+s3+$0x0] =	vst.idx.msk $0xffff, v33  }
0x2b9: {  	v32 =	vor.u32 v50, v22;
	v33 =	vld.idx.msk [tilespmem:v49+s31+$0x0], $0xffff  }
0x2ba: {  	v51 =	vor.u32 v48, v25;
	_ =	sdelay $0x3  }
0x2bb: {  	v52 =	vor.u32 $0x29, v5;
	[tilespmem:v32+s3+$0x0] =	vst.idx.msk $0xffff, v33  }
0x2bc: {  	v32 =	vor.u32 v52, v22;
	v33 =	vld.idx.msk [tilespmem:v51+s31+$0x0], $0xffff  }
0x2bd: {  	v53 =	vor.u32 v48, v26;
	_ =	sdelay $0x3  }
0x2be: {  	v54 =	vor.u32 $0x2A, v5;
	[tilespmem:v32+s3+$0x0] =	vst.idx.msk $0xffff, v33  }
0x2bf: {  	v32 =	vor.u32 v54, v22;
	v33 =	vld.idx.msk [tilespmem:v53+s31+$0x0], $0xffff  }
0x2c0: {  	v55 =	vor.u32 v48, v27;
	_ =	sdelay $0x3  }
0x2c1: {  	v56 =	vor.u32 $0x2B, v5;
	[tilespmem:v32+s3+$0x0] =	vst.idx.msk $0xffff, v33  }
0x2c2: {  	v32 =	vor.u32 v56, v22;
	v33 =	vld.idx.msk [tilespmem:v55+s31+$0x0], $0xffff  }
0x2c3: {  	v57 =	vor.u32 v48, v28;
	_ =	sdelay $0x3  }
0x2c4: {  	v58 =	vor.u32 $0x2C, v5;
	[tilespmem:v32+s3+$0x0] =	vst.idx.msk $0xffff, v33  }
0x2c5: {  	v32 =	vor.u32 v58, v22;
	v33 =	vld.idx.msk [tilespmem:v57+s31+$0x0], $0xffff  }
0x2c6: {  	v59 =	vor.u32 v48, v29;
	_ =	sdelay $0x3  }
0x2c7: {  	v60 =	vor.u32 $0x2D, v5;
	[tilespmem:v32+s3+$0x0] =	vst.idx.msk $0xffff, v33  }
0x2c8: {  	v32 =	vor.u32 v60, v22;
	v33 =	vld.idx.msk [tilespmem:v59+s31+$0x0], $0xffff  }
0x2c9: {  	v61 =	vor.u32 v48, v30;
	_ =	sdelay $0x3  }
0x2ca: {  	v62 =	vor.u32 $0x2E, v5;
	[tilespmem:v32+s3+$0x0] =	vst.idx.msk $0xffff, v33  }
0x2cb: {  	v32 =	vor.u32 v62, v22;
	v33 =	vld.idx.msk [tilespmem:v61+s31+$0x0], $0xffff  }
0x2cc: {  	v34 =	vor.u32 v48, v31;
	_ =	sdelay $0x3  }
0x2cd: {  	v63 =	vor.u32 $0x2F, v5;
	[tilespmem:v32+s3+$0x0] =	vst.idx.msk $0xffff, v33  }
0x2ce: {  	v36 =	vadd.s32 $0xE000, v23;
	v32 =	vor.u32 v63, v22;
	v33 =	vld.idx.msk [tilespmem:v34+s31+$0x0], $0xffff  }
0x2cf: {  	v37 =	vor.u32 v24, v36;
	_ =	sdelay $0x3  }
0x2d0: {  	v38 =	vor.u32 $0x30, v5;
	[tilespmem:v32+s3+$0x0] =	vst.idx.msk $0xffff, v33  }
0x2d1: {  	v32 =	vor.u32 v38, v22;
	v33 =	vld.idx.msk [tilespmem:v37+s31+$0x0], $0xffff  }
0x2d2: {  	v39 =	vor.u32 v36, v25;
	_ =	sdelay $0x3  }
0x2d3: {  	v40 =	vor.u32 $0x31, v5;
	[tilespmem:v32+s3+$0x0] =	vst.idx.msk $0xffff, v33  }
0x2d4: {  	v32 =	vor.u32 v40, v22;
	v33 =	vld.idx.msk [tilespmem:v39+s31+$0x0], $0xffff  }
0x2d5: {  	v41 =	vor.u32 v36, v26;
	_ =	sdelay $0x3  }
0x2d6: {  	v42 =	vor.u32 $0x32, v5;
	[tilespmem:v32+s3+$0x0] =	vst.idx.msk $0xffff, v33  }
0x2d7: {  	v32 =	vor.u32 v42, v22;
	v33 =	vld.idx.msk [tilespmem:v41+s31+$0x0], $0xffff  }
0x2d8: {  	v43 =	vor.u32 v36, v27;
	_ =	sdelay $0x3  }
0x2d9: {  	v44 =	vor.u32 $0x33, v5;
	[tilespmem:v32+s3+$0x0] =	vst.idx.msk $0xffff, v33  }
0x2da: {  	v32 =	vor.u32 v44, v22;
	v33 =	vld.idx.msk [tilespmem:v43+s31+$0x0], $0xffff  }
0x2db: {  	v45 =	vor.u32 v36, v28;
	_ =	sdelay $0x3  }
0x2dc: {  	v46 =	vor.u32 $0x34, v5;
	[tilespmem:v32+s3+$0x0] =	vst.idx.msk $0xffff, v33  }
0x2dd: {  	v32 =	vor.u32 v46, v22;
	v33 =	vld.idx.msk [tilespmem:v45+s31+$0x0], $0xffff  }
0x2de: {  	v47 =	vor.u32 v36, v29;
	_ =	sdelay $0x3  }
0x2df: {  	v48 =	vor.u32 $0x35, v5;
	[tilespmem:v32+s3+$0x0] =	vst.idx.msk $0xffff, v33  }
0x2e0: {  	v32 =	vor.u32 v48, v22;
	v33 =	vld.idx.msk [tilespmem:v47+s31+$0x0], $0xffff  }
0x2e1: {  	v49 =	vor.u32 v36, v30;
	_ =	sdelay $0x3  }
0x2e2: {  	v50 =	vor.u32 $0x36, v5;
	[tilespmem:v32+s3+$0x0] =	vst.idx.msk $0xffff, v33  }
0x2e3: {  	v32 =	vor.u32 v50, v22;
	v33 =	vld.idx.msk [tilespmem:v49+s31+$0x0], $0xffff  }
0x2e4: {  	v34 =	vor.u32 v36, v31;
	_ =	sdelay $0x3  }
0x2e5: {  	v51 =	vor.u32 $0x37, v5;
	[tilespmem:v32+s3+$0x0] =	vst.idx.msk $0xffff, v33  }
0x2e6: {  	v23 =	vadd.s32 $0xF000, v23;
	v32 =	vor.u32 v51, v22;
	v33 =	vld.idx.msk [tilespmem:v34+s31+$0x0], $0xffff  }
0x2e7: {  	v24 =	vor.u32 v24, v23;
	_ =	sdelay $0x3  }
0x2e8: {  	v52 =	vor.u32 $0x38, v5;
	[tilespmem:v32+s3+$0x0] =	vst.idx.msk $0xffff, v33  }
0x2e9: {  	v32 =	vor.u32 v52, v22;
	v24 =	vld.idx.msk [tilespmem:v24+s31+$0x0], $0xffff  }
0x2ea: {  	v25 =	vor.u32 v23, v25;
	_ =	sdelay $0x3  }
0x2eb: {  	v53 =	vor.u32 $0x39, v5;
	[tilespmem:v32+s3+$0x0] =	vst.idx.msk $0xffff, v24  }
0x2ec: {  	v24 =	vor.u32 v53, v22;
	v25 =	vld.idx.msk [tilespmem:v25+s31+$0x0], $0xffff  }
0x2ed: {  	v26 =	vor.u32 v23, v26;
	_ =	sdelay $0x3  }
0x2ee: {  	v54 =	vor.u32 $0x3A, v5;
	[tilespmem:v24+s3+$0x0] =	vst.idx.msk $0xffff, v25  }
0x2ef: {  	v24 =	vor.u32 v54, v22;
	v25 =	vld.idx.msk [tilespmem:v26+s31+$0x0], $0xffff  }
0x2f0: {  	v55 =	vor.u32 v23, v27;
	_ =	sdelay $0x3  }
0x2f1: {  	v56 =	vor.u32 $0x3B, v5;
	[tilespmem:v24+s3+$0x0] =	vst.idx.msk $0xffff, v25  }
0x2f2: {  	v24 =	vor.u32 v56, v22;
	v25 =	vld.idx.msk [tilespmem:v55+s31+$0x0], $0xffff  }
0x2f3: {  	v57 =	vor.u32 v23, v28;
	_ =	sdelay $0x3  }
0x2f4: {  	v58 =	vor.u32 $0x3C, v5;
	[tilespmem:v24+s3+$0x0] =	vst.idx.msk $0xffff, v25  }
0x2f5: {  	v24 =	vor.u32 v58, v22;
	v25 =	vld.idx.msk [tilespmem:v57+s31+$0x0], $0xffff  }
0x2f6: {  	v59 =	vor.u32 v23, v29;
	_ =	sdelay $0x3  }
0x2f7: {  	v60 =	vor.u32 $0x3D, v5;
	[tilespmem:v24+s3+$0x0] =	vst.idx.msk $0xffff, v25  }
0x2f8: {  	v24 =	vor.u32 v60, v22;
	v25 =	vld.idx.msk [tilespmem:v59+s31+$0x0], $0xffff  }
0x2f9: {  	v61 =	vor.u32 v23, v30;
	_ =	sdelay $0x3  }
0x2fa: {  	v62 =	vor.u32 $0x3E, v5;
	[tilespmem:v24+s3+$0x0] =	vst.idx.msk $0xffff, v25  }
0x2fb: {  	v24 =	vor.u32 v62, v22;
	v25 =	vld.idx.msk [tilespmem:v61+s31+$0x0], $0xffff  }
0x2fc: {  	v23 =	vor.u32 v23, v31;
	_ =	sdelay $0x3  }
0x2fd: {  	v63 =	vor.u32 $0x3F, v5;
	[tilespmem:v24+s3+$0x0] =	vst.idx.msk $0xffff, v25  }
0x2fe: {  	s9 =	sadd.s32 $0xFFFFFFFF, s9;
	v22 =	vor.u32 v63, v22;
	v23 =	vld.idx.msk [tilespmem:v23+s31+$0x0], $0xffff  }
0x2ff: {  	p1 =	sne.s32 s9, $0x0  }
.Ltmp12:
0x300: {  	_ = 	snop;
	(pc) =	sbr.rel @p1 .LBB2_17-.Ltmp12, $4  }
0x301: {  	s2 =	sadd.s32 $0x1, s2;
	s10 =	sadd.s32 $0x10, s10;
	s11 =	sadd.s32 $0x10, s11  }
0x302: {  	s20 =	sshll.u32 s13, $0xB;
	s16 =	sshll.u32 s13, $0x7;
	s13 =	sadd.s32 $0x3, s13  }
0x303: {  	s16 =	sor.u32 $0x1E800, s16;
	s15 =	sadd.s32 $0x1E900, s20;
	s12 =	sadd.s32 $0x10, s12;
	[tilespmem:v22+s3+$0x0] =	vst.idx.msk $0xffff, v23  }
0x304: {  	[hbm4b:s7+s0] =	stream.indirect.scatter [tilespmem:s15], [sflag:s13], $0x80, s16, s0, $0xb8;
	[tilespmem:$0x1F900] =	vst v63  }
.Ltmp13:
0x305: {  	_ = 	snop;
	(pc) =	sbr.rel .LBB2_18-.Ltmp13, $1  }
0x306: {  	_ =	sdelay $0x3  }
.LBB2_15:
0x307: {  	s2 =	smov.u32 @p0 s2  }
.LBB2_18:
0x308: {  	p1 =	slt.s32 s2, $0x2  }
.Ltmp14:
0x309: {  	_ = 	snop;
	(pc) =	sbr.rel @!p1 .LBB2_19-.Ltmp14, $1  }
0x30a: {  	_ =	sdelay $0x3  }
0x30b: {  	p1 =	sne.s32 s2, $0x1  }
.Ltmp15:
0x30c: {  	_ = 	snop;
	(pc) =	sbr.rel @p1 .LBB2_22-.Ltmp15, $4  }
.Ltmp16:
0x30d: {  	_ = 	snop;
	(pc) =	sbr.rel @!p1 .LBB2_21-.Ltmp16, $4  }
0x30e: {  	_ = 	snop  }
0x30f: {  	_ = 	snop  }
0x310: {  	s2 =	simm.s32 $0x0  }
0x311: {  	_ = 	snop  }
.LBB2_23:
0x312: {  	_ =	sfence.sel $0x180000  }
0x313: {  	[bflag:$0x0] =	sbarrier.arrive $0xFFFF  }
0x314: {  	_ =	strace $0x90000047  }
0x315: {  	s0 =	stileid.u32;
	[bflag:$0x2] =	sbarrier.arrive $0xFFFF  }
0x316: {  	p0 =	sne.s32 s0, $0x0;
	s0 =	rddreg [dreg:$0x4]  }
0x317: {  	s0 =	sadd.s32 @!p0 $0x100000, s0  }
0x318: {  	[sflag:s0] =	ssyncadd.tile.s32 @!p0 $0x1;
	_ =	shalt  }
.Lfunc_end2:
_tile_overlayer_lowered:
.L_overlay_start_2:
0x319: {  	(tag) =	ssettag $0x2  }
0x31a: {  	s0 =	rddreg [dreg:$0x0];
	s2 =	stileid.u32  }
0x31b: {  	s1 =	rddreg [dreg:$0x1];
	p0 =	sne.s32 s2, $0x0  }
0x31c: {  	s3 =	rddreg [dreg:$0x2];
	[bflag:$0x3] =	sbarrier.arrive $0xFFFF;
	s2 =	simm.s32 @!p0 $0x1C05  }
0x31d: {  	[timem:s3], [sflag:s2] =	dma.local @!p0 [hbm:s0], s1  }
0x31e: {  	s0 =	simm.s32 @!p0 $0x5  }
0x31f: {  	_ =	swait.ge @!p0 [sflag:s0], s1  }
0x320: {  	s1 =	ssub.s32 @!p0 $0x0, s1;
	[sflag:s0] =	ssyncset.done @!p0 $0x0  }
0x321: {  	[sflag:s0] =	ssyncadd.s32 @!p0 s1  }
0x322: {  	[bflag:$0x3] =	sbarrier.arrive $0xFFFF  }
0x323: {  	_ =	shalt  }

</sc_bundles>
